<compile_context>
chip_gen: v7x
topology: tpu7x:2x2x1
jax: 0.10.2.dev20260603
libtpu: 0.0.44.dev20260713+nightly
codegen_flags: <defaults>
</compile_context>

<pallas_src>
import functools

import jax
import jax.numpy as jnp
from jax import lax
from jax.experimental import pallas as pl
from jax.experimental.pallas import tpu as pltpu
from jax.experimental.pallas import tpu_sc as plsc

L = 16
NC = 2
NS = 16
NW = NC * NS
B = 16384
K = 16
BPW = B // NW
SLOTS = 8
E = 2
GENS = BPW // (SLOTS * E)
BLK = 128

_mesh = plsc.VectorSubcoreMesh(core_axis_name="c", subcore_axis_name="s")


def _body(uid_hbm, iid_hbm, uembt_hbm, ubias_hbm, iembt_hbm, ibias_hbm,
          bias_hbm, out_hbm,
          uidx_v, iidx_v, uring_v, iring_v, ub_v, ib_v, bias_v, out_v,
          bsem, *slot_sems):
    wid = lax.axis_index("s") * NC + lax.axis_index("c")
    base = wid * BPW

    pltpu.sync_copy(uid_hbm.at[pl.ds(base, BPW)], uidx_v)
    pltpu.sync_copy(iid_hbm.at[pl.ds(base, BPW)], iidx_v)

    bcp1 = pltpu.async_copy(ubias_hbm.at[uidx_v], ub_v, bsem)
    bcp2 = pltpu.async_copy(ibias_hbm.at[iidx_v], ib_v, bsem)
    pltpu.sync_copy(bias_hbm, bias_v)

    def fire_gen(gen):
        uids = uidx_v[pl.ds(gen * L, L)]
        iids = iidx_v[pl.ds(gen * L, L)]
        for d in range(SLOTS):
            for e in range(E):
                li = d * E + e
                u_off = pl.multiple_of((uids[li] >> 7) << 7, BLK)
                i_off = pl.multiple_of((iids[li] >> 7) << 7, BLK)
                pltpu.async_copy(uembt_hbm.at[:, pl.ds(u_off, BLK)],
                                 uring_v.at[d, e], slot_sems[d])
                pltpu.async_copy(iembt_hbm.at[:, pl.ds(i_off, BLK)],
                                 iring_v.at[d, e], slot_sems[d])

    fire_gen(0)

    bcp1.wait()
    bcp2.wait()
    bvec = bias_v[...]
    lane = lax.iota(jnp.int32, L)
    zeros = jnp.zeros((L,), jnp.int32)

    def gen_step(g, carry):
        rb = g * L
        uids = uidx_v[pl.ds(rb, L)]
        iids = iidx_v[pl.ds(rb, L)]
        acc = ub_v[pl.ds(rb, L)] + ib_v[pl.ds(rb, L)] + bvec
        for d in range(SLOTS):
            for e in range(E):
                pltpu.make_async_copy(uembt_hbm.at[:, pl.ds(0, BLK)],
                                      uring_v.at[d, e], slot_sems[d]).wait()
                pltpu.make_async_copy(iembt_hbm.at[:, pl.ds(0, BLK)],
                                      iring_v.at[d, e], slot_sems[d]).wait()
            for e in range(E):
                li = d * E + e
                ucol = (uids[li] & (BLK - 1)) + zeros
                icol = (iids[li] & (BLK - 1)) + zeros
                uvec = plsc.load_gather(uring_v.at[d, e], [lane, ucol])
                ivec = plsc.load_gather(iring_v.at[d, e], [lane, icol])
                s = jnp.sum(uvec * ivec)
                acc = jnp.where(lane == li, acc + s, acc)

        @pl.when(g < GENS - 1)
        def _refire():
            fire_gen(g + 1)

        out_v[pl.ds(rb, L)] = acc
        return carry

    lax.fori_loop(0, GENS, gen_step, 0)

    pltpu.sync_copy(out_v, out_hbm.at[pl.ds(base, BPW)])


_sc_call = functools.partial(
    pl.kernel,
    out_type=jax.ShapeDtypeStruct((B,), jnp.float32),
    mesh=_mesh,
    compiler_params=pltpu.CompilerParams(needs_layout_passes=False),
    scratch_types=[
        pltpu.VMEM((BPW,), jnp.int32),
        pltpu.VMEM((BPW,), jnp.int32),
        pltpu.VMEM((SLOTS, E, K, BLK), jnp.float32),
        pltpu.VMEM((SLOTS, E, K, BLK), jnp.float32),
        pltpu.VMEM((BPW,), jnp.float32),
        pltpu.VMEM((BPW,), jnp.float32),
        pltpu.VMEM((L,), jnp.float32),
        pltpu.VMEM((BPW,), jnp.float32),
        pltpu.SemaphoreType.DMA,
    ] + [pltpu.SemaphoreType.DMA] * SLOTS,
)(_body)


@jax.jit
def kernel(user_id, item_id, user_emb, user_bias, item_emb, item_bias, bias):
    bias16 = jnp.broadcast_to(bias.astype(jnp.float32), (L,))
    return _sc_call(user_id.astype(jnp.int32), item_id.astype(jnp.int32),
                    user_emb.T, user_bias, item_emb.T, item_bias, bias16)

# --- scband reference (transcript-rebuilt; emitter-appended) ---
"""Pipeline reference for scband-funk-svd-3968549782064 (READ-ONLY COPY).

The authoritative reference and input builder live on the scoring server;
editing this copy changes nothing except your own understanding.
"""

import jax, jax.numpy as jnp
import numpy as np

M = 1000000
N = 1000000
K = 16
B = 16384

def setup_inputs(seed: int = 0) -> dict:
    key = jax.random.key(seed)
    k1, k2, k3, k4, k5, k6, k7 = jax.random.split(key, 7)
    user_id = jax.random.randint(k1, (B,), 0, M, dtype=jnp.int64) if jax.config.jax_enable_x64 else jax.random.randint(k1, (B,), 0, M).astype(jnp.int32)
    item_id = jax.random.randint(k2, (B,), 0, N).astype(user_id.dtype)
    user_emb = jax.random.normal(k3, (M, K), dtype=jnp.float32)
    user_bias = jax.random.normal(k4, (M,), dtype=jnp.float32)
    item_emb = jax.random.normal(k5, (N, K), dtype=jnp.float32)
    item_bias = jax.random.normal(k6, (N,), dtype=jnp.float32)
    bias = jnp.zeros((1,), dtype=jnp.float32)
    return {"user_id": user_id, "item_id": item_id, "user_emb": user_emb, "user_bias": user_bias, "item_emb": item_emb, "item_bias": item_bias, "bias": bias}

def reference(user_id, item_id, user_emb, user_bias, item_emb, item_bias, bias):
    ue = jnp.take(user_emb, user_id, axis=0)
    ie = jnp.take(item_emb, item_id, axis=0)
    pred = (ue * ie).sum(axis=-1)
    pred = pred + jnp.take(user_bias, user_id, axis=0) + jnp.take(item_bias, item_id, axis=0) + bias
    return pred

if __name__ == "__main__":
    import jax
    _d = setup_inputs()
    print(jax.jit(kernel)(*tuple(_d.values())))

</pallas_src>

<mosaic_0001>
#map = affine_map<(d0, d1) -> (0)>
#map1 = affine_map<(d0, d1) -> (0, 0)>
module attributes {stable_mosaic.version = 14 : i64} {
  func.func @_body(%arg0: i32, %arg1: i32, %arg2: memref<16384xi32, #tpu.memory_space<hbm>>, %arg3: memref<16384xi32, #tpu.memory_space<hbm>>, %arg4: memref<16x1000000xf32, #tpu.memory_space<hbm>>, %arg5: memref<1000000xf32, #tpu.memory_space<hbm>>, %arg6: memref<16x1000000xf32, #tpu.memory_space<hbm>>, %arg7: memref<1000000xf32, #tpu.memory_space<hbm>>, %arg8: memref<16xf32, #tpu.memory_space<hbm>>, %arg9: memref<16384xf32, #tpu.memory_space<hbm>>, %arg10: memref<512xi32, #tpu.memory_space<vmem>>, %arg11: memref<512xi32, #tpu.memory_space<vmem>>, %arg12: memref<8x2x16x128xf32, #tpu.memory_space<vmem>>, %arg13: memref<8x2x16x128xf32, #tpu.memory_space<vmem>>, %arg14: memref<512xf32, #tpu.memory_space<vmem>>, %arg15: memref<512xf32, #tpu.memory_space<vmem>>, %arg16: memref<16xf32, #tpu.memory_space<vmem>>, %arg17: memref<512xf32, #tpu.memory_space<vmem>>, %arg18: memref<!tpu.dma_semaphore, #tpu.memory_space<semaphore_mem>>, %arg19: memref<!tpu.dma_semaphore, #tpu.memory_space<semaphore_mem>>, %arg20: memref<!tpu.dma_semaphore, #tpu.memory_space<semaphore_mem>>, %arg21: memref<!tpu.dma_semaphore, #tpu.memory_space<semaphore_mem>>, %arg22: memref<!tpu.dma_semaphore, #tpu.memory_space<semaphore_mem>>, %arg23: memref<!tpu.dma_semaphore, #tpu.memory_space<semaphore_mem>>, %arg24: memref<!tpu.dma_semaphore, #tpu.memory_space<semaphore_mem>>, %arg25: memref<!tpu.dma_semaphore, #tpu.memory_space<semaphore_mem>>, %arg26: memref<!tpu.dma_semaphore, #tpu.memory_space<semaphore_mem>>) attributes {dimension_semantics = [#tpu.dimension_semantics<core_parallel>, #tpu.dimension_semantics<subcore_parallel>], iteration_bounds = array<i64: 2, 16>, scalar_prefetch = 0 : i64, scratch_operands = 17 : i64, tpu.core_type = #tpu.core_type<sc_vector_subcore>, window_params = [{transform_indices = #map}, {transform_indices = #map}, {transform_indices = #map1}, {transform_indices = #map}, {transform_indices = #map1}, {transform_indices = #map}, {transform_indices = #map}, {transform_indices = #map}]} {
    %mul3A = arith.constant 2 : i32
    %mul3A_0 = arith.muli %arg1, %mul3A : i32
    %add3A = arith.addi %mul3A_0, %arg0 : i32
    %mul3A_1 = arith.constant 512 : i32
    %mul3A_2 = arith.muli %add3A, %mul3A_1 : i32
    "tpu.region"() ({
      %run_scoped3A = tpu.sem_alloc : memref<!tpu.dma_semaphore, #tpu.memory_space<semaphore_mem>>
      %dma_start3A_687 = tpu.memref_slice %arg2[%mul3A_2] : memref<16384xi32, #tpu.memory_space<hbm>> -> memref<512xi32, #tpu.memory_space<hbm>>
      %dma_start3A_688 = tpu.memref_slice %arg2[%mul3A_2] : memref<16384xi32, #tpu.memory_space<hbm>> -> memref<512xi32, #tpu.memory_space<hbm>>
      tpu.enqueue_dma source(%dma_start3A_688 : memref<512xi32, #tpu.memory_space<hbm>>) target(%arg10 : memref<512xi32, #tpu.memory_space<vmem>>) target_semaphore(%run_scoped3A : memref<!tpu.dma_semaphore, #tpu.memory_space<semaphore_mem>>)
      %dma_wait3A_689 = tpu.memref_slice %arg2[%mul3A_2] : memref<16384xi32, #tpu.memory_space<hbm>> -> memref<512xi32, #tpu.memory_space<hbm>>
      %dma_wait3A_690 = tpu.memref_slice %arg2[%mul3A_2] : memref<16384xi32, #tpu.memory_space<hbm>> -> memref<512xi32, #tpu.memory_space<hbm>>
      tpu.wait_dma2 semaphore(%run_scoped3A : memref<!tpu.dma_semaphore, #tpu.memory_space<semaphore_mem>>) src(%dma_wait3A_690 : memref<512xi32, #tpu.memory_space<hbm>>) dst(%arg10 : memref<512xi32, #tpu.memory_space<vmem>>)
      tpu.yield
    }) : () -> ()
    "tpu.region"() ({
      %run_scoped3A = tpu.sem_alloc : memref<!tpu.dma_semaphore, #tpu.memory_space<semaphore_mem>>
      %dma_start3A_687 = tpu.memref_slice %arg3[%mul3A_2] : memref<16384xi32, #tpu.memory_space<hbm>> -> memref<512xi32, #tpu.memory_space<hbm>>
      %dma_start3A_688 = tpu.memref_slice %arg3[%mul3A_2] : memref<16384xi32, #tpu.memory_space<hbm>> -> memref<512xi32, #tpu.memory_space<hbm>>
      tpu.enqueue_dma source(%dma_start3A_688 : memref<512xi32, #tpu.memory_space<hbm>>) target(%arg11 : memref<512xi32, #tpu.memory_space<vmem>>) target_semaphore(%run_scoped3A : memref<!tpu.dma_semaphore, #tpu.memory_space<semaphore_mem>>)
      %dma_wait3A_689 = tpu.memref_slice %arg3[%mul3A_2] : memref<16384xi32, #tpu.memory_space<hbm>> -> memref<512xi32, #tpu.memory_space<hbm>>
      %dma_wait3A_690 = tpu.memref_slice %arg3[%mul3A_2] : memref<16384xi32, #tpu.memory_space<hbm>> -> memref<512xi32, #tpu.memory_space<hbm>>
      tpu.wait_dma2 semaphore(%run_scoped3A : memref<!tpu.dma_semaphore, #tpu.memory_space<semaphore_mem>>) src(%dma_wait3A_690 : memref<512xi32, #tpu.memory_space<hbm>>) dst(%arg11 : memref<512xi32, #tpu.memory_space<vmem>>)
      tpu.yield
    }) : () -> ()
    %dma_start3A = arith.constant 0 : i32
    %dma_start3A_3 = tpu.memref_slice %arg5[%dma_start3A] : memref<1000000xf32, #tpu.memory_space<hbm>> -> memref<1000000xf32, #tpu.memory_space<hbm>>
    tpu.enqueue_indirect_dma source(%dma_start3A_3 : memref<1000000xf32, #tpu.memory_space<hbm>>) target(%arg14 : memref<512xf32, #tpu.memory_space<vmem>>) offsets(%arg10 : memref<512xi32, #tpu.memory_space<vmem>>) semaphore(%arg18 : memref<!tpu.dma_semaphore, #tpu.memory_space<semaphore_mem>>)
    %dma_start3A_4 = arith.constant 0 : i32
    %dma_start3A_5 = tpu.memref_slice %arg7[%dma_start3A_4] : memref<1000000xf32, #tpu.memory_space<hbm>> -> memref<1000000xf32, #tpu.memory_space<hbm>>
    tpu.enqueue_indirect_dma source(%dma_start3A_5 : memref<1000000xf32, #tpu.memory_space<hbm>>) target(%arg15 : memref<512xf32, #tpu.memory_space<vmem>>) offsets(%arg11 : memref<512xi32, #tpu.memory_space<vmem>>) semaphore(%arg18 : memref<!tpu.dma_semaphore, #tpu.memory_space<semaphore_mem>>)
    "tpu.region"() ({
      %run_scoped3A = tpu.sem_alloc : memref<!tpu.dma_semaphore, #tpu.memory_space<semaphore_mem>>
      tpu.enqueue_dma source(%arg8 : memref<16xf32, #tpu.memory_space<hbm>>) target(%arg16 : memref<16xf32, #tpu.memory_space<vmem>>) target_semaphore(%run_scoped3A : memref<!tpu.dma_semaphore, #tpu.memory_space<semaphore_mem>>)
      tpu.wait_dma2 semaphore(%run_scoped3A : memref<!tpu.dma_semaphore, #tpu.memory_space<semaphore_mem>>) src(%arg8 : memref<16xf32, #tpu.memory_space<hbm>>) dst(%arg16 : memref<16xf32, #tpu.memory_space<vmem>>)
      tpu.yield
    }) : () -> ()
    %get3A = arith.constant 0 : index
    %get3A_6 = tpu.vector_load %arg10[%get3A] {strides = array<i32>} : memref<512xi32, #tpu.memory_space<vmem>>, vector<16xi32>,
    %get3A_7 = arith.constant 0 : index
    %get3A_8 = tpu.vector_load %arg11[%get3A_7] {strides = array<i32>} : memref<512xi32, #tpu.memory_space<vmem>>, vector<16xi32>,
    %slice3A = vector.extract_strided_slice %get3A_6 {offsets = [0], sizes = [1], strides = [1]} : vector<16xi32> to vector<1xi32>
    %squeeze3A = vector.extract %slice3A[0] : i32 from vector<1xi32>
    %shift_right_arithmetic3A = arith.constant 7 : i32
    %shift_right_arithmetic3A_9 = arith.shrsi %squeeze3A, %shift_right_arithmetic3A : i32
    %shift_left3A = arith.constant 7 : i32
    %shift_left3A_10 = arith.shli %shift_right_arithmetic3A_9, %shift_left3A : i32
    %multiple_of3A = tpu.assume_multiple %shift_left3A_10, 128 : i32
    %slice3A_11 = vector.extract_strided_slice %get3A_8 {offsets = [0], sizes = [1], strides = [1]} : vector<16xi32> to vector<1xi32>
    %squeeze3A_12 = vector.extract %slice3A_11[0] : i32 from vector<1xi32>
    %shift_right_arithmetic3A_13 = arith.constant 7 : i32
    %shift_right_arithmetic3A_14 = arith.shrsi %squeeze3A_12, %shift_right_arithmetic3A_13 : i32
    %shift_left3A_15 = arith.constant 7 : i32
    %shift_left3A_16 = arith.shli %shift_right_arithmetic3A_14, %shift_left3A_15 : i32
    %multiple_of3A_17 = tpu.assume_multiple %shift_left3A_16, 128 : i32
    %dma_start3A_18 = arith.constant 0 : i32
    %dma_start3A_19 = arith.constant 0 : i32
    %dma_start3A_20 = arith.constant 0 : i32
    %dma_start3A_21 = arith.constant 0 : i32
    %dma_start3A_22 = tpu.memref_slice %arg12[%dma_start3A_18, %dma_start3A_19, %dma_start3A_20, %dma_start3A_21] : memref<8x2x16x128xf32, #tpu.memory_space<vmem>> -> memref<1x1x16x128xf32, #tpu.memory_space<vmem>>
    %dma_start3A_23 = tpu.memref_squeeze %dma_start3A_22 : memref<1x1x16x128xf32, #tpu.memory_space<vmem>> -> memref<16x128xf32, #tpu.memory_space<vmem>>
    %dma_start3A_24 = arith.constant 0 : i32
    %dma_start3A_25 = tpu.memref_slice %arg4[%dma_start3A_24, %multiple_of3A] : memref<16x1000000xf32, #tpu.memory_space<hbm>> -> memref<16x128xf32, #tpu.memory_space<hbm>>
    %dma_start3A_26 = arith.constant 0 : i32
    %dma_start3A_27 = arith.constant 0 : i32
    %dma_start3A_28 = tpu.memref_slice %arg12[%dma_start3A_18, %dma_start3A_19, %dma_start3A_26, %dma_start3A_27] : memref<8x2x16x128xf32, #tpu.memory_space<vmem>> -> memref<1x1x16x128xf32, #tpu.memory_space<vmem>>
    %dma_start3A_29 = tpu.memref_squeeze %dma_start3A_28 : memref<1x1x16x128xf32, #tpu.memory_space<vmem>> -> memref<16x128xf32, #tpu.memory_space<vmem>>
    %dma_start3A_30 = arith.constant 0 : i32
    %dma_start3A_31 = tpu.memref_slice %arg4[%dma_start3A_30, %multiple_of3A] : memref<16x1000000xf32, #tpu.memory_space<hbm>> -> memref<16x128xf32, #tpu.memory_space<hbm>>
    tpu.enqueue_dma source(%dma_start3A_31 : memref<16x128xf32, #tpu.memory_space<hbm>>) target(%dma_start3A_29 : memref<16x128xf32, #tpu.memory_space<vmem>>) target_semaphore(%arg19 : memref<!tpu.dma_semaphore, #tpu.memory_space<semaphore_mem>>)
    %dma_start3A_32 = arith.constant 0 : i32
    %dma_start3A_33 = arith.constant 0 : i32
    %dma_start3A_34 = arith.constant 0 : i32
    %dma_start3A_35 = arith.constant 0 : i32
    %dma_start3A_36 = tpu.memref_slice %arg13[%dma_start3A_32, %dma_start3A_33, %dma_start3A_34, %dma_start3A_35] : memref<8x2x16x128xf32, #tpu.memory_space<vmem>> -> memref<1x1x16x128xf32, #tpu.memory_space<vmem>>
    %dma_start3A_37 = tpu.memref_squeeze %dma_start3A_36 : memref<1x1x16x128xf32, #tpu.memory_space<vmem>> -> memref<16x128xf32, #tpu.memory_space<vmem>>
    %dma_start3A_38 = arith.constant 0 : i32
    %dma_start3A_39 = tpu.memref_slice %arg6[%dma_start3A_38, %multiple_of3A_17] : memref<16x1000000xf32, #tpu.memory_space<hbm>> -> memref<16x128xf32, #tpu.memory_space<hbm>>
    %dma_start3A_40 = arith.constant 0 : i32
    %dma_start3A_41 = arith.constant 0 : i32
    %dma_start3A_42 = tpu.memref_slice %arg13[%dma_start3A_32, %dma_start3A_33, %dma_start3A_40, %dma_start3A_41] : memref<8x2x16x128xf32, #tpu.memory_space<vmem>> -> memref<1x1x16x128xf32, #tpu.memory_space<vmem>>
    %dma_start3A_43 = tpu.memref_squeeze %dma_start3A_42 : memref<1x1x16x128xf32, #tpu.memory_space<vmem>> -> memref<16x128xf32, #tpu.memory_space<vmem>>
    %dma_start3A_44 = arith.constant 0 : i32
    %dma_start3A_45 = tpu.memref_slice %arg6[%dma_start3A_44, %multiple_of3A_17] : memref<16x1000000xf32, #tpu.memory_space<hbm>> -> memref<16x128xf32, #tpu.memory_space<hbm>>
    tpu.enqueue_dma source(%dma_start3A_45 : memref<16x128xf32, #tpu.memory_space<hbm>>) target(%dma_start3A_43 : memref<16x128xf32, #tpu.memory_space<vmem>>) target_semaphore(%arg19 : memref<!tpu.dma_semaphore, #tpu.memory_space<semaphore_mem>>)
    %slice3A_46 = vector.extract_strided_slice %get3A_6 {offsets = [1], sizes = [1], strides = [1]} : vector<16xi32> to vector<1xi32>
    %squeeze3A_47 = vector.extract %slice3A_46[0] : i32 from vector<1xi32>
    %shift_right_arithmetic3A_48 = arith.constant 7 : i32
    %shift_right_arithmetic3A_49 = arith.shrsi %squeeze3A_47, %shift_right_arithmetic3A_48 : i32
    %shift_left3A_50 = arith.constant 7 : i32
    %shift_left3A_51 = arith.shli %shift_right_arithmetic3A_49, %shift_left3A_50 : i32
    %multiple_of3A_52 = tpu.assume_multiple %shift_left3A_51, 128 : i32
    %slice3A_53 = vector.extract_strided_slice %get3A_8 {offsets = [1], sizes = [1], strides = [1]} : vector<16xi32> to vector<1xi32>
    %squeeze3A_54 = vector.extract %slice3A_53[0] : i32 from vector<1xi32>
    %shift_right_arithmetic3A_55 = arith.constant 7 : i32
    %shift_right_arithmetic3A_56 = arith.shrsi %squeeze3A_54, %shift_right_arithmetic3A_55 : i32
    %shift_left3A_57 = arith.constant 7 : i32
    %shift_left3A_58 = arith.shli %shift_right_arithmetic3A_56, %shift_left3A_57 : i32
    %multiple_of3A_59 = tpu.assume_multiple %shift_left3A_58, 128 : i32
    %dma_start3A_60 = arith.constant 0 : i32
    %dma_start3A_61 = arith.constant 1 : i32
    %dma_start3A_62 = arith.constant 0 : i32
    %dma_start3A_63 = arith.constant 0 : i32
    %dma_start3A_64 = tpu.memref_slice %arg12[%dma_start3A_60, %dma_start3A_61, %dma_start3A_62, %dma_start3A_63] : memref<8x2x16x128xf32, #tpu.memory_space<vmem>> -> memref<1x1x16x128xf32, #tpu.memory_space<vmem>>
    %dma_start3A_65 = tpu.memref_squeeze %dma_start3A_64 : memref<1x1x16x128xf32, #tpu.memory_space<vmem>> -> memref<16x128xf32, #tpu.memory_space<vmem>>
    %dma_start3A_66 = arith.constant 0 : i32
    %dma_start3A_67 = tpu.memref_slice %arg4[%dma_start3A_66, %multiple_of3A_52] : memref<16x1000000xf32, #tpu.memory_space<hbm>> -> memref<16x128xf32, #tpu.memory_space<hbm>>
    %dma_start3A_68 = arith.constant 0 : i32
    %dma_start3A_69 = arith.constant 0 : i32
    %dma_start3A_70 = tpu.memref_slice %arg12[%dma_start3A_60, %dma_start3A_61, %dma_start3A_68, %dma_start3A_69] : memref<8x2x16x128xf32, #tpu.memory_space<vmem>> -> memref<1x1x16x128xf32, #tpu.memory_space<vmem>>
    %dma_start3A_71 = tpu.memref_squeeze %dma_start3A_70 : memref<1x1x16x128xf32, #tpu.memory_space<vmem>> -> memref<16x128xf32, #tpu.memory_space<vmem>>
    %dma_start3A_72 = arith.constant 0 : i32
    %dma_start3A_73 = tpu.memref_slice %arg4[%dma_start3A_72, %multiple_of3A_52] : memref<16x1000000xf32, #tpu.memory_space<hbm>> -> memref<16x128xf32, #tpu.memory_space<hbm>>
    tpu.enqueue_dma source(%dma_start3A_73 : memref<16x128xf32, #tpu.memory_space<hbm>>) target(%dma_start3A_71 : memref<16x128xf32, #tpu.memory_space<vmem>>) target_semaphore(%arg19 : memref<!tpu.dma_semaphore, #tpu.memory_space<semaphore_mem>>)
    %dma_start3A_74 = arith.constant 0 : i32
    %dma_start3A_75 = arith.constant 1 : i32
    %dma_start3A_76 = arith.constant 0 : i32
    %dma_start3A_77 = arith.constant 0 : i32
    %dma_start3A_78 = tpu.memref_slice %arg13[%dma_start3A_74, %dma_start3A_75, %dma_start3A_76, %dma_start3A_77] : memref<8x2x16x128xf32, #tpu.memory_space<vmem>> -> memref<1x1x16x128xf32, #tpu.memory_space<vmem>>
    %dma_start3A_79 = tpu.memref_squeeze %dma_start3A_78 : memref<1x1x16x128xf32, #tpu.memory_space<vmem>> -> memref<16x128xf32, #tpu.memory_space<vmem>>
    %dma_start3A_80 = arith.constant 0 : i32
    %dma_start3A_81 = tpu.memref_slice %arg6[%dma_start3A_80, %multiple_of3A_59] : memref<16x1000000xf32, #tpu.memory_space<hbm>> -> memref<16x128xf32, #tpu.memory_space<hbm>>
    %dma_start3A_82 = arith.constant 0 : i32
    %dma_start3A_83 = arith.constant 0 : i32
    %dma_start3A_84 = tpu.memref_slice %arg13[%dma_start3A_74, %dma_start3A_75, %dma_start3A_82, %dma_start3A_83] : memref<8x2x16x128xf32, #tpu.memory_space<vmem>> -> memref<1x1x16x128xf32, #tpu.memory_space<vmem>>
    %dma_start3A_85 = tpu.memref_squeeze %dma_start3A_84 : memref<1x1x16x128xf32, #tpu.memory_space<vmem>> -> memref<16x128xf32, #tpu.memory_space<vmem>>
    %dma_start3A_86 = arith.constant 0 : i32
    %dma_start3A_87 = tpu.memref_slice %arg6[%dma_start3A_86, %multiple_of3A_59] : memref<16x1000000xf32, #tpu.memory_space<hbm>> -> memref<16x128xf32, #tpu.memory_space<hbm>>
    tpu.enqueue_dma source(%dma_start3A_87 : memref<16x128xf32, #tpu.memory_space<hbm>>) target(%dma_start3A_85 : memref<16x128xf32, #tpu.memory_space<vmem>>) target_semaphore(%arg19 : memref<!tpu.dma_semaphore, #tpu.memory_space<semaphore_mem>>)
    %slice3A_88 = vector.extract_strided_slice %get3A_6 {offsets = [2], sizes = [1], strides = [1]} : vector<16xi32> to vector<1xi32>
    %squeeze3A_89 = vector.extract %slice3A_88[0] : i32 from vector<1xi32>
    %shift_right_arithmetic3A_90 = arith.constant 7 : i32
    %shift_right_arithmetic3A_91 = arith.shrsi %squeeze3A_89, %shift_right_arithmetic3A_90 : i32
    %shift_left3A_92 = arith.constant 7 : i32
    %shift_left3A_93 = arith.shli %shift_right_arithmetic3A_91, %shift_left3A_92 : i32
    %multiple_of3A_94 = tpu.assume_multiple %shift_left3A_93, 128 : i32
    %slice3A_95 = vector.extract_strided_slice %get3A_8 {offsets = [2], sizes = [1], strides = [1]} : vector<16xi32> to vector<1xi32>
    %squeeze3A_96 = vector.extract %slice3A_95[0] : i32 from vector<1xi32>
    %shift_right_arithmetic3A_97 = arith.constant 7 : i32
    %shift_right_arithmetic3A_98 = arith.shrsi %squeeze3A_96, %shift_right_arithmetic3A_97 : i32
    %shift_left3A_99 = arith.constant 7 : i32
    %shift_left3A_100 = arith.shli %shift_right_arithmetic3A_98, %shift_left3A_99 : i32
    %multiple_of3A_101 = tpu.assume_multiple %shift_left3A_100, 128 : i32
    %dma_start3A_102 = arith.constant 1 : i32
    %dma_start3A_103 = arith.constant 0 : i32
    %dma_start3A_104 = arith.constant 0 : i32
    %dma_start3A_105 = arith.constant 0 : i32
    %dma_start3A_106 = tpu.memref_slice %arg12[%dma_start3A_102, %dma_start3A_103, %dma_start3A_104, %dma_start3A_105] : memref<8x2x16x128xf32, #tpu.memory_space<vmem>> -> memref<1x1x16x128xf32, #tpu.memory_space<vmem>>
    %dma_start3A_107 = tpu.memref_squeeze %dma_start3A_106 : memref<1x1x16x128xf32, #tpu.memory_space<vmem>> -> memref<16x128xf32, #tpu.memory_space<vmem>>
    %dma_start3A_108 = arith.constant 0 : i32
    %dma_start3A_109 = tpu.memref_slice %arg4[%dma_start3A_108, %multiple_of3A_94] : memref<16x1000000xf32, #tpu.memory_space<hbm>> -> memref<16x128xf32, #tpu.memory_space<hbm>>
    %dma_start3A_110 = arith.constant 0 : i32
    %dma_start3A_111 = arith.constant 0 : i32
    %dma_start3A_112 = tpu.memref_slice %arg12[%dma_start3A_102, %dma_start3A_103, %dma_start3A_110, %dma_start3A_111] : memref<8x2x16x128xf32, #tpu.memory_space<vmem>> -> memref<1x1x16x128xf32, #tpu.memory_space<vmem>>
    %dma_start3A_113 = tpu.memref_squeeze %dma_start3A_112 : memref<1x1x16x128xf32, #tpu.memory_space<vmem>> -> memref<16x128xf32, #tpu.memory_space<vmem>>
    %dma_start3A_114 = arith.constant 0 : i32
    %dma_start3A_115 = tpu.memref_slice %arg4[%dma_start3A_114, %multiple_of3A_94] : memref<16x1000000xf32, #tpu.memory_space<hbm>> -> memref<16x128xf32, #tpu.memory_space<hbm>>
    tpu.enqueue_dma source(%dma_start3A_115 : memref<16x128xf32, #tpu.memory_space<hbm>>) target(%dma_start3A_113 : memref<16x128xf32, #tpu.memory_space<vmem>>) target_semaphore(%arg20 : memref<!tpu.dma_semaphore, #tpu.memory_space<semaphore_mem>>)
    %dma_start3A_116 = arith.constant 1 : i32
    %dma_start3A_117 = arith.constant 0 : i32
    %dma_start3A_118 = arith.constant 0 : i32
    %dma_start3A_119 = arith.constant 0 : i32
    %dma_start3A_120 = tpu.memref_slice %arg13[%dma_start3A_116, %dma_start3A_117, %dma_start3A_118, %dma_start3A_119] : memref<8x2x16x128xf32, #tpu.memory_space<vmem>> -> memref<1x1x16x128xf32, #tpu.memory_space<vmem>>
    %dma_start3A_121 = tpu.memref_squeeze %dma_start3A_120 : memref<1x1x16x128xf32, #tpu.memory_space<vmem>> -> memref<16x128xf32, #tpu.memory_space<vmem>>
    %dma_start3A_122 = arith.constant 0 : i32
    %dma_start3A_123 = tpu.memref_slice %arg6[%dma_start3A_122, %multiple_of3A_101] : memref<16x1000000xf32, #tpu.memory_space<hbm>> -> memref<16x128xf32, #tpu.memory_space<hbm>>
    %dma_start3A_124 = arith.constant 0 : i32
    %dma_start3A_125 = arith.constant 0 : i32
    %dma_start3A_126 = tpu.memref_slice %arg13[%dma_start3A_116, %dma_start3A_117, %dma_start3A_124, %dma_start3A_125] : memref<8x2x16x128xf32, #tpu.memory_space<vmem>> -> memref<1x1x16x128xf32, #tpu.memory_space<vmem>>
    %dma_start3A_127 = tpu.memref_squeeze %dma_start3A_126 : memref<1x1x16x128xf32, #tpu.memory_space<vmem>> -> memref<16x128xf32, #tpu.memory_space<vmem>>
    %dma_start3A_128 = arith.constant 0 : i32
    %dma_start3A_129 = tpu.memref_slice %arg6[%dma_start3A_128, %multiple_of3A_101] : memref<16x1000000xf32, #tpu.memory_space<hbm>> -> memref<16x128xf32, #tpu.memory_space<hbm>>
    tpu.enqueue_dma source(%dma_start3A_129 : memref<16x128xf32, #tpu.memory_space<hbm>>) target(%dma_start3A_127 : memref<16x128xf32, #tpu.memory_space<vmem>>) target_semaphore(%arg20 : memref<!tpu.dma_semaphore, #tpu.memory_space<semaphore_mem>>)
    %slice3A_130 = vector.extract_strided_slice %get3A_6 {offsets = [3], sizes = [1], strides = [1]} : vector<16xi32> to vector<1xi32>
    %squeeze3A_131 = vector.extract %slice3A_130[0] : i32 from vector<1xi32>
    %shift_right_arithmetic3A_132 = arith.constant 7 : i32
    %shift_right_arithmetic3A_133 = arith.shrsi %squeeze3A_131, %shift_right_arithmetic3A_132 : i32
    %shift_left3A_134 = arith.constant 7 : i32
    %shift_left3A_135 = arith.shli %shift_right_arithmetic3A_133, %shift_left3A_134 : i32
    %multiple_of3A_136 = tpu.assume_multiple %shift_left3A_135, 128 : i32
    %slice3A_137 = vector.extract_strided_slice %get3A_8 {offsets = [3], sizes = [1], strides = [1]} : vector<16xi32> to vector<1xi32>
    %squeeze3A_138 = vector.extract %slice3A_137[0] : i32 from vector<1xi32>
    %shift_right_arithmetic3A_139 = arith.constant 7 : i32
    %shift_right_arithmetic3A_140 = arith.shrsi %squeeze3A_138, %shift_right_arithmetic3A_139 : i32
    %shift_left3A_141 = arith.constant 7 : i32
    %shift_left3A_142 = arith.shli %shift_right_arithmetic3A_140, %shift_left3A_141 : i32
    %multiple_of3A_143 = tpu.assume_multiple %shift_left3A_142, 128 : i32
    %dma_start3A_144 = arith.constant 1 : i32
    %dma_start3A_145 = arith.constant 1 : i32
    %dma_start3A_146 = arith.constant 0 : i32
    %dma_start3A_147 = arith.constant 0 : i32
    %dma_start3A_148 = tpu.memref_slice %arg12[%dma_start3A_144, %dma_start3A_145, %dma_start3A_146, %dma_start3A_147] : memref<8x2x16x128xf32, #tpu.memory_space<vmem>> -> memref<1x1x16x128xf32, #tpu.memory_space<vmem>>
    %dma_start3A_149 = tpu.memref_squeeze %dma_start3A_148 : memref<1x1x16x128xf32, #tpu.memory_space<vmem>> -> memref<16x128xf32, #tpu.memory_space<vmem>>
    %dma_start3A_150 = arith.constant 0 : i32
    %dma_start3A_151 = tpu.memref_slice %arg4[%dma_start3A_150, %multiple_of3A_136] : memref<16x1000000xf32, #tpu.memory_space<hbm>> -> memref<16x128xf32, #tpu.memory_space<hbm>>
    %dma_start3A_152 = arith.constant 0 : i32
    %dma_start3A_153 = arith.constant 0 : i32
    %dma_start3A_154 = tpu.memref_slice %arg12[%dma_start3A_144, %dma_start3A_145, %dma_start3A_152, %dma_start3A_153] : memref<8x2x16x128xf32, #tpu.memory_space<vmem>> -> memref<1x1x16x128xf32, #tpu.memory_space<vmem>>
    %dma_start3A_155 = tpu.memref_squeeze %dma_start3A_154 : memref<1x1x16x128xf32, #tpu.memory_space<vmem>> -> memref<16x128xf32, #tpu.memory_space<vmem>>
    %dma_start3A_156 = arith.constant 0 : i32
    %dma_start3A_157 = tpu.memref_slice %arg4[%dma_start3A_156, %multiple_of3A_136] : memref<16x1000000xf32, #tpu.memory_space<hbm>> -> memref<16x128xf32, #tpu.memory_space<hbm>>
    tpu.enqueue_dma source(%dma_start3A_157 : memref<16x128xf32, #tpu.memory_space<hbm>>) target(%dma_start3A_155 : memref<16x128xf32, #tpu.memory_space<vmem>>) target_semaphore(%arg20 : memref<!tpu.dma_semaphore, #tpu.memory_space<semaphore_mem>>)
    %dma_start3A_158 = arith.constant 1 : i32
    %dma_start3A_159 = arith.constant 1 : i32
    %dma_start3A_160 = arith.constant 0 : i32
    %dma_start3A_161 = arith.constant 0 : i32
    %dma_start3A_162 = tpu.memref_slice %arg13[%dma_start3A_158, %dma_start3A_159, %dma_start3A_160, %dma_start3A_161] : memref<8x2x16x128xf32, #tpu.memory_space<vmem>> -> memref<1x1x16x128xf32, #tpu.memory_space<vmem>>
    %dma_start3A_163 = tpu.memref_squeeze %dma_start3A_162 : memref<1x1x16x128xf32, #tpu.memory_space<vmem>> -> memref<16x128xf32, #tpu.memory_space<vmem>>
    %dma_start3A_164 = arith.constant 0 : i32
    %dma_start3A_165 = tpu.memref_slice %arg6[%dma_start3A_164, %multiple_of3A_143] : memref<16x1000000xf32, #tpu.memory_space<hbm>> -> memref<16x128xf32, #tpu.memory_space<hbm>>
    %dma_start3A_166 = arith.constant 0 : i32
    %dma_start3A_167 = arith.constant 0 : i32
    %dma_start3A_168 = tpu.memref_slice %arg13[%dma_start3A_158, %dma_start3A_159, %dma_start3A_166, %dma_start3A_167] : memref<8x2x16x128xf32, #tpu.memory_space<vmem>> -> memref<1x1x16x128xf32, #tpu.memory_space<vmem>>
    %dma_start3A_169 = tpu.memref_squeeze %dma_start3A_168 : memref<1x1x16x128xf32, #tpu.memory_space<vmem>> -> memref<16x128xf32, #tpu.memory_space<vmem>>
    %dma_start3A_170 = arith.constant 0 : i32
    %dma_start3A_171 = tpu.memref_slice %arg6[%dma_start3A_170, %multiple_of3A_143] : memref<16x1000000xf32, #tpu.memory_space<hbm>> -> memref<16x128xf32, #tpu.memory_space<hbm>>
    tpu.enqueue_dma source(%dma_start3A_171 : memref<16x128xf32, #tpu.memory_space<hbm>>) target(%dma_start3A_169 : memref<16x128xf32, #tpu.memory_space<vmem>>) target_semaphore(%arg20 : memref<!tpu.dma_semaphore, #tpu.memory_space<semaphore_mem>>)
    %slice3A_172 = vector.extract_strided_slice %get3A_6 {offsets = [4], sizes = [1], strides = [1]} : vector<16xi32> to vector<1xi32>
    %squeeze3A_173 = vector.extract %slice3A_172[0] : i32 from vector<1xi32>
    %shift_right_arithmetic3A_174 = arith.constant 7 : i32
    %shift_right_arithmetic3A_175 = arith.shrsi %squeeze3A_173, %shift_right_arithmetic3A_174 : i32
    %shift_left3A_176 = arith.constant 7 : i32
    %shift_left3A_177 = arith.shli %shift_right_arithmetic3A_175, %shift_left3A_176 : i32
    %multiple_of3A_178 = tpu.assume_multiple %shift_left3A_177, 128 : i32
    %slice3A_179 = vector.extract_strided_slice %get3A_8 {offsets = [4], sizes = [1], strides = [1]} : vector<16xi32> to vector<1xi32>
    %squeeze3A_180 = vector.extract %slice3A_179[0] : i32 from vector<1xi32>
    %shift_right_arithmetic3A_181 = arith.constant 7 : i32
    %shift_right_arithmetic3A_182 = arith.shrsi %squeeze3A_180, %shift_right_arithmetic3A_181 : i32
    %shift_left3A_183 = arith.constant 7 : i32
    %shift_left3A_184 = arith.shli %shift_right_arithmetic3A_182, %shift_left3A_183 : i32
    %multiple_of3A_185 = tpu.assume_multiple %shift_left3A_184, 128 : i32
    %dma_start3A_186 = arith.constant 2 : i32
    %dma_start3A_187 = arith.constant 0 : i32
    %dma_start3A_188 = arith.constant 0 : i32
    %dma_start3A_189 = arith.constant 0 : i32
    %dma_start3A_190 = tpu.memref_slice %arg12[%dma_start3A_186, %dma_start3A_187, %dma_start3A_188, %dma_start3A_189] : memref<8x2x16x128xf32, #tpu.memory_space<vmem>> -> memref<1x1x16x128xf32, #tpu.memory_space<vmem>>
    %dma_start3A_191 = tpu.memref_squeeze %dma_start3A_190 : memref<1x1x16x128xf32, #tpu.memory_space<vmem>> -> memref<16x128xf32, #tpu.memory_space<vmem>>
    %dma_start3A_192 = arith.constant 0 : i32
    %dma_start3A_193 = tpu.memref_slice %arg4[%dma_start3A_192, %multiple_of3A_178] : memref<16x1000000xf32, #tpu.memory_space<hbm>> -> memref<16x128xf32, #tpu.memory_space<hbm>>
    %dma_start3A_194 = arith.constant 0 : i32
    %dma_start3A_195 = arith.constant 0 : i32
    %dma_start3A_196 = tpu.memref_slice %arg12[%dma_start3A_186, %dma_start3A_187, %dma_start3A_194, %dma_start3A_195] : memref<8x2x16x128xf32, #tpu.memory_space<vmem>> -> memref<1x1x16x128xf32, #tpu.memory_space<vmem>>
    %dma_start3A_197 = tpu.memref_squeeze %dma_start3A_196 : memref<1x1x16x128xf32, #tpu.memory_space<vmem>> -> memref<16x128xf32, #tpu.memory_space<vmem>>
    %dma_start3A_198 = arith.constant 0 : i32
    %dma_start3A_199 = tpu.memref_slice %arg4[%dma_start3A_198, %multiple_of3A_178] : memref<16x1000000xf32, #tpu.memory_space<hbm>> -> memref<16x128xf32, #tpu.memory_space<hbm>>
    tpu.enqueue_dma source(%dma_start3A_199 : memref<16x128xf32, #tpu.memory_space<hbm>>) target(%dma_start3A_197 : memref<16x128xf32, #tpu.memory_space<vmem>>) target_semaphore(%arg21 : memref<!tpu.dma_semaphore, #tpu.memory_space<semaphore_mem>>)
    %dma_start3A_200 = arith.constant 2 : i32
    %dma_start3A_201 = arith.constant 0 : i32
    %dma_start3A_202 = arith.constant 0 : i32
    %dma_start3A_203 = arith.constant 0 : i32
    %dma_start3A_204 = tpu.memref_slice %arg13[%dma_start3A_200, %dma_start3A_201, %dma_start3A_202, %dma_start3A_203] : memref<8x2x16x128xf32, #tpu.memory_space<vmem>> -> memref<1x1x16x128xf32, #tpu.memory_space<vmem>>
    %dma_start3A_205 = tpu.memref_squeeze %dma_start3A_204 : memref<1x1x16x128xf32, #tpu.memory_space<vmem>> -> memref<16x128xf32, #tpu.memory_space<vmem>>
    %dma_start3A_206 = arith.constant 0 : i32
    %dma_start3A_207 = tpu.memref_slice %arg6[%dma_start3A_206, %multiple_of3A_185] : memref<16x1000000xf32, #tpu.memory_space<hbm>> -> memref<16x128xf32, #tpu.memory_space<hbm>>
    %dma_start3A_208 = arith.constant 0 : i32
    %dma_start3A_209 = arith.constant 0 : i32
    %dma_start3A_210 = tpu.memref_slice %arg13[%dma_start3A_200, %dma_start3A_201, %dma_start3A_208, %dma_start3A_209] : memref<8x2x16x128xf32, #tpu.memory_space<vmem>> -> memref<1x1x16x128xf32, #tpu.memory_space<vmem>>
    %dma_start3A_211 = tpu.memref_squeeze %dma_start3A_210 : memref<1x1x16x128xf32, #tpu.memory_space<vmem>> -> memref<16x128xf32, #tpu.memory_space<vmem>>
    %dma_start3A_212 = arith.constant 0 : i32
    %dma_start3A_213 = tpu.memref_slice %arg6[%dma_start3A_212, %multiple_of3A_185] : memref<16x1000000xf32, #tpu.memory_space<hbm>> -> memref<16x128xf32, #tpu.memory_space<hbm>>
    tpu.enqueue_dma source(%dma_start3A_213 : memref<16x128xf32, #tpu.memory_space<hbm>>) target(%dma_start3A_211 : memref<16x128xf32, #tpu.memory_space<vmem>>) target_semaphore(%arg21 : memref<!tpu.dma_semaphore, #tpu.memory_space<semaphore_mem>>)
    %slice3A_214 = vector.extract_strided_slice %get3A_6 {offsets = [5], sizes = [1], strides = [1]} : vector<16xi32> to vector<1xi32>
    %squeeze3A_215 = vector.extract %slice3A_214[0] : i32 from vector<1xi32>
    %shift_right_arithmetic3A_216 = arith.constant 7 : i32
    %shift_right_arithmetic3A_217 = arith.shrsi %squeeze3A_215, %shift_right_arithmetic3A_216 : i32
    %shift_left3A_218 = arith.constant 7 : i32
    %shift_left3A_219 = arith.shli %shift_right_arithmetic3A_217, %shift_left3A_218 : i32
    %multiple_of3A_220 = tpu.assume_multiple %shift_left3A_219, 128 : i32
    %slice3A_221 = vector.extract_strided_slice %get3A_8 {offsets = [5], sizes = [1], strides = [1]} : vector<16xi32> to vector<1xi32>
    %squeeze3A_222 = vector.extract %slice3A_221[0] : i32 from vector<1xi32>
    %shift_right_arithmetic3A_223 = arith.constant 7 : i32
    %shift_right_arithmetic3A_224 = arith.shrsi %squeeze3A_222, %shift_right_arithmetic3A_223 : i32
    %shift_left3A_225 = arith.constant 7 : i32
    %shift_left3A_226 = arith.shli %shift_right_arithmetic3A_224, %shift_left3A_225 : i32
    %multiple_of3A_227 = tpu.assume_multiple %shift_left3A_226, 128 : i32
    %dma_start3A_228 = arith.constant 2 : i32
    %dma_start3A_229 = arith.constant 1 : i32
    %dma_start3A_230 = arith.constant 0 : i32
    %dma_start3A_231 = arith.constant 0 : i32
    %dma_start3A_232 = tpu.memref_slice %arg12[%dma_start3A_228, %dma_start3A_229, %dma_start3A_230, %dma_start3A_231] : memref<8x2x16x128xf32, #tpu.memory_space<vmem>> -> memref<1x1x16x128xf32, #tpu.memory_space<vmem>>
    %dma_start3A_233 = tpu.memref_squeeze %dma_start3A_232 : memref<1x1x16x128xf32, #tpu.memory_space<vmem>> -> memref<16x128xf32, #tpu.memory_space<vmem>>
    %dma_start3A_234 = arith.constant 0 : i32
    %dma_start3A_235 = tpu.memref_slice %arg4[%dma_start3A_234, %multiple_of3A_220] : memref<16x1000000xf32, #tpu.memory_space<hbm>> -> memref<16x128xf32, #tpu.memory_space<hbm>>
    %dma_start3A_236 = arith.constant 0 : i32
    %dma_start3A_237 = arith.constant 0 : i32
    %dma_start3A_238 = tpu.memref_slice %arg12[%dma_start3A_228, %dma_start3A_229, %dma_start3A_236, %dma_start3A_237] : memref<8x2x16x128xf32, #tpu.memory_space<vmem>> -> memref<1x1x16x128xf32, #tpu.memory_space<vmem>>
    %dma_start3A_239 = tpu.memref_squeeze %dma_start3A_238 : memref<1x1x16x128xf32, #tpu.memory_space<vmem>> -> memref<16x128xf32, #tpu.memory_space<vmem>>
    %dma_start3A_240 = arith.constant 0 : i32
    %dma_start3A_241 = tpu.memref_slice %arg4[%dma_start3A_240, %multiple_of3A_220] : memref<16x1000000xf32, #tpu.memory_space<hbm>> -> memref<16x128xf32, #tpu.memory_space<hbm>>
    tpu.enqueue_dma source(%dma_start3A_241 : memref<16x128xf32, #tpu.memory_space<hbm>>) target(%dma_start3A_239 : memref<16x128xf32, #tpu.memory_space<vmem>>) target_semaphore(%arg21 : memref<!tpu.dma_semaphore, #tpu.memory_space<semaphore_mem>>)
    %dma_start3A_242 = arith.constant 2 : i32
    %dma_start3A_243 = arith.constant 1 : i32
    %dma_start3A_244 = arith.constant 0 : i32
    %dma_start3A_245 = arith.constant 0 : i32
    %dma_start3A_246 = tpu.memref_slice %arg13[%dma_start3A_242, %dma_start3A_243, %dma_start3A_244, %dma_start3A_245] : memref<8x2x16x128xf32, #tpu.memory_space<vmem>> -> memref<1x1x16x128xf32, #tpu.memory_space<vmem>>
    %dma_start3A_247 = tpu.memref_squeeze %dma_start3A_246 : memref<1x1x16x128xf32, #tpu.memory_space<vmem>> -> memref<16x128xf32, #tpu.memory_space<vmem>>
    %dma_start3A_248 = arith.constant 0 : i32
    %dma_start3A_249 = tpu.memref_slice %arg6[%dma_start3A_248, %multiple_of3A_227] : memref<16x1000000xf32, #tpu.memory_space<hbm>> -> memref<16x128xf32, #tpu.memory_space<hbm>>
    %dma_start3A_250 = arith.constant 0 : i32
    %dma_start3A_251 = arith.constant 0 : i32
    %dma_start3A_252 = tpu.memref_slice %arg13[%dma_start3A_242, %dma_start3A_243, %dma_start3A_250, %dma_start3A_251] : memref<8x2x16x128xf32, #tpu.memory_space<vmem>> -> memref<1x1x16x128xf32, #tpu.memory_space<vmem>>
    %dma_start3A_253 = tpu.memref_squeeze %dma_start3A_252 : memref<1x1x16x128xf32, #tpu.memory_space<vmem>> -> memref<16x128xf32, #tpu.memory_space<vmem>>
    %dma_start3A_254 = arith.constant 0 : i32
    %dma_start3A_255 = tpu.memref_slice %arg6[%dma_start3A_254, %multiple_of3A_227] : memref<16x1000000xf32, #tpu.memory_space<hbm>> -> memref<16x128xf32, #tpu.memory_space<hbm>>
    tpu.enqueue_dma source(%dma_start3A_255 : memref<16x128xf32, #tpu.memory_space<hbm>>) target(%dma_start3A_253 : memref<16x128xf32, #tpu.memory_space<vmem>>) target_semaphore(%arg21 : memref<!tpu.dma_semaphore, #tpu.memory_space<semaphore_mem>>)
    %slice3A_256 = vector.extract_strided_slice %get3A_6 {offsets = [6], sizes = [1], strides = [1]} : vector<16xi32> to vector<1xi32>
    %squeeze3A_257 = vector.extract %slice3A_256[0] : i32 from vector<1xi32>
    %shift_right_arithmetic3A_258 = arith.constant 7 : i32
    %shift_right_arithmetic3A_259 = arith.shrsi %squeeze3A_257, %shift_right_arithmetic3A_258 : i32
    %shift_left3A_260 = arith.constant 7 : i32
    %shift_left3A_261 = arith.shli %shift_right_arithmetic3A_259, %shift_left3A_260 : i32
    %multiple_of3A_262 = tpu.assume_multiple %shift_left3A_261, 128 : i32
    %slice3A_263 = vector.extract_strided_slice %get3A_8 {offsets = [6], sizes = [1], strides = [1]} : vector<16xi32> to vector<1xi32>
    %squeeze3A_264 = vector.extract %slice3A_263[0] : i32 from vector<1xi32>
    %shift_right_arithmetic3A_265 = arith.constant 7 : i32
    %shift_right_arithmetic3A_266 = arith.shrsi %squeeze3A_264, %shift_right_arithmetic3A_265 : i32
    %shift_left3A_267 = arith.constant 7 : i32
    %shift_left3A_268 = arith.shli %shift_right_arithmetic3A_266, %shift_left3A_267 : i32
    %multiple_of3A_269 = tpu.assume_multiple %shift_left3A_268, 128 : i32
    %dma_start3A_270 = arith.constant 3 : i32
    %dma_start3A_271 = arith.constant 0 : i32
    %dma_start3A_272 = arith.constant 0 : i32
    %dma_start3A_273 = arith.constant 0 : i32
    %dma_start3A_274 = tpu.memref_slice %arg12[%dma_start3A_270, %dma_start3A_271, %dma_start3A_272, %dma_start3A_273] : memref<8x2x16x128xf32, #tpu.memory_space<vmem>> -> memref<1x1x16x128xf32, #tpu.memory_space<vmem>>
    %dma_start3A_275 = tpu.memref_squeeze %dma_start3A_274 : memref<1x1x16x128xf32, #tpu.memory_space<vmem>> -> memref<16x128xf32, #tpu.memory_space<vmem>>
    %dma_start3A_276 = arith.constant 0 : i32
    %dma_start3A_277 = tpu.memref_slice %arg4[%dma_start3A_276, %multiple_of3A_262] : memref<16x1000000xf32, #tpu.memory_space<hbm>> -> memref<16x128xf32, #tpu.memory_space<hbm>>
    %dma_start3A_278 = arith.constant 0 : i32
    %dma_start3A_279 = arith.constant 0 : i32
    %dma_start3A_280 = tpu.memref_slice %arg12[%dma_start3A_270, %dma_start3A_271, %dma_start3A_278, %dma_start3A_279] : memref<8x2x16x128xf32, #tpu.memory_space<vmem>> -> memref<1x1x16x128xf32, #tpu.memory_space<vmem>>
    %dma_start3A_281 = tpu.memref_squeeze %dma_start3A_280 : memref<1x1x16x128xf32, #tpu.memory_space<vmem>> -> memref<16x128xf32, #tpu.memory_space<vmem>>
    %dma_start3A_282 = arith.constant 0 : i32
    %dma_start3A_283 = tpu.memref_slice %arg4[%dma_start3A_282, %multiple_of3A_262] : memref<16x1000000xf32, #tpu.memory_space<hbm>> -> memref<16x128xf32, #tpu.memory_space<hbm>>
    tpu.enqueue_dma source(%dma_start3A_283 : memref<16x128xf32, #tpu.memory_space<hbm>>) target(%dma_start3A_281 : memref<16x128xf32, #tpu.memory_space<vmem>>) target_semaphore(%arg22 : memref<!tpu.dma_semaphore, #tpu.memory_space<semaphore_mem>>)
    %dma_start3A_284 = arith.constant 3 : i32
    %dma_start3A_285 = arith.constant 0 : i32
    %dma_start3A_286 = arith.constant 0 : i32
    %dma_start3A_287 = arith.constant 0 : i32
    %dma_start3A_288 = tpu.memref_slice %arg13[%dma_start3A_284, %dma_start3A_285, %dma_start3A_286, %dma_start3A_287] : memref<8x2x16x128xf32, #tpu.memory_space<vmem>> -> memref<1x1x16x128xf32, #tpu.memory_space<vmem>>
    %dma_start3A_289 = tpu.memref_squeeze %dma_start3A_288 : memref<1x1x16x128xf32, #tpu.memory_space<vmem>> -> memref<16x128xf32, #tpu.memory_space<vmem>>
    %dma_start3A_290 = arith.constant 0 : i32
    %dma_start3A_291 = tpu.memref_slice %arg6[%dma_start3A_290, %multiple_of3A_269] : memref<16x1000000xf32, #tpu.memory_space<hbm>> -> memref<16x128xf32, #tpu.memory_space<hbm>>
    %dma_start3A_292 = arith.constant 0 : i32
    %dma_start3A_293 = arith.constant 0 : i32
    %dma_start3A_294 = tpu.memref_slice %arg13[%dma_start3A_284, %dma_start3A_285, %dma_start3A_292, %dma_start3A_293] : memref<8x2x16x128xf32, #tpu.memory_space<vmem>> -> memref<1x1x16x128xf32, #tpu.memory_space<vmem>>
    %dma_start3A_295 = tpu.memref_squeeze %dma_start3A_294 : memref<1x1x16x128xf32, #tpu.memory_space<vmem>> -> memref<16x128xf32, #tpu.memory_space<vmem>>
    %dma_start3A_296 = arith.constant 0 : i32
    %dma_start3A_297 = tpu.memref_slice %arg6[%dma_start3A_296, %multiple_of3A_269] : memref<16x1000000xf32, #tpu.memory_space<hbm>> -> memref<16x128xf32, #tpu.memory_space<hbm>>
    tpu.enqueue_dma source(%dma_start3A_297 : memref<16x128xf32, #tpu.memory_space<hbm>>) target(%dma_start3A_295 : memref<16x128xf32, #tpu.memory_space<vmem>>) target_semaphore(%arg22 : memref<!tpu.dma_semaphore, #tpu.memory_space<semaphore_mem>>)
    %slice3A_298 = vector.extract_strided_slice %get3A_6 {offsets = [7], sizes = [1], strides = [1]} : vector<16xi32> to vector<1xi32>
    %squeeze3A_299 = vector.extract %slice3A_298[0] : i32 from vector<1xi32>
    %shift_right_arithmetic3A_300 = arith.constant 7 : i32
    %shift_right_arithmetic3A_301 = arith.shrsi %squeeze3A_299, %shift_right_arithmetic3A_300 : i32
    %shift_left3A_302 = arith.constant 7 : i32
    %shift_left3A_303 = arith.shli %shift_right_arithmetic3A_301, %shift_left3A_302 : i32
    %multiple_of3A_304 = tpu.assume_multiple %shift_left3A_303, 128 : i32
    %slice3A_305 = vector.extract_strided_slice %get3A_8 {offsets = [7], sizes = [1], strides = [1]} : vector<16xi32> to vector<1xi32>
    %squeeze3A_306 = vector.extract %slice3A_305[0] : i32 from vector<1xi32>
    %shift_right_arithmetic3A_307 = arith.constant 7 : i32
    %shift_right_arithmetic3A_308 = arith.shrsi %squeeze3A_306, %shift_right_arithmetic3A_307 : i32
    %shift_left3A_309 = arith.constant 7 : i32
    %shift_left3A_310 = arith.shli %shift_right_arithmetic3A_308, %shift_left3A_309 : i32
    %multiple_of3A_311 = tpu.assume_multiple %shift_left3A_310, 128 : i32
    %dma_start3A_312 = arith.constant 3 : i32
    %dma_start3A_313 = arith.constant 1 : i32
    %dma_start3A_314 = arith.constant 0 : i32
    %dma_start3A_315 = arith.constant 0 : i32
    %dma_start3A_316 = tpu.memref_slice %arg12[%dma_start3A_312, %dma_start3A_313, %dma_start3A_314, %dma_start3A_315] : memref<8x2x16x128xf32, #tpu.memory_space<vmem>> -> memref<1x1x16x128xf32, #tpu.memory_space<vmem>>
    %dma_start3A_317 = tpu.memref_squeeze %dma_start3A_316 : memref<1x1x16x128xf32, #tpu.memory_space<vmem>> -> memref<16x128xf32, #tpu.memory_space<vmem>>
    %dma_start3A_318 = arith.constant 0 : i32
    %dma_start3A_319 = tpu.memref_slice %arg4[%dma_start3A_318, %multiple_of3A_304] : memref<16x1000000xf32, #tpu.memory_space<hbm>> -> memref<16x128xf32, #tpu.memory_space<hbm>>
    %dma_start3A_320 = arith.constant 0 : i32
    %dma_start3A_321 = arith.constant 0 : i32
    %dma_start3A_322 = tpu.memref_slice %arg12[%dma_start3A_312, %dma_start3A_313, %dma_start3A_320, %dma_start3A_321] : memref<8x2x16x128xf32, #tpu.memory_space<vmem>> -> memref<1x1x16x128xf32, #tpu.memory_space<vmem>>
    %dma_start3A_323 = tpu.memref_squeeze %dma_start3A_322 : memref<1x1x16x128xf32, #tpu.memory_space<vmem>> -> memref<16x128xf32, #tpu.memory_space<vmem>>
    %dma_start3A_324 = arith.constant 0 : i32
    %dma_start3A_325 = tpu.memref_slice %arg4[%dma_start3A_324, %multiple_of3A_304] : memref<16x1000000xf32, #tpu.memory_space<hbm>> -> memref<16x128xf32, #tpu.memory_space<hbm>>
    tpu.enqueue_dma source(%dma_start3A_325 : memref<16x128xf32, #tpu.memory_space<hbm>>) target(%dma_start3A_323 : memref<16x128xf32, #tpu.memory_space<vmem>>) target_semaphore(%arg22 : memref<!tpu.dma_semaphore, #tpu.memory_space<semaphore_mem>>)
    %dma_start3A_326 = arith.constant 3 : i32
    %dma_start3A_327 = arith.constant 1 : i32
    %dma_start3A_328 = arith.constant 0 : i32
    %dma_start3A_329 = arith.constant 0 : i32
    %dma_start3A_330 = tpu.memref_slice %arg13[%dma_start3A_326, %dma_start3A_327, %dma_start3A_328, %dma_start3A_329] : memref<8x2x16x128xf32, #tpu.memory_space<vmem>> -> memref<1x1x16x128xf32, #tpu.memory_space<vmem>>
    %dma_start3A_331 = tpu.memref_squeeze %dma_start3A_330 : memref<1x1x16x128xf32, #tpu.memory_space<vmem>> -> memref<16x128xf32, #tpu.memory_space<vmem>>
    %dma_start3A_332 = arith.constant 0 : i32
    %dma_start3A_333 = tpu.memref_slice %arg6[%dma_start3A_332, %multiple_of3A_311] : memref<16x1000000xf32, #tpu.memory_space<hbm>> -> memref<16x128xf32, #tpu.memory_space<hbm>>
    %dma_start3A_334 = arith.constant 0 : i32
    %dma_start3A_335 = arith.constant 0 : i32
    %dma_start3A_336 = tpu.memref_slice %arg13[%dma_start3A_326, %dma_start3A_327, %dma_start3A_334, %dma_start3A_335] : memref<8x2x16x128xf32, #tpu.memory_space<vmem>> -> memref<1x1x16x128xf32, #tpu.memory_space<vmem>>
    %dma_start3A_337 = tpu.memref_squeeze %dma_start3A_336 : memref<1x1x16x128xf32, #tpu.memory_space<vmem>> -> memref<16x128xf32, #tpu.memory_space<vmem>>
    %dma_start3A_338 = arith.constant 0 : i32
    %dma_start3A_339 = tpu.memref_slice %arg6[%dma_start3A_338, %multiple_of3A_311] : memref<16x1000000xf32, #tpu.memory_space<hbm>> -> memref<16x128xf32, #tpu.memory_space<hbm>>
    tpu.enqueue_dma source(%dma_start3A_339 : memref<16x128xf32, #tpu.memory_space<hbm>>) target(%dma_start3A_337 : memref<16x128xf32, #tpu.memory_space<vmem>>) target_semaphore(%arg22 : memref<!tpu.dma_semaphore, #tpu.memory_space<semaphore_mem>>)
    %slice3A_340 = vector.extract_strided_slice %get3A_6 {offsets = [8], sizes = [1], strides = [1]} : vector<16xi32> to vector<1xi32>
    %squeeze3A_341 = vector.extract %slice3A_340[0] : i32 from vector<1xi32>
    %shift_right_arithmetic3A_342 = arith.constant 7 : i32
    %shift_right_arithmetic3A_343 = arith.shrsi %squeeze3A_341, %shift_right_arithmetic3A_342 : i32
    %shift_left3A_344 = arith.constant 7 : i32
    %shift_left3A_345 = arith.shli %shift_right_arithmetic3A_343, %shift_left3A_344 : i32
    %multiple_of3A_346 = tpu.assume_multiple %shift_left3A_345, 128 : i32
    %slice3A_347 = vector.extract_strided_slice %get3A_8 {offsets = [8], sizes = [1], strides = [1]} : vector<16xi32> to vector<1xi32>
    %squeeze3A_348 = vector.extract %slice3A_347[0] : i32 from vector<1xi32>
    %shift_right_arithmetic3A_349 = arith.constant 7 : i32
    %shift_right_arithmetic3A_350 = arith.shrsi %squeeze3A_348, %shift_right_arithmetic3A_349 : i32
    %shift_left3A_351 = arith.constant 7 : i32
    %shift_left3A_352 = arith.shli %shift_right_arithmetic3A_350, %shift_left3A_351 : i32
    %multiple_of3A_353 = tpu.assume_multiple %shift_left3A_352, 128 : i32
    %dma_start3A_354 = arith.constant 4 : i32
    %dma_start3A_355 = arith.constant 0 : i32
    %dma_start3A_356 = arith.constant 0 : i32
    %dma_start3A_357 = arith.constant 0 : i32
    %dma_start3A_358 = tpu.memref_slice %arg12[%dma_start3A_354, %dma_start3A_355, %dma_start3A_356, %dma_start3A_357] : memref<8x2x16x128xf32, #tpu.memory_space<vmem>> -> memref<1x1x16x128xf32, #tpu.memory_space<vmem>>
    %dma_start3A_359 = tpu.memref_squeeze %dma_start3A_358 : memref<1x1x16x128xf32, #tpu.memory_space<vmem>> -> memref<16x128xf32, #tpu.memory_space<vmem>>
    %dma_start3A_360 = arith.constant 0 : i32
    %dma_start3A_361 = tpu.memref_slice %arg4[%dma_start3A_360, %multiple_of3A_346] : memref<16x1000000xf32, #tpu.memory_space<hbm>> -> memref<16x128xf32, #tpu.memory_space<hbm>>
    %dma_start3A_362 = arith.constant 0 : i32
    %dma_start3A_363 = arith.constant 0 : i32
    %dma_start3A_364 = tpu.memref_slice %arg12[%dma_start3A_354, %dma_start3A_355, %dma_start3A_362, %dma_start3A_363] : memref<8x2x16x128xf32, #tpu.memory_space<vmem>> -> memref<1x1x16x128xf32, #tpu.memory_space<vmem>>
    %dma_start3A_365 = tpu.memref_squeeze %dma_start3A_364 : memref<1x1x16x128xf32, #tpu.memory_space<vmem>> -> memref<16x128xf32, #tpu.memory_space<vmem>>
    %dma_start3A_366 = arith.constant 0 : i32
    %dma_start3A_367 = tpu.memref_slice %arg4[%dma_start3A_366, %multiple_of3A_346] : memref<16x1000000xf32, #tpu.memory_space<hbm>> -> memref<16x128xf32, #tpu.memory_space<hbm>>
    tpu.enqueue_dma source(%dma_start3A_367 : memref<16x128xf32, #tpu.memory_space<hbm>>) target(%dma_start3A_365 : memref<16x128xf32, #tpu.memory_space<vmem>>) target_semaphore(%arg23 : memref<!tpu.dma_semaphore, #tpu.memory_space<semaphore_mem>>)
    %dma_start3A_368 = arith.constant 4 : i32
    %dma_start3A_369 = arith.constant 0 : i32
    %dma_start3A_370 = arith.constant 0 : i32
    %dma_start3A_371 = arith.constant 0 : i32
    %dma_start3A_372 = tpu.memref_slice %arg13[%dma_start3A_368, %dma_start3A_369, %dma_start3A_370, %dma_start3A_371] : memref<8x2x16x128xf32, #tpu.memory_space<vmem>> -> memref<1x1x16x128xf32, #tpu.memory_space<vmem>>
    %dma_start3A_373 = tpu.memref_squeeze %dma_start3A_372 : memref<1x1x16x128xf32, #tpu.memory_space<vmem>> -> memref<16x128xf32, #tpu.memory_space<vmem>>
    %dma_start3A_374 = arith.constant 0 : i32
    %dma_start3A_375 = tpu.memref_slice %arg6[%dma_start3A_374, %multiple_of3A_353] : memref<16x1000000xf32, #tpu.memory_space<hbm>> -> memref<16x128xf32, #tpu.memory_space<hbm>>
    %dma_start3A_376 = arith.constant 0 : i32
    %dma_start3A_377 = arith.constant 0 : i32
    %dma_start3A_378 = tpu.memref_slice %arg13[%dma_start3A_368, %dma_start3A_369, %dma_start3A_376, %dma_start3A_377] : memref<8x2x16x128xf32, #tpu.memory_space<vmem>> -> memref<1x1x16x128xf32, #tpu.memory_space<vmem>>
    %dma_start3A_379 = tpu.memref_squeeze %dma_start3A_378 : memref<1x1x16x128xf32, #tpu.memory_space<vmem>> -> memref<16x128xf32, #tpu.memory_space<vmem>>
    %dma_start3A_380 = arith.constant 0 : i32
    %dma_start3A_381 = tpu.memref_slice %arg6[%dma_start3A_380, %multiple_of3A_353] : memref<16x1000000xf32, #tpu.memory_space<hbm>> -> memref<16x128xf32, #tpu.memory_space<hbm>>
    tpu.enqueue_dma source(%dma_start3A_381 : memref<16x128xf32, #tpu.memory_space<hbm>>) target(%dma_start3A_379 : memref<16x128xf32, #tpu.memory_space<vmem>>) target_semaphore(%arg23 : memref<!tpu.dma_semaphore, #tpu.memory_space<semaphore_mem>>)
    %slice3A_382 = vector.extract_strided_slice %get3A_6 {offsets = [9], sizes = [1], strides = [1]} : vector<16xi32> to vector<1xi32>
    %squeeze3A_383 = vector.extract %slice3A_382[0] : i32 from vector<1xi32>
    %shift_right_arithmetic3A_384 = arith.constant 7 : i32
    %shift_right_arithmetic3A_385 = arith.shrsi %squeeze3A_383, %shift_right_arithmetic3A_384 : i32
    %shift_left3A_386 = arith.constant 7 : i32
    %shift_left3A_387 = arith.shli %shift_right_arithmetic3A_385, %shift_left3A_386 : i32
    %multiple_of3A_388 = tpu.assume_multiple %shift_left3A_387, 128 : i32
    %slice3A_389 = vector.extract_strided_slice %get3A_8 {offsets = [9], sizes = [1], strides = [1]} : vector<16xi32> to vector<1xi32>
    %squeeze3A_390 = vector.extract %slice3A_389[0] : i32 from vector<1xi32>
    %shift_right_arithmetic3A_391 = arith.constant 7 : i32
    %shift_right_arithmetic3A_392 = arith.shrsi %squeeze3A_390, %shift_right_arithmetic3A_391 : i32
    %shift_left3A_393 = arith.constant 7 : i32
    %shift_left3A_394 = arith.shli %shift_right_arithmetic3A_392, %shift_left3A_393 : i32
    %multiple_of3A_395 = tpu.assume_multiple %shift_left3A_394, 128 : i32
    %dma_start3A_396 = arith.constant 4 : i32
    %dma_start3A_397 = arith.constant 1 : i32
    %dma_start3A_398 = arith.constant 0 : i32
    %dma_start3A_399 = arith.constant 0 : i32
    %dma_start3A_400 = tpu.memref_slice %arg12[%dma_start3A_396, %dma_start3A_397, %dma_start3A_398, %dma_start3A_399] : memref<8x2x16x128xf32, #tpu.memory_space<vmem>> -> memref<1x1x16x128xf32, #tpu.memory_space<vmem>>
    %dma_start3A_401 = tpu.memref_squeeze %dma_start3A_400 : memref<1x1x16x128xf32, #tpu.memory_space<vmem>> -> memref<16x128xf32, #tpu.memory_space<vmem>>
    %dma_start3A_402 = arith.constant 0 : i32
    %dma_start3A_403 = tpu.memref_slice %arg4[%dma_start3A_402, %multiple_of3A_388] : memref<16x1000000xf32, #tpu.memory_space<hbm>> -> memref<16x128xf32, #tpu.memory_space<hbm>>
    %dma_start3A_404 = arith.constant 0 : i32
    %dma_start3A_405 = arith.constant 0 : i32
    %dma_start3A_406 = tpu.memref_slice %arg12[%dma_start3A_396, %dma_start3A_397, %dma_start3A_404, %dma_start3A_405] : memref<8x2x16x128xf32, #tpu.memory_space<vmem>> -> memref<1x1x16x128xf32, #tpu.memory_space<vmem>>
    %dma_start3A_407 = tpu.memref_squeeze %dma_start3A_406 : memref<1x1x16x128xf32, #tpu.memory_space<vmem>> -> memref<16x128xf32, #tpu.memory_space<vmem>>
    %dma_start3A_408 = arith.constant 0 : i32
    %dma_start3A_409 = tpu.memref_slice %arg4[%dma_start3A_408, %multiple_of3A_388] : memref<16x1000000xf32, #tpu.memory_space<hbm>> -> memref<16x128xf32, #tpu.memory_space<hbm>>
    tpu.enqueue_dma source(%dma_start3A_409 : memref<16x128xf32, #tpu.memory_space<hbm>>) target(%dma_start3A_407 : memref<16x128xf32, #tpu.memory_space<vmem>>) target_semaphore(%arg23 : memref<!tpu.dma_semaphore, #tpu.memory_space<semaphore_mem>>)
    %dma_start3A_410 = arith.constant 4 : i32
    %dma_start3A_411 = arith.constant 1 : i32
    %dma_start3A_412 = arith.constant 0 : i32
    %dma_start3A_413 = arith.constant 0 : i32
    %dma_start3A_414 = tpu.memref_slice %arg13[%dma_start3A_410, %dma_start3A_411, %dma_start3A_412, %dma_start3A_413] : memref<8x2x16x128xf32, #tpu.memory_space<vmem>> -> memref<1x1x16x128xf32, #tpu.memory_space<vmem>>
    %dma_start3A_415 = tpu.memref_squeeze %dma_start3A_414 : memref<1x1x16x128xf32, #tpu.memory_space<vmem>> -> memref<16x128xf32, #tpu.memory_space<vmem>>
    %dma_start3A_416 = arith.constant 0 : i32
    %dma_start3A_417 = tpu.memref_slice %arg6[%dma_start3A_416, %multiple_of3A_395] : memref<16x1000000xf32, #tpu.memory_space<hbm>> -> memref<16x128xf32, #tpu.memory_space<hbm>>
    %dma_start3A_418 = arith.constant 0 : i32
    %dma_start3A_419 = arith.constant 0 : i32
    %dma_start3A_420 = tpu.memref_slice %arg13[%dma_start3A_410, %dma_start3A_411, %dma_start3A_418, %dma_start3A_419] : memref<8x2x16x128xf32, #tpu.memory_space<vmem>> -> memref<1x1x16x128xf32, #tpu.memory_space<vmem>>
    %dma_start3A_421 = tpu.memref_squeeze %dma_start3A_420 : memref<1x1x16x128xf32, #tpu.memory_space<vmem>> -> memref<16x128xf32, #tpu.memory_space<vmem>>
    %dma_start3A_422 = arith.constant 0 : i32
    %dma_start3A_423 = tpu.memref_slice %arg6[%dma_start3A_422, %multiple_of3A_395] : memref<16x1000000xf32, #tpu.memory_space<hbm>> -> memref<16x128xf32, #tpu.memory_space<hbm>>
    tpu.enqueue_dma source(%dma_start3A_423 : memref<16x128xf32, #tpu.memory_space<hbm>>) target(%dma_start3A_421 : memref<16x128xf32, #tpu.memory_space<vmem>>) target_semaphore(%arg23 : memref<!tpu.dma_semaphore, #tpu.memory_space<semaphore_mem>>)
    %slice3A_424 = vector.extract_strided_slice %get3A_6 {offsets = [10], sizes = [1], strides = [1]} : vector<16xi32> to vector<1xi32>
    %squeeze3A_425 = vector.extract %slice3A_424[0] : i32 from vector<1xi32>
    %shift_right_arithmetic3A_426 = arith.constant 7 : i32
    %shift_right_arithmetic3A_427 = arith.shrsi %squeeze3A_425, %shift_right_arithmetic3A_426 : i32
    %shift_left3A_428 = arith.constant 7 : i32
    %shift_left3A_429 = arith.shli %shift_right_arithmetic3A_427, %shift_left3A_428 : i32
    %multiple_of3A_430 = tpu.assume_multiple %shift_left3A_429, 128 : i32
    %slice3A_431 = vector.extract_strided_slice %get3A_8 {offsets = [10], sizes = [1], strides = [1]} : vector<16xi32> to vector<1xi32>
    %squeeze3A_432 = vector.extract %slice3A_431[0] : i32 from vector<1xi32>
    %shift_right_arithmetic3A_433 = arith.constant 7 : i32
    %shift_right_arithmetic3A_434 = arith.shrsi %squeeze3A_432, %shift_right_arithmetic3A_433 : i32
    %shift_left3A_435 = arith.constant 7 : i32
    %shift_left3A_436 = arith.shli %shift_right_arithmetic3A_434, %shift_left3A_435 : i32
    %multiple_of3A_437 = tpu.assume_multiple %shift_left3A_436, 128 : i32
    %dma_start3A_438 = arith.constant 5 : i32
    %dma_start3A_439 = arith.constant 0 : i32
    %dma_start3A_440 = arith.constant 0 : i32
    %dma_start3A_441 = arith.constant 0 : i32
    %dma_start3A_442 = tpu.memref_slice %arg12[%dma_start3A_438, %dma_start3A_439, %dma_start3A_440, %dma_start3A_441] : memref<8x2x16x128xf32, #tpu.memory_space<vmem>> -> memref<1x1x16x128xf32, #tpu.memory_space<vmem>>
    %dma_start3A_443 = tpu.memref_squeeze %dma_start3A_442 : memref<1x1x16x128xf32, #tpu.memory_space<vmem>> -> memref<16x128xf32, #tpu.memory_space<vmem>>
    %dma_start3A_444 = arith.constant 0 : i32
    %dma_start3A_445 = tpu.memref_slice %arg4[%dma_start3A_444, %multiple_of3A_430] : memref<16x1000000xf32, #tpu.memory_space<hbm>> -> memref<16x128xf32, #tpu.memory_space<hbm>>
    %dma_start3A_446 = arith.constant 0 : i32
    %dma_start3A_447 = arith.constant 0 : i32
    %dma_start3A_448 = tpu.memref_slice %arg12[%dma_start3A_438, %dma_start3A_439, %dma_start3A_446, %dma_start3A_447] : memref<8x2x16x128xf32, #tpu.memory_space<vmem>> -> memref<1x1x16x128xf32, #tpu.memory_space<vmem>>
    %dma_start3A_449 = tpu.memref_squeeze %dma_start3A_448 : memref<1x1x16x128xf32, #tpu.memory_space<vmem>> -> memref<16x128xf32, #tpu.memory_space<vmem>>
    %dma_start3A_450 = arith.constant 0 : i32
    %dma_start3A_451 = tpu.memref_slice %arg4[%dma_start3A_450, %multiple_of3A_430] : memref<16x1000000xf32, #tpu.memory_space<hbm>> -> memref<16x128xf32, #tpu.memory_space<hbm>>
    tpu.enqueue_dma source(%dma_start3A_451 : memref<16x128xf32, #tpu.memory_space<hbm>>) target(%dma_start3A_449 : memref<16x128xf32, #tpu.memory_space<vmem>>) target_semaphore(%arg24 : memref<!tpu.dma_semaphore, #tpu.memory_space<semaphore_mem>>)
    %dma_start3A_452 = arith.constant 5 : i32
    %dma_start3A_453 = arith.constant 0 : i32
    %dma_start3A_454 = arith.constant 0 : i32
    %dma_start3A_455 = arith.constant 0 : i32
    %dma_start3A_456 = tpu.memref_slice %arg13[%dma_start3A_452, %dma_start3A_453, %dma_start3A_454, %dma_start3A_455] : memref<8x2x16x128xf32, #tpu.memory_space<vmem>> -> memref<1x1x16x128xf32, #tpu.memory_space<vmem>>
    %dma_start3A_457 = tpu.memref_squeeze %dma_start3A_456 : memref<1x1x16x128xf32, #tpu.memory_space<vmem>> -> memref<16x128xf32, #tpu.memory_space<vmem>>
    %dma_start3A_458 = arith.constant 0 : i32
    %dma_start3A_459 = tpu.memref_slice %arg6[%dma_start3A_458, %multiple_of3A_437] : memref<16x1000000xf32, #tpu.memory_space<hbm>> -> memref<16x128xf32, #tpu.memory_space<hbm>>
    %dma_start3A_460 = arith.constant 0 : i32
    %dma_start3A_461 = arith.constant 0 : i32
    %dma_start3A_462 = tpu.memref_slice %arg13[%dma_start3A_452, %dma_start3A_453, %dma_start3A_460, %dma_start3A_461] : memref<8x2x16x128xf32, #tpu.memory_space<vmem>> -> memref<1x1x16x128xf32, #tpu.memory_space<vmem>>
    %dma_start3A_463 = tpu.memref_squeeze %dma_start3A_462 : memref<1x1x16x128xf32, #tpu.memory_space<vmem>> -> memref<16x128xf32, #tpu.memory_space<vmem>>
    %dma_start3A_464 = arith.constant 0 : i32
    %dma_start3A_465 = tpu.memref_slice %arg6[%dma_start3A_464, %multiple_of3A_437] : memref<16x1000000xf32, #tpu.memory_space<hbm>> -> memref<16x128xf32, #tpu.memory_space<hbm>>
    tpu.enqueue_dma source(%dma_start3A_465 : memref<16x128xf32, #tpu.memory_space<hbm>>) target(%dma_start3A_463 : memref<16x128xf32, #tpu.memory_space<vmem>>) target_semaphore(%arg24 : memref<!tpu.dma_semaphore, #tpu.memory_space<semaphore_mem>>)
    %slice3A_466 = vector.extract_strided_slice %get3A_6 {offsets = [11], sizes = [1], strides = [1]} : vector<16xi32> to vector<1xi32>
    %squeeze3A_467 = vector.extract %slice3A_466[0] : i32 from vector<1xi32>
    %shift_right_arithmetic3A_468 = arith.constant 7 : i32
    %shift_right_arithmetic3A_469 = arith.shrsi %squeeze3A_467, %shift_right_arithmetic3A_468 : i32
    %shift_left3A_470 = arith.constant 7 : i32
    %shift_left3A_471 = arith.shli %shift_right_arithmetic3A_469, %shift_left3A_470 : i32
    %multiple_of3A_472 = tpu.assume_multiple %shift_left3A_471, 128 : i32
    %slice3A_473 = vector.extract_strided_slice %get3A_8 {offsets = [11], sizes = [1], strides = [1]} : vector<16xi32> to vector<1xi32>
    %squeeze3A_474 = vector.extract %slice3A_473[0] : i32 from vector<1xi32>
    %shift_right_arithmetic3A_475 = arith.constant 7 : i32
    %shift_right_arithmetic3A_476 = arith.shrsi %squeeze3A_474, %shift_right_arithmetic3A_475 : i32
    %shift_left3A_477 = arith.constant 7 : i32
    %shift_left3A_478 = arith.shli %shift_right_arithmetic3A_476, %shift_left3A_477 : i32
    %multiple_of3A_479 = tpu.assume_multiple %shift_left3A_478, 128 : i32
    %dma_start3A_480 = arith.constant 5 : i32
    %dma_start3A_481 = arith.constant 1 : i32
    %dma_start3A_482 = arith.constant 0 : i32
    %dma_start3A_483 = arith.constant 0 : i32
    %dma_start3A_484 = tpu.memref_slice %arg12[%dma_start3A_480, %dma_start3A_481, %dma_start3A_482, %dma_start3A_483] : memref<8x2x16x128xf32, #tpu.memory_space<vmem>> -> memref<1x1x16x128xf32, #tpu.memory_space<vmem>>
    %dma_start3A_485 = tpu.memref_squeeze %dma_start3A_484 : memref<1x1x16x128xf32, #tpu.memory_space<vmem>> -> memref<16x128xf32, #tpu.memory_space<vmem>>
    %dma_start3A_486 = arith.constant 0 : i32
    %dma_start3A_487 = tpu.memref_slice %arg4[%dma_start3A_486, %multiple_of3A_472] : memref<16x1000000xf32, #tpu.memory_space<hbm>> -> memref<16x128xf32, #tpu.memory_space<hbm>>
    %dma_start3A_488 = arith.constant 0 : i32
    %dma_start3A_489 = arith.constant 0 : i32
    %dma_start3A_490 = tpu.memref_slice %arg12[%dma_start3A_480, %dma_start3A_481, %dma_start3A_488, %dma_start3A_489] : memref<8x2x16x128xf32, #tpu.memory_space<vmem>> -> memref<1x1x16x128xf32, #tpu.memory_space<vmem>>
    %dma_start3A_491 = tpu.memref_squeeze %dma_start3A_490 : memref<1x1x16x128xf32, #tpu.memory_space<vmem>> -> memref<16x128xf32, #tpu.memory_space<vmem>>
    %dma_start3A_492 = arith.constant 0 : i32
    %dma_start3A_493 = tpu.memref_slice %arg4[%dma_start3A_492, %multiple_of3A_472] : memref<16x1000000xf32, #tpu.memory_space<hbm>> -> memref<16x128xf32, #tpu.memory_space<hbm>>
    tpu.enqueue_dma source(%dma_start3A_493 : memref<16x128xf32, #tpu.memory_space<hbm>>) target(%dma_start3A_491 : memref<16x128xf32, #tpu.memory_space<vmem>>) target_semaphore(%arg24 : memref<!tpu.dma_semaphore, #tpu.memory_space<semaphore_mem>>)
    %dma_start3A_494 = arith.constant 5 : i32
    %dma_start3A_495 = arith.constant 1 : i32
    %dma_start3A_496 = arith.constant 0 : i32
    %dma_start3A_497 = arith.constant 0 : i32
    %dma_start3A_498 = tpu.memref_slice %arg13[%dma_start3A_494, %dma_start3A_495, %dma_start3A_496, %dma_start3A_497] : memref<8x2x16x128xf32, #tpu.memory_space<vmem>> -> memref<1x1x16x128xf32, #tpu.memory_space<vmem>>
    %dma_start3A_499 = tpu.memref_squeeze %dma_start3A_498 : memref<1x1x16x128xf32, #tpu.memory_space<vmem>> -> memref<16x128xf32, #tpu.memory_space<vmem>>
    %dma_start3A_500 = arith.constant 0 : i32
    %dma_start3A_501 = tpu.memref_slice %arg6[%dma_start3A_500, %multiple_of3A_479] : memref<16x1000000xf32, #tpu.memory_space<hbm>> -> memref<16x128xf32, #tpu.memory_space<hbm>>
    %dma_start3A_502 = arith.constant 0 : i32
    %dma_start3A_503 = arith.constant 0 : i32
    %dma_start3A_504 = tpu.memref_slice %arg13[%dma_start3A_494, %dma_start3A_495, %dma_start3A_502, %dma_start3A_503] : memref<8x2x16x128xf32, #tpu.memory_space<vmem>> -> memref<1x1x16x128xf32, #tpu.memory_space<vmem>>
    %dma_start3A_505 = tpu.memref_squeeze %dma_start3A_504 : memref<1x1x16x128xf32, #tpu.memory_space<vmem>> -> memref<16x128xf32, #tpu.memory_space<vmem>>
    %dma_start3A_506 = arith.constant 0 : i32
    %dma_start3A_507 = tpu.memref_slice %arg6[%dma_start3A_506, %multiple_of3A_479] : memref<16x1000000xf32, #tpu.memory_space<hbm>> -> memref<16x128xf32, #tpu.memory_space<hbm>>
    tpu.enqueue_dma source(%dma_start3A_507 : memref<16x128xf32, #tpu.memory_space<hbm>>) target(%dma_start3A_505 : memref<16x128xf32, #tpu.memory_space<vmem>>) target_semaphore(%arg24 : memref<!tpu.dma_semaphore, #tpu.memory_space<semaphore_mem>>)
    %slice3A_508 = vector.extract_strided_slice %get3A_6 {offsets = [12], sizes = [1], strides = [1]} : vector<16xi32> to vector<1xi32>
    %squeeze3A_509 = vector.extract %slice3A_508[0] : i32 from vector<1xi32>
    %shift_right_arithmetic3A_510 = arith.constant 7 : i32
    %shift_right_arithmetic3A_511 = arith.shrsi %squeeze3A_509, %shift_right_arithmetic3A_510 : i32
    %shift_left3A_512 = arith.constant 7 : i32
    %shift_left3A_513 = arith.shli %shift_right_arithmetic3A_511, %shift_left3A_512 : i32
    %multiple_of3A_514 = tpu.assume_multiple %shift_left3A_513, 128 : i32
    %slice3A_515 = vector.extract_strided_slice %get3A_8 {offsets = [12], sizes = [1], strides = [1]} : vector<16xi32> to vector<1xi32>
    %squeeze3A_516 = vector.extract %slice3A_515[0] : i32 from vector<1xi32>
    %shift_right_arithmetic3A_517 = arith.constant 7 : i32
    %shift_right_arithmetic3A_518 = arith.shrsi %squeeze3A_516, %shift_right_arithmetic3A_517 : i32
    %shift_left3A_519 = arith.constant 7 : i32
    %shift_left3A_520 = arith.shli %shift_right_arithmetic3A_518, %shift_left3A_519 : i32
    %multiple_of3A_521 = tpu.assume_multiple %shift_left3A_520, 128 : i32
    %dma_start3A_522 = arith.constant 6 : i32
    %dma_start3A_523 = arith.constant 0 : i32
    %dma_start3A_524 = arith.constant 0 : i32
    %dma_start3A_525 = arith.constant 0 : i32
    %dma_start3A_526 = tpu.memref_slice %arg12[%dma_start3A_522, %dma_start3A_523, %dma_start3A_524, %dma_start3A_525] : memref<8x2x16x128xf32, #tpu.memory_space<vmem>> -> memref<1x1x16x128xf32, #tpu.memory_space<vmem>>
    %dma_start3A_527 = tpu.memref_squeeze %dma_start3A_526 : memref<1x1x16x128xf32, #tpu.memory_space<vmem>> -> memref<16x128xf32, #tpu.memory_space<vmem>>
    %dma_start3A_528 = arith.constant 0 : i32
    %dma_start3A_529 = tpu.memref_slice %arg4[%dma_start3A_528, %multiple_of3A_514] : memref<16x1000000xf32, #tpu.memory_space<hbm>> -> memref<16x128xf32, #tpu.memory_space<hbm>>
    %dma_start3A_530 = arith.constant 0 : i32
    %dma_start3A_531 = arith.constant 0 : i32
    %dma_start3A_532 = tpu.memref_slice %arg12[%dma_start3A_522, %dma_start3A_523, %dma_start3A_530, %dma_start3A_531] : memref<8x2x16x128xf32, #tpu.memory_space<vmem>> -> memref<1x1x16x128xf32, #tpu.memory_space<vmem>>
    %dma_start3A_533 = tpu.memref_squeeze %dma_start3A_532 : memref<1x1x16x128xf32, #tpu.memory_space<vmem>> -> memref<16x128xf32, #tpu.memory_space<vmem>>
    %dma_start3A_534 = arith.constant 0 : i32
    %dma_start3A_535 = tpu.memref_slice %arg4[%dma_start3A_534, %multiple_of3A_514] : memref<16x1000000xf32, #tpu.memory_space<hbm>> -> memref<16x128xf32, #tpu.memory_space<hbm>>
    tpu.enqueue_dma source(%dma_start3A_535 : memref<16x128xf32, #tpu.memory_space<hbm>>) target(%dma_start3A_533 : memref<16x128xf32, #tpu.memory_space<vmem>>) target_semaphore(%arg25 : memref<!tpu.dma_semaphore, #tpu.memory_space<semaphore_mem>>)
    %dma_start3A_536 = arith.constant 6 : i32
    %dma_start3A_537 = arith.constant 0 : i32
    %dma_start3A_538 = arith.constant 0 : i32
    %dma_start3A_539 = arith.constant 0 : i32
    %dma_start3A_540 = tpu.memref_slice %arg13[%dma_start3A_536, %dma_start3A_537, %dma_start3A_538, %dma_start3A_539] : memref<8x2x16x128xf32, #tpu.memory_space<vmem>> -> memref<1x1x16x128xf32, #tpu.memory_space<vmem>>
    %dma_start3A_541 = tpu.memref_squeeze %dma_start3A_540 : memref<1x1x16x128xf32, #tpu.memory_space<vmem>> -> memref<16x128xf32, #tpu.memory_space<vmem>>
    %dma_start3A_542 = arith.constant 0 : i32
    %dma_start3A_543 = tpu.memref_slice %arg6[%dma_start3A_542, %multiple_of3A_521] : memref<16x1000000xf32, #tpu.memory_space<hbm>> -> memref<16x128xf32, #tpu.memory_space<hbm>>
    %dma_start3A_544 = arith.constant 0 : i32
    %dma_start3A_545 = arith.constant 0 : i32
    %dma_start3A_546 = tpu.memref_slice %arg13[%dma_start3A_536, %dma_start3A_537, %dma_start3A_544, %dma_start3A_545] : memref<8x2x16x128xf32, #tpu.memory_space<vmem>> -> memref<1x1x16x128xf32, #tpu.memory_space<vmem>>
    %dma_start3A_547 = tpu.memref_squeeze %dma_start3A_546 : memref<1x1x16x128xf32, #tpu.memory_space<vmem>> -> memref<16x128xf32, #tpu.memory_space<vmem>>
    %dma_start3A_548 = arith.constant 0 : i32
    %dma_start3A_549 = tpu.memref_slice %arg6[%dma_start3A_548, %multiple_of3A_521] : memref<16x1000000xf32, #tpu.memory_space<hbm>> -> memref<16x128xf32, #tpu.memory_space<hbm>>
    tpu.enqueue_dma source(%dma_start3A_549 : memref<16x128xf32, #tpu.memory_space<hbm>>) target(%dma_start3A_547 : memref<16x128xf32, #tpu.memory_space<vmem>>) target_semaphore(%arg25 : memref<!tpu.dma_semaphore, #tpu.memory_space<semaphore_mem>>)
    %slice3A_550 = vector.extract_strided_slice %get3A_6 {offsets = [13], sizes = [1], strides = [1]} : vector<16xi32> to vector<1xi32>
    %squeeze3A_551 = vector.extract %slice3A_550[0] : i32 from vector<1xi32>
    %shift_right_arithmetic3A_552 = arith.constant 7 : i32
    %shift_right_arithmetic3A_553 = arith.shrsi %squeeze3A_551, %shift_right_arithmetic3A_552 : i32
    %shift_left3A_554 = arith.constant 7 : i32
    %shift_left3A_555 = arith.shli %shift_right_arithmetic3A_553, %shift_left3A_554 : i32
    %multiple_of3A_556 = tpu.assume_multiple %shift_left3A_555, 128 : i32
    %slice3A_557 = vector.extract_strided_slice %get3A_8 {offsets = [13], sizes = [1], strides = [1]} : vector<16xi32> to vector<1xi32>
    %squeeze3A_558 = vector.extract %slice3A_557[0] : i32 from vector<1xi32>
    %shift_right_arithmetic3A_559 = arith.constant 7 : i32
    %shift_right_arithmetic3A_560 = arith.shrsi %squeeze3A_558, %shift_right_arithmetic3A_559 : i32
    %shift_left3A_561 = arith.constant 7 : i32
    %shift_left3A_562 = arith.shli %shift_right_arithmetic3A_560, %shift_left3A_561 : i32
    %multiple_of3A_563 = tpu.assume_multiple %shift_left3A_562, 128 : i32
    %dma_start3A_564 = arith.constant 6 : i32
    %dma_start3A_565 = arith.constant 1 : i32
    %dma_start3A_566 = arith.constant 0 : i32
    %dma_start3A_567 = arith.constant 0 : i32
    %dma_start3A_568 = tpu.memref_slice %arg12[%dma_start3A_564, %dma_start3A_565, %dma_start3A_566, %dma_start3A_567] : memref<8x2x16x128xf32, #tpu.memory_space<vmem>> -> memref<1x1x16x128xf32, #tpu.memory_space<vmem>>
    %dma_start3A_569 = tpu.memref_squeeze %dma_start3A_568 : memref<1x1x16x128xf32, #tpu.memory_space<vmem>> -> memref<16x128xf32, #tpu.memory_space<vmem>>
    %dma_start3A_570 = arith.constant 0 : i32
    %dma_start3A_571 = tpu.memref_slice %arg4[%dma_start3A_570, %multiple_of3A_556] : memref<16x1000000xf32, #tpu.memory_space<hbm>> -> memref<16x128xf32, #tpu.memory_space<hbm>>
    %dma_start3A_572 = arith.constant 0 : i32
    %dma_start3A_573 = arith.constant 0 : i32
    %dma_start3A_574 = tpu.memref_slice %arg12[%dma_start3A_564, %dma_start3A_565, %dma_start3A_572, %dma_start3A_573] : memref<8x2x16x128xf32, #tpu.memory_space<vmem>> -> memref<1x1x16x128xf32, #tpu.memory_space<vmem>>
    %dma_start3A_575 = tpu.memref_squeeze %dma_start3A_574 : memref<1x1x16x128xf32, #tpu.memory_space<vmem>> -> memref<16x128xf32, #tpu.memory_space<vmem>>
    %dma_start3A_576 = arith.constant 0 : i32
    %dma_start3A_577 = tpu.memref_slice %arg4[%dma_start3A_576, %multiple_of3A_556] : memref<16x1000000xf32, #tpu.memory_space<hbm>> -> memref<16x128xf32, #tpu.memory_space<hbm>>
    tpu.enqueue_dma source(%dma_start3A_577 : memref<16x128xf32, #tpu.memory_space<hbm>>) target(%dma_start3A_575 : memref<16x128xf32, #tpu.memory_space<vmem>>) target_semaphore(%arg25 : memref<!tpu.dma_semaphore, #tpu.memory_space<semaphore_mem>>)
    %dma_start3A_578 = arith.constant 6 : i32
    %dma_start3A_579 = arith.constant 1 : i32
    %dma_start3A_580 = arith.constant 0 : i32
    %dma_start3A_581 = arith.constant 0 : i32
    %dma_start3A_582 = tpu.memref_slice %arg13[%dma_start3A_578, %dma_start3A_579, %dma_start3A_580, %dma_start3A_581] : memref<8x2x16x128xf32, #tpu.memory_space<vmem>> -> memref<1x1x16x128xf32, #tpu.memory_space<vmem>>
    %dma_start3A_583 = tpu.memref_squeeze %dma_start3A_582 : memref<1x1x16x128xf32, #tpu.memory_space<vmem>> -> memref<16x128xf32, #tpu.memory_space<vmem>>
    %dma_start3A_584 = arith.constant 0 : i32
    %dma_start3A_585 = tpu.memref_slice %arg6[%dma_start3A_584, %multiple_of3A_563] : memref<16x1000000xf32, #tpu.memory_space<hbm>> -> memref<16x128xf32, #tpu.memory_space<hbm>>
    %dma_start3A_586 = arith.constant 0 : i32
    %dma_start3A_587 = arith.constant 0 : i32
    %dma_start3A_588 = tpu.memref_slice %arg13[%dma_start3A_578, %dma_start3A_579, %dma_start3A_586, %dma_start3A_587] : memref<8x2x16x128xf32, #tpu.memory_space<vmem>> -> memref<1x1x16x128xf32, #tpu.memory_space<vmem>>
    %dma_start3A_589 = tpu.memref_squeeze %dma_start3A_588 : memref<1x1x16x128xf32, #tpu.memory_space<vmem>> -> memref<16x128xf32, #tpu.memory_space<vmem>>
    %dma_start3A_590 = arith.constant 0 : i32
    %dma_start3A_591 = tpu.memref_slice %arg6[%dma_start3A_590, %multiple_of3A_563] : memref<16x1000000xf32, #tpu.memory_space<hbm>> -> memref<16x128xf32, #tpu.memory_space<hbm>>
    tpu.enqueue_dma source(%dma_start3A_591 : memref<16x128xf32, #tpu.memory_space<hbm>>) target(%dma_start3A_589 : memref<16x128xf32, #tpu.memory_space<vmem>>) target_semaphore(%arg25 : memref<!tpu.dma_semaphore, #tpu.memory_space<semaphore_mem>>)
    %slice3A_592 = vector.extract_strided_slice %get3A_6 {offsets = [14], sizes = [1], strides = [1]} : vector<16xi32> to vector<1xi32>
    %squeeze3A_593 = vector.extract %slice3A_592[0] : i32 from vector<1xi32>
    %shift_right_arithmetic3A_594 = arith.constant 7 : i32
    %shift_right_arithmetic3A_595 = arith.shrsi %squeeze3A_593, %shift_right_arithmetic3A_594 : i32
    %shift_left3A_596 = arith.constant 7 : i32
    %shift_left3A_597 = arith.shli %shift_right_arithmetic3A_595, %shift_left3A_596 : i32
    %multiple_of3A_598 = tpu.assume_multiple %shift_left3A_597, 128 : i32
    %slice3A_599 = vector.extract_strided_slice %get3A_8 {offsets = [14], sizes = [1], strides = [1]} : vector<16xi32> to vector<1xi32>
    %squeeze3A_600 = vector.extract %slice3A_599[0] : i32 from vector<1xi32>
    %shift_right_arithmetic3A_601 = arith.constant 7 : i32
    %shift_right_arithmetic3A_602 = arith.shrsi %squeeze3A_600, %shift_right_arithmetic3A_601 : i32
    %shift_left3A_603 = arith.constant 7 : i32
    %shift_left3A_604 = arith.shli %shift_right_arithmetic3A_602, %shift_left3A_603 : i32
    %multiple_of3A_605 = tpu.assume_multiple %shift_left3A_604, 128 : i32
    %dma_start3A_606 = arith.constant 7 : i32
    %dma_start3A_607 = arith.constant 0 : i32
    %dma_start3A_608 = arith.constant 0 : i32
    %dma_start3A_609 = arith.constant 0 : i32
    %dma_start3A_610 = tpu.memref_slice %arg12[%dma_start3A_606, %dma_start3A_607, %dma_start3A_608, %dma_start3A_609] : memref<8x2x16x128xf32, #tpu.memory_space<vmem>> -> memref<1x1x16x128xf32, #tpu.memory_space<vmem>>
    %dma_start3A_611 = tpu.memref_squeeze %dma_start3A_610 : memref<1x1x16x128xf32, #tpu.memory_space<vmem>> -> memref<16x128xf32, #tpu.memory_space<vmem>>
    %dma_start3A_612 = arith.constant 0 : i32
    %dma_start3A_613 = tpu.memref_slice %arg4[%dma_start3A_612, %multiple_of3A_598] : memref<16x1000000xf32, #tpu.memory_space<hbm>> -> memref<16x128xf32, #tpu.memory_space<hbm>>
    %dma_start3A_614 = arith.constant 0 : i32
    %dma_start3A_615 = arith.constant 0 : i32
    %dma_start3A_616 = tpu.memref_slice %arg12[%dma_start3A_606, %dma_start3A_607, %dma_start3A_614, %dma_start3A_615] : memref<8x2x16x128xf32, #tpu.memory_space<vmem>> -> memref<1x1x16x128xf32, #tpu.memory_space<vmem>>
    %dma_start3A_617 = tpu.memref_squeeze %dma_start3A_616 : memref<1x1x16x128xf32, #tpu.memory_space<vmem>> -> memref<16x128xf32, #tpu.memory_space<vmem>>
    %dma_start3A_618 = arith.constant 0 : i32
    %dma_start3A_619 = tpu.memref_slice %arg4[%dma_start3A_618, %multiple_of3A_598] : memref<16x1000000xf32, #tpu.memory_space<hbm>> -> memref<16x128xf32, #tpu.memory_space<hbm>>
    tpu.enqueue_dma source(%dma_start3A_619 : memref<16x128xf32, #tpu.memory_space<hbm>>) target(%dma_start3A_617 : memref<16x128xf32, #tpu.memory_space<vmem>>) target_semaphore(%arg26 : memref<!tpu.dma_semaphore, #tpu.memory_space<semaphore_mem>>)
    %dma_start3A_620 = arith.constant 7 : i32
    %dma_start3A_621 = arith.constant 0 : i32
    %dma_start3A_622 = arith.constant 0 : i32
    %dma_start3A_623 = arith.constant 0 : i32
    %dma_start3A_624 = tpu.memref_slice %arg13[%dma_start3A_620, %dma_start3A_621, %dma_start3A_622, %dma_start3A_623] : memref<8x2x16x128xf32, #tpu.memory_space<vmem>> -> memref<1x1x16x128xf32, #tpu.memory_space<vmem>>
    %dma_start3A_625 = tpu.memref_squeeze %dma_start3A_624 : memref<1x1x16x128xf32, #tpu.memory_space<vmem>> -> memref<16x128xf32, #tpu.memory_space<vmem>>
    %dma_start3A_626 = arith.constant 0 : i32
    %dma_start3A_627 = tpu.memref_slice %arg6[%dma_start3A_626, %multiple_of3A_605] : memref<16x1000000xf32, #tpu.memory_space<hbm>> -> memref<16x128xf32, #tpu.memory_space<hbm>>
    %dma_start3A_628 = arith.constant 0 : i32
    %dma_start3A_629 = arith.constant 0 : i32
    %dma_start3A_630 = tpu.memref_slice %arg13[%dma_start3A_620, %dma_start3A_621, %dma_start3A_628, %dma_start3A_629] : memref<8x2x16x128xf32, #tpu.memory_space<vmem>> -> memref<1x1x16x128xf32, #tpu.memory_space<vmem>>
    %dma_start3A_631 = tpu.memref_squeeze %dma_start3A_630 : memref<1x1x16x128xf32, #tpu.memory_space<vmem>> -> memref<16x128xf32, #tpu.memory_space<vmem>>
    %dma_start3A_632 = arith.constant 0 : i32
    %dma_start3A_633 = tpu.memref_slice %arg6[%dma_start3A_632, %multiple_of3A_605] : memref<16x1000000xf32, #tpu.memory_space<hbm>> -> memref<16x128xf32, #tpu.memory_space<hbm>>
    tpu.enqueue_dma source(%dma_start3A_633 : memref<16x128xf32, #tpu.memory_space<hbm>>) target(%dma_start3A_631 : memref<16x128xf32, #tpu.memory_space<vmem>>) target_semaphore(%arg26 : memref<!tpu.dma_semaphore, #tpu.memory_space<semaphore_mem>>)
    %slice3A_634 = vector.extract_strided_slice %get3A_6 {offsets = [15], sizes = [1], strides = [1]} : vector<16xi32> to vector<1xi32>
    %squeeze3A_635 = vector.extract %slice3A_634[0] : i32 from vector<1xi32>
    %shift_right_arithmetic3A_636 = arith.constant 7 : i32
    %shift_right_arithmetic3A_637 = arith.shrsi %squeeze3A_635, %shift_right_arithmetic3A_636 : i32
    %shift_left3A_638 = arith.constant 7 : i32
    %shift_left3A_639 = arith.shli %shift_right_arithmetic3A_637, %shift_left3A_638 : i32
    %multiple_of3A_640 = tpu.assume_multiple %shift_left3A_639, 128 : i32
    %slice3A_641 = vector.extract_strided_slice %get3A_8 {offsets = [15], sizes = [1], strides = [1]} : vector<16xi32> to vector<1xi32>
    %squeeze3A_642 = vector.extract %slice3A_641[0] : i32 from vector<1xi32>
    %shift_right_arithmetic3A_643 = arith.constant 7 : i32
    %shift_right_arithmetic3A_644 = arith.shrsi %squeeze3A_642, %shift_right_arithmetic3A_643 : i32
    %shift_left3A_645 = arith.constant 7 : i32
    %shift_left3A_646 = arith.shli %shift_right_arithmetic3A_644, %shift_left3A_645 : i32
    %multiple_of3A_647 = tpu.assume_multiple %shift_left3A_646, 128 : i32
    %dma_start3A_648 = arith.constant 7 : i32
    %dma_start3A_649 = arith.constant 1 : i32
    %dma_start3A_650 = arith.constant 0 : i32
    %dma_start3A_651 = arith.constant 0 : i32
    %dma_start3A_652 = tpu.memref_slice %arg12[%dma_start3A_648, %dma_start3A_649, %dma_start3A_650, %dma_start3A_651] : memref<8x2x16x128xf32, #tpu.memory_space<vmem>> -> memref<1x1x16x128xf32, #tpu.memory_space<vmem>>
    %dma_start3A_653 = tpu.memref_squeeze %dma_start3A_652 : memref<1x1x16x128xf32, #tpu.memory_space<vmem>> -> memref<16x128xf32, #tpu.memory_space<vmem>>
    %dma_start3A_654 = arith.constant 0 : i32
    %dma_start3A_655 = tpu.memref_slice %arg4[%dma_start3A_654, %multiple_of3A_640] : memref<16x1000000xf32, #tpu.memory_space<hbm>> -> memref<16x128xf32, #tpu.memory_space<hbm>>
    %dma_start3A_656 = arith.constant 0 : i32
    %dma_start3A_657 = arith.constant 0 : i32
    %dma_start3A_658 = tpu.memref_slice %arg12[%dma_start3A_648, %dma_start3A_649, %dma_start3A_656, %dma_start3A_657] : memref<8x2x16x128xf32, #tpu.memory_space<vmem>> -> memref<1x1x16x128xf32, #tpu.memory_space<vmem>>
    %dma_start3A_659 = tpu.memref_squeeze %dma_start3A_658 : memref<1x1x16x128xf32, #tpu.memory_space<vmem>> -> memref<16x128xf32, #tpu.memory_space<vmem>>
    %dma_start3A_660 = arith.constant 0 : i32
    %dma_start3A_661 = tpu.memref_slice %arg4[%dma_start3A_660, %multiple_of3A_640] : memref<16x1000000xf32, #tpu.memory_space<hbm>> -> memref<16x128xf32, #tpu.memory_space<hbm>>
    tpu.enqueue_dma source(%dma_start3A_661 : memref<16x128xf32, #tpu.memory_space<hbm>>) target(%dma_start3A_659 : memref<16x128xf32, #tpu.memory_space<vmem>>) target_semaphore(%arg26 : memref<!tpu.dma_semaphore, #tpu.memory_space<semaphore_mem>>)
    %dma_start3A_662 = arith.constant 7 : i32
    %dma_start3A_663 = arith.constant 1 : i32
    %dma_start3A_664 = arith.constant 0 : i32
    %dma_start3A_665 = arith.constant 0 : i32
    %dma_start3A_666 = tpu.memref_slice %arg13[%dma_start3A_662, %dma_start3A_663, %dma_start3A_664, %dma_start3A_665] : memref<8x2x16x128xf32, #tpu.memory_space<vmem>> -> memref<1x1x16x128xf32, #tpu.memory_space<vmem>>
    %dma_start3A_667 = tpu.memref_squeeze %dma_start3A_666 : memref<1x1x16x128xf32, #tpu.memory_space<vmem>> -> memref<16x128xf32, #tpu.memory_space<vmem>>
    %dma_start3A_668 = arith.constant 0 : i32
    %dma_start3A_669 = tpu.memref_slice %arg6[%dma_start3A_668, %multiple_of3A_647] : memref<16x1000000xf32, #tpu.memory_space<hbm>> -> memref<16x128xf32, #tpu.memory_space<hbm>>
    %dma_start3A_670 = arith.constant 0 : i32
    %dma_start3A_671 = arith.constant 0 : i32
    %dma_start3A_672 = tpu.memref_slice %arg13[%dma_start3A_662, %dma_start3A_663, %dma_start3A_670, %dma_start3A_671] : memref<8x2x16x128xf32, #tpu.memory_space<vmem>> -> memref<1x1x16x128xf32, #tpu.memory_space<vmem>>
    %dma_start3A_673 = tpu.memref_squeeze %dma_start3A_672 : memref<1x1x16x128xf32, #tpu.memory_space<vmem>> -> memref<16x128xf32, #tpu.memory_space<vmem>>
    %dma_start3A_674 = arith.constant 0 : i32
    %dma_start3A_675 = tpu.memref_slice %arg6[%dma_start3A_674, %multiple_of3A_647] : memref<16x1000000xf32, #tpu.memory_space<hbm>> -> memref<16x128xf32, #tpu.memory_space<hbm>>
    tpu.enqueue_dma source(%dma_start3A_675 : memref<16x128xf32, #tpu.memory_space<hbm>>) target(%dma_start3A_673 : memref<16x128xf32, #tpu.memory_space<vmem>>) target_semaphore(%arg26 : memref<!tpu.dma_semaphore, #tpu.memory_space<semaphore_mem>>)
    %dma_wait3A = arith.constant 0 : i32
    %dma_wait3A_676 = tpu.memref_slice %arg5[%dma_wait3A] : memref<1000000xf32, #tpu.memory_space<hbm>> -> memref<1000000xf32, #tpu.memory_space<hbm>>
    tpu.wait_indirect_dma semaphore(%arg18 : memref<!tpu.dma_semaphore, #tpu.memory_space<semaphore_mem>>) src(%dma_wait3A_676 : memref<1000000xf32, #tpu.memory_space<hbm>>) dst(%arg14 : memref<512xf32, #tpu.memory_space<vmem>>)
    %dma_wait3A_677 = arith.constant 0 : i32
    %dma_wait3A_678 = tpu.memref_slice %arg7[%dma_wait3A_677] : memref<1000000xf32, #tpu.memory_space<hbm>> -> memref<1000000xf32, #tpu.memory_space<hbm>>
    tpu.wait_indirect_dma semaphore(%arg18 : memref<!tpu.dma_semaphore, #tpu.memory_space<semaphore_mem>>) src(%dma_wait3A_678 : memref<1000000xf32, #tpu.memory_space<hbm>>) dst(%arg15 : memref<512xf32, #tpu.memory_space<vmem>>)
    %get3A_679 = arith.constant 0 : index
    %get3A_680 = tpu.vector_load %arg16[%get3A_679] {strides = array<i32>} : memref<16xf32, #tpu.memory_space<vmem>>, vector<16xf32>,
    %iota3A = tpu.iota {dimensions = array<i32: 0>} : vector<16xi32>
    %broadcast_in_dim3A = arith.constant 0 : i32
    %broadcast_in_dim3A_681 = vector.broadcast %broadcast_in_dim3A : i32 to vector<16xi32>
    %scan3A = arith.constant 0 : i32
    %scan3A_682 = arith.constant 0 : i32
    %scan3A_683 = arith.constant 32 : i32
    %scan3A_684 = arith.addi %scan3A_682, %scan3A_683 : i32
    %scan3A_685 = arith.constant 1 : i32
    scf.for %scan3A_687 = %scan3A_682 to %scan3A_684 step %scan3A_685  : i32 {
      %mul3A_688 = arith.constant 16 : i32
      %mul3A_689 = arith.muli %scan3A_687, %mul3A_688 : i32
      %get3A_690 = arith.index_cast %mul3A_689 : i32 to index
      %get3A_691 = tpu.vector_load %arg10[%get3A_690] {strides = array<i32>} : memref<512xi32, #tpu.memory_space<vmem>>, vector<16xi32>,
      %get3A_692 = arith.index_cast %mul3A_689 : i32 to index
      %get3A_693 = tpu.vector_load %arg11[%get3A_692] {strides = array<i32>} : memref<512xi32, #tpu.memory_space<vmem>>, vector<16xi32>,
      %get3A_694 = arith.index_cast %mul3A_689 : i32 to index
      %get3A_695 = tpu.vector_load %arg14[%get3A_694] {strides = array<i32>} : memref<512xf32, #tpu.memory_space<vmem>>, vector<16xf32>,
      %get3A_696 = arith.index_cast %mul3A_689 : i32 to index
      %get3A_697 = tpu.vector_load %arg15[%get3A_696] {strides = array<i32>} : memref<512xf32, #tpu.memory_space<vmem>>, vector<16xf32>,
      %add3A_698 = arith.addf %get3A_695, %get3A_697 : vector<16xf32>
      %add3A_699 = arith.addf %add3A_698, %get3A_680 : vector<16xf32>
      %dma_wait3A_700 = arith.constant 0 : i32
      %dma_wait3A_701 = arith.constant 0 : i32
      %dma_wait3A_702 = arith.constant 0 : i32
      %dma_wait3A_703 = arith.constant 0 : i32
      %dma_wait3A_704 = tpu.memref_slice %arg12[%dma_wait3A_700, %dma_wait3A_701, %dma_wait3A_702, %dma_wait3A_703] : memref<8x2x16x128xf32, #tpu.memory_space<vmem>> -> memref<1x1x16x128xf32, #tpu.memory_space<vmem>>
      %dma_wait3A_705 = tpu.memref_squeeze %dma_wait3A_704 : memref<1x1x16x128xf32, #tpu.memory_space<vmem>> -> memref<16x128xf32, #tpu.memory_space<vmem>>
      %dma_wait3A_706 = arith.constant 0 : i32
      %dma_wait3A_707 = arith.constant 0 : i32
      %dma_wait3A_708 = tpu.memref_slice %arg4[%dma_wait3A_706, %dma_wait3A_707] : memref<16x1000000xf32, #tpu.memory_space<hbm>> -> memref<16x128xf32, #tpu.memory_space<hbm>>
      %dma_wait3A_709 = arith.constant 0 : i32
      %dma_wait3A_710 = arith.constant 0 : i32
      %dma_wait3A_711 = tpu.memref_slice %arg12[%dma_wait3A_700, %dma_wait3A_701, %dma_wait3A_709, %dma_wait3A_710] : memref<8x2x16x128xf32, #tpu.memory_space<vmem>> -> memref<1x1x16x128xf32, #tpu.memory_space<vmem>>
      %dma_wait3A_712 = tpu.memref_squeeze %dma_wait3A_711 : memref<1x1x16x128xf32, #tpu.memory_space<vmem>> -> memref<16x128xf32, #tpu.memory_space<vmem>>
      %dma_wait3A_713 = arith.constant 0 : i32
      %dma_wait3A_714 = arith.constant 0 : i32
      %dma_wait3A_715 = tpu.memref_slice %arg4[%dma_wait3A_713, %dma_wait3A_714] : memref<16x1000000xf32, #tpu.memory_space<hbm>> -> memref<16x128xf32, #tpu.memory_space<hbm>>
      tpu.wait_dma2 semaphore(%arg19 : memref<!tpu.dma_semaphore, #tpu.memory_space<semaphore_mem>>) src(%dma_wait3A_715 : memref<16x128xf32, #tpu.memory_space<hbm>>) dst(%dma_wait3A_712 : memref<16x128xf32, #tpu.memory_space<vmem>>)
      %dma_wait3A_716 = arith.constant 0 : i32
      %dma_wait3A_717 = arith.constant 0 : i32
      %dma_wait3A_718 = arith.constant 0 : i32
      %dma_wait3A_719 = arith.constant 0 : i32
      %dma_wait3A_720 = tpu.memref_slice %arg13[%dma_wait3A_716, %dma_wait3A_717, %dma_wait3A_718, %dma_wait3A_719] : memref<8x2x16x128xf32, #tpu.memory_space<vmem>> -> memref<1x1x16x128xf32, #tpu.memory_space<vmem>>
      %dma_wait3A_721 = tpu.memref_squeeze %dma_wait3A_720 : memref<1x1x16x128xf32, #tpu.memory_space<vmem>> -> memref<16x128xf32, #tpu.memory_space<vmem>>
      %dma_wait3A_722 = arith.constant 0 : i32
      %dma_wait3A_723 = arith.constant 0 : i32
      %dma_wait3A_724 = tpu.memref_slice %arg6[%dma_wait3A_722, %dma_wait3A_723] : memref<16x1000000xf32, #tpu.memory_space<hbm>> -> memref<16x128xf32, #tpu.memory_space<hbm>>
      %dma_wait3A_725 = arith.constant 0 : i32
      %dma_wait3A_726 = arith.constant 0 : i32
      %dma_wait3A_727 = tpu.memref_slice %arg13[%dma_wait3A_716, %dma_wait3A_717, %dma_wait3A_725, %dma_wait3A_726] : memref<8x2x16x128xf32, #tpu.memory_space<vmem>> -> memref<1x1x16x128xf32, #tpu.memory_space<vmem>>
      %dma_wait3A_728 = tpu.memref_squeeze %dma_wait3A_727 : memref<1x1x16x128xf32, #tpu.memory_space<vmem>> -> memref<16x128xf32, #tpu.memory_space<vmem>>
      %dma_wait3A_729 = arith.constant 0 : i32
      %dma_wait3A_730 = arith.constant 0 : i32
      %dma_wait3A_731 = tpu.memref_slice %arg6[%dma_wait3A_729, %dma_wait3A_730] : memref<16x1000000xf32, #tpu.memory_space<hbm>> -> memref<16x128xf32, #tpu.memory_space<hbm>>
      tpu.wait_dma2 semaphore(%arg19 : memref<!tpu.dma_semaphore, #tpu.memory_space<semaphore_mem>>) src(%dma_wait3A_731 : memref<16x128xf32, #tpu.memory_space<hbm>>) dst(%dma_wait3A_728 : memref<16x128xf32, #tpu.memory_space<vmem>>)
      %dma_wait3A_732 = arith.constant 0 : i32
      %dma_wait3A_733 = arith.constant 1 : i32
      %dma_wait3A_734 = arith.constant 0 : i32
      %dma_wait3A_735 = arith.constant 0 : i32
      %dma_wait3A_736 = tpu.memref_slice %arg12[%dma_wait3A_732, %dma_wait3A_733, %dma_wait3A_734, %dma_wait3A_735] : memref<8x2x16x128xf32, #tpu.memory_space<vmem>> -> memref<1x1x16x128xf32, #tpu.memory_space<vmem>>
      %dma_wait3A_737 = tpu.memref_squeeze %dma_wait3A_736 : memref<1x1x16x128xf32, #tpu.memory_space<vmem>> -> memref<16x128xf32, #tpu.memory_space<vmem>>
      %dma_wait3A_738 = arith.constant 0 : i32
      %dma_wait3A_739 = arith.constant 0 : i32
      %dma_wait3A_740 = tpu.memref_slice %arg4[%dma_wait3A_738, %dma_wait3A_739] : memref<16x1000000xf32, #tpu.memory_space<hbm>> -> memref<16x128xf32, #tpu.memory_space<hbm>>
      %dma_wait3A_741 = arith.constant 0 : i32
      %dma_wait3A_742 = arith.constant 0 : i32
      %dma_wait3A_743 = tpu.memref_slice %arg12[%dma_wait3A_732, %dma_wait3A_733, %dma_wait3A_741, %dma_wait3A_742] : memref<8x2x16x128xf32, #tpu.memory_space<vmem>> -> memref<1x1x16x128xf32, #tpu.memory_space<vmem>>
      %dma_wait3A_744 = tpu.memref_squeeze %dma_wait3A_743 : memref<1x1x16x128xf32, #tpu.memory_space<vmem>> -> memref<16x128xf32, #tpu.memory_space<vmem>>
      %dma_wait3A_745 = arith.constant 0 : i32
      %dma_wait3A_746 = arith.constant 0 : i32
      %dma_wait3A_747 = tpu.memref_slice %arg4[%dma_wait3A_745, %dma_wait3A_746] : memref<16x1000000xf32, #tpu.memory_space<hbm>> -> memref<16x128xf32, #tpu.memory_space<hbm>>
      tpu.wait_dma2 semaphore(%arg19 : memref<!tpu.dma_semaphore, #tpu.memory_space<semaphore_mem>>) src(%dma_wait3A_747 : memref<16x128xf32, #tpu.memory_space<hbm>>) dst(%dma_wait3A_744 : memref<16x128xf32, #tpu.memory_space<vmem>>)
      %dma_wait3A_748 = arith.constant 0 : i32
      %dma_wait3A_749 = arith.constant 1 : i32
      %dma_wait3A_750 = arith.constant 0 : i32
      %dma_wait3A_751 = arith.constant 0 : i32
      %dma_wait3A_752 = tpu.memref_slice %arg13[%dma_wait3A_748, %dma_wait3A_749, %dma_wait3A_750, %dma_wait3A_751] : memref<8x2x16x128xf32, #tpu.memory_space<vmem>> -> memref<1x1x16x128xf32, #tpu.memory_space<vmem>>
      %dma_wait3A_753 = tpu.memref_squeeze %dma_wait3A_752 : memref<1x1x16x128xf32, #tpu.memory_space<vmem>> -> memref<16x128xf32, #tpu.memory_space<vmem>>
      %dma_wait3A_754 = arith.constant 0 : i32
      %dma_wait3A_755 = arith.constant 0 : i32
      %dma_wait3A_756 = tpu.memref_slice %arg6[%dma_wait3A_754, %dma_wait3A_755] : memref<16x1000000xf32, #tpu.memory_space<hbm>> -> memref<16x128xf32, #tpu.memory_space<hbm>>
      %dma_wait3A_757 = arith.constant 0 : i32
      %dma_wait3A_758 = arith.constant 0 : i32
      %dma_wait3A_759 = tpu.memref_slice %arg13[%dma_wait3A_748, %dma_wait3A_749, %dma_wait3A_757, %dma_wait3A_758] : memref<8x2x16x128xf32, #tpu.memory_space<vmem>> -> memref<1x1x16x128xf32, #tpu.memory_space<vmem>>
      %dma_wait3A_760 = tpu.memref_squeeze %dma_wait3A_759 : memref<1x1x16x128xf32, #tpu.memory_space<vmem>> -> memref<16x128xf32, #tpu.memory_space<vmem>>
      %dma_wait3A_761 = arith.constant 0 : i32
      %dma_wait3A_762 = arith.constant 0 : i32
      %dma_wait3A_763 = tpu.memref_slice %arg6[%dma_wait3A_761, %dma_wait3A_762] : memref<16x1000000xf32, #tpu.memory_space<hbm>> -> memref<16x128xf32, #tpu.memory_space<hbm>>
      tpu.wait_dma2 semaphore(%arg19 : memref<!tpu.dma_semaphore, #tpu.memory_space<semaphore_mem>>) src(%dma_wait3A_763 : memref<16x128xf32, #tpu.memory_space<hbm>>) dst(%dma_wait3A_760 : memref<16x128xf32, #tpu.memory_space<vmem>>)
      %slice3A_764 = vector.extract_strided_slice %get3A_691 {offsets = [0], sizes = [1], strides = [1]} : vector<16xi32> to vector<1xi32>
      %squeeze3A_765 = vector.extract %slice3A_764[0] : i32 from vector<1xi32>
      %and3A = arith.constant 127 : i32
      %and3A_766 = arith.andi %squeeze3A_765, %and3A : i32
      %add3A_767 = vector.broadcast %and3A_766 : i32 to vector<16xi32>
      %add3A_768 = arith.addi %add3A_767, %broadcast_in_dim3A_681 : vector<16xi32>
      %slice3A_769 = vector.extract_strided_slice %get3A_693 {offsets = [0], sizes = [1], strides = [1]} : vector<16xi32> to vector<1xi32>
      %squeeze3A_770 = vector.extract %slice3A_769[0] : i32 from vector<1xi32>
      %and3A_771 = arith.constant 127 : i32
      %and3A_772 = arith.andi %squeeze3A_770, %and3A_771 : i32
      %add3A_773 = vector.broadcast %and3A_772 : i32 to vector<16xi32>
      %add3A_774 = arith.addi %add3A_773, %broadcast_in_dim3A_681 : vector<16xi32>
      %gather3A = arith.constant 0 : i32
      %gather3A_775 = arith.constant 0 : i32
      %gather3A_776 = arith.constant 0 : i32
      %gather3A_777 = arith.constant 0 : i32
      %gather3A_778 = tpu.memref_slice %arg12[%gather3A, %gather3A_775, %gather3A_776, %gather3A_777] : memref<8x2x16x128xf32, #tpu.memory_space<vmem>> -> memref<1x1x16x128xf32, #tpu.memory_space<vmem>>
      %gather3A_779 = tpu.memref_squeeze %gather3A_778 : memref<1x1x16x128xf32, #tpu.memory_space<vmem>> -> memref<16x128xf32, #tpu.memory_space<vmem>>
      %gather3A_780 = tpu.vector_load_idx %gather3A_779[%iota3A, %add3A_768] : memref<16x128xf32, #tpu.memory_space<vmem>>[vector<16xi32>, vector<16xi32>], vector<16xf32>,
      %gather3A_781 = arith.constant 0 : i32
      %gather3A_782 = arith.constant 0 : i32
      %gather3A_783 = arith.constant 0 : i32
      %gather3A_784 = arith.constant 0 : i32
      %gather3A_785 = tpu.memref_slice %arg13[%gather3A_781, %gather3A_782, %gather3A_783, %gather3A_784] : memref<8x2x16x128xf32, #tpu.memory_space<vmem>> -> memref<1x1x16x128xf32, #tpu.memory_space<vmem>>
      %gather3A_786 = tpu.memref_squeeze %gather3A_785 : memref<1x1x16x128xf32, #tpu.memory_space<vmem>> -> memref<16x128xf32, #tpu.memory_space<vmem>>
      %gather3A_787 = tpu.vector_load_idx %gather3A_786[%iota3A, %add3A_774] : memref<16x128xf32, #tpu.memory_space<vmem>>[vector<16xi32>, vector<16xi32>], vector<16xf32>,
      %mul3A_788 = arith.mulf %gather3A_780, %gather3A_787 : vector<16xf32>
      %reduce_sum3A = arith.constant true
      %reduce_sum3A_789 = vector.broadcast %reduce_sum3A : i1 to vector<16xi1>
      %reduce_sum3A_790 = tpu.scan <sum>, %mul3A_788 masked %reduce_sum3A_789 : vector<16xf32>, vector<16xi1> -> vector<16xf32>
      %reduce_sum3A_791 = vector.extract %reduce_sum3A_790[15] : f32 from vector<16xf32>
      %eq3A = arith.constant 0 : i32
      %eq3A_792 = vector.broadcast %eq3A : i32 to vector<16xi32>
      %eq3A_793 = arith.cmpi eq, %iota3A, %eq3A_792 : vector<16xi32>
      %add3A_794 = vector.broadcast %reduce_sum3A_791 : f32 to vector<16xf32>
      %add3A_795 = arith.addf %add3A_699, %add3A_794 : vector<16xf32>
      %select_n3A = arith.select %eq3A_793, %add3A_795, %add3A_699 : vector<16xi1>, vector<16xf32>
      %slice3A_796 = vector.extract_strided_slice %get3A_691 {offsets = [1], sizes = [1], strides = [1]} : vector<16xi32> to vector<1xi32>
      %squeeze3A_797 = vector.extract %slice3A_796[0] : i32 from vector<1xi32>
      %and3A_798 = arith.constant 127 : i32
      %and3A_799 = arith.andi %squeeze3A_797, %and3A_798 : i32
      %add3A_800 = vector.broadcast %and3A_799 : i32 to vector<16xi32>
      %add3A_801 = arith.addi %add3A_800, %broadcast_in_dim3A_681 : vector<16xi32>
      %slice3A_802 = vector.extract_strided_slice %get3A_693 {offsets = [1], sizes = [1], strides = [1]} : vector<16xi32> to vector<1xi32>
      %squeeze3A_803 = vector.extract %slice3A_802[0] : i32 from vector<1xi32>
      %and3A_804 = arith.constant 127 : i32
      %and3A_805 = arith.andi %squeeze3A_803, %and3A_804 : i32
      %add3A_806 = vector.broadcast %and3A_805 : i32 to vector<16xi32>
      %add3A_807 = arith.addi %add3A_806, %broadcast_in_dim3A_681 : vector<16xi32>
      %gather3A_808 = arith.constant 0 : i32
      %gather3A_809 = arith.constant 1 : i32
      %gather3A_810 = arith.constant 0 : i32
      %gather3A_811 = arith.constant 0 : i32
      %gather3A_812 = tpu.memref_slice %arg12[%gather3A_808, %gather3A_809, %gather3A_810, %gather3A_811] : memref<8x2x16x128xf32, #tpu.memory_space<vmem>> -> memref<1x1x16x128xf32, #tpu.memory_space<vmem>>
      %gather3A_813 = tpu.memref_squeeze %gather3A_812 : memref<1x1x16x128xf32, #tpu.memory_space<vmem>> -> memref<16x128xf32, #tpu.memory_space<vmem>>
      %gather3A_814 = tpu.vector_load_idx %gather3A_813[%iota3A, %add3A_801] : memref<16x128xf32, #tpu.memory_space<vmem>>[vector<16xi32>, vector<16xi32>], vector<16xf32>,
      %gather3A_815 = arith.constant 0 : i32
      %gather3A_816 = arith.constant 1 : i32
      %gather3A_817 = arith.constant 0 : i32
      %gather3A_818 = arith.constant 0 : i32
      %gather3A_819 = tpu.memref_slice %arg13[%gather3A_815, %gather3A_816, %gather3A_817, %gather3A_818] : memref<8x2x16x128xf32, #tpu.memory_space<vmem>> -> memref<1x1x16x128xf32, #tpu.memory_space<vmem>>
      %gather3A_820 = tpu.memref_squeeze %gather3A_819 : memref<1x1x16x128xf32, #tpu.memory_space<vmem>> -> memref<16x128xf32, #tpu.memory_space<vmem>>
      %gather3A_821 = tpu.vector_load_idx %gather3A_820[%iota3A, %add3A_807] : memref<16x128xf32, #tpu.memory_space<vmem>>[vector<16xi32>, vector<16xi32>], vector<16xf32>,
      %mul3A_822 = arith.mulf %gather3A_814, %gather3A_821 : vector<16xf32>
      %reduce_sum3A_823 = arith.constant true
      %reduce_sum3A_824 = vector.broadcast %reduce_sum3A_823 : i1 to vector<16xi1>
      %reduce_sum3A_825 = tpu.scan <sum>, %mul3A_822 masked %reduce_sum3A_824 : vector<16xf32>, vector<16xi1> -> vector<16xf32>
      %reduce_sum3A_826 = vector.extract %reduce_sum3A_825[15] : f32 from vector<16xf32>
      %eq3A_827 = arith.constant 1 : i32
      %eq3A_828 = vector.broadcast %eq3A_827 : i32 to vector<16xi32>
      %eq3A_829 = arith.cmpi eq, %iota3A, %eq3A_828 : vector<16xi32>
      %add3A_830 = vector.broadcast %reduce_sum3A_826 : f32 to vector<16xf32>
      %add3A_831 = arith.addf %select_n3A, %add3A_830 : vector<16xf32>
      %select_n3A_832 = arith.select %eq3A_829, %add3A_831, %select_n3A : vector<16xi1>, vector<16xf32>
      %dma_wait3A_833 = arith.constant 1 : i32
      %dma_wait3A_834 = arith.constant 0 : i32
      %dma_wait3A_835 = arith.constant 0 : i32
      %dma_wait3A_836 = arith.constant 0 : i32
      %dma_wait3A_837 = tpu.memref_slice %arg12[%dma_wait3A_833, %dma_wait3A_834, %dma_wait3A_835, %dma_wait3A_836] : memref<8x2x16x128xf32, #tpu.memory_space<vmem>> -> memref<1x1x16x128xf32, #tpu.memory_space<vmem>>
      %dma_wait3A_838 = tpu.memref_squeeze %dma_wait3A_837 : memref<1x1x16x128xf32, #tpu.memory_space<vmem>> -> memref<16x128xf32, #tpu.memory_space<vmem>>
      %dma_wait3A_839 = arith.constant 0 : i32
      %dma_wait3A_840 = arith.constant 0 : i32
      %dma_wait3A_841 = tpu.memref_slice %arg4[%dma_wait3A_839, %dma_wait3A_840] : memref<16x1000000xf32, #tpu.memory_space<hbm>> -> memref<16x128xf32, #tpu.memory_space<hbm>>
      %dma_wait3A_842 = arith.constant 0 : i32
      %dma_wait3A_843 = arith.constant 0 : i32
      %dma_wait3A_844 = tpu.memref_slice %arg12[%dma_wait3A_833, %dma_wait3A_834, %dma_wait3A_842, %dma_wait3A_843] : memref<8x2x16x128xf32, #tpu.memory_space<vmem>> -> memref<1x1x16x128xf32, #tpu.memory_space<vmem>>
      %dma_wait3A_845 = tpu.memref_squeeze %dma_wait3A_844 : memref<1x1x16x128xf32, #tpu.memory_space<vmem>> -> memref<16x128xf32, #tpu.memory_space<vmem>>
      %dma_wait3A_846 = arith.constant 0 : i32
      %dma_wait3A_847 = arith.constant 0 : i32
      %dma_wait3A_848 = tpu.memref_slice %arg4[%dma_wait3A_846, %dma_wait3A_847] : memref<16x1000000xf32, #tpu.memory_space<hbm>> -> memref<16x128xf32, #tpu.memory_space<hbm>>
      tpu.wait_dma2 semaphore(%arg20 : memref<!tpu.dma_semaphore, #tpu.memory_space<semaphore_mem>>) src(%dma_wait3A_848 : memref<16x128xf32, #tpu.memory_space<hbm>>) dst(%dma_wait3A_845 : memref<16x128xf32, #tpu.memory_space<vmem>>)
      %dma_wait3A_849 = arith.constant 1 : i32
      %dma_wait3A_850 = arith.constant 0 : i32
      %dma_wait3A_851 = arith.constant 0 : i32
      %dma_wait3A_852 = arith.constant 0 : i32
      %dma_wait3A_853 = tpu.memref_slice %arg13[%dma_wait3A_849, %dma_wait3A_850, %dma_wait3A_851, %dma_wait3A_852] : memref<8x2x16x128xf32, #tpu.memory_space<vmem>> -> memref<1x1x16x128xf32, #tpu.memory_space<vmem>>
      %dma_wait3A_854 = tpu.memref_squeeze %dma_wait3A_853 : memref<1x1x16x128xf32, #tpu.memory_space<vmem>> -> memref<16x128xf32, #tpu.memory_space<vmem>>
      %dma_wait3A_855 = arith.constant 0 : i32
      %dma_wait3A_856 = arith.constant 0 : i32
      %dma_wait3A_857 = tpu.memref_slice %arg6[%dma_wait3A_855, %dma_wait3A_856] : memref<16x1000000xf32, #tpu.memory_space<hbm>> -> memref<16x128xf32, #tpu.memory_space<hbm>>
      %dma_wait3A_858 = arith.constant 0 : i32
      %dma_wait3A_859 = arith.constant 0 : i32
      %dma_wait3A_860 = tpu.memref_slice %arg13[%dma_wait3A_849, %dma_wait3A_850, %dma_wait3A_858, %dma_wait3A_859] : memref<8x2x16x128xf32, #tpu.memory_space<vmem>> -> memref<1x1x16x128xf32, #tpu.memory_space<vmem>>
      %dma_wait3A_861 = tpu.memref_squeeze %dma_wait3A_860 : memref<1x1x16x128xf32, #tpu.memory_space<vmem>> -> memref<16x128xf32, #tpu.memory_space<vmem>>
      %dma_wait3A_862 = arith.constant 0 : i32
      %dma_wait3A_863 = arith.constant 0 : i32
      %dma_wait3A_864 = tpu.memref_slice %arg6[%dma_wait3A_862, %dma_wait3A_863] : memref<16x1000000xf32, #tpu.memory_space<hbm>> -> memref<16x128xf32, #tpu.memory_space<hbm>>
      tpu.wait_dma2 semaphore(%arg20 : memref<!tpu.dma_semaphore, #tpu.memory_space<semaphore_mem>>) src(%dma_wait3A_864 : memref<16x128xf32, #tpu.memory_space<hbm>>) dst(%dma_wait3A_861 : memref<16x128xf32, #tpu.memory_space<vmem>>)
      %dma_wait3A_865 = arith.constant 1 : i32
      %dma_wait3A_866 = arith.constant 1 : i32
      %dma_wait3A_867 = arith.constant 0 : i32
      %dma_wait3A_868 = arith.constant 0 : i32
      %dma_wait3A_869 = tpu.memref_slice %arg12[%dma_wait3A_865, %dma_wait3A_866, %dma_wait3A_867, %dma_wait3A_868] : memref<8x2x16x128xf32, #tpu.memory_space<vmem>> -> memref<1x1x16x128xf32, #tpu.memory_space<vmem>>
      %dma_wait3A_870 = tpu.memref_squeeze %dma_wait3A_869 : memref<1x1x16x128xf32, #tpu.memory_space<vmem>> -> memref<16x128xf32, #tpu.memory_space<vmem>>
      %dma_wait3A_871 = arith.constant 0 : i32
      %dma_wait3A_872 = arith.constant 0 : i32
      %dma_wait3A_873 = tpu.memref_slice %arg4[%dma_wait3A_871, %dma_wait3A_872] : memref<16x1000000xf32, #tpu.memory_space<hbm>> -> memref<16x128xf32, #tpu.memory_space<hbm>>
      %dma_wait3A_874 = arith.constant 0 : i32
      %dma_wait3A_875 = arith.constant 0 : i32
      %dma_wait3A_876 = tpu.memref_slice %arg12[%dma_wait3A_865, %dma_wait3A_866, %dma_wait3A_874, %dma_wait3A_875] : memref<8x2x16x128xf32, #tpu.memory_space<vmem>> -> memref<1x1x16x128xf32, #tpu.memory_space<vmem>>
      %dma_wait3A_877 = tpu.memref_squeeze %dma_wait3A_876 : memref<1x1x16x128xf32, #tpu.memory_space<vmem>> -> memref<16x128xf32, #tpu.memory_space<vmem>>
      %dma_wait3A_878 = arith.constant 0 : i32
      %dma_wait3A_879 = arith.constant 0 : i32
      %dma_wait3A_880 = tpu.memref_slice %arg4[%dma_wait3A_878, %dma_wait3A_879] : memref<16x1000000xf32, #tpu.memory_space<hbm>> -> memref<16x128xf32, #tpu.memory_space<hbm>>
      tpu.wait_dma2 semaphore(%arg20 : memref<!tpu.dma_semaphore, #tpu.memory_space<semaphore_mem>>) src(%dma_wait3A_880 : memref<16x128xf32, #tpu.memory_space<hbm>>) dst(%dma_wait3A_877 : memref<16x128xf32, #tpu.memory_space<vmem>>)
      %dma_wait3A_881 = arith.constant 1 : i32
      %dma_wait3A_882 = arith.constant 1 : i32
      %dma_wait3A_883 = arith.constant 0 : i32
      %dma_wait3A_884 = arith.constant 0 : i32
      %dma_wait3A_885 = tpu.memref_slice %arg13[%dma_wait3A_881, %dma_wait3A_882, %dma_wait3A_883, %dma_wait3A_884] : memref<8x2x16x128xf32, #tpu.memory_space<vmem>> -> memref<1x1x16x128xf32, #tpu.memory_space<vmem>>
      %dma_wait3A_886 = tpu.memref_squeeze %dma_wait3A_885 : memref<1x1x16x128xf32, #tpu.memory_space<vmem>> -> memref<16x128xf32, #tpu.memory_space<vmem>>
      %dma_wait3A_887 = arith.constant 0 : i32
      %dma_wait3A_888 = arith.constant 0 : i32
      %dma_wait3A_889 = tpu.memref_slice %arg6[%dma_wait3A_887, %dma_wait3A_888] : memref<16x1000000xf32, #tpu.memory_space<hbm>> -> memref<16x128xf32, #tpu.memory_space<hbm>>
      %dma_wait3A_890 = arith.constant 0 : i32
      %dma_wait3A_891 = arith.constant 0 : i32
      %dma_wait3A_892 = tpu.memref_slice %arg13[%dma_wait3A_881, %dma_wait3A_882, %dma_wait3A_890, %dma_wait3A_891] : memref<8x2x16x128xf32, #tpu.memory_space<vmem>> -> memref<1x1x16x128xf32, #tpu.memory_space<vmem>>
      %dma_wait3A_893 = tpu.memref_squeeze %dma_wait3A_892 : memref<1x1x16x128xf32, #tpu.memory_space<vmem>> -> memref<16x128xf32, #tpu.memory_space<vmem>>
      %dma_wait3A_894 = arith.constant 0 : i32
      %dma_wait3A_895 = arith.constant 0 : i32
      %dma_wait3A_896 = tpu.memref_slice %arg6[%dma_wait3A_894, %dma_wait3A_895] : memref<16x1000000xf32, #tpu.memory_space<hbm>> -> memref<16x128xf32, #tpu.memory_space<hbm>>
      tpu.wait_dma2 semaphore(%arg20 : memref<!tpu.dma_semaphore, #tpu.memory_space<semaphore_mem>>) src(%dma_wait3A_896 : memref<16x128xf32, #tpu.memory_space<hbm>>) dst(%dma_wait3A_893 : memref<16x128xf32, #tpu.memory_space<vmem>>)
      %slice3A_897 = vector.extract_strided_slice %get3A_691 {offsets = [2], sizes = [1], strides = [1]} : vector<16xi32> to vector<1xi32>
      %squeeze3A_898 = vector.extract %slice3A_897[0] : i32 from vector<1xi32>
      %and3A_899 = arith.constant 127 : i32
      %and3A_900 = arith.andi %squeeze3A_898, %and3A_899 : i32
      %add3A_901 = vector.broadcast %and3A_900 : i32 to vector<16xi32>
      %add3A_902 = arith.addi %add3A_901, %broadcast_in_dim3A_681 : vector<16xi32>
      %slice3A_903 = vector.extract_strided_slice %get3A_693 {offsets = [2], sizes = [1], strides = [1]} : vector<16xi32> to vector<1xi32>
      %squeeze3A_904 = vector.extract %slice3A_903[0] : i32 from vector<1xi32>
      %and3A_905 = arith.constant 127 : i32
      %and3A_906 = arith.andi %squeeze3A_904, %and3A_905 : i32
      %add3A_907 = vector.broadcast %and3A_906 : i32 to vector<16xi32>
      %add3A_908 = arith.addi %add3A_907, %broadcast_in_dim3A_681 : vector<16xi32>
      %gather3A_909 = arith.constant 1 : i32
      %gather3A_910 = arith.constant 0 : i32
      %gather3A_911 = arith.constant 0 : i32
      %gather3A_912 = arith.constant 0 : i32
      %gather3A_913 = tpu.memref_slice %arg12[%gather3A_909, %gather3A_910, %gather3A_911, %gather3A_912] : memref<8x2x16x128xf32, #tpu.memory_space<vmem>> -> memref<1x1x16x128xf32, #tpu.memory_space<vmem>>
      %gather3A_914 = tpu.memref_squeeze %gather3A_913 : memref<1x1x16x128xf32, #tpu.memory_space<vmem>> -> memref<16x128xf32, #tpu.memory_space<vmem>>
      %gather3A_915 = tpu.vector_load_idx %gather3A_914[%iota3A, %add3A_902] : memref<16x128xf32, #tpu.memory_space<vmem>>[vector<16xi32>, vector<16xi32>], vector<16xf32>,
      %gather3A_916 = arith.constant 1 : i32
      %gather3A_917 = arith.constant 0 : i32
      %gather3A_918 = arith.constant 0 : i32
      %gather3A_919 = arith.constant 0 : i32
      %gather3A_920 = tpu.memref_slice %arg13[%gather3A_916, %gather3A_917, %gather3A_918, %gather3A_919] : memref<8x2x16x128xf32, #tpu.memory_space<vmem>> -> memref<1x1x16x128xf32, #tpu.memory_space<vmem>>
      %gather3A_921 = tpu.memref_squeeze %gather3A_920 : memref<1x1x16x128xf32, #tpu.memory_space<vmem>> -> memref<16x128xf32, #tpu.memory_space<vmem>>
      %gather3A_922 = tpu.vector_load_idx %gather3A_921[%iota3A, %add3A_908] : memref<16x128xf32, #tpu.memory_space<vmem>>[vector<16xi32>, vector<16xi32>], vector<16xf32>,
      %mul3A_923 = arith.mulf %gather3A_915, %gather3A_922 : vector<16xf32>
      %reduce_sum3A_924 = arith.constant true
      %reduce_sum3A_925 = vector.broadcast %reduce_sum3A_924 : i1 to vector<16xi1>
      %reduce_sum3A_926 = tpu.scan <sum>, %mul3A_923 masked %reduce_sum3A_925 : vector<16xf32>, vector<16xi1> -> vector<16xf32>
      %reduce_sum3A_927 = vector.extract %reduce_sum3A_926[15] : f32 from vector<16xf32>
      %eq3A_928 = arith.constant 2 : i32
      %eq3A_929 = vector.broadcast %eq3A_928 : i32 to vector<16xi32>
      %eq3A_930 = arith.cmpi eq, %iota3A, %eq3A_929 : vector<16xi32>
      %add3A_931 = vector.broadcast %reduce_sum3A_927 : f32 to vector<16xf32>
      %add3A_932 = arith.addf %select_n3A_832, %add3A_931 : vector<16xf32>
      %select_n3A_933 = arith.select %eq3A_930, %add3A_932, %select_n3A_832 : vector<16xi1>, vector<16xf32>
      %slice3A_934 = vector.extract_strided_slice %get3A_691 {offsets = [3], sizes = [1], strides = [1]} : vector<16xi32> to vector<1xi32>
      %squeeze3A_935 = vector.extract %slice3A_934[0] : i32 from vector<1xi32>
      %and3A_936 = arith.constant 127 : i32
      %and3A_937 = arith.andi %squeeze3A_935, %and3A_936 : i32
      %add3A_938 = vector.broadcast %and3A_937 : i32 to vector<16xi32>
      %add3A_939 = arith.addi %add3A_938, %broadcast_in_dim3A_681 : vector<16xi32>
      %slice3A_940 = vector.extract_strided_slice %get3A_693 {offsets = [3], sizes = [1], strides = [1]} : vector<16xi32> to vector<1xi32>
      %squeeze3A_941 = vector.extract %slice3A_940[0] : i32 from vector<1xi32>
      %and3A_942 = arith.constant 127 : i32
      %and3A_943 = arith.andi %squeeze3A_941, %and3A_942 : i32
      %add3A_944 = vector.broadcast %and3A_943 : i32 to vector<16xi32>
      %add3A_945 = arith.addi %add3A_944, %broadcast_in_dim3A_681 : vector<16xi32>
      %gather3A_946 = arith.constant 1 : i32
      %gather3A_947 = arith.constant 1 : i32
      %gather3A_948 = arith.constant 0 : i32
      %gather3A_949 = arith.constant 0 : i32
      %gather3A_950 = tpu.memref_slice %arg12[%gather3A_946, %gather3A_947, %gather3A_948, %gather3A_949] : memref<8x2x16x128xf32, #tpu.memory_space<vmem>> -> memref<1x1x16x128xf32, #tpu.memory_space<vmem>>
      %gather3A_951 = tpu.memref_squeeze %gather3A_950 : memref<1x1x16x128xf32, #tpu.memory_space<vmem>> -> memref<16x128xf32, #tpu.memory_space<vmem>>
      %gather3A_952 = tpu.vector_load_idx %gather3A_951[%iota3A, %add3A_939] : memref<16x128xf32, #tpu.memory_space<vmem>>[vector<16xi32>, vector<16xi32>], vector<16xf32>,
      %gather3A_953 = arith.constant 1 : i32
      %gather3A_954 = arith.constant 1 : i32
      %gather3A_955 = arith.constant 0 : i32
      %gather3A_956 = arith.constant 0 : i32
      %gather3A_957 = tpu.memref_slice %arg13[%gather3A_953, %gather3A_954, %gather3A_955, %gather3A_956] : memref<8x2x16x128xf32, #tpu.memory_space<vmem>> -> memref<1x1x16x128xf32, #tpu.memory_space<vmem>>
      %gather3A_958 = tpu.memref_squeeze %gather3A_957 : memref<1x1x16x128xf32, #tpu.memory_space<vmem>> -> memref<16x128xf32, #tpu.memory_space<vmem>>
      %gather3A_959 = tpu.vector_load_idx %gather3A_958[%iota3A, %add3A_945] : memref<16x128xf32, #tpu.memory_space<vmem>>[vector<16xi32>, vector<16xi32>], vector<16xf32>,
      %mul3A_960 = arith.mulf %gather3A_952, %gather3A_959 : vector<16xf32>
      %reduce_sum3A_961 = arith.constant true
      %reduce_sum3A_962 = vector.broadcast %reduce_sum3A_961 : i1 to vector<16xi1>
      %reduce_sum3A_963 = tpu.scan <sum>, %mul3A_960 masked %reduce_sum3A_962 : vector<16xf32>, vector<16xi1> -> vector<16xf32>
      %reduce_sum3A_964 = vector.extract %reduce_sum3A_963[15] : f32 from vector<16xf32>
      %eq3A_965 = arith.constant 3 : i32
      %eq3A_966 = vector.broadcast %eq3A_965 : i32 to vector<16xi32>
      %eq3A_967 = arith.cmpi eq, %iota3A, %eq3A_966 : vector<16xi32>
      %add3A_968 = vector.broadcast %reduce_sum3A_964 : f32 to vector<16xf32>
      %add3A_969 = arith.addf %select_n3A_933, %add3A_968 : vector<16xf32>
      %select_n3A_970 = arith.select %eq3A_967, %add3A_969, %select_n3A_933 : vector<16xi1>, vector<16xf32>
      %dma_wait3A_971 = arith.constant 2 : i32
      %dma_wait3A_972 = arith.constant 0 : i32
      %dma_wait3A_973 = arith.constant 0 : i32
      %dma_wait3A_974 = arith.constant 0 : i32
      %dma_wait3A_975 = tpu.memref_slice %arg12[%dma_wait3A_971, %dma_wait3A_972, %dma_wait3A_973, %dma_wait3A_974] : memref<8x2x16x128xf32, #tpu.memory_space<vmem>> -> memref<1x1x16x128xf32, #tpu.memory_space<vmem>>
      %dma_wait3A_976 = tpu.memref_squeeze %dma_wait3A_975 : memref<1x1x16x128xf32, #tpu.memory_space<vmem>> -> memref<16x128xf32, #tpu.memory_space<vmem>>
      %dma_wait3A_977 = arith.constant 0 : i32
      %dma_wait3A_978 = arith.constant 0 : i32
      %dma_wait3A_979 = tpu.memref_slice %arg4[%dma_wait3A_977, %dma_wait3A_978] : memref<16x1000000xf32, #tpu.memory_space<hbm>> -> memref<16x128xf32, #tpu.memory_space<hbm>>
      %dma_wait3A_980 = arith.constant 0 : i32
      %dma_wait3A_981 = arith.constant 0 : i32
      %dma_wait3A_982 = tpu.memref_slice %arg12[%dma_wait3A_971, %dma_wait3A_972, %dma_wait3A_980, %dma_wait3A_981] : memref<8x2x16x128xf32, #tpu.memory_space<vmem>> -> memref<1x1x16x128xf32, #tpu.memory_space<vmem>>
      %dma_wait3A_983 = tpu.memref_squeeze %dma_wait3A_982 : memref<1x1x16x128xf32, #tpu.memory_space<vmem>> -> memref<16x128xf32, #tpu.memory_space<vmem>>
      %dma_wait3A_984 = arith.constant 0 : i32
      %dma_wait3A_985 = arith.constant 0 : i32
      %dma_wait3A_986 = tpu.memref_slice %arg4[%dma_wait3A_984, %dma_wait3A_985] : memref<16x1000000xf32, #tpu.memory_space<hbm>> -> memref<16x128xf32, #tpu.memory_space<hbm>>
      tpu.wait_dma2 semaphore(%arg21 : memref<!tpu.dma_semaphore, #tpu.memory_space<semaphore_mem>>) src(%dma_wait3A_986 : memref<16x128xf32, #tpu.memory_space<hbm>>) dst(%dma_wait3A_983 : memref<16x128xf32, #tpu.memory_space<vmem>>)
      %dma_wait3A_987 = arith.constant 2 : i32
      %dma_wait3A_988 = arith.constant 0 : i32
      %dma_wait3A_989 = arith.constant 0 : i32
      %dma_wait3A_990 = arith.constant 0 : i32
      %dma_wait3A_991 = tpu.memref_slice %arg13[%dma_wait3A_987, %dma_wait3A_988, %dma_wait3A_989, %dma_wait3A_990] : memref<8x2x16x128xf32, #tpu.memory_space<vmem>> -> memref<1x1x16x128xf32, #tpu.memory_space<vmem>>
      %dma_wait3A_992 = tpu.memref_squeeze %dma_wait3A_991 : memref<1x1x16x128xf32, #tpu.memory_space<vmem>> -> memref<16x128xf32, #tpu.memory_space<vmem>>
      %dma_wait3A_993 = arith.constant 0 : i32
      %dma_wait3A_994 = arith.constant 0 : i32
      %dma_wait3A_995 = tpu.memref_slice %arg6[%dma_wait3A_993, %dma_wait3A_994] : memref<16x1000000xf32, #tpu.memory_space<hbm>> -> memref<16x128xf32, #tpu.memory_space<hbm>>
      %dma_wait3A_996 = arith.constant 0 : i32
      %dma_wait3A_997 = arith.constant 0 : i32
      %dma_wait3A_998 = tpu.memref_slice %arg13[%dma_wait3A_987, %dma_wait3A_988, %dma_wait3A_996, %dma_wait3A_997] : memref<8x2x16x128xf32, #tpu.memory_space<vmem>> -> memref<1x1x16x128xf32, #tpu.memory_space<vmem>>
      %dma_wait3A_999 = tpu.memref_squeeze %dma_wait3A_998 : memref<1x1x16x128xf32, #tpu.memory_space<vmem>> -> memref<16x128xf32, #tpu.memory_space<vmem>>
      %dma_wait3A_1000 = arith.constant 0 : i32
      %dma_wait3A_1001 = arith.constant 0 : i32
      %dma_wait3A_1002 = tpu.memref_slice %arg6[%dma_wait3A_1000, %dma_wait3A_1001] : memref<16x1000000xf32, #tpu.memory_space<hbm>> -> memref<16x128xf32, #tpu.memory_space<hbm>>
      tpu.wait_dma2 semaphore(%arg21 : memref<!tpu.dma_semaphore, #tpu.memory_space<semaphore_mem>>) src(%dma_wait3A_1002 : memref<16x128xf32, #tpu.memory_space<hbm>>) dst(%dma_wait3A_999 : memref<16x128xf32, #tpu.memory_space<vmem>>)
      %dma_wait3A_1003 = arith.constant 2 : i32
      %dma_wait3A_1004 = arith.constant 1 : i32
      %dma_wait3A_1005 = arith.constant 0 : i32
      %dma_wait3A_1006 = arith.constant 0 : i32
      %dma_wait3A_1007 = tpu.memref_slice %arg12[%dma_wait3A_1003, %dma_wait3A_1004, %dma_wait3A_1005, %dma_wait3A_1006] : memref<8x2x16x128xf32, #tpu.memory_space<vmem>> -> memref<1x1x16x128xf32, #tpu.memory_space<vmem>>
      %dma_wait3A_1008 = tpu.memref_squeeze %dma_wait3A_1007 : memref<1x1x16x128xf32, #tpu.memory_space<vmem>> -> memref<16x128xf32, #tpu.memory_space<vmem>>
      %dma_wait3A_1009 = arith.constant 0 : i32
      %dma_wait3A_1010 = arith.constant 0 : i32
      %dma_wait3A_1011 = tpu.memref_slice %arg4[%dma_wait3A_1009, %dma_wait3A_1010] : memref<16x1000000xf32, #tpu.memory_space<hbm>> -> memref<16x128xf32, #tpu.memory_space<hbm>>
      %dma_wait3A_1012 = arith.constant 0 : i32
      %dma_wait3A_1013 = arith.constant 0 : i32
      %dma_wait3A_1014 = tpu.memref_slice %arg12[%dma_wait3A_1003, %dma_wait3A_1004, %dma_wait3A_1012, %dma_wait3A_1013] : memref<8x2x16x128xf32, #tpu.memory_space<vmem>> -> memref<1x1x16x128xf32, #tpu.memory_space<vmem>>
      %dma_wait3A_1015 = tpu.memref_squeeze %dma_wait3A_1014 : memref<1x1x16x128xf32, #tpu.memory_space<vmem>> -> memref<16x128xf32, #tpu.memory_space<vmem>>
      %dma_wait3A_1016 = arith.constant 0 : i32
      %dma_wait3A_1017 = arith.constant 0 : i32
      %dma_wait3A_1018 = tpu.memref_slice %arg4[%dma_wait3A_1016, %dma_wait3A_1017] : memref<16x1000000xf32, #tpu.memory_space<hbm>> -> memref<16x128xf32, #tpu.memory_space<hbm>>
      tpu.wait_dma2 semaphore(%arg21 : memref<!tpu.dma_semaphore, #tpu.memory_space<semaphore_mem>>) src(%dma_wait3A_1018 : memref<16x128xf32, #tpu.memory_space<hbm>>) dst(%dma_wait3A_1015 : memref<16x128xf32, #tpu.memory_space<vmem>>)
      %dma_wait3A_1019 = arith.constant 2 : i32
      %dma_wait3A_1020 = arith.constant 1 : i32
      %dma_wait3A_1021 = arith.constant 0 : i32
      %dma_wait3A_1022 = arith.constant 0 : i32
      %dma_wait3A_1023 = tpu.memref_slice %arg13[%dma_wait3A_1019, %dma_wait3A_1020, %dma_wait3A_1021, %dma_wait3A_1022] : memref<8x2x16x128xf32, #tpu.memory_space<vmem>> -> memref<1x1x16x128xf32, #tpu.memory_space<vmem>>
      %dma_wait3A_1024 = tpu.memref_squeeze %dma_wait3A_1023 : memref<1x1x16x128xf32, #tpu.memory_space<vmem>> -> memref<16x128xf32, #tpu.memory_space<vmem>>
      %dma_wait3A_1025 = arith.constant 0 : i32
      %dma_wait3A_1026 = arith.constant 0 : i32
      %dma_wait3A_1027 = tpu.memref_slice %arg6[%dma_wait3A_1025, %dma_wait3A_1026] : memref<16x1000000xf32, #tpu.memory_space<hbm>> -> memref<16x128xf32, #tpu.memory_space<hbm>>
      %dma_wait3A_1028 = arith.constant 0 : i32
      %dma_wait3A_1029 = arith.constant 0 : i32
      %dma_wait3A_1030 = tpu.memref_slice %arg13[%dma_wait3A_1019, %dma_wait3A_1020, %dma_wait3A_1028, %dma_wait3A_1029] : memref<8x2x16x128xf32, #tpu.memory_space<vmem>> -> memref<1x1x16x128xf32, #tpu.memory_space<vmem>>
      %dma_wait3A_1031 = tpu.memref_squeeze %dma_wait3A_1030 : memref<1x1x16x128xf32, #tpu.memory_space<vmem>> -> memref<16x128xf32, #tpu.memory_space<vmem>>
      %dma_wait3A_1032 = arith.constant 0 : i32
      %dma_wait3A_1033 = arith.constant 0 : i32
      %dma_wait3A_1034 = tpu.memref_slice %arg6[%dma_wait3A_1032, %dma_wait3A_1033] : memref<16x1000000xf32, #tpu.memory_space<hbm>> -> memref<16x128xf32, #tpu.memory_space<hbm>>
      tpu.wait_dma2 semaphore(%arg21 : memref<!tpu.dma_semaphore, #tpu.memory_space<semaphore_mem>>) src(%dma_wait3A_1034 : memref<16x128xf32, #tpu.memory_space<hbm>>) dst(%dma_wait3A_1031 : memref<16x128xf32, #tpu.memory_space<vmem>>)
      %slice3A_1035 = vector.extract_strided_slice %get3A_691 {offsets = [4], sizes = [1], strides = [1]} : vector<16xi32> to vector<1xi32>
      %squeeze3A_1036 = vector.extract %slice3A_1035[0] : i32 from vector<1xi32>
      %and3A_1037 = arith.constant 127 : i32
      %and3A_1038 = arith.andi %squeeze3A_1036, %and3A_1037 : i32
      %add3A_1039 = vector.broadcast %and3A_1038 : i32 to vector<16xi32>
      %add3A_1040 = arith.addi %add3A_1039, %broadcast_in_dim3A_681 : vector<16xi32>
      %slice3A_1041 = vector.extract_strided_slice %get3A_693 {offsets = [4], sizes = [1], strides = [1]} : vector<16xi32> to vector<1xi32>
      %squeeze3A_1042 = vector.extract %slice3A_1041[0] : i32 from vector<1xi32>
      %and3A_1043 = arith.constant 127 : i32
      %and3A_1044 = arith.andi %squeeze3A_1042, %and3A_1043 : i32
      %add3A_1045 = vector.broadcast %and3A_1044 : i32 to vector<16xi32>
      %add3A_1046 = arith.addi %add3A_1045, %broadcast_in_dim3A_681 : vector<16xi32>
      %gather3A_1047 = arith.constant 2 : i32
      %gather3A_1048 = arith.constant 0 : i32
      %gather3A_1049 = arith.constant 0 : i32
      %gather3A_1050 = arith.constant 0 : i32
      %gather3A_1051 = tpu.memref_slice %arg12[%gather3A_1047, %gather3A_1048, %gather3A_1049, %gather3A_1050] : memref<8x2x16x128xf32, #tpu.memory_space<vmem>> -> memref<1x1x16x128xf32, #tpu.memory_space<vmem>>
      %gather3A_1052 = tpu.memref_squeeze %gather3A_1051 : memref<1x1x16x128xf32, #tpu.memory_space<vmem>> -> memref<16x128xf32, #tpu.memory_space<vmem>>
      %gather3A_1053 = tpu.vector_load_idx %gather3A_1052[%iota3A, %add3A_1040] : memref<16x128xf32, #tpu.memory_space<vmem>>[vector<16xi32>, vector<16xi32>], vector<16xf32>,
      %gather3A_1054 = arith.constant 2 : i32
      %gather3A_1055 = arith.constant 0 : i32
      %gather3A_1056 = arith.constant 0 : i32
      %gather3A_1057 = arith.constant 0 : i32
      %gather3A_1058 = tpu.memref_slice %arg13[%gather3A_1054, %gather3A_1055, %gather3A_1056, %gather3A_1057] : memref<8x2x16x128xf32, #tpu.memory_space<vmem>> -> memref<1x1x16x128xf32, #tpu.memory_space<vmem>>
      %gather3A_1059 = tpu.memref_squeeze %gather3A_1058 : memref<1x1x16x128xf32, #tpu.memory_space<vmem>> -> memref<16x128xf32, #tpu.memory_space<vmem>>
      %gather3A_1060 = tpu.vector_load_idx %gather3A_1059[%iota3A, %add3A_1046] : memref<16x128xf32, #tpu.memory_space<vmem>>[vector<16xi32>, vector<16xi32>], vector<16xf32>,
      %mul3A_1061 = arith.mulf %gather3A_1053, %gather3A_1060 : vector<16xf32>
      %reduce_sum3A_1062 = arith.constant true
      %reduce_sum3A_1063 = vector.broadcast %reduce_sum3A_1062 : i1 to vector<16xi1>
      %reduce_sum3A_1064 = tpu.scan <sum>, %mul3A_1061 masked %reduce_sum3A_1063 : vector<16xf32>, vector<16xi1> -> vector<16xf32>
      %reduce_sum3A_1065 = vector.extract %reduce_sum3A_1064[15] : f32 from vector<16xf32>
      %eq3A_1066 = arith.constant 4 : i32
      %eq3A_1067 = vector.broadcast %eq3A_1066 : i32 to vector<16xi32>
      %eq3A_1068 = arith.cmpi eq, %iota3A, %eq3A_1067 : vector<16xi32>
      %add3A_1069 = vector.broadcast %reduce_sum3A_1065 : f32 to vector<16xf32>
      %add3A_1070 = arith.addf %select_n3A_970, %add3A_1069 : vector<16xf32>
      %select_n3A_1071 = arith.select %eq3A_1068, %add3A_1070, %select_n3A_970 : vector<16xi1>, vector<16xf32>
      %slice3A_1072 = vector.extract_strided_slice %get3A_691 {offsets = [5], sizes = [1], strides = [1]} : vector<16xi32> to vector<1xi32>
      %squeeze3A_1073 = vector.extract %slice3A_1072[0] : i32 from vector<1xi32>
      %and3A_1074 = arith.constant 127 : i32
      %and3A_1075 = arith.andi %squeeze3A_1073, %and3A_1074 : i32
      %add3A_1076 = vector.broadcast %and3A_1075 : i32 to vector<16xi32>
      %add3A_1077 = arith.addi %add3A_1076, %broadcast_in_dim3A_681 : vector<16xi32>
      %slice3A_1078 = vector.extract_strided_slice %get3A_693 {offsets = [5], sizes = [1], strides = [1]} : vector<16xi32> to vector<1xi32>
      %squeeze3A_1079 = vector.extract %slice3A_1078[0] : i32 from vector<1xi32>
      %and3A_1080 = arith.constant 127 : i32
      %and3A_1081 = arith.andi %squeeze3A_1079, %and3A_1080 : i32
      %add3A_1082 = vector.broadcast %and3A_1081 : i32 to vector<16xi32>
      %add3A_1083 = arith.addi %add3A_1082, %broadcast_in_dim3A_681 : vector<16xi32>
      %gather3A_1084 = arith.constant 2 : i32
      %gather3A_1085 = arith.constant 1 : i32
      %gather3A_1086 = arith.constant 0 : i32
      %gather3A_1087 = arith.constant 0 : i32
      %gather3A_1088 = tpu.memref_slice %arg12[%gather3A_1084, %gather3A_1085, %gather3A_1086, %gather3A_1087] : memref<8x2x16x128xf32, #tpu.memory_space<vmem>> -> memref<1x1x16x128xf32, #tpu.memory_space<vmem>>
      %gather3A_1089 = tpu.memref_squeeze %gather3A_1088 : memref<1x1x16x128xf32, #tpu.memory_space<vmem>> -> memref<16x128xf32, #tpu.memory_space<vmem>>
      %gather3A_1090 = tpu.vector_load_idx %gather3A_1089[%iota3A, %add3A_1077] : memref<16x128xf32, #tpu.memory_space<vmem>>[vector<16xi32>, vector<16xi32>], vector<16xf32>,
      %gather3A_1091 = arith.constant 2 : i32
      %gather3A_1092 = arith.constant 1 : i32
      %gather3A_1093 = arith.constant 0 : i32
      %gather3A_1094 = arith.constant 0 : i32
      %gather3A_1095 = tpu.memref_slice %arg13[%gather3A_1091, %gather3A_1092, %gather3A_1093, %gather3A_1094] : memref<8x2x16x128xf32, #tpu.memory_space<vmem>> -> memref<1x1x16x128xf32, #tpu.memory_space<vmem>>
      %gather3A_1096 = tpu.memref_squeeze %gather3A_1095 : memref<1x1x16x128xf32, #tpu.memory_space<vmem>> -> memref<16x128xf32, #tpu.memory_space<vmem>>
      %gather3A_1097 = tpu.vector_load_idx %gather3A_1096[%iota3A, %add3A_1083] : memref<16x128xf32, #tpu.memory_space<vmem>>[vector<16xi32>, vector<16xi32>], vector<16xf32>,
      %mul3A_1098 = arith.mulf %gather3A_1090, %gather3A_1097 : vector<16xf32>
      %reduce_sum3A_1099 = arith.constant true
      %reduce_sum3A_1100 = vector.broadcast %reduce_sum3A_1099 : i1 to vector<16xi1>
      %reduce_sum3A_1101 = tpu.scan <sum>, %mul3A_1098 masked %reduce_sum3A_1100 : vector<16xf32>, vector<16xi1> -> vector<16xf32>
      %reduce_sum3A_1102 = vector.extract %reduce_sum3A_1101[15] : f32 from vector<16xf32>
      %eq3A_1103 = arith.constant 5 : i32
      %eq3A_1104 = vector.broadcast %eq3A_1103 : i32 to vector<16xi32>
      %eq3A_1105 = arith.cmpi eq, %iota3A, %eq3A_1104 : vector<16xi32>
      %add3A_1106 = vector.broadcast %reduce_sum3A_1102 : f32 to vector<16xf32>
      %add3A_1107 = arith.addf %select_n3A_1071, %add3A_1106 : vector<16xf32>
      %select_n3A_1108 = arith.select %eq3A_1105, %add3A_1107, %select_n3A_1071 : vector<16xi1>, vector<16xf32>
      %dma_wait3A_1109 = arith.constant 3 : i32
      %dma_wait3A_1110 = arith.constant 0 : i32
      %dma_wait3A_1111 = arith.constant 0 : i32
      %dma_wait3A_1112 = arith.constant 0 : i32
      %dma_wait3A_1113 = tpu.memref_slice %arg12[%dma_wait3A_1109, %dma_wait3A_1110, %dma_wait3A_1111, %dma_wait3A_1112] : memref<8x2x16x128xf32, #tpu.memory_space<vmem>> -> memref<1x1x16x128xf32, #tpu.memory_space<vmem>>
      %dma_wait3A_1114 = tpu.memref_squeeze %dma_wait3A_1113 : memref<1x1x16x128xf32, #tpu.memory_space<vmem>> -> memref<16x128xf32, #tpu.memory_space<vmem>>
      %dma_wait3A_1115 = arith.constant 0 : i32
      %dma_wait3A_1116 = arith.constant 0 : i32
      %dma_wait3A_1117 = tpu.memref_slice %arg4[%dma_wait3A_1115, %dma_wait3A_1116] : memref<16x1000000xf32, #tpu.memory_space<hbm>> -> memref<16x128xf32, #tpu.memory_space<hbm>>
      %dma_wait3A_1118 = arith.constant 0 : i32
      %dma_wait3A_1119 = arith.constant 0 : i32
      %dma_wait3A_1120 = tpu.memref_slice %arg12[%dma_wait3A_1109, %dma_wait3A_1110, %dma_wait3A_1118, %dma_wait3A_1119] : memref<8x2x16x128xf32, #tpu.memory_space<vmem>> -> memref<1x1x16x128xf32, #tpu.memory_space<vmem>>
      %dma_wait3A_1121 = tpu.memref_squeeze %dma_wait3A_1120 : memref<1x1x16x128xf32, #tpu.memory_space<vmem>> -> memref<16x128xf32, #tpu.memory_space<vmem>>
      %dma_wait3A_1122 = arith.constant 0 : i32
      %dma_wait3A_1123 = arith.constant 0 : i32
      %dma_wait3A_1124 = tpu.memref_slice %arg4[%dma_wait3A_1122, %dma_wait3A_1123] : memref<16x1000000xf32, #tpu.memory_space<hbm>> -> memref<16x128xf32, #tpu.memory_space<hbm>>
      tpu.wait_dma2 semaphore(%arg22 : memref<!tpu.dma_semaphore, #tpu.memory_space<semaphore_mem>>) src(%dma_wait3A_1124 : memref<16x128xf32, #tpu.memory_space<hbm>>) dst(%dma_wait3A_1121 : memref<16x128xf32, #tpu.memory_space<vmem>>)
      %dma_wait3A_1125 = arith.constant 3 : i32
      %dma_wait3A_1126 = arith.constant 0 : i32
      %dma_wait3A_1127 = arith.constant 0 : i32
      %dma_wait3A_1128 = arith.constant 0 : i32
      %dma_wait3A_1129 = tpu.memref_slice %arg13[%dma_wait3A_1125, %dma_wait3A_1126, %dma_wait3A_1127, %dma_wait3A_1128] : memref<8x2x16x128xf32, #tpu.memory_space<vmem>> -> memref<1x1x16x128xf32, #tpu.memory_space<vmem>>
      %dma_wait3A_1130 = tpu.memref_squeeze %dma_wait3A_1129 : memref<1x1x16x128xf32, #tpu.memory_space<vmem>> -> memref<16x128xf32, #tpu.memory_space<vmem>>
      %dma_wait3A_1131 = arith.constant 0 : i32
      %dma_wait3A_1132 = arith.constant 0 : i32
      %dma_wait3A_1133 = tpu.memref_slice %arg6[%dma_wait3A_1131, %dma_wait3A_1132] : memref<16x1000000xf32, #tpu.memory_space<hbm>> -> memref<16x128xf32, #tpu.memory_space<hbm>>
      %dma_wait3A_1134 = arith.constant 0 : i32
      %dma_wait3A_1135 = arith.constant 0 : i32
      %dma_wait3A_1136 = tpu.memref_slice %arg13[%dma_wait3A_1125, %dma_wait3A_1126, %dma_wait3A_1134, %dma_wait3A_1135] : memref<8x2x16x128xf32, #tpu.memory_space<vmem>> -> memref<1x1x16x128xf32, #tpu.memory_space<vmem>>
      %dma_wait3A_1137 = tpu.memref_squeeze %dma_wait3A_1136 : memref<1x1x16x128xf32, #tpu.memory_space<vmem>> -> memref<16x128xf32, #tpu.memory_space<vmem>>
      %dma_wait3A_1138 = arith.constant 0 : i32
      %dma_wait3A_1139 = arith.constant 0 : i32
      %dma_wait3A_1140 = tpu.memref_slice %arg6[%dma_wait3A_1138, %dma_wait3A_1139] : memref<16x1000000xf32, #tpu.memory_space<hbm>> -> memref<16x128xf32, #tpu.memory_space<hbm>>
      tpu.wait_dma2 semaphore(%arg22 : memref<!tpu.dma_semaphore, #tpu.memory_space<semaphore_mem>>) src(%dma_wait3A_1140 : memref<16x128xf32, #tpu.memory_space<hbm>>) dst(%dma_wait3A_1137 : memref<16x128xf32, #tpu.memory_space<vmem>>)
      %dma_wait3A_1141 = arith.constant 3 : i32
      %dma_wait3A_1142 = arith.constant 1 : i32
      %dma_wait3A_1143 = arith.constant 0 : i32
      %dma_wait3A_1144 = arith.constant 0 : i32
      %dma_wait3A_1145 = tpu.memref_slice %arg12[%dma_wait3A_1141, %dma_wait3A_1142, %dma_wait3A_1143, %dma_wait3A_1144] : memref<8x2x16x128xf32, #tpu.memory_space<vmem>> -> memref<1x1x16x128xf32, #tpu.memory_space<vmem>>
      %dma_wait3A_1146 = tpu.memref_squeeze %dma_wait3A_1145 : memref<1x1x16x128xf32, #tpu.memory_space<vmem>> -> memref<16x128xf32, #tpu.memory_space<vmem>>
      %dma_wait3A_1147 = arith.constant 0 : i32
      %dma_wait3A_1148 = arith.constant 0 : i32
      %dma_wait3A_1149 = tpu.memref_slice %arg4[%dma_wait3A_1147, %dma_wait3A_1148] : memref<16x1000000xf32, #tpu.memory_space<hbm>> -> memref<16x128xf32, #tpu.memory_space<hbm>>
      %dma_wait3A_1150 = arith.constant 0 : i32
      %dma_wait3A_1151 = arith.constant 0 : i32
      %dma_wait3A_1152 = tpu.memref_slice %arg12[%dma_wait3A_1141, %dma_wait3A_1142, %dma_wait3A_1150, %dma_wait3A_1151] : memref<8x2x16x128xf32, #tpu.memory_space<vmem>> -> memref<1x1x16x128xf32, #tpu.memory_space<vmem>>
      %dma_wait3A_1153 = tpu.memref_squeeze %dma_wait3A_1152 : memref<1x1x16x128xf32, #tpu.memory_space<vmem>> -> memref<16x128xf32, #tpu.memory_space<vmem>>
      %dma_wait3A_1154 = arith.constant 0 : i32
      %dma_wait3A_1155 = arith.constant 0 : i32
      %dma_wait3A_1156 = tpu.memref_slice %arg4[%dma_wait3A_1154, %dma_wait3A_1155] : memref<16x1000000xf32, #tpu.memory_space<hbm>> -> memref<16x128xf32, #tpu.memory_space<hbm>>
      tpu.wait_dma2 semaphore(%arg22 : memref<!tpu.dma_semaphore, #tpu.memory_space<semaphore_mem>>) src(%dma_wait3A_1156 : memref<16x128xf32, #tpu.memory_space<hbm>>) dst(%dma_wait3A_1153 : memref<16x128xf32, #tpu.memory_space<vmem>>)
      %dma_wait3A_1157 = arith.constant 3 : i32
      %dma_wait3A_1158 = arith.constant 1 : i32
      %dma_wait3A_1159 = arith.constant 0 : i32
      %dma_wait3A_1160 = arith.constant 0 : i32
      %dma_wait3A_1161 = tpu.memref_slice %arg13[%dma_wait3A_1157, %dma_wait3A_1158, %dma_wait3A_1159, %dma_wait3A_1160] : memref<8x2x16x128xf32, #tpu.memory_space<vmem>> -> memref<1x1x16x128xf32, #tpu.memory_space<vmem>>
      %dma_wait3A_1162 = tpu.memref_squeeze %dma_wait3A_1161 : memref<1x1x16x128xf32, #tpu.memory_space<vmem>> -> memref<16x128xf32, #tpu.memory_space<vmem>>
      %dma_wait3A_1163 = arith.constant 0 : i32
      %dma_wait3A_1164 = arith.constant 0 : i32
      %dma_wait3A_1165 = tpu.memref_slice %arg6[%dma_wait3A_1163, %dma_wait3A_1164] : memref<16x1000000xf32, #tpu.memory_space<hbm>> -> memref<16x128xf32, #tpu.memory_space<hbm>>
      %dma_wait3A_1166 = arith.constant 0 : i32
      %dma_wait3A_1167 = arith.constant 0 : i32
      %dma_wait3A_1168 = tpu.memref_slice %arg13[%dma_wait3A_1157, %dma_wait3A_1158, %dma_wait3A_1166, %dma_wait3A_1167] : memref<8x2x16x128xf32, #tpu.memory_space<vmem>> -> memref<1x1x16x128xf32, #tpu.memory_space<vmem>>
      %dma_wait3A_1169 = tpu.memref_squeeze %dma_wait3A_1168 : memref<1x1x16x128xf32, #tpu.memory_space<vmem>> -> memref<16x128xf32, #tpu.memory_space<vmem>>
      %dma_wait3A_1170 = arith.constant 0 : i32
      %dma_wait3A_1171 = arith.constant 0 : i32
      %dma_wait3A_1172 = tpu.memref_slice %arg6[%dma_wait3A_1170, %dma_wait3A_1171] : memref<16x1000000xf32, #tpu.memory_space<hbm>> -> memref<16x128xf32, #tpu.memory_space<hbm>>
      tpu.wait_dma2 semaphore(%arg22 : memref<!tpu.dma_semaphore, #tpu.memory_space<semaphore_mem>>) src(%dma_wait3A_1172 : memref<16x128xf32, #tpu.memory_space<hbm>>) dst(%dma_wait3A_1169 : memref<16x128xf32, #tpu.memory_space<vmem>>)
      %slice3A_1173 = vector.extract_strided_slice %get3A_691 {offsets = [6], sizes = [1], strides = [1]} : vector<16xi32> to vector<1xi32>
      %squeeze3A_1174 = vector.extract %slice3A_1173[0] : i32 from vector<1xi32>
      %and3A_1175 = arith.constant 127 : i32
      %and3A_1176 = arith.andi %squeeze3A_1174, %and3A_1175 : i32
      %add3A_1177 = vector.broadcast %and3A_1176 : i32 to vector<16xi32>
      %add3A_1178 = arith.addi %add3A_1177, %broadcast_in_dim3A_681 : vector<16xi32>
      %slice3A_1179 = vector.extract_strided_slice %get3A_693 {offsets = [6], sizes = [1], strides = [1]} : vector<16xi32> to vector<1xi32>
      %squeeze3A_1180 = vector.extract %slice3A_1179[0] : i32 from vector<1xi32>
      %and3A_1181 = arith.constant 127 : i32
      %and3A_1182 = arith.andi %squeeze3A_1180, %and3A_1181 : i32
      %add3A_1183 = vector.broadcast %and3A_1182 : i32 to vector<16xi32>
      %add3A_1184 = arith.addi %add3A_1183, %broadcast_in_dim3A_681 : vector<16xi32>
      %gather3A_1185 = arith.constant 3 : i32
      %gather3A_1186 = arith.constant 0 : i32
      %gather3A_1187 = arith.constant 0 : i32
      %gather3A_1188 = arith.constant 0 : i32
      %gather3A_1189 = tpu.memref_slice %arg12[%gather3A_1185, %gather3A_1186, %gather3A_1187, %gather3A_1188] : memref<8x2x16x128xf32, #tpu.memory_space<vmem>> -> memref<1x1x16x128xf32, #tpu.memory_space<vmem>>
      %gather3A_1190 = tpu.memref_squeeze %gather3A_1189 : memref<1x1x16x128xf32, #tpu.memory_space<vmem>> -> memref<16x128xf32, #tpu.memory_space<vmem>>
      %gather3A_1191 = tpu.vector_load_idx %gather3A_1190[%iota3A, %add3A_1178] : memref<16x128xf32, #tpu.memory_space<vmem>>[vector<16xi32>, vector<16xi32>], vector<16xf32>,
      %gather3A_1192 = arith.constant 3 : i32
      %gather3A_1193 = arith.constant 0 : i32
      %gather3A_1194 = arith.constant 0 : i32
      %gather3A_1195 = arith.constant 0 : i32
      %gather3A_1196 = tpu.memref_slice %arg13[%gather3A_1192, %gather3A_1193, %gather3A_1194, %gather3A_1195] : memref<8x2x16x128xf32, #tpu.memory_space<vmem>> -> memref<1x1x16x128xf32, #tpu.memory_space<vmem>>
      %gather3A_1197 = tpu.memref_squeeze %gather3A_1196 : memref<1x1x16x128xf32, #tpu.memory_space<vmem>> -> memref<16x128xf32, #tpu.memory_space<vmem>>
      %gather3A_1198 = tpu.vector_load_idx %gather3A_1197[%iota3A, %add3A_1184] : memref<16x128xf32, #tpu.memory_space<vmem>>[vector<16xi32>, vector<16xi32>], vector<16xf32>,
      %mul3A_1199 = arith.mulf %gather3A_1191, %gather3A_1198 : vector<16xf32>
      %reduce_sum3A_1200 = arith.constant true
      %reduce_sum3A_1201 = vector.broadcast %reduce_sum3A_1200 : i1 to vector<16xi1>
      %reduce_sum3A_1202 = tpu.scan <sum>, %mul3A_1199 masked %reduce_sum3A_1201 : vector<16xf32>, vector<16xi1> -> vector<16xf32>
      %reduce_sum3A_1203 = vector.extract %reduce_sum3A_1202[15] : f32 from vector<16xf32>
      %eq3A_1204 = arith.constant 6 : i32
      %eq3A_1205 = vector.broadcast %eq3A_1204 : i32 to vector<16xi32>
      %eq3A_1206 = arith.cmpi eq, %iota3A, %eq3A_1205 : vector<16xi32>
      %add3A_1207 = vector.broadcast %reduce_sum3A_1203 : f32 to vector<16xf32>
      %add3A_1208 = arith.addf %select_n3A_1108, %add3A_1207 : vector<16xf32>
      %select_n3A_1209 = arith.select %eq3A_1206, %add3A_1208, %select_n3A_1108 : vector<16xi1>, vector<16xf32>
      %slice3A_1210 = vector.extract_strided_slice %get3A_691 {offsets = [7], sizes = [1], strides = [1]} : vector<16xi32> to vector<1xi32>
      %squeeze3A_1211 = vector.extract %slice3A_1210[0] : i32 from vector<1xi32>
      %and3A_1212 = arith.constant 127 : i32
      %and3A_1213 = arith.andi %squeeze3A_1211, %and3A_1212 : i32
      %add3A_1214 = vector.broadcast %and3A_1213 : i32 to vector<16xi32>
      %add3A_1215 = arith.addi %add3A_1214, %broadcast_in_dim3A_681 : vector<16xi32>
      %slice3A_1216 = vector.extract_strided_slice %get3A_693 {offsets = [7], sizes = [1], strides = [1]} : vector<16xi32> to vector<1xi32>
      %squeeze3A_1217 = vector.extract %slice3A_1216[0] : i32 from vector<1xi32>
      %and3A_1218 = arith.constant 127 : i32
      %and3A_1219 = arith.andi %squeeze3A_1217, %and3A_1218 : i32
      %add3A_1220 = vector.broadcast %and3A_1219 : i32 to vector<16xi32>
      %add3A_1221 = arith.addi %add3A_1220, %broadcast_in_dim3A_681 : vector<16xi32>
      %gather3A_1222 = arith.constant 3 : i32
      %gather3A_1223 = arith.constant 1 : i32
      %gather3A_1224 = arith.constant 0 : i32
      %gather3A_1225 = arith.constant 0 : i32
      %gather3A_1226 = tpu.memref_slice %arg12[%gather3A_1222, %gather3A_1223, %gather3A_1224, %gather3A_1225] : memref<8x2x16x128xf32, #tpu.memory_space<vmem>> -> memref<1x1x16x128xf32, #tpu.memory_space<vmem>>
      %gather3A_1227 = tpu.memref_squeeze %gather3A_1226 : memref<1x1x16x128xf32, #tpu.memory_space<vmem>> -> memref<16x128xf32, #tpu.memory_space<vmem>>
      %gather3A_1228 = tpu.vector_load_idx %gather3A_1227[%iota3A, %add3A_1215] : memref<16x128xf32, #tpu.memory_space<vmem>>[vector<16xi32>, vector<16xi32>], vector<16xf32>,
      %gather3A_1229 = arith.constant 3 : i32
      %gather3A_1230 = arith.constant 1 : i32
      %gather3A_1231 = arith.constant 0 : i32
      %gather3A_1232 = arith.constant 0 : i32
      %gather3A_1233 = tpu.memref_slice %arg13[%gather3A_1229, %gather3A_1230, %gather3A_1231, %gather3A_1232] : memref<8x2x16x128xf32, #tpu.memory_space<vmem>> -> memref<1x1x16x128xf32, #tpu.memory_space<vmem>>
      %gather3A_1234 = tpu.memref_squeeze %gather3A_1233 : memref<1x1x16x128xf32, #tpu.memory_space<vmem>> -> memref<16x128xf32, #tpu.memory_space<vmem>>
      %gather3A_1235 = tpu.vector_load_idx %gather3A_1234[%iota3A, %add3A_1221] : memref<16x128xf32, #tpu.memory_space<vmem>>[vector<16xi32>, vector<16xi32>], vector<16xf32>,
      %mul3A_1236 = arith.mulf %gather3A_1228, %gather3A_1235 : vector<16xf32>
      %reduce_sum3A_1237 = arith.constant true
      %reduce_sum3A_1238 = vector.broadcast %reduce_sum3A_1237 : i1 to vector<16xi1>
      %reduce_sum3A_1239 = tpu.scan <sum>, %mul3A_1236 masked %reduce_sum3A_1238 : vector<16xf32>, vector<16xi1> -> vector<16xf32>
      %reduce_sum3A_1240 = vector.extract %reduce_sum3A_1239[15] : f32 from vector<16xf32>
      %eq3A_1241 = arith.constant 7 : i32
      %eq3A_1242 = vector.broadcast %eq3A_1241 : i32 to vector<16xi32>
      %eq3A_1243 = arith.cmpi eq, %iota3A, %eq3A_1242 : vector<16xi32>
      %add3A_1244 = vector.broadcast %reduce_sum3A_1240 : f32 to vector<16xf32>
      %add3A_1245 = arith.addf %select_n3A_1209, %add3A_1244 : vector<16xf32>
      %select_n3A_1246 = arith.select %eq3A_1243, %add3A_1245, %select_n3A_1209 : vector<16xi1>, vector<16xf32>
      %dma_wait3A_1247 = arith.constant 4 : i32
      %dma_wait3A_1248 = arith.constant 0 : i32
      %dma_wait3A_1249 = arith.constant 0 : i32
      %dma_wait3A_1250 = arith.constant 0 : i32
      %dma_wait3A_1251 = tpu.memref_slice %arg12[%dma_wait3A_1247, %dma_wait3A_1248, %dma_wait3A_1249, %dma_wait3A_1250] : memref<8x2x16x128xf32, #tpu.memory_space<vmem>> -> memref<1x1x16x128xf32, #tpu.memory_space<vmem>>
      %dma_wait3A_1252 = tpu.memref_squeeze %dma_wait3A_1251 : memref<1x1x16x128xf32, #tpu.memory_space<vmem>> -> memref<16x128xf32, #tpu.memory_space<vmem>>
      %dma_wait3A_1253 = arith.constant 0 : i32
      %dma_wait3A_1254 = arith.constant 0 : i32
      %dma_wait3A_1255 = tpu.memref_slice %arg4[%dma_wait3A_1253, %dma_wait3A_1254] : memref<16x1000000xf32, #tpu.memory_space<hbm>> -> memref<16x128xf32, #tpu.memory_space<hbm>>
      %dma_wait3A_1256 = arith.constant 0 : i32
      %dma_wait3A_1257 = arith.constant 0 : i32
      %dma_wait3A_1258 = tpu.memref_slice %arg12[%dma_wait3A_1247, %dma_wait3A_1248, %dma_wait3A_1256, %dma_wait3A_1257] : memref<8x2x16x128xf32, #tpu.memory_space<vmem>> -> memref<1x1x16x128xf32, #tpu.memory_space<vmem>>
      %dma_wait3A_1259 = tpu.memref_squeeze %dma_wait3A_1258 : memref<1x1x16x128xf32, #tpu.memory_space<vmem>> -> memref<16x128xf32, #tpu.memory_space<vmem>>
      %dma_wait3A_1260 = arith.constant 0 : i32
      %dma_wait3A_1261 = arith.constant 0 : i32
      %dma_wait3A_1262 = tpu.memref_slice %arg4[%dma_wait3A_1260, %dma_wait3A_1261] : memref<16x1000000xf32, #tpu.memory_space<hbm>> -> memref<16x128xf32, #tpu.memory_space<hbm>>
      tpu.wait_dma2 semaphore(%arg23 : memref<!tpu.dma_semaphore, #tpu.memory_space<semaphore_mem>>) src(%dma_wait3A_1262 : memref<16x128xf32, #tpu.memory_space<hbm>>) dst(%dma_wait3A_1259 : memref<16x128xf32, #tpu.memory_space<vmem>>)
      %dma_wait3A_1263 = arith.constant 4 : i32
      %dma_wait3A_1264 = arith.constant 0 : i32
      %dma_wait3A_1265 = arith.constant 0 : i32
      %dma_wait3A_1266 = arith.constant 0 : i32
      %dma_wait3A_1267 = tpu.memref_slice %arg13[%dma_wait3A_1263, %dma_wait3A_1264, %dma_wait3A_1265, %dma_wait3A_1266] : memref<8x2x16x128xf32, #tpu.memory_space<vmem>> -> memref<1x1x16x128xf32, #tpu.memory_space<vmem>>
      %dma_wait3A_1268 = tpu.memref_squeeze %dma_wait3A_1267 : memref<1x1x16x128xf32, #tpu.memory_space<vmem>> -> memref<16x128xf32, #tpu.memory_space<vmem>>
      %dma_wait3A_1269 = arith.constant 0 : i32
      %dma_wait3A_1270 = arith.constant 0 : i32
      %dma_wait3A_1271 = tpu.memref_slice %arg6[%dma_wait3A_1269, %dma_wait3A_1270] : memref<16x1000000xf32, #tpu.memory_space<hbm>> -> memref<16x128xf32, #tpu.memory_space<hbm>>
      %dma_wait3A_1272 = arith.constant 0 : i32
      %dma_wait3A_1273 = arith.constant 0 : i32
      %dma_wait3A_1274 = tpu.memref_slice %arg13[%dma_wait3A_1263, %dma_wait3A_1264, %dma_wait3A_1272, %dma_wait3A_1273] : memref<8x2x16x128xf32, #tpu.memory_space<vmem>> -> memref<1x1x16x128xf32, #tpu.memory_space<vmem>>
      %dma_wait3A_1275 = tpu.memref_squeeze %dma_wait3A_1274 : memref<1x1x16x128xf32, #tpu.memory_space<vmem>> -> memref<16x128xf32, #tpu.memory_space<vmem>>
      %dma_wait3A_1276 = arith.constant 0 : i32
      %dma_wait3A_1277 = arith.constant 0 : i32
      %dma_wait3A_1278 = tpu.memref_slice %arg6[%dma_wait3A_1276, %dma_wait3A_1277] : memref<16x1000000xf32, #tpu.memory_space<hbm>> -> memref<16x128xf32, #tpu.memory_space<hbm>>
      tpu.wait_dma2 semaphore(%arg23 : memref<!tpu.dma_semaphore, #tpu.memory_space<semaphore_mem>>) src(%dma_wait3A_1278 : memref<16x128xf32, #tpu.memory_space<hbm>>) dst(%dma_wait3A_1275 : memref<16x128xf32, #tpu.memory_space<vmem>>)
      %dma_wait3A_1279 = arith.constant 4 : i32
      %dma_wait3A_1280 = arith.constant 1 : i32
      %dma_wait3A_1281 = arith.constant 0 : i32
      %dma_wait3A_1282 = arith.constant 0 : i32
      %dma_wait3A_1283 = tpu.memref_slice %arg12[%dma_wait3A_1279, %dma_wait3A_1280, %dma_wait3A_1281, %dma_wait3A_1282] : memref<8x2x16x128xf32, #tpu.memory_space<vmem>> -> memref<1x1x16x128xf32, #tpu.memory_space<vmem>>
      %dma_wait3A_1284 = tpu.memref_squeeze %dma_wait3A_1283 : memref<1x1x16x128xf32, #tpu.memory_space<vmem>> -> memref<16x128xf32, #tpu.memory_space<vmem>>
      %dma_wait3A_1285 = arith.constant 0 : i32
      %dma_wait3A_1286 = arith.constant 0 : i32
      %dma_wait3A_1287 = tpu.memref_slice %arg4[%dma_wait3A_1285, %dma_wait3A_1286] : memref<16x1000000xf32, #tpu.memory_space<hbm>> -> memref<16x128xf32, #tpu.memory_space<hbm>>
      %dma_wait3A_1288 = arith.constant 0 : i32
      %dma_wait3A_1289 = arith.constant 0 : i32
      %dma_wait3A_1290 = tpu.memref_slice %arg12[%dma_wait3A_1279, %dma_wait3A_1280, %dma_wait3A_1288, %dma_wait3A_1289] : memref<8x2x16x128xf32, #tpu.memory_space<vmem>> -> memref<1x1x16x128xf32, #tpu.memory_space<vmem>>
      %dma_wait3A_1291 = tpu.memref_squeeze %dma_wait3A_1290 : memref<1x1x16x128xf32, #tpu.memory_space<vmem>> -> memref<16x128xf32, #tpu.memory_space<vmem>>
      %dma_wait3A_1292 = arith.constant 0 : i32
      %dma_wait3A_1293 = arith.constant 0 : i32
      %dma_wait3A_1294 = tpu.memref_slice %arg4[%dma_wait3A_1292, %dma_wait3A_1293] : memref<16x1000000xf32, #tpu.memory_space<hbm>> -> memref<16x128xf32, #tpu.memory_space<hbm>>
      tpu.wait_dma2 semaphore(%arg23 : memref<!tpu.dma_semaphore, #tpu.memory_space<semaphore_mem>>) src(%dma_wait3A_1294 : memref<16x128xf32, #tpu.memory_space<hbm>>) dst(%dma_wait3A_1291 : memref<16x128xf32, #tpu.memory_space<vmem>>)
      %dma_wait3A_1295 = arith.constant 4 : i32
      %dma_wait3A_1296 = arith.constant 1 : i32
      %dma_wait3A_1297 = arith.constant 0 : i32
      %dma_wait3A_1298 = arith.constant 0 : i32
      %dma_wait3A_1299 = tpu.memref_slice %arg13[%dma_wait3A_1295, %dma_wait3A_1296, %dma_wait3A_1297, %dma_wait3A_1298] : memref<8x2x16x128xf32, #tpu.memory_space<vmem>> -> memref<1x1x16x128xf32, #tpu.memory_space<vmem>>
      %dma_wait3A_1300 = tpu.memref_squeeze %dma_wait3A_1299 : memref<1x1x16x128xf32, #tpu.memory_space<vmem>> -> memref<16x128xf32, #tpu.memory_space<vmem>>
      %dma_wait3A_1301 = arith.constant 0 : i32
      %dma_wait3A_1302 = arith.constant 0 : i32
      %dma_wait3A_1303 = tpu.memref_slice %arg6[%dma_wait3A_1301, %dma_wait3A_1302] : memref<16x1000000xf32, #tpu.memory_space<hbm>> -> memref<16x128xf32, #tpu.memory_space<hbm>>
      %dma_wait3A_1304 = arith.constant 0 : i32
      %dma_wait3A_1305 = arith.constant 0 : i32
      %dma_wait3A_1306 = tpu.memref_slice %arg13[%dma_wait3A_1295, %dma_wait3A_1296, %dma_wait3A_1304, %dma_wait3A_1305] : memref<8x2x16x128xf32, #tpu.memory_space<vmem>> -> memref<1x1x16x128xf32, #tpu.memory_space<vmem>>
      %dma_wait3A_1307 = tpu.memref_squeeze %dma_wait3A_1306 : memref<1x1x16x128xf32, #tpu.memory_space<vmem>> -> memref<16x128xf32, #tpu.memory_space<vmem>>
      %dma_wait3A_1308 = arith.constant 0 : i32
      %dma_wait3A_1309 = arith.constant 0 : i32
      %dma_wait3A_1310 = tpu.memref_slice %arg6[%dma_wait3A_1308, %dma_wait3A_1309] : memref<16x1000000xf32, #tpu.memory_space<hbm>> -> memref<16x128xf32, #tpu.memory_space<hbm>>
      tpu.wait_dma2 semaphore(%arg23 : memref<!tpu.dma_semaphore, #tpu.memory_space<semaphore_mem>>) src(%dma_wait3A_1310 : memref<16x128xf32, #tpu.memory_space<hbm>>) dst(%dma_wait3A_1307 : memref<16x128xf32, #tpu.memory_space<vmem>>)
      %slice3A_1311 = vector.extract_strided_slice %get3A_691 {offsets = [8], sizes = [1], strides = [1]} : vector<16xi32> to vector<1xi32>
      %squeeze3A_1312 = vector.extract %slice3A_1311[0] : i32 from vector<1xi32>
      %and3A_1313 = arith.constant 127 : i32
      %and3A_1314 = arith.andi %squeeze3A_1312, %and3A_1313 : i32
      %add3A_1315 = vector.broadcast %and3A_1314 : i32 to vector<16xi32>
      %add3A_1316 = arith.addi %add3A_1315, %broadcast_in_dim3A_681 : vector<16xi32>
      %slice3A_1317 = vector.extract_strided_slice %get3A_693 {offsets = [8], sizes = [1], strides = [1]} : vector<16xi32> to vector<1xi32>
      %squeeze3A_1318 = vector.extract %slice3A_1317[0] : i32 from vector<1xi32>
      %and3A_1319 = arith.constant 127 : i32
      %and3A_1320 = arith.andi %squeeze3A_1318, %and3A_1319 : i32
      %add3A_1321 = vector.broadcast %and3A_1320 : i32 to vector<16xi32>
      %add3A_1322 = arith.addi %add3A_1321, %broadcast_in_dim3A_681 : vector<16xi32>
      %gather3A_1323 = arith.constant 4 : i32
      %gather3A_1324 = arith.constant 0 : i32
      %gather3A_1325 = arith.constant 0 : i32
      %gather3A_1326 = arith.constant 0 : i32
      %gather3A_1327 = tpu.memref_slice %arg12[%gather3A_1323, %gather3A_1324, %gather3A_1325, %gather3A_1326] : memref<8x2x16x128xf32, #tpu.memory_space<vmem>> -> memref<1x1x16x128xf32, #tpu.memory_space<vmem>>
      %gather3A_1328 = tpu.memref_squeeze %gather3A_1327 : memref<1x1x16x128xf32, #tpu.memory_space<vmem>> -> memref<16x128xf32, #tpu.memory_space<vmem>>
      %gather3A_1329 = tpu.vector_load_idx %gather3A_1328[%iota3A, %add3A_1316] : memref<16x128xf32, #tpu.memory_space<vmem>>[vector<16xi32>, vector<16xi32>], vector<16xf32>,
      %gather3A_1330 = arith.constant 4 : i32
      %gather3A_1331 = arith.constant 0 : i32
      %gather3A_1332 = arith.constant 0 : i32
      %gather3A_1333 = arith.constant 0 : i32
      %gather3A_1334 = tpu.memref_slice %arg13[%gather3A_1330, %gather3A_1331, %gather3A_1332, %gather3A_1333] : memref<8x2x16x128xf32, #tpu.memory_space<vmem>> -> memref<1x1x16x128xf32, #tpu.memory_space<vmem>>
      %gather3A_1335 = tpu.memref_squeeze %gather3A_1334 : memref<1x1x16x128xf32, #tpu.memory_space<vmem>> -> memref<16x128xf32, #tpu.memory_space<vmem>>
      %gather3A_1336 = tpu.vector_load_idx %gather3A_1335[%iota3A, %add3A_1322] : memref<16x128xf32, #tpu.memory_space<vmem>>[vector<16xi32>, vector<16xi32>], vector<16xf32>,
      %mul3A_1337 = arith.mulf %gather3A_1329, %gather3A_1336 : vector<16xf32>
      %reduce_sum3A_1338 = arith.constant true
      %reduce_sum3A_1339 = vector.broadcast %reduce_sum3A_1338 : i1 to vector<16xi1>
      %reduce_sum3A_1340 = tpu.scan <sum>, %mul3A_1337 masked %reduce_sum3A_1339 : vector<16xf32>, vector<16xi1> -> vector<16xf32>
      %reduce_sum3A_1341 = vector.extract %reduce_sum3A_1340[15] : f32 from vector<16xf32>
      %eq3A_1342 = arith.constant 8 : i32
      %eq3A_1343 = vector.broadcast %eq3A_1342 : i32 to vector<16xi32>
      %eq3A_1344 = arith.cmpi eq, %iota3A, %eq3A_1343 : vector<16xi32>
      %add3A_1345 = vector.broadcast %reduce_sum3A_1341 : f32 to vector<16xf32>
      %add3A_1346 = arith.addf %select_n3A_1246, %add3A_1345 : vector<16xf32>
      %select_n3A_1347 = arith.select %eq3A_1344, %add3A_1346, %select_n3A_1246 : vector<16xi1>, vector<16xf32>
      %slice3A_1348 = vector.extract_strided_slice %get3A_691 {offsets = [9], sizes = [1], strides = [1]} : vector<16xi32> to vector<1xi32>
      %squeeze3A_1349 = vector.extract %slice3A_1348[0] : i32 from vector<1xi32>
      %and3A_1350 = arith.constant 127 : i32
      %and3A_1351 = arith.andi %squeeze3A_1349, %and3A_1350 : i32
      %add3A_1352 = vector.broadcast %and3A_1351 : i32 to vector<16xi32>
      %add3A_1353 = arith.addi %add3A_1352, %broadcast_in_dim3A_681 : vector<16xi32>
      %slice3A_1354 = vector.extract_strided_slice %get3A_693 {offsets = [9], sizes = [1], strides = [1]} : vector<16xi32> to vector<1xi32>
      %squeeze3A_1355 = vector.extract %slice3A_1354[0] : i32 from vector<1xi32>
      %and3A_1356 = arith.constant 127 : i32
      %and3A_1357 = arith.andi %squeeze3A_1355, %and3A_1356 : i32
      %add3A_1358 = vector.broadcast %and3A_1357 : i32 to vector<16xi32>
      %add3A_1359 = arith.addi %add3A_1358, %broadcast_in_dim3A_681 : vector<16xi32>
      %gather3A_1360 = arith.constant 4 : i32
      %gather3A_1361 = arith.constant 1 : i32
      %gather3A_1362 = arith.constant 0 : i32
      %gather3A_1363 = arith.constant 0 : i32
      %gather3A_1364 = tpu.memref_slice %arg12[%gather3A_1360, %gather3A_1361, %gather3A_1362, %gather3A_1363] : memref<8x2x16x128xf32, #tpu.memory_space<vmem>> -> memref<1x1x16x128xf32, #tpu.memory_space<vmem>>
      %gather3A_1365 = tpu.memref_squeeze %gather3A_1364 : memref<1x1x16x128xf32, #tpu.memory_space<vmem>> -> memref<16x128xf32, #tpu.memory_space<vmem>>
      %gather3A_1366 = tpu.vector_load_idx %gather3A_1365[%iota3A, %add3A_1353] : memref<16x128xf32, #tpu.memory_space<vmem>>[vector<16xi32>, vector<16xi32>], vector<16xf32>,
      %gather3A_1367 = arith.constant 4 : i32
      %gather3A_1368 = arith.constant 1 : i32
      %gather3A_1369 = arith.constant 0 : i32
      %gather3A_1370 = arith.constant 0 : i32
      %gather3A_1371 = tpu.memref_slice %arg13[%gather3A_1367, %gather3A_1368, %gather3A_1369, %gather3A_1370] : memref<8x2x16x128xf32, #tpu.memory_space<vmem>> -> memref<1x1x16x128xf32, #tpu.memory_space<vmem>>
      %gather3A_1372 = tpu.memref_squeeze %gather3A_1371 : memref<1x1x16x128xf32, #tpu.memory_space<vmem>> -> memref<16x128xf32, #tpu.memory_space<vmem>>
      %gather3A_1373 = tpu.vector_load_idx %gather3A_1372[%iota3A, %add3A_1359] : memref<16x128xf32, #tpu.memory_space<vmem>>[vector<16xi32>, vector<16xi32>], vector<16xf32>,
      %mul3A_1374 = arith.mulf %gather3A_1366, %gather3A_1373 : vector<16xf32>
      %reduce_sum3A_1375 = arith.constant true
      %reduce_sum3A_1376 = vector.broadcast %reduce_sum3A_1375 : i1 to vector<16xi1>
      %reduce_sum3A_1377 = tpu.scan <sum>, %mul3A_1374 masked %reduce_sum3A_1376 : vector<16xf32>, vector<16xi1> -> vector<16xf32>
      %reduce_sum3A_1378 = vector.extract %reduce_sum3A_1377[15] : f32 from vector<16xf32>
      %eq3A_1379 = arith.constant 9 : i32
      %eq3A_1380 = vector.broadcast %eq3A_1379 : i32 to vector<16xi32>
      %eq3A_1381 = arith.cmpi eq, %iota3A, %eq3A_1380 : vector<16xi32>
      %add3A_1382 = vector.broadcast %reduce_sum3A_1378 : f32 to vector<16xf32>
      %add3A_1383 = arith.addf %select_n3A_1347, %add3A_1382 : vector<16xf32>
      %select_n3A_1384 = arith.select %eq3A_1381, %add3A_1383, %select_n3A_1347 : vector<16xi1>, vector<16xf32>
      %dma_wait3A_1385 = arith.constant 5 : i32
      %dma_wait3A_1386 = arith.constant 0 : i32
      %dma_wait3A_1387 = arith.constant 0 : i32
      %dma_wait3A_1388 = arith.constant 0 : i32
      %dma_wait3A_1389 = tpu.memref_slice %arg12[%dma_wait3A_1385, %dma_wait3A_1386, %dma_wait3A_1387, %dma_wait3A_1388] : memref<8x2x16x128xf32, #tpu.memory_space<vmem>> -> memref<1x1x16x128xf32, #tpu.memory_space<vmem>>
      %dma_wait3A_1390 = tpu.memref_squeeze %dma_wait3A_1389 : memref<1x1x16x128xf32, #tpu.memory_space<vmem>> -> memref<16x128xf32, #tpu.memory_space<vmem>>
      %dma_wait3A_1391 = arith.constant 0 : i32
      %dma_wait3A_1392 = arith.constant 0 : i32
      %dma_wait3A_1393 = tpu.memref_slice %arg4[%dma_wait3A_1391, %dma_wait3A_1392] : memref<16x1000000xf32, #tpu.memory_space<hbm>> -> memref<16x128xf32, #tpu.memory_space<hbm>>
      %dma_wait3A_1394 = arith.constant 0 : i32
      %dma_wait3A_1395 = arith.constant 0 : i32
      %dma_wait3A_1396 = tpu.memref_slice %arg12[%dma_wait3A_1385, %dma_wait3A_1386, %dma_wait3A_1394, %dma_wait3A_1395] : memref<8x2x16x128xf32, #tpu.memory_space<vmem>> -> memref<1x1x16x128xf32, #tpu.memory_space<vmem>>
      %dma_wait3A_1397 = tpu.memref_squeeze %dma_wait3A_1396 : memref<1x1x16x128xf32, #tpu.memory_space<vmem>> -> memref<16x128xf32, #tpu.memory_space<vmem>>
      %dma_wait3A_1398 = arith.constant 0 : i32
      %dma_wait3A_1399 = arith.constant 0 : i32
      %dma_wait3A_1400 = tpu.memref_slice %arg4[%dma_wait3A_1398, %dma_wait3A_1399] : memref<16x1000000xf32, #tpu.memory_space<hbm>> -> memref<16x128xf32, #tpu.memory_space<hbm>>
      tpu.wait_dma2 semaphore(%arg24 : memref<!tpu.dma_semaphore, #tpu.memory_space<semaphore_mem>>) src(%dma_wait3A_1400 : memref<16x128xf32, #tpu.memory_space<hbm>>) dst(%dma_wait3A_1397 : memref<16x128xf32, #tpu.memory_space<vmem>>)
      %dma_wait3A_1401 = arith.constant 5 : i32
      %dma_wait3A_1402 = arith.constant 0 : i32
      %dma_wait3A_1403 = arith.constant 0 : i32
      %dma_wait3A_1404 = arith.constant 0 : i32
      %dma_wait3A_1405 = tpu.memref_slice %arg13[%dma_wait3A_1401, %dma_wait3A_1402, %dma_wait3A_1403, %dma_wait3A_1404] : memref<8x2x16x128xf32, #tpu.memory_space<vmem>> -> memref<1x1x16x128xf32, #tpu.memory_space<vmem>>
      %dma_wait3A_1406 = tpu.memref_squeeze %dma_wait3A_1405 : memref<1x1x16x128xf32, #tpu.memory_space<vmem>> -> memref<16x128xf32, #tpu.memory_space<vmem>>
      %dma_wait3A_1407 = arith.constant 0 : i32
      %dma_wait3A_1408 = arith.constant 0 : i32
      %dma_wait3A_1409 = tpu.memref_slice %arg6[%dma_wait3A_1407, %dma_wait3A_1408] : memref<16x1000000xf32, #tpu.memory_space<hbm>> -> memref<16x128xf32, #tpu.memory_space<hbm>>
      %dma_wait3A_1410 = arith.constant 0 : i32
      %dma_wait3A_1411 = arith.constant 0 : i32
      %dma_wait3A_1412 = tpu.memref_slice %arg13[%dma_wait3A_1401, %dma_wait3A_1402, %dma_wait3A_1410, %dma_wait3A_1411] : memref<8x2x16x128xf32, #tpu.memory_space<vmem>> -> memref<1x1x16x128xf32, #tpu.memory_space<vmem>>
      %dma_wait3A_1413 = tpu.memref_squeeze %dma_wait3A_1412 : memref<1x1x16x128xf32, #tpu.memory_space<vmem>> -> memref<16x128xf32, #tpu.memory_space<vmem>>
      %dma_wait3A_1414 = arith.constant 0 : i32
      %dma_wait3A_1415 = arith.constant 0 : i32
      %dma_wait3A_1416 = tpu.memref_slice %arg6[%dma_wait3A_1414, %dma_wait3A_1415] : memref<16x1000000xf32, #tpu.memory_space<hbm>> -> memref<16x128xf32, #tpu.memory_space<hbm>>
      tpu.wait_dma2 semaphore(%arg24 : memref<!tpu.dma_semaphore, #tpu.memory_space<semaphore_mem>>) src(%dma_wait3A_1416 : memref<16x128xf32, #tpu.memory_space<hbm>>) dst(%dma_wait3A_1413 : memref<16x128xf32, #tpu.memory_space<vmem>>)
      %dma_wait3A_1417 = arith.constant 5 : i32
      %dma_wait3A_1418 = arith.constant 1 : i32
      %dma_wait3A_1419 = arith.constant 0 : i32
      %dma_wait3A_1420 = arith.constant 0 : i32
      %dma_wait3A_1421 = tpu.memref_slice %arg12[%dma_wait3A_1417, %dma_wait3A_1418, %dma_wait3A_1419, %dma_wait3A_1420] : memref<8x2x16x128xf32, #tpu.memory_space<vmem>> -> memref<1x1x16x128xf32, #tpu.memory_space<vmem>>
      %dma_wait3A_1422 = tpu.memref_squeeze %dma_wait3A_1421 : memref<1x1x16x128xf32, #tpu.memory_space<vmem>> -> memref<16x128xf32, #tpu.memory_space<vmem>>
      %dma_wait3A_1423 = arith.constant 0 : i32
      %dma_wait3A_1424 = arith.constant 0 : i32
      %dma_wait3A_1425 = tpu.memref_slice %arg4[%dma_wait3A_1423, %dma_wait3A_1424] : memref<16x1000000xf32, #tpu.memory_space<hbm>> -> memref<16x128xf32, #tpu.memory_space<hbm>>
      %dma_wait3A_1426 = arith.constant 0 : i32
      %dma_wait3A_1427 = arith.constant 0 : i32
      %dma_wait3A_1428 = tpu.memref_slice %arg12[%dma_wait3A_1417, %dma_wait3A_1418, %dma_wait3A_1426, %dma_wait3A_1427] : memref<8x2x16x128xf32, #tpu.memory_space<vmem>> -> memref<1x1x16x128xf32, #tpu.memory_space<vmem>>
      %dma_wait3A_1429 = tpu.memref_squeeze %dma_wait3A_1428 : memref<1x1x16x128xf32, #tpu.memory_space<vmem>> -> memref<16x128xf32, #tpu.memory_space<vmem>>
      %dma_wait3A_1430 = arith.constant 0 : i32
      %dma_wait3A_1431 = arith.constant 0 : i32
      %dma_wait3A_1432 = tpu.memref_slice %arg4[%dma_wait3A_1430, %dma_wait3A_1431] : memref<16x1000000xf32, #tpu.memory_space<hbm>> -> memref<16x128xf32, #tpu.memory_space<hbm>>
      tpu.wait_dma2 semaphore(%arg24 : memref<!tpu.dma_semaphore, #tpu.memory_space<semaphore_mem>>) src(%dma_wait3A_1432 : memref<16x128xf32, #tpu.memory_space<hbm>>) dst(%dma_wait3A_1429 : memref<16x128xf32, #tpu.memory_space<vmem>>)
      %dma_wait3A_1433 = arith.constant 5 : i32
      %dma_wait3A_1434 = arith.constant 1 : i32
      %dma_wait3A_1435 = arith.constant 0 : i32
      %dma_wait3A_1436 = arith.constant 0 : i32
      %dma_wait3A_1437 = tpu.memref_slice %arg13[%dma_wait3A_1433, %dma_wait3A_1434, %dma_wait3A_1435, %dma_wait3A_1436] : memref<8x2x16x128xf32, #tpu.memory_space<vmem>> -> memref<1x1x16x128xf32, #tpu.memory_space<vmem>>
      %dma_wait3A_1438 = tpu.memref_squeeze %dma_wait3A_1437 : memref<1x1x16x128xf32, #tpu.memory_space<vmem>> -> memref<16x128xf32, #tpu.memory_space<vmem>>
      %dma_wait3A_1439 = arith.constant 0 : i32
      %dma_wait3A_1440 = arith.constant 0 : i32
      %dma_wait3A_1441 = tpu.memref_slice %arg6[%dma_wait3A_1439, %dma_wait3A_1440] : memref<16x1000000xf32, #tpu.memory_space<hbm>> -> memref<16x128xf32, #tpu.memory_space<hbm>>
      %dma_wait3A_1442 = arith.constant 0 : i32
      %dma_wait3A_1443 = arith.constant 0 : i32
      %dma_wait3A_1444 = tpu.memref_slice %arg13[%dma_wait3A_1433, %dma_wait3A_1434, %dma_wait3A_1442, %dma_wait3A_1443] : memref<8x2x16x128xf32, #tpu.memory_space<vmem>> -> memref<1x1x16x128xf32, #tpu.memory_space<vmem>>
      %dma_wait3A_1445 = tpu.memref_squeeze %dma_wait3A_1444 : memref<1x1x16x128xf32, #tpu.memory_space<vmem>> -> memref<16x128xf32, #tpu.memory_space<vmem>>
      %dma_wait3A_1446 = arith.constant 0 : i32
      %dma_wait3A_1447 = arith.constant 0 : i32
      %dma_wait3A_1448 = tpu.memref_slice %arg6[%dma_wait3A_1446, %dma_wait3A_1447] : memref<16x1000000xf32, #tpu.memory_space<hbm>> -> memref<16x128xf32, #tpu.memory_space<hbm>>
      tpu.wait_dma2 semaphore(%arg24 : memref<!tpu.dma_semaphore, #tpu.memory_space<semaphore_mem>>) src(%dma_wait3A_1448 : memref<16x128xf32, #tpu.memory_space<hbm>>) dst(%dma_wait3A_1445 : memref<16x128xf32, #tpu.memory_space<vmem>>)
      %slice3A_1449 = vector.extract_strided_slice %get3A_691 {offsets = [10], sizes = [1], strides = [1]} : vector<16xi32> to vector<1xi32>
      %squeeze3A_1450 = vector.extract %slice3A_1449[0] : i32 from vector<1xi32>
      %and3A_1451 = arith.constant 127 : i32
      %and3A_1452 = arith.andi %squeeze3A_1450, %and3A_1451 : i32
      %add3A_1453 = vector.broadcast %and3A_1452 : i32 to vector<16xi32>
      %add3A_1454 = arith.addi %add3A_1453, %broadcast_in_dim3A_681 : vector<16xi32>
      %slice3A_1455 = vector.extract_strided_slice %get3A_693 {offsets = [10], sizes = [1], strides = [1]} : vector<16xi32> to vector<1xi32>
      %squeeze3A_1456 = vector.extract %slice3A_1455[0] : i32 from vector<1xi32>
      %and3A_1457 = arith.constant 127 : i32
      %and3A_1458 = arith.andi %squeeze3A_1456, %and3A_1457 : i32
      %add3A_1459 = vector.broadcast %and3A_1458 : i32 to vector<16xi32>
      %add3A_1460 = arith.addi %add3A_1459, %broadcast_in_dim3A_681 : vector<16xi32>
      %gather3A_1461 = arith.constant 5 : i32
      %gather3A_1462 = arith.constant 0 : i32
      %gather3A_1463 = arith.constant 0 : i32
      %gather3A_1464 = arith.constant 0 : i32
      %gather3A_1465 = tpu.memref_slice %arg12[%gather3A_1461, %gather3A_1462, %gather3A_1463, %gather3A_1464] : memref<8x2x16x128xf32, #tpu.memory_space<vmem>> -> memref<1x1x16x128xf32, #tpu.memory_space<vmem>>
      %gather3A_1466 = tpu.memref_squeeze %gather3A_1465 : memref<1x1x16x128xf32, #tpu.memory_space<vmem>> -> memref<16x128xf32, #tpu.memory_space<vmem>>
      %gather3A_1467 = tpu.vector_load_idx %gather3A_1466[%iota3A, %add3A_1454] : memref<16x128xf32, #tpu.memory_space<vmem>>[vector<16xi32>, vector<16xi32>], vector<16xf32>,
      %gather3A_1468 = arith.constant 5 : i32
      %gather3A_1469 = arith.constant 0 : i32
      %gather3A_1470 = arith.constant 0 : i32
      %gather3A_1471 = arith.constant 0 : i32
      %gather3A_1472 = tpu.memref_slice %arg13[%gather3A_1468, %gather3A_1469, %gather3A_1470, %gather3A_1471] : memref<8x2x16x128xf32, #tpu.memory_space<vmem>> -> memref<1x1x16x128xf32, #tpu.memory_space<vmem>>
      %gather3A_1473 = tpu.memref_squeeze %gather3A_1472 : memref<1x1x16x128xf32, #tpu.memory_space<vmem>> -> memref<16x128xf32, #tpu.memory_space<vmem>>
      %gather3A_1474 = tpu.vector_load_idx %gather3A_1473[%iota3A, %add3A_1460] : memref<16x128xf32, #tpu.memory_space<vmem>>[vector<16xi32>, vector<16xi32>], vector<16xf32>,
      %mul3A_1475 = arith.mulf %gather3A_1467, %gather3A_1474 : vector<16xf32>
      %reduce_sum3A_1476 = arith.constant true
      %reduce_sum3A_1477 = vector.broadcast %reduce_sum3A_1476 : i1 to vector<16xi1>
      %reduce_sum3A_1478 = tpu.scan <sum>, %mul3A_1475 masked %reduce_sum3A_1477 : vector<16xf32>, vector<16xi1> -> vector<16xf32>
      %reduce_sum3A_1479 = vector.extract %reduce_sum3A_1478[15] : f32 from vector<16xf32>
      %eq3A_1480 = arith.constant 10 : i32
      %eq3A_1481 = vector.broadcast %eq3A_1480 : i32 to vector<16xi32>
      %eq3A_1482 = arith.cmpi eq, %iota3A, %eq3A_1481 : vector<16xi32>
      %add3A_1483 = vector.broadcast %reduce_sum3A_1479 : f32 to vector<16xf32>
      %add3A_1484 = arith.addf %select_n3A_1384, %add3A_1483 : vector<16xf32>
      %select_n3A_1485 = arith.select %eq3A_1482, %add3A_1484, %select_n3A_1384 : vector<16xi1>, vector<16xf32>
      %slice3A_1486 = vector.extract_strided_slice %get3A_691 {offsets = [11], sizes = [1], strides = [1]} : vector<16xi32> to vector<1xi32>
      %squeeze3A_1487 = vector.extract %slice3A_1486[0] : i32 from vector<1xi32>
      %and3A_1488 = arith.constant 127 : i32
      %and3A_1489 = arith.andi %squeeze3A_1487, %and3A_1488 : i32
      %add3A_1490 = vector.broadcast %and3A_1489 : i32 to vector<16xi32>
      %add3A_1491 = arith.addi %add3A_1490, %broadcast_in_dim3A_681 : vector<16xi32>
      %slice3A_1492 = vector.extract_strided_slice %get3A_693 {offsets = [11], sizes = [1], strides = [1]} : vector<16xi32> to vector<1xi32>
      %squeeze3A_1493 = vector.extract %slice3A_1492[0] : i32 from vector<1xi32>
      %and3A_1494 = arith.constant 127 : i32
      %and3A_1495 = arith.andi %squeeze3A_1493, %and3A_1494 : i32
      %add3A_1496 = vector.broadcast %and3A_1495 : i32 to vector<16xi32>
      %add3A_1497 = arith.addi %add3A_1496, %broadcast_in_dim3A_681 : vector<16xi32>
      %gather3A_1498 = arith.constant 5 : i32
      %gather3A_1499 = arith.constant 1 : i32
      %gather3A_1500 = arith.constant 0 : i32
      %gather3A_1501 = arith.constant 0 : i32
      %gather3A_1502 = tpu.memref_slice %arg12[%gather3A_1498, %gather3A_1499, %gather3A_1500, %gather3A_1501] : memref<8x2x16x128xf32, #tpu.memory_space<vmem>> -> memref<1x1x16x128xf32, #tpu.memory_space<vmem>>
      %gather3A_1503 = tpu.memref_squeeze %gather3A_1502 : memref<1x1x16x128xf32, #tpu.memory_space<vmem>> -> memref<16x128xf32, #tpu.memory_space<vmem>>
      %gather3A_1504 = tpu.vector_load_idx %gather3A_1503[%iota3A, %add3A_1491] : memref<16x128xf32, #tpu.memory_space<vmem>>[vector<16xi32>, vector<16xi32>], vector<16xf32>,
      %gather3A_1505 = arith.constant 5 : i32
      %gather3A_1506 = arith.constant 1 : i32
      %gather3A_1507 = arith.constant 0 : i32
      %gather3A_1508 = arith.constant 0 : i32
      %gather3A_1509 = tpu.memref_slice %arg13[%gather3A_1505, %gather3A_1506, %gather3A_1507, %gather3A_1508] : memref<8x2x16x128xf32, #tpu.memory_space<vmem>> -> memref<1x1x16x128xf32, #tpu.memory_space<vmem>>
      %gather3A_1510 = tpu.memref_squeeze %gather3A_1509 : memref<1x1x16x128xf32, #tpu.memory_space<vmem>> -> memref<16x128xf32, #tpu.memory_space<vmem>>
      %gather3A_1511 = tpu.vector_load_idx %gather3A_1510[%iota3A, %add3A_1497] : memref<16x128xf32, #tpu.memory_space<vmem>>[vector<16xi32>, vector<16xi32>], vector<16xf32>,
      %mul3A_1512 = arith.mulf %gather3A_1504, %gather3A_1511 : vector<16xf32>
      %reduce_sum3A_1513 = arith.constant true
      %reduce_sum3A_1514 = vector.broadcast %reduce_sum3A_1513 : i1 to vector<16xi1>
      %reduce_sum3A_1515 = tpu.scan <sum>, %mul3A_1512 masked %reduce_sum3A_1514 : vector<16xf32>, vector<16xi1> -> vector<16xf32>
      %reduce_sum3A_1516 = vector.extract %reduce_sum3A_1515[15] : f32 from vector<16xf32>
      %eq3A_1517 = arith.constant 11 : i32
      %eq3A_1518 = vector.broadcast %eq3A_1517 : i32 to vector<16xi32>
      %eq3A_1519 = arith.cmpi eq, %iota3A, %eq3A_1518 : vector<16xi32>
      %add3A_1520 = vector.broadcast %reduce_sum3A_1516 : f32 to vector<16xf32>
      %add3A_1521 = arith.addf %select_n3A_1485, %add3A_1520 : vector<16xf32>
      %select_n3A_1522 = arith.select %eq3A_1519, %add3A_1521, %select_n3A_1485 : vector<16xi1>, vector<16xf32>
      %dma_wait3A_1523 = arith.constant 6 : i32
      %dma_wait3A_1524 = arith.constant 0 : i32
      %dma_wait3A_1525 = arith.constant 0 : i32
      %dma_wait3A_1526 = arith.constant 0 : i32
      %dma_wait3A_1527 = tpu.memref_slice %arg12[%dma_wait3A_1523, %dma_wait3A_1524, %dma_wait3A_1525, %dma_wait3A_1526] : memref<8x2x16x128xf32, #tpu.memory_space<vmem>> -> memref<1x1x16x128xf32, #tpu.memory_space<vmem>>
      %dma_wait3A_1528 = tpu.memref_squeeze %dma_wait3A_1527 : memref<1x1x16x128xf32, #tpu.memory_space<vmem>> -> memref<16x128xf32, #tpu.memory_space<vmem>>
      %dma_wait3A_1529 = arith.constant 0 : i32
      %dma_wait3A_1530 = arith.constant 0 : i32
      %dma_wait3A_1531 = tpu.memref_slice %arg4[%dma_wait3A_1529, %dma_wait3A_1530] : memref<16x1000000xf32, #tpu.memory_space<hbm>> -> memref<16x128xf32, #tpu.memory_space<hbm>>
      %dma_wait3A_1532 = arith.constant 0 : i32
      %dma_wait3A_1533 = arith.constant 0 : i32
      %dma_wait3A_1534 = tpu.memref_slice %arg12[%dma_wait3A_1523, %dma_wait3A_1524, %dma_wait3A_1532, %dma_wait3A_1533] : memref<8x2x16x128xf32, #tpu.memory_space<vmem>> -> memref<1x1x16x128xf32, #tpu.memory_space<vmem>>
      %dma_wait3A_1535 = tpu.memref_squeeze %dma_wait3A_1534 : memref<1x1x16x128xf32, #tpu.memory_space<vmem>> -> memref<16x128xf32, #tpu.memory_space<vmem>>
      %dma_wait3A_1536 = arith.constant 0 : i32
      %dma_wait3A_1537 = arith.constant 0 : i32
      %dma_wait3A_1538 = tpu.memref_slice %arg4[%dma_wait3A_1536, %dma_wait3A_1537] : memref<16x1000000xf32, #tpu.memory_space<hbm>> -> memref<16x128xf32, #tpu.memory_space<hbm>>
      tpu.wait_dma2 semaphore(%arg25 : memref<!tpu.dma_semaphore, #tpu.memory_space<semaphore_mem>>) src(%dma_wait3A_1538 : memref<16x128xf32, #tpu.memory_space<hbm>>) dst(%dma_wait3A_1535 : memref<16x128xf32, #tpu.memory_space<vmem>>)
      %dma_wait3A_1539 = arith.constant 6 : i32
      %dma_wait3A_1540 = arith.constant 0 : i32
      %dma_wait3A_1541 = arith.constant 0 : i32
      %dma_wait3A_1542 = arith.constant 0 : i32
      %dma_wait3A_1543 = tpu.memref_slice %arg13[%dma_wait3A_1539, %dma_wait3A_1540, %dma_wait3A_1541, %dma_wait3A_1542] : memref<8x2x16x128xf32, #tpu.memory_space<vmem>> -> memref<1x1x16x128xf32, #tpu.memory_space<vmem>>
      %dma_wait3A_1544 = tpu.memref_squeeze %dma_wait3A_1543 : memref<1x1x16x128xf32, #tpu.memory_space<vmem>> -> memref<16x128xf32, #tpu.memory_space<vmem>>
      %dma_wait3A_1545 = arith.constant 0 : i32
      %dma_wait3A_1546 = arith.constant 0 : i32
      %dma_wait3A_1547 = tpu.memref_slice %arg6[%dma_wait3A_1545, %dma_wait3A_1546] : memref<16x1000000xf32, #tpu.memory_space<hbm>> -> memref<16x128xf32, #tpu.memory_space<hbm>>
      %dma_wait3A_1548 = arith.constant 0 : i32
      %dma_wait3A_1549 = arith.constant 0 : i32
      %dma_wait3A_1550 = tpu.memref_slice %arg13[%dma_wait3A_1539, %dma_wait3A_1540, %dma_wait3A_1548, %dma_wait3A_1549] : memref<8x2x16x128xf32, #tpu.memory_space<vmem>> -> memref<1x1x16x128xf32, #tpu.memory_space<vmem>>
      %dma_wait3A_1551 = tpu.memref_squeeze %dma_wait3A_1550 : memref<1x1x16x128xf32, #tpu.memory_space<vmem>> -> memref<16x128xf32, #tpu.memory_space<vmem>>
      %dma_wait3A_1552 = arith.constant 0 : i32
      %dma_wait3A_1553 = arith.constant 0 : i32
      %dma_wait3A_1554 = tpu.memref_slice %arg6[%dma_wait3A_1552, %dma_wait3A_1553] : memref<16x1000000xf32, #tpu.memory_space<hbm>> -> memref<16x128xf32, #tpu.memory_space<hbm>>
      tpu.wait_dma2 semaphore(%arg25 : memref<!tpu.dma_semaphore, #tpu.memory_space<semaphore_mem>>) src(%dma_wait3A_1554 : memref<16x128xf32, #tpu.memory_space<hbm>>) dst(%dma_wait3A_1551 : memref<16x128xf32, #tpu.memory_space<vmem>>)
      %dma_wait3A_1555 = arith.constant 6 : i32
      %dma_wait3A_1556 = arith.constant 1 : i32
      %dma_wait3A_1557 = arith.constant 0 : i32
      %dma_wait3A_1558 = arith.constant 0 : i32
      %dma_wait3A_1559 = tpu.memref_slice %arg12[%dma_wait3A_1555, %dma_wait3A_1556, %dma_wait3A_1557, %dma_wait3A_1558] : memref<8x2x16x128xf32, #tpu.memory_space<vmem>> -> memref<1x1x16x128xf32, #tpu.memory_space<vmem>>
      %dma_wait3A_1560 = tpu.memref_squeeze %dma_wait3A_1559 : memref<1x1x16x128xf32, #tpu.memory_space<vmem>> -> memref<16x128xf32, #tpu.memory_space<vmem>>
      %dma_wait3A_1561 = arith.constant 0 : i32
      %dma_wait3A_1562 = arith.constant 0 : i32
      %dma_wait3A_1563 = tpu.memref_slice %arg4[%dma_wait3A_1561, %dma_wait3A_1562] : memref<16x1000000xf32, #tpu.memory_space<hbm>> -> memref<16x128xf32, #tpu.memory_space<hbm>>
      %dma_wait3A_1564 = arith.constant 0 : i32
      %dma_wait3A_1565 = arith.constant 0 : i32
      %dma_wait3A_1566 = tpu.memref_slice %arg12[%dma_wait3A_1555, %dma_wait3A_1556, %dma_wait3A_1564, %dma_wait3A_1565] : memref<8x2x16x128xf32, #tpu.memory_space<vmem>> -> memref<1x1x16x128xf32, #tpu.memory_space<vmem>>
      %dma_wait3A_1567 = tpu.memref_squeeze %dma_wait3A_1566 : memref<1x1x16x128xf32, #tpu.memory_space<vmem>> -> memref<16x128xf32, #tpu.memory_space<vmem>>
      %dma_wait3A_1568 = arith.constant 0 : i32
      %dma_wait3A_1569 = arith.constant 0 : i32
      %dma_wait3A_1570 = tpu.memref_slice %arg4[%dma_wait3A_1568, %dma_wait3A_1569] : memref<16x1000000xf32, #tpu.memory_space<hbm>> -> memref<16x128xf32, #tpu.memory_space<hbm>>
      tpu.wait_dma2 semaphore(%arg25 : memref<!tpu.dma_semaphore, #tpu.memory_space<semaphore_mem>>) src(%dma_wait3A_1570 : memref<16x128xf32, #tpu.memory_space<hbm>>) dst(%dma_wait3A_1567 : memref<16x128xf32, #tpu.memory_space<vmem>>)
      %dma_wait3A_1571 = arith.constant 6 : i32
      %dma_wait3A_1572 = arith.constant 1 : i32
      %dma_wait3A_1573 = arith.constant 0 : i32
      %dma_wait3A_1574 = arith.constant 0 : i32
      %dma_wait3A_1575 = tpu.memref_slice %arg13[%dma_wait3A_1571, %dma_wait3A_1572, %dma_wait3A_1573, %dma_wait3A_1574] : memref<8x2x16x128xf32, #tpu.memory_space<vmem>> -> memref<1x1x16x128xf32, #tpu.memory_space<vmem>>
      %dma_wait3A_1576 = tpu.memref_squeeze %dma_wait3A_1575 : memref<1x1x16x128xf32, #tpu.memory_space<vmem>> -> memref<16x128xf32, #tpu.memory_space<vmem>>
      %dma_wait3A_1577 = arith.constant 0 : i32
      %dma_wait3A_1578 = arith.constant 0 : i32
      %dma_wait3A_1579 = tpu.memref_slice %arg6[%dma_wait3A_1577, %dma_wait3A_1578] : memref<16x1000000xf32, #tpu.memory_space<hbm>> -> memref<16x128xf32, #tpu.memory_space<hbm>>
      %dma_wait3A_1580 = arith.constant 0 : i32
      %dma_wait3A_1581 = arith.constant 0 : i32
      %dma_wait3A_1582 = tpu.memref_slice %arg13[%dma_wait3A_1571, %dma_wait3A_1572, %dma_wait3A_1580, %dma_wait3A_1581] : memref<8x2x16x128xf32, #tpu.memory_space<vmem>> -> memref<1x1x16x128xf32, #tpu.memory_space<vmem>>
      %dma_wait3A_1583 = tpu.memref_squeeze %dma_wait3A_1582 : memref<1x1x16x128xf32, #tpu.memory_space<vmem>> -> memref<16x128xf32, #tpu.memory_space<vmem>>
      %dma_wait3A_1584 = arith.constant 0 : i32
      %dma_wait3A_1585 = arith.constant 0 : i32
      %dma_wait3A_1586 = tpu.memref_slice %arg6[%dma_wait3A_1584, %dma_wait3A_1585] : memref<16x1000000xf32, #tpu.memory_space<hbm>> -> memref<16x128xf32, #tpu.memory_space<hbm>>
      tpu.wait_dma2 semaphore(%arg25 : memref<!tpu.dma_semaphore, #tpu.memory_space<semaphore_mem>>) src(%dma_wait3A_1586 : memref<16x128xf32, #tpu.memory_space<hbm>>) dst(%dma_wait3A_1583 : memref<16x128xf32, #tpu.memory_space<vmem>>)
      %slice3A_1587 = vector.extract_strided_slice %get3A_691 {offsets = [12], sizes = [1], strides = [1]} : vector<16xi32> to vector<1xi32>
      %squeeze3A_1588 = vector.extract %slice3A_1587[0] : i32 from vector<1xi32>
      %and3A_1589 = arith.constant 127 : i32
      %and3A_1590 = arith.andi %squeeze3A_1588, %and3A_1589 : i32
      %add3A_1591 = vector.broadcast %and3A_1590 : i32 to vector<16xi32>
      %add3A_1592 = arith.addi %add3A_1591, %broadcast_in_dim3A_681 : vector<16xi32>
      %slice3A_1593 = vector.extract_strided_slice %get3A_693 {offsets = [12], sizes = [1], strides = [1]} : vector<16xi32> to vector<1xi32>
      %squeeze3A_1594 = vector.extract %slice3A_1593[0] : i32 from vector<1xi32>
      %and3A_1595 = arith.constant 127 : i32
      %and3A_1596 = arith.andi %squeeze3A_1594, %and3A_1595 : i32
      %add3A_1597 = vector.broadcast %and3A_1596 : i32 to vector<16xi32>
      %add3A_1598 = arith.addi %add3A_1597, %broadcast_in_dim3A_681 : vector<16xi32>
      %gather3A_1599 = arith.constant 6 : i32
      %gather3A_1600 = arith.constant 0 : i32
      %gather3A_1601 = arith.constant 0 : i32
      %gather3A_1602 = arith.constant 0 : i32
      %gather3A_1603 = tpu.memref_slice %arg12[%gather3A_1599, %gather3A_1600, %gather3A_1601, %gather3A_1602] : memref<8x2x16x128xf32, #tpu.memory_space<vmem>> -> memref<1x1x16x128xf32, #tpu.memory_space<vmem>>
      %gather3A_1604 = tpu.memref_squeeze %gather3A_1603 : memref<1x1x16x128xf32, #tpu.memory_space<vmem>> -> memref<16x128xf32, #tpu.memory_space<vmem>>
      %gather3A_1605 = tpu.vector_load_idx %gather3A_1604[%iota3A, %add3A_1592] : memref<16x128xf32, #tpu.memory_space<vmem>>[vector<16xi32>, vector<16xi32>], vector<16xf32>,
      %gather3A_1606 = arith.constant 6 : i32
      %gather3A_1607 = arith.constant 0 : i32
      %gather3A_1608 = arith.constant 0 : i32
      %gather3A_1609 = arith.constant 0 : i32
      %gather3A_1610 = tpu.memref_slice %arg13[%gather3A_1606, %gather3A_1607, %gather3A_1608, %gather3A_1609] : memref<8x2x16x128xf32, #tpu.memory_space<vmem>> -> memref<1x1x16x128xf32, #tpu.memory_space<vmem>>
      %gather3A_1611 = tpu.memref_squeeze %gather3A_1610 : memref<1x1x16x128xf32, #tpu.memory_space<vmem>> -> memref<16x128xf32, #tpu.memory_space<vmem>>
      %gather3A_1612 = tpu.vector_load_idx %gather3A_1611[%iota3A, %add3A_1598] : memref<16x128xf32, #tpu.memory_space<vmem>>[vector<16xi32>, vector<16xi32>], vector<16xf32>,
      %mul3A_1613 = arith.mulf %gather3A_1605, %gather3A_1612 : vector<16xf32>
      %reduce_sum3A_1614 = arith.constant true
      %reduce_sum3A_1615 = vector.broadcast %reduce_sum3A_1614 : i1 to vector<16xi1>
      %reduce_sum3A_1616 = tpu.scan <sum>, %mul3A_1613 masked %reduce_sum3A_1615 : vector<16xf32>, vector<16xi1> -> vector<16xf32>
      %reduce_sum3A_1617 = vector.extract %reduce_sum3A_1616[15] : f32 from vector<16xf32>
      %eq3A_1618 = arith.constant 12 : i32
      %eq3A_1619 = vector.broadcast %eq3A_1618 : i32 to vector<16xi32>
      %eq3A_1620 = arith.cmpi eq, %iota3A, %eq3A_1619 : vector<16xi32>
      %add3A_1621 = vector.broadcast %reduce_sum3A_1617 : f32 to vector<16xf32>
      %add3A_1622 = arith.addf %select_n3A_1522, %add3A_1621 : vector<16xf32>
      %select_n3A_1623 = arith.select %eq3A_1620, %add3A_1622, %select_n3A_1522 : vector<16xi1>, vector<16xf32>
      %slice3A_1624 = vector.extract_strided_slice %get3A_691 {offsets = [13], sizes = [1], strides = [1]} : vector<16xi32> to vector<1xi32>
      %squeeze3A_1625 = vector.extract %slice3A_1624[0] : i32 from vector<1xi32>
      %and3A_1626 = arith.constant 127 : i32
      %and3A_1627 = arith.andi %squeeze3A_1625, %and3A_1626 : i32
      %add3A_1628 = vector.broadcast %and3A_1627 : i32 to vector<16xi32>
      %add3A_1629 = arith.addi %add3A_1628, %broadcast_in_dim3A_681 : vector<16xi32>
      %slice3A_1630 = vector.extract_strided_slice %get3A_693 {offsets = [13], sizes = [1], strides = [1]} : vector<16xi32> to vector<1xi32>
      %squeeze3A_1631 = vector.extract %slice3A_1630[0] : i32 from vector<1xi32>
      %and3A_1632 = arith.constant 127 : i32
      %and3A_1633 = arith.andi %squeeze3A_1631, %and3A_1632 : i32
      %add3A_1634 = vector.broadcast %and3A_1633 : i32 to vector<16xi32>
      %add3A_1635 = arith.addi %add3A_1634, %broadcast_in_dim3A_681 : vector<16xi32>
      %gather3A_1636 = arith.constant 6 : i32
      %gather3A_1637 = arith.constant 1 : i32
      %gather3A_1638 = arith.constant 0 : i32
      %gather3A_1639 = arith.constant 0 : i32
      %gather3A_1640 = tpu.memref_slice %arg12[%gather3A_1636, %gather3A_1637, %gather3A_1638, %gather3A_1639] : memref<8x2x16x128xf32, #tpu.memory_space<vmem>> -> memref<1x1x16x128xf32, #tpu.memory_space<vmem>>
      %gather3A_1641 = tpu.memref_squeeze %gather3A_1640 : memref<1x1x16x128xf32, #tpu.memory_space<vmem>> -> memref<16x128xf32, #tpu.memory_space<vmem>>
      %gather3A_1642 = tpu.vector_load_idx %gather3A_1641[%iota3A, %add3A_1629] : memref<16x128xf32, #tpu.memory_space<vmem>>[vector<16xi32>, vector<16xi32>], vector<16xf32>,
      %gather3A_1643 = arith.constant 6 : i32
      %gather3A_1644 = arith.constant 1 : i32
      %gather3A_1645 = arith.constant 0 : i32
      %gather3A_1646 = arith.constant 0 : i32
      %gather3A_1647 = tpu.memref_slice %arg13[%gather3A_1643, %gather3A_1644, %gather3A_1645, %gather3A_1646] : memref<8x2x16x128xf32, #tpu.memory_space<vmem>> -> memref<1x1x16x128xf32, #tpu.memory_space<vmem>>
      %gather3A_1648 = tpu.memref_squeeze %gather3A_1647 : memref<1x1x16x128xf32, #tpu.memory_space<vmem>> -> memref<16x128xf32, #tpu.memory_space<vmem>>
      %gather3A_1649 = tpu.vector_load_idx %gather3A_1648[%iota3A, %add3A_1635] : memref<16x128xf32, #tpu.memory_space<vmem>>[vector<16xi32>, vector<16xi32>], vector<16xf32>,
      %mul3A_1650 = arith.mulf %gather3A_1642, %gather3A_1649 : vector<16xf32>
      %reduce_sum3A_1651 = arith.constant true
      %reduce_sum3A_1652 = vector.broadcast %reduce_sum3A_1651 : i1 to vector<16xi1>
      %reduce_sum3A_1653 = tpu.scan <sum>, %mul3A_1650 masked %reduce_sum3A_1652 : vector<16xf32>, vector<16xi1> -> vector<16xf32>
      %reduce_sum3A_1654 = vector.extract %reduce_sum3A_1653[15] : f32 from vector<16xf32>
      %eq3A_1655 = arith.constant 13 : i32
      %eq3A_1656 = vector.broadcast %eq3A_1655 : i32 to vector<16xi32>
      %eq3A_1657 = arith.cmpi eq, %iota3A, %eq3A_1656 : vector<16xi32>
      %add3A_1658 = vector.broadcast %reduce_sum3A_1654 : f32 to vector<16xf32>
      %add3A_1659 = arith.addf %select_n3A_1623, %add3A_1658 : vector<16xf32>
      %select_n3A_1660 = arith.select %eq3A_1657, %add3A_1659, %select_n3A_1623 : vector<16xi1>, vector<16xf32>
      %dma_wait3A_1661 = arith.constant 7 : i32
      %dma_wait3A_1662 = arith.constant 0 : i32
      %dma_wait3A_1663 = arith.constant 0 : i32
      %dma_wait3A_1664 = arith.constant 0 : i32
      %dma_wait3A_1665 = tpu.memref_slice %arg12[%dma_wait3A_1661, %dma_wait3A_1662, %dma_wait3A_1663, %dma_wait3A_1664] : memref<8x2x16x128xf32, #tpu.memory_space<vmem>> -> memref<1x1x16x128xf32, #tpu.memory_space<vmem>>
      %dma_wait3A_1666 = tpu.memref_squeeze %dma_wait3A_1665 : memref<1x1x16x128xf32, #tpu.memory_space<vmem>> -> memref<16x128xf32, #tpu.memory_space<vmem>>
      %dma_wait3A_1667 = arith.constant 0 : i32
      %dma_wait3A_1668 = arith.constant 0 : i32
      %dma_wait3A_1669 = tpu.memref_slice %arg4[%dma_wait3A_1667, %dma_wait3A_1668] : memref<16x1000000xf32, #tpu.memory_space<hbm>> -> memref<16x128xf32, #tpu.memory_space<hbm>>
      %dma_wait3A_1670 = arith.constant 0 : i32
      %dma_wait3A_1671 = arith.constant 0 : i32
      %dma_wait3A_1672 = tpu.memref_slice %arg12[%dma_wait3A_1661, %dma_wait3A_1662, %dma_wait3A_1670, %dma_wait3A_1671] : memref<8x2x16x128xf32, #tpu.memory_space<vmem>> -> memref<1x1x16x128xf32, #tpu.memory_space<vmem>>
      %dma_wait3A_1673 = tpu.memref_squeeze %dma_wait3A_1672 : memref<1x1x16x128xf32, #tpu.memory_space<vmem>> -> memref<16x128xf32, #tpu.memory_space<vmem>>
      %dma_wait3A_1674 = arith.constant 0 : i32
      %dma_wait3A_1675 = arith.constant 0 : i32
      %dma_wait3A_1676 = tpu.memref_slice %arg4[%dma_wait3A_1674, %dma_wait3A_1675] : memref<16x1000000xf32, #tpu.memory_space<hbm>> -> memref<16x128xf32, #tpu.memory_space<hbm>>
      tpu.wait_dma2 semaphore(%arg26 : memref<!tpu.dma_semaphore, #tpu.memory_space<semaphore_mem>>) src(%dma_wait3A_1676 : memref<16x128xf32, #tpu.memory_space<hbm>>) dst(%dma_wait3A_1673 : memref<16x128xf32, #tpu.memory_space<vmem>>)
      %dma_wait3A_1677 = arith.constant 7 : i32
      %dma_wait3A_1678 = arith.constant 0 : i32
      %dma_wait3A_1679 = arith.constant 0 : i32
      %dma_wait3A_1680 = arith.constant 0 : i32
      %dma_wait3A_1681 = tpu.memref_slice %arg13[%dma_wait3A_1677, %dma_wait3A_1678, %dma_wait3A_1679, %dma_wait3A_1680] : memref<8x2x16x128xf32, #tpu.memory_space<vmem>> -> memref<1x1x16x128xf32, #tpu.memory_space<vmem>>
      %dma_wait3A_1682 = tpu.memref_squeeze %dma_wait3A_1681 : memref<1x1x16x128xf32, #tpu.memory_space<vmem>> -> memref<16x128xf32, #tpu.memory_space<vmem>>
      %dma_wait3A_1683 = arith.constant 0 : i32
      %dma_wait3A_1684 = arith.constant 0 : i32
      %dma_wait3A_1685 = tpu.memref_slice %arg6[%dma_wait3A_1683, %dma_wait3A_1684] : memref<16x1000000xf32, #tpu.memory_space<hbm>> -> memref<16x128xf32, #tpu.memory_space<hbm>>
      %dma_wait3A_1686 = arith.constant 0 : i32
      %dma_wait3A_1687 = arith.constant 0 : i32
      %dma_wait3A_1688 = tpu.memref_slice %arg13[%dma_wait3A_1677, %dma_wait3A_1678, %dma_wait3A_1686, %dma_wait3A_1687] : memref<8x2x16x128xf32, #tpu.memory_space<vmem>> -> memref<1x1x16x128xf32, #tpu.memory_space<vmem>>
      %dma_wait3A_1689 = tpu.memref_squeeze %dma_wait3A_1688 : memref<1x1x16x128xf32, #tpu.memory_space<vmem>> -> memref<16x128xf32, #tpu.memory_space<vmem>>
      %dma_wait3A_1690 = arith.constant 0 : i32
      %dma_wait3A_1691 = arith.constant 0 : i32
      %dma_wait3A_1692 = tpu.memref_slice %arg6[%dma_wait3A_1690, %dma_wait3A_1691] : memref<16x1000000xf32, #tpu.memory_space<hbm>> -> memref<16x128xf32, #tpu.memory_space<hbm>>
      tpu.wait_dma2 semaphore(%arg26 : memref<!tpu.dma_semaphore, #tpu.memory_space<semaphore_mem>>) src(%dma_wait3A_1692 : memref<16x128xf32, #tpu.memory_space<hbm>>) dst(%dma_wait3A_1689 : memref<16x128xf32, #tpu.memory_space<vmem>>)
      %dma_wait3A_1693 = arith.constant 7 : i32
      %dma_wait3A_1694 = arith.constant 1 : i32
      %dma_wait3A_1695 = arith.constant 0 : i32
      %dma_wait3A_1696 = arith.constant 0 : i32
      %dma_wait3A_1697 = tpu.memref_slice %arg12[%dma_wait3A_1693, %dma_wait3A_1694, %dma_wait3A_1695, %dma_wait3A_1696] : memref<8x2x16x128xf32, #tpu.memory_space<vmem>> -> memref<1x1x16x128xf32, #tpu.memory_space<vmem>>
      %dma_wait3A_1698 = tpu.memref_squeeze %dma_wait3A_1697 : memref<1x1x16x128xf32, #tpu.memory_space<vmem>> -> memref<16x128xf32, #tpu.memory_space<vmem>>
      %dma_wait3A_1699 = arith.constant 0 : i32
      %dma_wait3A_1700 = arith.constant 0 : i32
      %dma_wait3A_1701 = tpu.memref_slice %arg4[%dma_wait3A_1699, %dma_wait3A_1700] : memref<16x1000000xf32, #tpu.memory_space<hbm>> -> memref<16x128xf32, #tpu.memory_space<hbm>>
      %dma_wait3A_1702 = arith.constant 0 : i32
      %dma_wait3A_1703 = arith.constant 0 : i32
      %dma_wait3A_1704 = tpu.memref_slice %arg12[%dma_wait3A_1693, %dma_wait3A_1694, %dma_wait3A_1702, %dma_wait3A_1703] : memref<8x2x16x128xf32, #tpu.memory_space<vmem>> -> memref<1x1x16x128xf32, #tpu.memory_space<vmem>>
      %dma_wait3A_1705 = tpu.memref_squeeze %dma_wait3A_1704 : memref<1x1x16x128xf32, #tpu.memory_space<vmem>> -> memref<16x128xf32, #tpu.memory_space<vmem>>
      %dma_wait3A_1706 = arith.constant 0 : i32
      %dma_wait3A_1707 = arith.constant 0 : i32
      %dma_wait3A_1708 = tpu.memref_slice %arg4[%dma_wait3A_1706, %dma_wait3A_1707] : memref<16x1000000xf32, #tpu.memory_space<hbm>> -> memref<16x128xf32, #tpu.memory_space<hbm>>
      tpu.wait_dma2 semaphore(%arg26 : memref<!tpu.dma_semaphore, #tpu.memory_space<semaphore_mem>>) src(%dma_wait3A_1708 : memref<16x128xf32, #tpu.memory_space<hbm>>) dst(%dma_wait3A_1705 : memref<16x128xf32, #tpu.memory_space<vmem>>)
      %dma_wait3A_1709 = arith.constant 7 : i32
      %dma_wait3A_1710 = arith.constant 1 : i32
      %dma_wait3A_1711 = arith.constant 0 : i32
      %dma_wait3A_1712 = arith.constant 0 : i32
      %dma_wait3A_1713 = tpu.memref_slice %arg13[%dma_wait3A_1709, %dma_wait3A_1710, %dma_wait3A_1711, %dma_wait3A_1712] : memref<8x2x16x128xf32, #tpu.memory_space<vmem>> -> memref<1x1x16x128xf32, #tpu.memory_space<vmem>>
      %dma_wait3A_1714 = tpu.memref_squeeze %dma_wait3A_1713 : memref<1x1x16x128xf32, #tpu.memory_space<vmem>> -> memref<16x128xf32, #tpu.memory_space<vmem>>
      %dma_wait3A_1715 = arith.constant 0 : i32
      %dma_wait3A_1716 = arith.constant 0 : i32
      %dma_wait3A_1717 = tpu.memref_slice %arg6[%dma_wait3A_1715, %dma_wait3A_1716] : memref<16x1000000xf32, #tpu.memory_space<hbm>> -> memref<16x128xf32, #tpu.memory_space<hbm>>
      %dma_wait3A_1718 = arith.constant 0 : i32
      %dma_wait3A_1719 = arith.constant 0 : i32
      %dma_wait3A_1720 = tpu.memref_slice %arg13[%dma_wait3A_1709, %dma_wait3A_1710, %dma_wait3A_1718, %dma_wait3A_1719] : memref<8x2x16x128xf32, #tpu.memory_space<vmem>> -> memref<1x1x16x128xf32, #tpu.memory_space<vmem>>
      %dma_wait3A_1721 = tpu.memref_squeeze %dma_wait3A_1720 : memref<1x1x16x128xf32, #tpu.memory_space<vmem>> -> memref<16x128xf32, #tpu.memory_space<vmem>>
      %dma_wait3A_1722 = arith.constant 0 : i32
      %dma_wait3A_1723 = arith.constant 0 : i32
      %dma_wait3A_1724 = tpu.memref_slice %arg6[%dma_wait3A_1722, %dma_wait3A_1723] : memref<16x1000000xf32, #tpu.memory_space<hbm>> -> memref<16x128xf32, #tpu.memory_space<hbm>>
      tpu.wait_dma2 semaphore(%arg26 : memref<!tpu.dma_semaphore, #tpu.memory_space<semaphore_mem>>) src(%dma_wait3A_1724 : memref<16x128xf32, #tpu.memory_space<hbm>>) dst(%dma_wait3A_1721 : memref<16x128xf32, #tpu.memory_space<vmem>>)
      %slice3A_1725 = vector.extract_strided_slice %get3A_691 {offsets = [14], sizes = [1], strides = [1]} : vector<16xi32> to vector<1xi32>
      %squeeze3A_1726 = vector.extract %slice3A_1725[0] : i32 from vector<1xi32>
      %and3A_1727 = arith.constant 127 : i32
      %and3A_1728 = arith.andi %squeeze3A_1726, %and3A_1727 : i32
      %add3A_1729 = vector.broadcast %and3A_1728 : i32 to vector<16xi32>
      %add3A_1730 = arith.addi %add3A_1729, %broadcast_in_dim3A_681 : vector<16xi32>
      %slice3A_1731 = vector.extract_strided_slice %get3A_693 {offsets = [14], sizes = [1], strides = [1]} : vector<16xi32> to vector<1xi32>
      %squeeze3A_1732 = vector.extract %slice3A_1731[0] : i32 from vector<1xi32>
      %and3A_1733 = arith.constant 127 : i32
      %and3A_1734 = arith.andi %squeeze3A_1732, %and3A_1733 : i32
      %add3A_1735 = vector.broadcast %and3A_1734 : i32 to vector<16xi32>
      %add3A_1736 = arith.addi %add3A_1735, %broadcast_in_dim3A_681 : vector<16xi32>
      %gather3A_1737 = arith.constant 7 : i32
      %gather3A_1738 = arith.constant 0 : i32
      %gather3A_1739 = arith.constant 0 : i32
      %gather3A_1740 = arith.constant 0 : i32
      %gather3A_1741 = tpu.memref_slice %arg12[%gather3A_1737, %gather3A_1738, %gather3A_1739, %gather3A_1740] : memref<8x2x16x128xf32, #tpu.memory_space<vmem>> -> memref<1x1x16x128xf32, #tpu.memory_space<vmem>>
      %gather3A_1742 = tpu.memref_squeeze %gather3A_1741 : memref<1x1x16x128xf32, #tpu.memory_space<vmem>> -> memref<16x128xf32, #tpu.memory_space<vmem>>
      %gather3A_1743 = tpu.vector_load_idx %gather3A_1742[%iota3A, %add3A_1730] : memref<16x128xf32, #tpu.memory_space<vmem>>[vector<16xi32>, vector<16xi32>], vector<16xf32>,
      %gather3A_1744 = arith.constant 7 : i32
      %gather3A_1745 = arith.constant 0 : i32
      %gather3A_1746 = arith.constant 0 : i32
      %gather3A_1747 = arith.constant 0 : i32
      %gather3A_1748 = tpu.memref_slice %arg13[%gather3A_1744, %gather3A_1745, %gather3A_1746, %gather3A_1747] : memref<8x2x16x128xf32, #tpu.memory_space<vmem>> -> memref<1x1x16x128xf32, #tpu.memory_space<vmem>>
      %gather3A_1749 = tpu.memref_squeeze %gather3A_1748 : memref<1x1x16x128xf32, #tpu.memory_space<vmem>> -> memref<16x128xf32, #tpu.memory_space<vmem>>
      %gather3A_1750 = tpu.vector_load_idx %gather3A_1749[%iota3A, %add3A_1736] : memref<16x128xf32, #tpu.memory_space<vmem>>[vector<16xi32>, vector<16xi32>], vector<16xf32>,
      %mul3A_1751 = arith.mulf %gather3A_1743, %gather3A_1750 : vector<16xf32>
      %reduce_sum3A_1752 = arith.constant true
      %reduce_sum3A_1753 = vector.broadcast %reduce_sum3A_1752 : i1 to vector<16xi1>
      %reduce_sum3A_1754 = tpu.scan <sum>, %mul3A_1751 masked %reduce_sum3A_1753 : vector<16xf32>, vector<16xi1> -> vector<16xf32>
      %reduce_sum3A_1755 = vector.extract %reduce_sum3A_1754[15] : f32 from vector<16xf32>
      %eq3A_1756 = arith.constant 14 : i32
      %eq3A_1757 = vector.broadcast %eq3A_1756 : i32 to vector<16xi32>
      %eq3A_1758 = arith.cmpi eq, %iota3A, %eq3A_1757 : vector<16xi32>
      %add3A_1759 = vector.broadcast %reduce_sum3A_1755 : f32 to vector<16xf32>
      %add3A_1760 = arith.addf %select_n3A_1660, %add3A_1759 : vector<16xf32>
      %select_n3A_1761 = arith.select %eq3A_1758, %add3A_1760, %select_n3A_1660 : vector<16xi1>, vector<16xf32>
      %slice3A_1762 = vector.extract_strided_slice %get3A_691 {offsets = [15], sizes = [1], strides = [1]} : vector<16xi32> to vector<1xi32>
      %squeeze3A_1763 = vector.extract %slice3A_1762[0] : i32 from vector<1xi32>
      %and3A_1764 = arith.constant 127 : i32
      %and3A_1765 = arith.andi %squeeze3A_1763, %and3A_1764 : i32
      %add3A_1766 = vector.broadcast %and3A_1765 : i32 to vector<16xi32>
      %add3A_1767 = arith.addi %add3A_1766, %broadcast_in_dim3A_681 : vector<16xi32>
      %slice3A_1768 = vector.extract_strided_slice %get3A_693 {offsets = [15], sizes = [1], strides = [1]} : vector<16xi32> to vector<1xi32>
      %squeeze3A_1769 = vector.extract %slice3A_1768[0] : i32 from vector<1xi32>
      %and3A_1770 = arith.constant 127 : i32
      %and3A_1771 = arith.andi %squeeze3A_1769, %and3A_1770 : i32
      %add3A_1772 = vector.broadcast %and3A_1771 : i32 to vector<16xi32>
      %add3A_1773 = arith.addi %add3A_1772, %broadcast_in_dim3A_681 : vector<16xi32>
      %gather3A_1774 = arith.constant 7 : i32
      %gather3A_1775 = arith.constant 1 : i32
      %gather3A_1776 = arith.constant 0 : i32
      %gather3A_1777 = arith.constant 0 : i32
      %gather3A_1778 = tpu.memref_slice %arg12[%gather3A_1774, %gather3A_1775, %gather3A_1776, %gather3A_1777] : memref<8x2x16x128xf32, #tpu.memory_space<vmem>> -> memref<1x1x16x128xf32, #tpu.memory_space<vmem>>
      %gather3A_1779 = tpu.memref_squeeze %gather3A_1778 : memref<1x1x16x128xf32, #tpu.memory_space<vmem>> -> memref<16x128xf32, #tpu.memory_space<vmem>>
      %gather3A_1780 = tpu.vector_load_idx %gather3A_1779[%iota3A, %add3A_1767] : memref<16x128xf32, #tpu.memory_space<vmem>>[vector<16xi32>, vector<16xi32>], vector<16xf32>,
      %gather3A_1781 = arith.constant 7 : i32
      %gather3A_1782 = arith.constant 1 : i32
      %gather3A_1783 = arith.constant 0 : i32
      %gather3A_1784 = arith.constant 0 : i32
      %gather3A_1785 = tpu.memref_slice %arg13[%gather3A_1781, %gather3A_1782, %gather3A_1783, %gather3A_1784] : memref<8x2x16x128xf32, #tpu.memory_space<vmem>> -> memref<1x1x16x128xf32, #tpu.memory_space<vmem>>
      %gather3A_1786 = tpu.memref_squeeze %gather3A_1785 : memref<1x1x16x128xf32, #tpu.memory_space<vmem>> -> memref<16x128xf32, #tpu.memory_space<vmem>>
      %gather3A_1787 = tpu.vector_load_idx %gather3A_1786[%iota3A, %add3A_1773] : memref<16x128xf32, #tpu.memory_space<vmem>>[vector<16xi32>, vector<16xi32>], vector<16xf32>,
      %mul3A_1788 = arith.mulf %gather3A_1780, %gather3A_1787 : vector<16xf32>
      %reduce_sum3A_1789 = arith.constant true
      %reduce_sum3A_1790 = vector.broadcast %reduce_sum3A_1789 : i1 to vector<16xi1>
      %reduce_sum3A_1791 = tpu.scan <sum>, %mul3A_1788 masked %reduce_sum3A_1790 : vector<16xf32>, vector<16xi1> -> vector<16xf32>
      %reduce_sum3A_1792 = vector.extract %reduce_sum3A_1791[15] : f32 from vector<16xf32>
      %eq3A_1793 = arith.constant 15 : i32
      %eq3A_1794 = vector.broadcast %eq3A_1793 : i32 to vector<16xi32>
      %eq3A_1795 = arith.cmpi eq, %iota3A, %eq3A_1794 : vector<16xi32>
      %add3A_1796 = vector.broadcast %reduce_sum3A_1792 : f32 to vector<16xf32>
      %add3A_1797 = arith.addf %select_n3A_1761, %add3A_1796 : vector<16xf32>
      %select_n3A_1798 = arith.select %eq3A_1795, %add3A_1797, %select_n3A_1761 : vector<16xi1>, vector<16xf32>
      %lt3A = arith.constant 31 : i32
      %lt3A_1799 = arith.cmpi slt, %scan3A_687, %lt3A : i32
      %convert_element_type3A = arith.extui %lt3A_1799 : i1 to i32
      %cond3A = arith.constant 0 : i32
      %cond3A_1800 = arith.cmpi ne, %convert_element_type3A, %cond3A : i32
      scf.if %cond3A_1800 {
        %add3A_1802 = arith.constant 1 : i32
        %add3A_1803 = arith.addi %scan3A_687, %add3A_1802 : i32
        %mul3A_1804 = arith.constant 16 : i32
        %mul3A_1805 = arith.muli %add3A_1803, %mul3A_1804 : i32
        %get3A_1806 = arith.index_cast %mul3A_1805 : i32 to index
        %get3A_1807 = tpu.vector_load %arg10[%get3A_1806] {strides = array<i32>} : memref<512xi32, #tpu.memory_space<vmem>>, vector<16xi32>,
        %mul3A_1808 = arith.constant 16 : i32
        %mul3A_1809 = arith.muli %add3A_1803, %mul3A_1808 : i32
        %get3A_1810 = arith.index_cast %mul3A_1809 : i32 to index
        %get3A_1811 = tpu.vector_load %arg11[%get3A_1810] {strides = array<i32>} : memref<512xi32, #tpu.memory_space<vmem>>, vector<16xi32>,
        %slice3A_1812 = vector.extract_strided_slice %get3A_1807 {offsets = [0], sizes = [1], strides = [1]} : vector<16xi32> to vector<1xi32>
        %squeeze3A_1813 = vector.extract %slice3A_1812[0] : i32 from vector<1xi32>
        %shift_right_arithmetic3A_1814 = arith.constant 7 : i32
        %shift_right_arithmetic3A_1815 = arith.shrsi %squeeze3A_1813, %shift_right_arithmetic3A_1814 : i32
        %shift_left3A_1816 = arith.constant 7 : i32
        %shift_left3A_1817 = arith.shli %shift_right_arithmetic3A_1815, %shift_left3A_1816 : i32
        %multiple_of3A_1818 = tpu.assume_multiple %shift_left3A_1817, 128 : i32
        %slice3A_1819 = vector.extract_strided_slice %get3A_1811 {offsets = [0], sizes = [1], strides = [1]} : vector<16xi32> to vector<1xi32>
        %squeeze3A_1820 = vector.extract %slice3A_1819[0] : i32 from vector<1xi32>
        %shift_right_arithmetic3A_1821 = arith.constant 7 : i32
        %shift_right_arithmetic3A_1822 = arith.shrsi %squeeze3A_1820, %shift_right_arithmetic3A_1821 : i32
        %shift_left3A_1823 = arith.constant 7 : i32
        %shift_left3A_1824 = arith.shli %shift_right_arithmetic3A_1822, %shift_left3A_1823 : i32
        %multiple_of3A_1825 = tpu.assume_multiple %shift_left3A_1824, 128 : i32
        %dma_start3A_1826 = arith.constant 0 : i32
        %dma_start3A_1827 = arith.constant 0 : i32
        %dma_start3A_1828 = arith.constant 0 : i32
        %dma_start3A_1829 = arith.constant 0 : i32
        %dma_start3A_1830 = tpu.memref_slice %arg12[%dma_start3A_1826, %dma_start3A_1827, %dma_start3A_1828, %dma_start3A_1829] : memref<8x2x16x128xf32, #tpu.memory_space<vmem>> -> memref<1x1x16x128xf32, #tpu.memory_space<vmem>>
        %dma_start3A_1831 = tpu.memref_squeeze %dma_start3A_1830 : memref<1x1x16x128xf32, #tpu.memory_space<vmem>> -> memref<16x128xf32, #tpu.memory_space<vmem>>
        %dma_start3A_1832 = arith.constant 0 : i32
        %dma_start3A_1833 = tpu.memref_slice %arg4[%dma_start3A_1832, %multiple_of3A_1818] : memref<16x1000000xf32, #tpu.memory_space<hbm>> -> memref<16x128xf32, #tpu.memory_space<hbm>>
        %dma_start3A_1834 = arith.constant 0 : i32
        %dma_start3A_1835 = arith.constant 0 : i32
        %dma_start3A_1836 = tpu.memref_slice %arg12[%dma_start3A_1826, %dma_start3A_1827, %dma_start3A_1834, %dma_start3A_1835] : memref<8x2x16x128xf32, #tpu.memory_space<vmem>> -> memref<1x1x16x128xf32, #tpu.memory_space<vmem>>
        %dma_start3A_1837 = tpu.memref_squeeze %dma_start3A_1836 : memref<1x1x16x128xf32, #tpu.memory_space<vmem>> -> memref<16x128xf32, #tpu.memory_space<vmem>>
        %dma_start3A_1838 = arith.constant 0 : i32
        %dma_start3A_1839 = tpu.memref_slice %arg4[%dma_start3A_1838, %multiple_of3A_1818] : memref<16x1000000xf32, #tpu.memory_space<hbm>> -> memref<16x128xf32, #tpu.memory_space<hbm>>
        tpu.enqueue_dma source(%dma_start3A_1839 : memref<16x128xf32, #tpu.memory_space<hbm>>) target(%dma_start3A_1837 : memref<16x128xf32, #tpu.memory_space<vmem>>) target_semaphore(%arg19 : memref<!tpu.dma_semaphore, #tpu.memory_space<semaphore_mem>>)
        %dma_start3A_1840 = arith.constant 0 : i32
        %dma_start3A_1841 = arith.constant 0 : i32
        %dma_start3A_1842 = arith.constant 0 : i32
        %dma_start3A_1843 = arith.constant 0 : i32
        %dma_start3A_1844 = tpu.memref_slice %arg13[%dma_start3A_1840, %dma_start3A_1841, %dma_start3A_1842, %dma_start3A_1843] : memref<8x2x16x128xf32, #tpu.memory_space<vmem>> -> memref<1x1x16x128xf32, #tpu.memory_space<vmem>>
        %dma_start3A_1845 = tpu.memref_squeeze %dma_start3A_1844 : memref<1x1x16x128xf32, #tpu.memory_space<vmem>> -> memref<16x128xf32, #tpu.memory_space<vmem>>
        %dma_start3A_1846 = arith.constant 0 : i32
        %dma_start3A_1847 = tpu.memref_slice %arg6[%dma_start3A_1846, %multiple_of3A_1825] : memref<16x1000000xf32, #tpu.memory_space<hbm>> -> memref<16x128xf32, #tpu.memory_space<hbm>>
        %dma_start3A_1848 = arith.constant 0 : i32
        %dma_start3A_1849 = arith.constant 0 : i32
        %dma_start3A_1850 = tpu.memref_slice %arg13[%dma_start3A_1840, %dma_start3A_1841, %dma_start3A_1848, %dma_start3A_1849] : memref<8x2x16x128xf32, #tpu.memory_space<vmem>> -> memref<1x1x16x128xf32, #tpu.memory_space<vmem>>
        %dma_start3A_1851 = tpu.memref_squeeze %dma_start3A_1850 : memref<1x1x16x128xf32, #tpu.memory_space<vmem>> -> memref<16x128xf32, #tpu.memory_space<vmem>>
        %dma_start3A_1852 = arith.constant 0 : i32
        %dma_start3A_1853 = tpu.memref_slice %arg6[%dma_start3A_1852, %multiple_of3A_1825] : memref<16x1000000xf32, #tpu.memory_space<hbm>> -> memref<16x128xf32, #tpu.memory_space<hbm>>
        tpu.enqueue_dma source(%dma_start3A_1853 : memref<16x128xf32, #tpu.memory_space<hbm>>) target(%dma_start3A_1851 : memref<16x128xf32, #tpu.memory_space<vmem>>) target_semaphore(%arg19 : memref<!tpu.dma_semaphore, #tpu.memory_space<semaphore_mem>>)
        %slice3A_1854 = vector.extract_strided_slice %get3A_1807 {offsets = [1], sizes = [1], strides = [1]} : vector<16xi32> to vector<1xi32>
        %squeeze3A_1855 = vector.extract %slice3A_1854[0] : i32 from vector<1xi32>
        %shift_right_arithmetic3A_1856 = arith.constant 7 : i32
        %shift_right_arithmetic3A_1857 = arith.shrsi %squeeze3A_1855, %shift_right_arithmetic3A_1856 : i32
        %shift_left3A_1858 = arith.constant 7 : i32
        %shift_left3A_1859 = arith.shli %shift_right_arithmetic3A_1857, %shift_left3A_1858 : i32
        %multiple_of3A_1860 = tpu.assume_multiple %shift_left3A_1859, 128 : i32
        %slice3A_1861 = vector.extract_strided_slice %get3A_1811 {offsets = [1], sizes = [1], strides = [1]} : vector<16xi32> to vector<1xi32>
        %squeeze3A_1862 = vector.extract %slice3A_1861[0] : i32 from vector<1xi32>
        %shift_right_arithmetic3A_1863 = arith.constant 7 : i32
        %shift_right_arithmetic3A_1864 = arith.shrsi %squeeze3A_1862, %shift_right_arithmetic3A_1863 : i32
        %shift_left3A_1865 = arith.constant 7 : i32
        %shift_left3A_1866 = arith.shli %shift_right_arithmetic3A_1864, %shift_left3A_1865 : i32
        %multiple_of3A_1867 = tpu.assume_multiple %shift_left3A_1866, 128 : i32
        %dma_start3A_1868 = arith.constant 0 : i32
        %dma_start3A_1869 = arith.constant 1 : i32
        %dma_start3A_1870 = arith.constant 0 : i32
        %dma_start3A_1871 = arith.constant 0 : i32
        %dma_start3A_1872 = tpu.memref_slice %arg12[%dma_start3A_1868, %dma_start3A_1869, %dma_start3A_1870, %dma_start3A_1871] : memref<8x2x16x128xf32, #tpu.memory_space<vmem>> -> memref<1x1x16x128xf32, #tpu.memory_space<vmem>>
        %dma_start3A_1873 = tpu.memref_squeeze %dma_start3A_1872 : memref<1x1x16x128xf32, #tpu.memory_space<vmem>> -> memref<16x128xf32, #tpu.memory_space<vmem>>
        %dma_start3A_1874 = arith.constant 0 : i32
        %dma_start3A_1875 = tpu.memref_slice %arg4[%dma_start3A_1874, %multiple_of3A_1860] : memref<16x1000000xf32, #tpu.memory_space<hbm>> -> memref<16x128xf32, #tpu.memory_space<hbm>>
        %dma_start3A_1876 = arith.constant 0 : i32
        %dma_start3A_1877 = arith.constant 0 : i32
        %dma_start3A_1878 = tpu.memref_slice %arg12[%dma_start3A_1868, %dma_start3A_1869, %dma_start3A_1876, %dma_start3A_1877] : memref<8x2x16x128xf32, #tpu.memory_space<vmem>> -> memref<1x1x16x128xf32, #tpu.memory_space<vmem>>
        %dma_start3A_1879 = tpu.memref_squeeze %dma_start3A_1878 : memref<1x1x16x128xf32, #tpu.memory_space<vmem>> -> memref<16x128xf32, #tpu.memory_space<vmem>>
        %dma_start3A_1880 = arith.constant 0 : i32
        %dma_start3A_1881 = tpu.memref_slice %arg4[%dma_start3A_1880, %multiple_of3A_1860] : memref<16x1000000xf32, #tpu.memory_space<hbm>> -> memref<16x128xf32, #tpu.memory_space<hbm>>
        tpu.enqueue_dma source(%dma_start3A_1881 : memref<16x128xf32, #tpu.memory_space<hbm>>) target(%dma_start3A_1879 : memref<16x128xf32, #tpu.memory_space<vmem>>) target_semaphore(%arg19 : memref<!tpu.dma_semaphore, #tpu.memory_space<semaphore_mem>>)
        %dma_start3A_1882 = arith.constant 0 : i32
        %dma_start3A_1883 = arith.constant 1 : i32
        %dma_start3A_1884 = arith.constant 0 : i32
        %dma_start3A_1885 = arith.constant 0 : i32
        %dma_start3A_1886 = tpu.memref_slice %arg13[%dma_start3A_1882, %dma_start3A_1883, %dma_start3A_1884, %dma_start3A_1885] : memref<8x2x16x128xf32, #tpu.memory_space<vmem>> -> memref<1x1x16x128xf32, #tpu.memory_space<vmem>>
        %dma_start3A_1887 = tpu.memref_squeeze %dma_start3A_1886 : memref<1x1x16x128xf32, #tpu.memory_space<vmem>> -> memref<16x128xf32, #tpu.memory_space<vmem>>
        %dma_start3A_1888 = arith.constant 0 : i32
        %dma_start3A_1889 = tpu.memref_slice %arg6[%dma_start3A_1888, %multiple_of3A_1867] : memref<16x1000000xf32, #tpu.memory_space<hbm>> -> memref<16x128xf32, #tpu.memory_space<hbm>>
        %dma_start3A_1890 = arith.constant 0 : i32
        %dma_start3A_1891 = arith.constant 0 : i32
        %dma_start3A_1892 = tpu.memref_slice %arg13[%dma_start3A_1882, %dma_start3A_1883, %dma_start3A_1890, %dma_start3A_1891] : memref<8x2x16x128xf32, #tpu.memory_space<vmem>> -> memref<1x1x16x128xf32, #tpu.memory_space<vmem>>
        %dma_start3A_1893 = tpu.memref_squeeze %dma_start3A_1892 : memref<1x1x16x128xf32, #tpu.memory_space<vmem>> -> memref<16x128xf32, #tpu.memory_space<vmem>>
        %dma_start3A_1894 = arith.constant 0 : i32
        %dma_start3A_1895 = tpu.memref_slice %arg6[%dma_start3A_1894, %multiple_of3A_1867] : memref<16x1000000xf32, #tpu.memory_space<hbm>> -> memref<16x128xf32, #tpu.memory_space<hbm>>
        tpu.enqueue_dma source(%dma_start3A_1895 : memref<16x128xf32, #tpu.memory_space<hbm>>) target(%dma_start3A_1893 : memref<16x128xf32, #tpu.memory_space<vmem>>) target_semaphore(%arg19 : memref<!tpu.dma_semaphore, #tpu.memory_space<semaphore_mem>>)
        %slice3A_1896 = vector.extract_strided_slice %get3A_1807 {offsets = [2], sizes = [1], strides = [1]} : vector<16xi32> to vector<1xi32>
        %squeeze3A_1897 = vector.extract %slice3A_1896[0] : i32 from vector<1xi32>
        %shift_right_arithmetic3A_1898 = arith.constant 7 : i32
        %shift_right_arithmetic3A_1899 = arith.shrsi %squeeze3A_1897, %shift_right_arithmetic3A_1898 : i32
        %shift_left3A_1900 = arith.constant 7 : i32
        %shift_left3A_1901 = arith.shli %shift_right_arithmetic3A_1899, %shift_left3A_1900 : i32
        %multiple_of3A_1902 = tpu.assume_multiple %shift_left3A_1901, 128 : i32
        %slice3A_1903 = vector.extract_strided_slice %get3A_1811 {offsets = [2], sizes = [1], strides = [1]} : vector<16xi32> to vector<1xi32>
        %squeeze3A_1904 = vector.extract %slice3A_1903[0] : i32 from vector<1xi32>
        %shift_right_arithmetic3A_1905 = arith.constant 7 : i32
        %shift_right_arithmetic3A_1906 = arith.shrsi %squeeze3A_1904, %shift_right_arithmetic3A_1905 : i32
        %shift_left3A_1907 = arith.constant 7 : i32
        %shift_left3A_1908 = arith.shli %shift_right_arithmetic3A_1906, %shift_left3A_1907 : i32
        %multiple_of3A_1909 = tpu.assume_multiple %shift_left3A_1908, 128 : i32
        %dma_start3A_1910 = arith.constant 1 : i32
        %dma_start3A_1911 = arith.constant 0 : i32
        %dma_start3A_1912 = arith.constant 0 : i32
        %dma_start3A_1913 = arith.constant 0 : i32
        %dma_start3A_1914 = tpu.memref_slice %arg12[%dma_start3A_1910, %dma_start3A_1911, %dma_start3A_1912, %dma_start3A_1913] : memref<8x2x16x128xf32, #tpu.memory_space<vmem>> -> memref<1x1x16x128xf32, #tpu.memory_space<vmem>>
        %dma_start3A_1915 = tpu.memref_squeeze %dma_start3A_1914 : memref<1x1x16x128xf32, #tpu.memory_space<vmem>> -> memref<16x128xf32, #tpu.memory_space<vmem>>
        %dma_start3A_1916 = arith.constant 0 : i32
        %dma_start3A_1917 = tpu.memref_slice %arg4[%dma_start3A_1916, %multiple_of3A_1902] : memref<16x1000000xf32, #tpu.memory_space<hbm>> -> memref<16x128xf32, #tpu.memory_space<hbm>>
        %dma_start3A_1918 = arith.constant 0 : i32
        %dma_start3A_1919 = arith.constant 0 : i32
        %dma_start3A_1920 = tpu.memref_slice %arg12[%dma_start3A_1910, %dma_start3A_1911, %dma_start3A_1918, %dma_start3A_1919] : memref<8x2x16x128xf32, #tpu.memory_space<vmem>> -> memref<1x1x16x128xf32, #tpu.memory_space<vmem>>
        %dma_start3A_1921 = tpu.memref_squeeze %dma_start3A_1920 : memref<1x1x16x128xf32, #tpu.memory_space<vmem>> -> memref<16x128xf32, #tpu.memory_space<vmem>>
        %dma_start3A_1922 = arith.constant 0 : i32
        %dma_start3A_1923 = tpu.memref_slice %arg4[%dma_start3A_1922, %multiple_of3A_1902] : memref<16x1000000xf32, #tpu.memory_space<hbm>> -> memref<16x128xf32, #tpu.memory_space<hbm>>
        tpu.enqueue_dma source(%dma_start3A_1923 : memref<16x128xf32, #tpu.memory_space<hbm>>) target(%dma_start3A_1921 : memref<16x128xf32, #tpu.memory_space<vmem>>) target_semaphore(%arg20 : memref<!tpu.dma_semaphore, #tpu.memory_space<semaphore_mem>>)
        %dma_start3A_1924 = arith.constant 1 : i32
        %dma_start3A_1925 = arith.constant 0 : i32
        %dma_start3A_1926 = arith.constant 0 : i32
        %dma_start3A_1927 = arith.constant 0 : i32
        %dma_start3A_1928 = tpu.memref_slice %arg13[%dma_start3A_1924, %dma_start3A_1925, %dma_start3A_1926, %dma_start3A_1927] : memref<8x2x16x128xf32, #tpu.memory_space<vmem>> -> memref<1x1x16x128xf32, #tpu.memory_space<vmem>>
        %dma_start3A_1929 = tpu.memref_squeeze %dma_start3A_1928 : memref<1x1x16x128xf32, #tpu.memory_space<vmem>> -> memref<16x128xf32, #tpu.memory_space<vmem>>
        %dma_start3A_1930 = arith.constant 0 : i32
        %dma_start3A_1931 = tpu.memref_slice %arg6[%dma_start3A_1930, %multiple_of3A_1909] : memref<16x1000000xf32, #tpu.memory_space<hbm>> -> memref<16x128xf32, #tpu.memory_space<hbm>>
        %dma_start3A_1932 = arith.constant 0 : i32
        %dma_start3A_1933 = arith.constant 0 : i32
        %dma_start3A_1934 = tpu.memref_slice %arg13[%dma_start3A_1924, %dma_start3A_1925, %dma_start3A_1932, %dma_start3A_1933] : memref<8x2x16x128xf32, #tpu.memory_space<vmem>> -> memref<1x1x16x128xf32, #tpu.memory_space<vmem>>
        %dma_start3A_1935 = tpu.memref_squeeze %dma_start3A_1934 : memref<1x1x16x128xf32, #tpu.memory_space<vmem>> -> memref<16x128xf32, #tpu.memory_space<vmem>>
        %dma_start3A_1936 = arith.constant 0 : i32
        %dma_start3A_1937 = tpu.memref_slice %arg6[%dma_start3A_1936, %multiple_of3A_1909] : memref<16x1000000xf32, #tpu.memory_space<hbm>> -> memref<16x128xf32, #tpu.memory_space<hbm>>
        tpu.enqueue_dma source(%dma_start3A_1937 : memref<16x128xf32, #tpu.memory_space<hbm>>) target(%dma_start3A_1935 : memref<16x128xf32, #tpu.memory_space<vmem>>) target_semaphore(%arg20 : memref<!tpu.dma_semaphore, #tpu.memory_space<semaphore_mem>>)
        %slice3A_1938 = vector.extract_strided_slice %get3A_1807 {offsets = [3], sizes = [1], strides = [1]} : vector<16xi32> to vector<1xi32>
        %squeeze3A_1939 = vector.extract %slice3A_1938[0] : i32 from vector<1xi32>
        %shift_right_arithmetic3A_1940 = arith.constant 7 : i32
        %shift_right_arithmetic3A_1941 = arith.shrsi %squeeze3A_1939, %shift_right_arithmetic3A_1940 : i32
        %shift_left3A_1942 = arith.constant 7 : i32
        %shift_left3A_1943 = arith.shli %shift_right_arithmetic3A_1941, %shift_left3A_1942 : i32
        %multiple_of3A_1944 = tpu.assume_multiple %shift_left3A_1943, 128 : i32
        %slice3A_1945 = vector.extract_strided_slice %get3A_1811 {offsets = [3], sizes = [1], strides = [1]} : vector<16xi32> to vector<1xi32>
        %squeeze3A_1946 = vector.extract %slice3A_1945[0] : i32 from vector<1xi32>
        %shift_right_arithmetic3A_1947 = arith.constant 7 : i32
        %shift_right_arithmetic3A_1948 = arith.shrsi %squeeze3A_1946, %shift_right_arithmetic3A_1947 : i32
        %shift_left3A_1949 = arith.constant 7 : i32
        %shift_left3A_1950 = arith.shli %shift_right_arithmetic3A_1948, %shift_left3A_1949 : i32
        %multiple_of3A_1951 = tpu.assume_multiple %shift_left3A_1950, 128 : i32
        %dma_start3A_1952 = arith.constant 1 : i32
        %dma_start3A_1953 = arith.constant 1 : i32
        %dma_start3A_1954 = arith.constant 0 : i32
        %dma_start3A_1955 = arith.constant 0 : i32
        %dma_start3A_1956 = tpu.memref_slice %arg12[%dma_start3A_1952, %dma_start3A_1953, %dma_start3A_1954, %dma_start3A_1955] : memref<8x2x16x128xf32, #tpu.memory_space<vmem>> -> memref<1x1x16x128xf32, #tpu.memory_space<vmem>>
        %dma_start3A_1957 = tpu.memref_squeeze %dma_start3A_1956 : memref<1x1x16x128xf32, #tpu.memory_space<vmem>> -> memref<16x128xf32, #tpu.memory_space<vmem>>
        %dma_start3A_1958 = arith.constant 0 : i32
        %dma_start3A_1959 = tpu.memref_slice %arg4[%dma_start3A_1958, %multiple_of3A_1944] : memref<16x1000000xf32, #tpu.memory_space<hbm>> -> memref<16x128xf32, #tpu.memory_space<hbm>>
        %dma_start3A_1960 = arith.constant 0 : i32
        %dma_start3A_1961 = arith.constant 0 : i32
        %dma_start3A_1962 = tpu.memref_slice %arg12[%dma_start3A_1952, %dma_start3A_1953, %dma_start3A_1960, %dma_start3A_1961] : memref<8x2x16x128xf32, #tpu.memory_space<vmem>> -> memref<1x1x16x128xf32, #tpu.memory_space<vmem>>
        %dma_start3A_1963 = tpu.memref_squeeze %dma_start3A_1962 : memref<1x1x16x128xf32, #tpu.memory_space<vmem>> -> memref<16x128xf32, #tpu.memory_space<vmem>>
        %dma_start3A_1964 = arith.constant 0 : i32
        %dma_start3A_1965 = tpu.memref_slice %arg4[%dma_start3A_1964, %multiple_of3A_1944] : memref<16x1000000xf32, #tpu.memory_space<hbm>> -> memref<16x128xf32, #tpu.memory_space<hbm>>
        tpu.enqueue_dma source(%dma_start3A_1965 : memref<16x128xf32, #tpu.memory_space<hbm>>) target(%dma_start3A_1963 : memref<16x128xf32, #tpu.memory_space<vmem>>) target_semaphore(%arg20 : memref<!tpu.dma_semaphore, #tpu.memory_space<semaphore_mem>>)
        %dma_start3A_1966 = arith.constant 1 : i32
        %dma_start3A_1967 = arith.constant 1 : i32
        %dma_start3A_1968 = arith.constant 0 : i32
        %dma_start3A_1969 = arith.constant 0 : i32
        %dma_start3A_1970 = tpu.memref_slice %arg13[%dma_start3A_1966, %dma_start3A_1967, %dma_start3A_1968, %dma_start3A_1969] : memref<8x2x16x128xf32, #tpu.memory_space<vmem>> -> memref<1x1x16x128xf32, #tpu.memory_space<vmem>>
        %dma_start3A_1971 = tpu.memref_squeeze %dma_start3A_1970 : memref<1x1x16x128xf32, #tpu.memory_space<vmem>> -> memref<16x128xf32, #tpu.memory_space<vmem>>
        %dma_start3A_1972 = arith.constant 0 : i32
        %dma_start3A_1973 = tpu.memref_slice %arg6[%dma_start3A_1972, %multiple_of3A_1951] : memref<16x1000000xf32, #tpu.memory_space<hbm>> -> memref<16x128xf32, #tpu.memory_space<hbm>>
        %dma_start3A_1974 = arith.constant 0 : i32
        %dma_start3A_1975 = arith.constant 0 : i32
        %dma_start3A_1976 = tpu.memref_slice %arg13[%dma_start3A_1966, %dma_start3A_1967, %dma_start3A_1974, %dma_start3A_1975] : memref<8x2x16x128xf32, #tpu.memory_space<vmem>> -> memref<1x1x16x128xf32, #tpu.memory_space<vmem>>
        %dma_start3A_1977 = tpu.memref_squeeze %dma_start3A_1976 : memref<1x1x16x128xf32, #tpu.memory_space<vmem>> -> memref<16x128xf32, #tpu.memory_space<vmem>>
        %dma_start3A_1978 = arith.constant 0 : i32
        %dma_start3A_1979 = tpu.memref_slice %arg6[%dma_start3A_1978, %multiple_of3A_1951] : memref<16x1000000xf32, #tpu.memory_space<hbm>> -> memref<16x128xf32, #tpu.memory_space<hbm>>
        tpu.enqueue_dma source(%dma_start3A_1979 : memref<16x128xf32, #tpu.memory_space<hbm>>) target(%dma_start3A_1977 : memref<16x128xf32, #tpu.memory_space<vmem>>) target_semaphore(%arg20 : memref<!tpu.dma_semaphore, #tpu.memory_space<semaphore_mem>>)
        %slice3A_1980 = vector.extract_strided_slice %get3A_1807 {offsets = [4], sizes = [1], strides = [1]} : vector<16xi32> to vector<1xi32>
        %squeeze3A_1981 = vector.extract %slice3A_1980[0] : i32 from vector<1xi32>
        %shift_right_arithmetic3A_1982 = arith.constant 7 : i32
        %shift_right_arithmetic3A_1983 = arith.shrsi %squeeze3A_1981, %shift_right_arithmetic3A_1982 : i32
        %shift_left3A_1984 = arith.constant 7 : i32
        %shift_left3A_1985 = arith.shli %shift_right_arithmetic3A_1983, %shift_left3A_1984 : i32
        %multiple_of3A_1986 = tpu.assume_multiple %shift_left3A_1985, 128 : i32
        %slice3A_1987 = vector.extract_strided_slice %get3A_1811 {offsets = [4], sizes = [1], strides = [1]} : vector<16xi32> to vector<1xi32>
        %squeeze3A_1988 = vector.extract %slice3A_1987[0] : i32 from vector<1xi32>
        %shift_right_arithmetic3A_1989 = arith.constant 7 : i32
        %shift_right_arithmetic3A_1990 = arith.shrsi %squeeze3A_1988, %shift_right_arithmetic3A_1989 : i32
        %shift_left3A_1991 = arith.constant 7 : i32
        %shift_left3A_1992 = arith.shli %shift_right_arithmetic3A_1990, %shift_left3A_1991 : i32
        %multiple_of3A_1993 = tpu.assume_multiple %shift_left3A_1992, 128 : i32
        %dma_start3A_1994 = arith.constant 2 : i32
        %dma_start3A_1995 = arith.constant 0 : i32
        %dma_start3A_1996 = arith.constant 0 : i32
        %dma_start3A_1997 = arith.constant 0 : i32
        %dma_start3A_1998 = tpu.memref_slice %arg12[%dma_start3A_1994, %dma_start3A_1995, %dma_start3A_1996, %dma_start3A_1997] : memref<8x2x16x128xf32, #tpu.memory_space<vmem>> -> memref<1x1x16x128xf32, #tpu.memory_space<vmem>>
        %dma_start3A_1999 = tpu.memref_squeeze %dma_start3A_1998 : memref<1x1x16x128xf32, #tpu.memory_space<vmem>> -> memref<16x128xf32, #tpu.memory_space<vmem>>
        %dma_start3A_2000 = arith.constant 0 : i32
        %dma_start3A_2001 = tpu.memref_slice %arg4[%dma_start3A_2000, %multiple_of3A_1986] : memref<16x1000000xf32, #tpu.memory_space<hbm>> -> memref<16x128xf32, #tpu.memory_space<hbm>>
        %dma_start3A_2002 = arith.constant 0 : i32
        %dma_start3A_2003 = arith.constant 0 : i32
        %dma_start3A_2004 = tpu.memref_slice %arg12[%dma_start3A_1994, %dma_start3A_1995, %dma_start3A_2002, %dma_start3A_2003] : memref<8x2x16x128xf32, #tpu.memory_space<vmem>> -> memref<1x1x16x128xf32, #tpu.memory_space<vmem>>
        %dma_start3A_2005 = tpu.memref_squeeze %dma_start3A_2004 : memref<1x1x16x128xf32, #tpu.memory_space<vmem>> -> memref<16x128xf32, #tpu.memory_space<vmem>>
        %dma_start3A_2006 = arith.constant 0 : i32
        %dma_start3A_2007 = tpu.memref_slice %arg4[%dma_start3A_2006, %multiple_of3A_1986] : memref<16x1000000xf32, #tpu.memory_space<hbm>> -> memref<16x128xf32, #tpu.memory_space<hbm>>
        tpu.enqueue_dma source(%dma_start3A_2007 : memref<16x128xf32, #tpu.memory_space<hbm>>) target(%dma_start3A_2005 : memref<16x128xf32, #tpu.memory_space<vmem>>) target_semaphore(%arg21 : memref<!tpu.dma_semaphore, #tpu.memory_space<semaphore_mem>>)
        %dma_start3A_2008 = arith.constant 2 : i32
        %dma_start3A_2009 = arith.constant 0 : i32
        %dma_start3A_2010 = arith.constant 0 : i32
        %dma_start3A_2011 = arith.constant 0 : i32
        %dma_start3A_2012 = tpu.memref_slice %arg13[%dma_start3A_2008, %dma_start3A_2009, %dma_start3A_2010, %dma_start3A_2011] : memref<8x2x16x128xf32, #tpu.memory_space<vmem>> -> memref<1x1x16x128xf32, #tpu.memory_space<vmem>>
        %dma_start3A_2013 = tpu.memref_squeeze %dma_start3A_2012 : memref<1x1x16x128xf32, #tpu.memory_space<vmem>> -> memref<16x128xf32, #tpu.memory_space<vmem>>
        %dma_start3A_2014 = arith.constant 0 : i32
        %dma_start3A_2015 = tpu.memref_slice %arg6[%dma_start3A_2014, %multiple_of3A_1993] : memref<16x1000000xf32, #tpu.memory_space<hbm>> -> memref<16x128xf32, #tpu.memory_space<hbm>>
        %dma_start3A_2016 = arith.constant 0 : i32
        %dma_start3A_2017 = arith.constant 0 : i32
        %dma_start3A_2018 = tpu.memref_slice %arg13[%dma_start3A_2008, %dma_start3A_2009, %dma_start3A_2016, %dma_start3A_2017] : memref<8x2x16x128xf32, #tpu.memory_space<vmem>> -> memref<1x1x16x128xf32, #tpu.memory_space<vmem>>
        %dma_start3A_2019 = tpu.memref_squeeze %dma_start3A_2018 : memref<1x1x16x128xf32, #tpu.memory_space<vmem>> -> memref<16x128xf32, #tpu.memory_space<vmem>>
        %dma_start3A_2020 = arith.constant 0 : i32
        %dma_start3A_2021 = tpu.memref_slice %arg6[%dma_start3A_2020, %multiple_of3A_1993] : memref<16x1000000xf32, #tpu.memory_space<hbm>> -> memref<16x128xf32, #tpu.memory_space<hbm>>
        tpu.enqueue_dma source(%dma_start3A_2021 : memref<16x128xf32, #tpu.memory_space<hbm>>) target(%dma_start3A_2019 : memref<16x128xf32, #tpu.memory_space<vmem>>) target_semaphore(%arg21 : memref<!tpu.dma_semaphore, #tpu.memory_space<semaphore_mem>>)
        %slice3A_2022 = vector.extract_strided_slice %get3A_1807 {offsets = [5], sizes = [1], strides = [1]} : vector<16xi32> to vector<1xi32>
        %squeeze3A_2023 = vector.extract %slice3A_2022[0] : i32 from vector<1xi32>
        %shift_right_arithmetic3A_2024 = arith.constant 7 : i32
        %shift_right_arithmetic3A_2025 = arith.shrsi %squeeze3A_2023, %shift_right_arithmetic3A_2024 : i32
        %shift_left3A_2026 = arith.constant 7 : i32
        %shift_left3A_2027 = arith.shli %shift_right_arithmetic3A_2025, %shift_left3A_2026 : i32
        %multiple_of3A_2028 = tpu.assume_multiple %shift_left3A_2027, 128 : i32
        %slice3A_2029 = vector.extract_strided_slice %get3A_1811 {offsets = [5], sizes = [1], strides = [1]} : vector<16xi32> to vector<1xi32>
        %squeeze3A_2030 = vector.extract %slice3A_2029[0] : i32 from vector<1xi32>
        %shift_right_arithmetic3A_2031 = arith.constant 7 : i32
        %shift_right_arithmetic3A_2032 = arith.shrsi %squeeze3A_2030, %shift_right_arithmetic3A_2031 : i32
        %shift_left3A_2033 = arith.constant 7 : i32
        %shift_left3A_2034 = arith.shli %shift_right_arithmetic3A_2032, %shift_left3A_2033 : i32
        %multiple_of3A_2035 = tpu.assume_multiple %shift_left3A_2034, 128 : i32
        %dma_start3A_2036 = arith.constant 2 : i32
        %dma_start3A_2037 = arith.constant 1 : i32
        %dma_start3A_2038 = arith.constant 0 : i32
        %dma_start3A_2039 = arith.constant 0 : i32
        %dma_start3A_2040 = tpu.memref_slice %arg12[%dma_start3A_2036, %dma_start3A_2037, %dma_start3A_2038, %dma_start3A_2039] : memref<8x2x16x128xf32, #tpu.memory_space<vmem>> -> memref<1x1x16x128xf32, #tpu.memory_space<vmem>>
        %dma_start3A_2041 = tpu.memref_squeeze %dma_start3A_2040 : memref<1x1x16x128xf32, #tpu.memory_space<vmem>> -> memref<16x128xf32, #tpu.memory_space<vmem>>
        %dma_start3A_2042 = arith.constant 0 : i32
        %dma_start3A_2043 = tpu.memref_slice %arg4[%dma_start3A_2042, %multiple_of3A_2028] : memref<16x1000000xf32, #tpu.memory_space<hbm>> -> memref<16x128xf32, #tpu.memory_space<hbm>>
        %dma_start3A_2044 = arith.constant 0 : i32
        %dma_start3A_2045 = arith.constant 0 : i32
        %dma_start3A_2046 = tpu.memref_slice %arg12[%dma_start3A_2036, %dma_start3A_2037, %dma_start3A_2044, %dma_start3A_2045] : memref<8x2x16x128xf32, #tpu.memory_space<vmem>> -> memref<1x1x16x128xf32, #tpu.memory_space<vmem>>
        %dma_start3A_2047 = tpu.memref_squeeze %dma_start3A_2046 : memref<1x1x16x128xf32, #tpu.memory_space<vmem>> -> memref<16x128xf32, #tpu.memory_space<vmem>>
        %dma_start3A_2048 = arith.constant 0 : i32
        %dma_start3A_2049 = tpu.memref_slice %arg4[%dma_start3A_2048, %multiple_of3A_2028] : memref<16x1000000xf32, #tpu.memory_space<hbm>> -> memref<16x128xf32, #tpu.memory_space<hbm>>
        tpu.enqueue_dma source(%dma_start3A_2049 : memref<16x128xf32, #tpu.memory_space<hbm>>) target(%dma_start3A_2047 : memref<16x128xf32, #tpu.memory_space<vmem>>) target_semaphore(%arg21 : memref<!tpu.dma_semaphore, #tpu.memory_space<semaphore_mem>>)
        %dma_start3A_2050 = arith.constant 2 : i32
        %dma_start3A_2051 = arith.constant 1 : i32
        %dma_start3A_2052 = arith.constant 0 : i32
        %dma_start3A_2053 = arith.constant 0 : i32
        %dma_start3A_2054 = tpu.memref_slice %arg13[%dma_start3A_2050, %dma_start3A_2051, %dma_start3A_2052, %dma_start3A_2053] : memref<8x2x16x128xf32, #tpu.memory_space<vmem>> -> memref<1x1x16x128xf32, #tpu.memory_space<vmem>>
        %dma_start3A_2055 = tpu.memref_squeeze %dma_start3A_2054 : memref<1x1x16x128xf32, #tpu.memory_space<vmem>> -> memref<16x128xf32, #tpu.memory_space<vmem>>
        %dma_start3A_2056 = arith.constant 0 : i32
        %dma_start3A_2057 = tpu.memref_slice %arg6[%dma_start3A_2056, %multiple_of3A_2035] : memref<16x1000000xf32, #tpu.memory_space<hbm>> -> memref<16x128xf32, #tpu.memory_space<hbm>>
        %dma_start3A_2058 = arith.constant 0 : i32
        %dma_start3A_2059 = arith.constant 0 : i32
        %dma_start3A_2060 = tpu.memref_slice %arg13[%dma_start3A_2050, %dma_start3A_2051, %dma_start3A_2058, %dma_start3A_2059] : memref<8x2x16x128xf32, #tpu.memory_space<vmem>> -> memref<1x1x16x128xf32, #tpu.memory_space<vmem>>
        %dma_start3A_2061 = tpu.memref_squeeze %dma_start3A_2060 : memref<1x1x16x128xf32, #tpu.memory_space<vmem>> -> memref<16x128xf32, #tpu.memory_space<vmem>>
        %dma_start3A_2062 = arith.constant 0 : i32
        %dma_start3A_2063 = tpu.memref_slice %arg6[%dma_start3A_2062, %multiple_of3A_2035] : memref<16x1000000xf32, #tpu.memory_space<hbm>> -> memref<16x128xf32, #tpu.memory_space<hbm>>
        tpu.enqueue_dma source(%dma_start3A_2063 : memref<16x128xf32, #tpu.memory_space<hbm>>) target(%dma_start3A_2061 : memref<16x128xf32, #tpu.memory_space<vmem>>) target_semaphore(%arg21 : memref<!tpu.dma_semaphore, #tpu.memory_space<semaphore_mem>>)
        %slice3A_2064 = vector.extract_strided_slice %get3A_1807 {offsets = [6], sizes = [1], strides = [1]} : vector<16xi32> to vector<1xi32>
        %squeeze3A_2065 = vector.extract %slice3A_2064[0] : i32 from vector<1xi32>
        %shift_right_arithmetic3A_2066 = arith.constant 7 : i32
        %shift_right_arithmetic3A_2067 = arith.shrsi %squeeze3A_2065, %shift_right_arithmetic3A_2066 : i32
        %shift_left3A_2068 = arith.constant 7 : i32
        %shift_left3A_2069 = arith.shli %shift_right_arithmetic3A_2067, %shift_left3A_2068 : i32
        %multiple_of3A_2070 = tpu.assume_multiple %shift_left3A_2069, 128 : i32
        %slice3A_2071 = vector.extract_strided_slice %get3A_1811 {offsets = [6], sizes = [1], strides = [1]} : vector<16xi32> to vector<1xi32>
        %squeeze3A_2072 = vector.extract %slice3A_2071[0] : i32 from vector<1xi32>
        %shift_right_arithmetic3A_2073 = arith.constant 7 : i32
        %shift_right_arithmetic3A_2074 = arith.shrsi %squeeze3A_2072, %shift_right_arithmetic3A_2073 : i32
        %shift_left3A_2075 = arith.constant 7 : i32
        %shift_left3A_2076 = arith.shli %shift_right_arithmetic3A_2074, %shift_left3A_2075 : i32
        %multiple_of3A_2077 = tpu.assume_multiple %shift_left3A_2076, 128 : i32
        %dma_start3A_2078 = arith.constant 3 : i32
        %dma_start3A_2079 = arith.constant 0 : i32
        %dma_start3A_2080 = arith.constant 0 : i32
        %dma_start3A_2081 = arith.constant 0 : i32
        %dma_start3A_2082 = tpu.memref_slice %arg12[%dma_start3A_2078, %dma_start3A_2079, %dma_start3A_2080, %dma_start3A_2081] : memref<8x2x16x128xf32, #tpu.memory_space<vmem>> -> memref<1x1x16x128xf32, #tpu.memory_space<vmem>>
        %dma_start3A_2083 = tpu.memref_squeeze %dma_start3A_2082 : memref<1x1x16x128xf32, #tpu.memory_space<vmem>> -> memref<16x128xf32, #tpu.memory_space<vmem>>
        %dma_start3A_2084 = arith.constant 0 : i32
        %dma_start3A_2085 = tpu.memref_slice %arg4[%dma_start3A_2084, %multiple_of3A_2070] : memref<16x1000000xf32, #tpu.memory_space<hbm>> -> memref<16x128xf32, #tpu.memory_space<hbm>>
        %dma_start3A_2086 = arith.constant 0 : i32
        %dma_start3A_2087 = arith.constant 0 : i32
        %dma_start3A_2088 = tpu.memref_slice %arg12[%dma_start3A_2078, %dma_start3A_2079, %dma_start3A_2086, %dma_start3A_2087] : memref<8x2x16x128xf32, #tpu.memory_space<vmem>> -> memref<1x1x16x128xf32, #tpu.memory_space<vmem>>
        %dma_start3A_2089 = tpu.memref_squeeze %dma_start3A_2088 : memref<1x1x16x128xf32, #tpu.memory_space<vmem>> -> memref<16x128xf32, #tpu.memory_space<vmem>>
        %dma_start3A_2090 = arith.constant 0 : i32
        %dma_start3A_2091 = tpu.memref_slice %arg4[%dma_start3A_2090, %multiple_of3A_2070] : memref<16x1000000xf32, #tpu.memory_space<hbm>> -> memref<16x128xf32, #tpu.memory_space<hbm>>
        tpu.enqueue_dma source(%dma_start3A_2091 : memref<16x128xf32, #tpu.memory_space<hbm>>) target(%dma_start3A_2089 : memref<16x128xf32, #tpu.memory_space<vmem>>) target_semaphore(%arg22 : memref<!tpu.dma_semaphore, #tpu.memory_space<semaphore_mem>>)
        %dma_start3A_2092 = arith.constant 3 : i32
        %dma_start3A_2093 = arith.constant 0 : i32
        %dma_start3A_2094 = arith.constant 0 : i32
        %dma_start3A_2095 = arith.constant 0 : i32
        %dma_start3A_2096 = tpu.memref_slice %arg13[%dma_start3A_2092, %dma_start3A_2093, %dma_start3A_2094, %dma_start3A_2095] : memref<8x2x16x128xf32, #tpu.memory_space<vmem>> -> memref<1x1x16x128xf32, #tpu.memory_space<vmem>>
        %dma_start3A_2097 = tpu.memref_squeeze %dma_start3A_2096 : memref<1x1x16x128xf32, #tpu.memory_space<vmem>> -> memref<16x128xf32, #tpu.memory_space<vmem>>
        %dma_start3A_2098 = arith.constant 0 : i32
        %dma_start3A_2099 = tpu.memref_slice %arg6[%dma_start3A_2098, %multiple_of3A_2077] : memref<16x1000000xf32, #tpu.memory_space<hbm>> -> memref<16x128xf32, #tpu.memory_space<hbm>>
        %dma_start3A_2100 = arith.constant 0 : i32
        %dma_start3A_2101 = arith.constant 0 : i32
        %dma_start3A_2102 = tpu.memref_slice %arg13[%dma_start3A_2092, %dma_start3A_2093, %dma_start3A_2100, %dma_start3A_2101] : memref<8x2x16x128xf32, #tpu.memory_space<vmem>> -> memref<1x1x16x128xf32, #tpu.memory_space<vmem>>
        %dma_start3A_2103 = tpu.memref_squeeze %dma_start3A_2102 : memref<1x1x16x128xf32, #tpu.memory_space<vmem>> -> memref<16x128xf32, #tpu.memory_space<vmem>>
        %dma_start3A_2104 = arith.constant 0 : i32
        %dma_start3A_2105 = tpu.memref_slice %arg6[%dma_start3A_2104, %multiple_of3A_2077] : memref<16x1000000xf32, #tpu.memory_space<hbm>> -> memref<16x128xf32, #tpu.memory_space<hbm>>
        tpu.enqueue_dma source(%dma_start3A_2105 : memref<16x128xf32, #tpu.memory_space<hbm>>) target(%dma_start3A_2103 : memref<16x128xf32, #tpu.memory_space<vmem>>) target_semaphore(%arg22 : memref<!tpu.dma_semaphore, #tpu.memory_space<semaphore_mem>>)
        %slice3A_2106 = vector.extract_strided_slice %get3A_1807 {offsets = [7], sizes = [1], strides = [1]} : vector<16xi32> to vector<1xi32>
        %squeeze3A_2107 = vector.extract %slice3A_2106[0] : i32 from vector<1xi32>
        %shift_right_arithmetic3A_2108 = arith.constant 7 : i32
        %shift_right_arithmetic3A_2109 = arith.shrsi %squeeze3A_2107, %shift_right_arithmetic3A_2108 : i32
        %shift_left3A_2110 = arith.constant 7 : i32
        %shift_left3A_2111 = arith.shli %shift_right_arithmetic3A_2109, %shift_left3A_2110 : i32
        %multiple_of3A_2112 = tpu.assume_multiple %shift_left3A_2111, 128 : i32
        %slice3A_2113 = vector.extract_strided_slice %get3A_1811 {offsets = [7], sizes = [1], strides = [1]} : vector<16xi32> to vector<1xi32>
        %squeeze3A_2114 = vector.extract %slice3A_2113[0] : i32 from vector<1xi32>
        %shift_right_arithmetic3A_2115 = arith.constant 7 : i32
        %shift_right_arithmetic3A_2116 = arith.shrsi %squeeze3A_2114, %shift_right_arithmetic3A_2115 : i32
        %shift_left3A_2117 = arith.constant 7 : i32
        %shift_left3A_2118 = arith.shli %shift_right_arithmetic3A_2116, %shift_left3A_2117 : i32
        %multiple_of3A_2119 = tpu.assume_multiple %shift_left3A_2118, 128 : i32
        %dma_start3A_2120 = arith.constant 3 : i32
        %dma_start3A_2121 = arith.constant 1 : i32
        %dma_start3A_2122 = arith.constant 0 : i32
        %dma_start3A_2123 = arith.constant 0 : i32
        %dma_start3A_2124 = tpu.memref_slice %arg12[%dma_start3A_2120, %dma_start3A_2121, %dma_start3A_2122, %dma_start3A_2123] : memref<8x2x16x128xf32, #tpu.memory_space<vmem>> -> memref<1x1x16x128xf32, #tpu.memory_space<vmem>>
        %dma_start3A_2125 = tpu.memref_squeeze %dma_start3A_2124 : memref<1x1x16x128xf32, #tpu.memory_space<vmem>> -> memref<16x128xf32, #tpu.memory_space<vmem>>
        %dma_start3A_2126 = arith.constant 0 : i32
        %dma_start3A_2127 = tpu.memref_slice %arg4[%dma_start3A_2126, %multiple_of3A_2112] : memref<16x1000000xf32, #tpu.memory_space<hbm>> -> memref<16x128xf32, #tpu.memory_space<hbm>>
        %dma_start3A_2128 = arith.constant 0 : i32
        %dma_start3A_2129 = arith.constant 0 : i32
        %dma_start3A_2130 = tpu.memref_slice %arg12[%dma_start3A_2120, %dma_start3A_2121, %dma_start3A_2128, %dma_start3A_2129] : memref<8x2x16x128xf32, #tpu.memory_space<vmem>> -> memref<1x1x16x128xf32, #tpu.memory_space<vmem>>
        %dma_start3A_2131 = tpu.memref_squeeze %dma_start3A_2130 : memref<1x1x16x128xf32, #tpu.memory_space<vmem>> -> memref<16x128xf32, #tpu.memory_space<vmem>>
        %dma_start3A_2132 = arith.constant 0 : i32
        %dma_start3A_2133 = tpu.memref_slice %arg4[%dma_start3A_2132, %multiple_of3A_2112] : memref<16x1000000xf32, #tpu.memory_space<hbm>> -> memref<16x128xf32, #tpu.memory_space<hbm>>
        tpu.enqueue_dma source(%dma_start3A_2133 : memref<16x128xf32, #tpu.memory_space<hbm>>) target(%dma_start3A_2131 : memref<16x128xf32, #tpu.memory_space<vmem>>) target_semaphore(%arg22 : memref<!tpu.dma_semaphore, #tpu.memory_space<semaphore_mem>>)
        %dma_start3A_2134 = arith.constant 3 : i32
        %dma_start3A_2135 = arith.constant 1 : i32
        %dma_start3A_2136 = arith.constant 0 : i32
        %dma_start3A_2137 = arith.constant 0 : i32
        %dma_start3A_2138 = tpu.memref_slice %arg13[%dma_start3A_2134, %dma_start3A_2135, %dma_start3A_2136, %dma_start3A_2137] : memref<8x2x16x128xf32, #tpu.memory_space<vmem>> -> memref<1x1x16x128xf32, #tpu.memory_space<vmem>>
        %dma_start3A_2139 = tpu.memref_squeeze %dma_start3A_2138 : memref<1x1x16x128xf32, #tpu.memory_space<vmem>> -> memref<16x128xf32, #tpu.memory_space<vmem>>
        %dma_start3A_2140 = arith.constant 0 : i32
        %dma_start3A_2141 = tpu.memref_slice %arg6[%dma_start3A_2140, %multiple_of3A_2119] : memref<16x1000000xf32, #tpu.memory_space<hbm>> -> memref<16x128xf32, #tpu.memory_space<hbm>>
        %dma_start3A_2142 = arith.constant 0 : i32
        %dma_start3A_2143 = arith.constant 0 : i32
        %dma_start3A_2144 = tpu.memref_slice %arg13[%dma_start3A_2134, %dma_start3A_2135, %dma_start3A_2142, %dma_start3A_2143] : memref<8x2x16x128xf32, #tpu.memory_space<vmem>> -> memref<1x1x16x128xf32, #tpu.memory_space<vmem>>
        %dma_start3A_2145 = tpu.memref_squeeze %dma_start3A_2144 : memref<1x1x16x128xf32, #tpu.memory_space<vmem>> -> memref<16x128xf32, #tpu.memory_space<vmem>>
        %dma_start3A_2146 = arith.constant 0 : i32
        %dma_start3A_2147 = tpu.memref_slice %arg6[%dma_start3A_2146, %multiple_of3A_2119] : memref<16x1000000xf32, #tpu.memory_space<hbm>> -> memref<16x128xf32, #tpu.memory_space<hbm>>
        tpu.enqueue_dma source(%dma_start3A_2147 : memref<16x128xf32, #tpu.memory_space<hbm>>) target(%dma_start3A_2145 : memref<16x128xf32, #tpu.memory_space<vmem>>) target_semaphore(%arg22 : memref<!tpu.dma_semaphore, #tpu.memory_space<semaphore_mem>>)
        %slice3A_2148 = vector.extract_strided_slice %get3A_1807 {offsets = [8], sizes = [1], strides = [1]} : vector<16xi32> to vector<1xi32>
        %squeeze3A_2149 = vector.extract %slice3A_2148[0] : i32 from vector<1xi32>
        %shift_right_arithmetic3A_2150 = arith.constant 7 : i32
        %shift_right_arithmetic3A_2151 = arith.shrsi %squeeze3A_2149, %shift_right_arithmetic3A_2150 : i32
        %shift_left3A_2152 = arith.constant 7 : i32
        %shift_left3A_2153 = arith.shli %shift_right_arithmetic3A_2151, %shift_left3A_2152 : i32
        %multiple_of3A_2154 = tpu.assume_multiple %shift_left3A_2153, 128 : i32
        %slice3A_2155 = vector.extract_strided_slice %get3A_1811 {offsets = [8], sizes = [1], strides = [1]} : vector<16xi32> to vector<1xi32>
        %squeeze3A_2156 = vector.extract %slice3A_2155[0] : i32 from vector<1xi32>
        %shift_right_arithmetic3A_2157 = arith.constant 7 : i32
        %shift_right_arithmetic3A_2158 = arith.shrsi %squeeze3A_2156, %shift_right_arithmetic3A_2157 : i32
        %shift_left3A_2159 = arith.constant 7 : i32
        %shift_left3A_2160 = arith.shli %shift_right_arithmetic3A_2158, %shift_left3A_2159 : i32
        %multiple_of3A_2161 = tpu.assume_multiple %shift_left3A_2160, 128 : i32
        %dma_start3A_2162 = arith.constant 4 : i32
        %dma_start3A_2163 = arith.constant 0 : i32
        %dma_start3A_2164 = arith.constant 0 : i32
        %dma_start3A_2165 = arith.constant 0 : i32
        %dma_start3A_2166 = tpu.memref_slice %arg12[%dma_start3A_2162, %dma_start3A_2163, %dma_start3A_2164, %dma_start3A_2165] : memref<8x2x16x128xf32, #tpu.memory_space<vmem>> -> memref<1x1x16x128xf32, #tpu.memory_space<vmem>>
        %dma_start3A_2167 = tpu.memref_squeeze %dma_start3A_2166 : memref<1x1x16x128xf32, #tpu.memory_space<vmem>> -> memref<16x128xf32, #tpu.memory_space<vmem>>
        %dma_start3A_2168 = arith.constant 0 : i32
        %dma_start3A_2169 = tpu.memref_slice %arg4[%dma_start3A_2168, %multiple_of3A_2154] : memref<16x1000000xf32, #tpu.memory_space<hbm>> -> memref<16x128xf32, #tpu.memory_space<hbm>>
        %dma_start3A_2170 = arith.constant 0 : i32
        %dma_start3A_2171 = arith.constant 0 : i32
        %dma_start3A_2172 = tpu.memref_slice %arg12[%dma_start3A_2162, %dma_start3A_2163, %dma_start3A_2170, %dma_start3A_2171] : memref<8x2x16x128xf32, #tpu.memory_space<vmem>> -> memref<1x1x16x128xf32, #tpu.memory_space<vmem>>
        %dma_start3A_2173 = tpu.memref_squeeze %dma_start3A_2172 : memref<1x1x16x128xf32, #tpu.memory_space<vmem>> -> memref<16x128xf32, #tpu.memory_space<vmem>>
        %dma_start3A_2174 = arith.constant 0 : i32
        %dma_start3A_2175 = tpu.memref_slice %arg4[%dma_start3A_2174, %multiple_of3A_2154] : memref<16x1000000xf32, #tpu.memory_space<hbm>> -> memref<16x128xf32, #tpu.memory_space<hbm>>
        tpu.enqueue_dma source(%dma_start3A_2175 : memref<16x128xf32, #tpu.memory_space<hbm>>) target(%dma_start3A_2173 : memref<16x128xf32, #tpu.memory_space<vmem>>) target_semaphore(%arg23 : memref<!tpu.dma_semaphore, #tpu.memory_space<semaphore_mem>>)
        %dma_start3A_2176 = arith.constant 4 : i32
        %dma_start3A_2177 = arith.constant 0 : i32
        %dma_start3A_2178 = arith.constant 0 : i32
        %dma_start3A_2179 = arith.constant 0 : i32
        %dma_start3A_2180 = tpu.memref_slice %arg13[%dma_start3A_2176, %dma_start3A_2177, %dma_start3A_2178, %dma_start3A_2179] : memref<8x2x16x128xf32, #tpu.memory_space<vmem>> -> memref<1x1x16x128xf32, #tpu.memory_space<vmem>>
        %dma_start3A_2181 = tpu.memref_squeeze %dma_start3A_2180 : memref<1x1x16x128xf32, #tpu.memory_space<vmem>> -> memref<16x128xf32, #tpu.memory_space<vmem>>
        %dma_start3A_2182 = arith.constant 0 : i32
        %dma_start3A_2183 = tpu.memref_slice %arg6[%dma_start3A_2182, %multiple_of3A_2161] : memref<16x1000000xf32, #tpu.memory_space<hbm>> -> memref<16x128xf32, #tpu.memory_space<hbm>>
        %dma_start3A_2184 = arith.constant 0 : i32
        %dma_start3A_2185 = arith.constant 0 : i32
        %dma_start3A_2186 = tpu.memref_slice %arg13[%dma_start3A_2176, %dma_start3A_2177, %dma_start3A_2184, %dma_start3A_2185] : memref<8x2x16x128xf32, #tpu.memory_space<vmem>> -> memref<1x1x16x128xf32, #tpu.memory_space<vmem>>
        %dma_start3A_2187 = tpu.memref_squeeze %dma_start3A_2186 : memref<1x1x16x128xf32, #tpu.memory_space<vmem>> -> memref<16x128xf32, #tpu.memory_space<vmem>>
        %dma_start3A_2188 = arith.constant 0 : i32
        %dma_start3A_2189 = tpu.memref_slice %arg6[%dma_start3A_2188, %multiple_of3A_2161] : memref<16x1000000xf32, #tpu.memory_space<hbm>> -> memref<16x128xf32, #tpu.memory_space<hbm>>
        tpu.enqueue_dma source(%dma_start3A_2189 : memref<16x128xf32, #tpu.memory_space<hbm>>) target(%dma_start3A_2187 : memref<16x128xf32, #tpu.memory_space<vmem>>) target_semaphore(%arg23 : memref<!tpu.dma_semaphore, #tpu.memory_space<semaphore_mem>>)
        %slice3A_2190 = vector.extract_strided_slice %get3A_1807 {offsets = [9], sizes = [1], strides = [1]} : vector<16xi32> to vector<1xi32>
        %squeeze3A_2191 = vector.extract %slice3A_2190[0] : i32 from vector<1xi32>
        %shift_right_arithmetic3A_2192 = arith.constant 7 : i32
        %shift_right_arithmetic3A_2193 = arith.shrsi %squeeze3A_2191, %shift_right_arithmetic3A_2192 : i32
        %shift_left3A_2194 = arith.constant 7 : i32
        %shift_left3A_2195 = arith.shli %shift_right_arithmetic3A_2193, %shift_left3A_2194 : i32
        %multiple_of3A_2196 = tpu.assume_multiple %shift_left3A_2195, 128 : i32
        %slice3A_2197 = vector.extract_strided_slice %get3A_1811 {offsets = [9], sizes = [1], strides = [1]} : vector<16xi32> to vector<1xi32>
        %squeeze3A_2198 = vector.extract %slice3A_2197[0] : i32 from vector<1xi32>
        %shift_right_arithmetic3A_2199 = arith.constant 7 : i32
        %shift_right_arithmetic3A_2200 = arith.shrsi %squeeze3A_2198, %shift_right_arithmetic3A_2199 : i32
        %shift_left3A_2201 = arith.constant 7 : i32
        %shift_left3A_2202 = arith.shli %shift_right_arithmetic3A_2200, %shift_left3A_2201 : i32
        %multiple_of3A_2203 = tpu.assume_multiple %shift_left3A_2202, 128 : i32
        %dma_start3A_2204 = arith.constant 4 : i32
        %dma_start3A_2205 = arith.constant 1 : i32
        %dma_start3A_2206 = arith.constant 0 : i32
        %dma_start3A_2207 = arith.constant 0 : i32
        %dma_start3A_2208 = tpu.memref_slice %arg12[%dma_start3A_2204, %dma_start3A_2205, %dma_start3A_2206, %dma_start3A_2207] : memref<8x2x16x128xf32, #tpu.memory_space<vmem>> -> memref<1x1x16x128xf32, #tpu.memory_space<vmem>>
        %dma_start3A_2209 = tpu.memref_squeeze %dma_start3A_2208 : memref<1x1x16x128xf32, #tpu.memory_space<vmem>> -> memref<16x128xf32, #tpu.memory_space<vmem>>
        %dma_start3A_2210 = arith.constant 0 : i32
        %dma_start3A_2211 = tpu.memref_slice %arg4[%dma_start3A_2210, %multiple_of3A_2196] : memref<16x1000000xf32, #tpu.memory_space<hbm>> -> memref<16x128xf32, #tpu.memory_space<hbm>>
        %dma_start3A_2212 = arith.constant 0 : i32
        %dma_start3A_2213 = arith.constant 0 : i32
        %dma_start3A_2214 = tpu.memref_slice %arg12[%dma_start3A_2204, %dma_start3A_2205, %dma_start3A_2212, %dma_start3A_2213] : memref<8x2x16x128xf32, #tpu.memory_space<vmem>> -> memref<1x1x16x128xf32, #tpu.memory_space<vmem>>
        %dma_start3A_2215 = tpu.memref_squeeze %dma_start3A_2214 : memref<1x1x16x128xf32, #tpu.memory_space<vmem>> -> memref<16x128xf32, #tpu.memory_space<vmem>>
        %dma_start3A_2216 = arith.constant 0 : i32
        %dma_start3A_2217 = tpu.memref_slice %arg4[%dma_start3A_2216, %multiple_of3A_2196] : memref<16x1000000xf32, #tpu.memory_space<hbm>> -> memref<16x128xf32, #tpu.memory_space<hbm>>
        tpu.enqueue_dma source(%dma_start3A_2217 : memref<16x128xf32, #tpu.memory_space<hbm>>) target(%dma_start3A_2215 : memref<16x128xf32, #tpu.memory_space<vmem>>) target_semaphore(%arg23 : memref<!tpu.dma_semaphore, #tpu.memory_space<semaphore_mem>>)
        %dma_start3A_2218 = arith.constant 4 : i32
        %dma_start3A_2219 = arith.constant 1 : i32
        %dma_start3A_2220 = arith.constant 0 : i32
        %dma_start3A_2221 = arith.constant 0 : i32
        %dma_start3A_2222 = tpu.memref_slice %arg13[%dma_start3A_2218, %dma_start3A_2219, %dma_start3A_2220, %dma_start3A_2221] : memref<8x2x16x128xf32, #tpu.memory_space<vmem>> -> memref<1x1x16x128xf32, #tpu.memory_space<vmem>>
        %dma_start3A_2223 = tpu.memref_squeeze %dma_start3A_2222 : memref<1x1x16x128xf32, #tpu.memory_space<vmem>> -> memref<16x128xf32, #tpu.memory_space<vmem>>
        %dma_start3A_2224 = arith.constant 0 : i32
        %dma_start3A_2225 = tpu.memref_slice %arg6[%dma_start3A_2224, %multiple_of3A_2203] : memref<16x1000000xf32, #tpu.memory_space<hbm>> -> memref<16x128xf32, #tpu.memory_space<hbm>>
        %dma_start3A_2226 = arith.constant 0 : i32
        %dma_start3A_2227 = arith.constant 0 : i32
        %dma_start3A_2228 = tpu.memref_slice %arg13[%dma_start3A_2218, %dma_start3A_2219, %dma_start3A_2226, %dma_start3A_2227] : memref<8x2x16x128xf32, #tpu.memory_space<vmem>> -> memref<1x1x16x128xf32, #tpu.memory_space<vmem>>
        %dma_start3A_2229 = tpu.memref_squeeze %dma_start3A_2228 : memref<1x1x16x128xf32, #tpu.memory_space<vmem>> -> memref<16x128xf32, #tpu.memory_space<vmem>>
        %dma_start3A_2230 = arith.constant 0 : i32
        %dma_start3A_2231 = tpu.memref_slice %arg6[%dma_start3A_2230, %multiple_of3A_2203] : memref<16x1000000xf32, #tpu.memory_space<hbm>> -> memref<16x128xf32, #tpu.memory_space<hbm>>
        tpu.enqueue_dma source(%dma_start3A_2231 : memref<16x128xf32, #tpu.memory_space<hbm>>) target(%dma_start3A_2229 : memref<16x128xf32, #tpu.memory_space<vmem>>) target_semaphore(%arg23 : memref<!tpu.dma_semaphore, #tpu.memory_space<semaphore_mem>>)
        %slice3A_2232 = vector.extract_strided_slice %get3A_1807 {offsets = [10], sizes = [1], strides = [1]} : vector<16xi32> to vector<1xi32>
        %squeeze3A_2233 = vector.extract %slice3A_2232[0] : i32 from vector<1xi32>
        %shift_right_arithmetic3A_2234 = arith.constant 7 : i32
        %shift_right_arithmetic3A_2235 = arith.shrsi %squeeze3A_2233, %shift_right_arithmetic3A_2234 : i32
        %shift_left3A_2236 = arith.constant 7 : i32
        %shift_left3A_2237 = arith.shli %shift_right_arithmetic3A_2235, %shift_left3A_2236 : i32
        %multiple_of3A_2238 = tpu.assume_multiple %shift_left3A_2237, 128 : i32
        %slice3A_2239 = vector.extract_strided_slice %get3A_1811 {offsets = [10], sizes = [1], strides = [1]} : vector<16xi32> to vector<1xi32>
        %squeeze3A_2240 = vector.extract %slice3A_2239[0] : i32 from vector<1xi32>
        %shift_right_arithmetic3A_2241 = arith.constant 7 : i32
        %shift_right_arithmetic3A_2242 = arith.shrsi %squeeze3A_2240, %shift_right_arithmetic3A_2241 : i32
        %shift_left3A_2243 = arith.constant 7 : i32
        %shift_left3A_2244 = arith.shli %shift_right_arithmetic3A_2242, %shift_left3A_2243 : i32
        %multiple_of3A_2245 = tpu.assume_multiple %shift_left3A_2244, 128 : i32
        %dma_start3A_2246 = arith.constant 5 : i32
        %dma_start3A_2247 = arith.constant 0 : i32
        %dma_start3A_2248 = arith.constant 0 : i32
        %dma_start3A_2249 = arith.constant 0 : i32
        %dma_start3A_2250 = tpu.memref_slice %arg12[%dma_start3A_2246, %dma_start3A_2247, %dma_start3A_2248, %dma_start3A_2249] : memref<8x2x16x128xf32, #tpu.memory_space<vmem>> -> memref<1x1x16x128xf32, #tpu.memory_space<vmem>>
        %dma_start3A_2251 = tpu.memref_squeeze %dma_start3A_2250 : memref<1x1x16x128xf32, #tpu.memory_space<vmem>> -> memref<16x128xf32, #tpu.memory_space<vmem>>
        %dma_start3A_2252 = arith.constant 0 : i32
        %dma_start3A_2253 = tpu.memref_slice %arg4[%dma_start3A_2252, %multiple_of3A_2238] : memref<16x1000000xf32, #tpu.memory_space<hbm>> -> memref<16x128xf32, #tpu.memory_space<hbm>>
        %dma_start3A_2254 = arith.constant 0 : i32
        %dma_start3A_2255 = arith.constant 0 : i32
        %dma_start3A_2256 = tpu.memref_slice %arg12[%dma_start3A_2246, %dma_start3A_2247, %dma_start3A_2254, %dma_start3A_2255] : memref<8x2x16x128xf32, #tpu.memory_space<vmem>> -> memref<1x1x16x128xf32, #tpu.memory_space<vmem>>
        %dma_start3A_2257 = tpu.memref_squeeze %dma_start3A_2256 : memref<1x1x16x128xf32, #tpu.memory_space<vmem>> -> memref<16x128xf32, #tpu.memory_space<vmem>>
        %dma_start3A_2258 = arith.constant 0 : i32
        %dma_start3A_2259 = tpu.memref_slice %arg4[%dma_start3A_2258, %multiple_of3A_2238] : memref<16x1000000xf32, #tpu.memory_space<hbm>> -> memref<16x128xf32, #tpu.memory_space<hbm>>
        tpu.enqueue_dma source(%dma_start3A_2259 : memref<16x128xf32, #tpu.memory_space<hbm>>) target(%dma_start3A_2257 : memref<16x128xf32, #tpu.memory_space<vmem>>) target_semaphore(%arg24 : memref<!tpu.dma_semaphore, #tpu.memory_space<semaphore_mem>>)
        %dma_start3A_2260 = arith.constant 5 : i32
        %dma_start3A_2261 = arith.constant 0 : i32
        %dma_start3A_2262 = arith.constant 0 : i32
        %dma_start3A_2263 = arith.constant 0 : i32
        %dma_start3A_2264 = tpu.memref_slice %arg13[%dma_start3A_2260, %dma_start3A_2261, %dma_start3A_2262, %dma_start3A_2263] : memref<8x2x16x128xf32, #tpu.memory_space<vmem>> -> memref<1x1x16x128xf32, #tpu.memory_space<vmem>>
        %dma_start3A_2265 = tpu.memref_squeeze %dma_start3A_2264 : memref<1x1x16x128xf32, #tpu.memory_space<vmem>> -> memref<16x128xf32, #tpu.memory_space<vmem>>
        %dma_start3A_2266 = arith.constant 0 : i32
        %dma_start3A_2267 = tpu.memref_slice %arg6[%dma_start3A_2266, %multiple_of3A_2245] : memref<16x1000000xf32, #tpu.memory_space<hbm>> -> memref<16x128xf32, #tpu.memory_space<hbm>>
        %dma_start3A_2268 = arith.constant 0 : i32
        %dma_start3A_2269 = arith.constant 0 : i32
        %dma_start3A_2270 = tpu.memref_slice %arg13[%dma_start3A_2260, %dma_start3A_2261, %dma_start3A_2268, %dma_start3A_2269] : memref<8x2x16x128xf32, #tpu.memory_space<vmem>> -> memref<1x1x16x128xf32, #tpu.memory_space<vmem>>
        %dma_start3A_2271 = tpu.memref_squeeze %dma_start3A_2270 : memref<1x1x16x128xf32, #tpu.memory_space<vmem>> -> memref<16x128xf32, #tpu.memory_space<vmem>>
        %dma_start3A_2272 = arith.constant 0 : i32
        %dma_start3A_2273 = tpu.memref_slice %arg6[%dma_start3A_2272, %multiple_of3A_2245] : memref<16x1000000xf32, #tpu.memory_space<hbm>> -> memref<16x128xf32, #tpu.memory_space<hbm>>
        tpu.enqueue_dma source(%dma_start3A_2273 : memref<16x128xf32, #tpu.memory_space<hbm>>) target(%dma_start3A_2271 : memref<16x128xf32, #tpu.memory_space<vmem>>) target_semaphore(%arg24 : memref<!tpu.dma_semaphore, #tpu.memory_space<semaphore_mem>>)
        %slice3A_2274 = vector.extract_strided_slice %get3A_1807 {offsets = [11], sizes = [1], strides = [1]} : vector<16xi32> to vector<1xi32>
        %squeeze3A_2275 = vector.extract %slice3A_2274[0] : i32 from vector<1xi32>
        %shift_right_arithmetic3A_2276 = arith.constant 7 : i32
        %shift_right_arithmetic3A_2277 = arith.shrsi %squeeze3A_2275, %shift_right_arithmetic3A_2276 : i32
        %shift_left3A_2278 = arith.constant 7 : i32
        %shift_left3A_2279 = arith.shli %shift_right_arithmetic3A_2277, %shift_left3A_2278 : i32
        %multiple_of3A_2280 = tpu.assume_multiple %shift_left3A_2279, 128 : i32
        %slice3A_2281 = vector.extract_strided_slice %get3A_1811 {offsets = [11], sizes = [1], strides = [1]} : vector<16xi32> to vector<1xi32>
        %squeeze3A_2282 = vector.extract %slice3A_2281[0] : i32 from vector<1xi32>
        %shift_right_arithmetic3A_2283 = arith.constant 7 : i32
        %shift_right_arithmetic3A_2284 = arith.shrsi %squeeze3A_2282, %shift_right_arithmetic3A_2283 : i32
        %shift_left3A_2285 = arith.constant 7 : i32
        %shift_left3A_2286 = arith.shli %shift_right_arithmetic3A_2284, %shift_left3A_2285 : i32
        %multiple_of3A_2287 = tpu.assume_multiple %shift_left3A_2286, 128 : i32
        %dma_start3A_2288 = arith.constant 5 : i32
        %dma_start3A_2289 = arith.constant 1 : i32
        %dma_start3A_2290 = arith.constant 0 : i32
        %dma_start3A_2291 = arith.constant 0 : i32
        %dma_start3A_2292 = tpu.memref_slice %arg12[%dma_start3A_2288, %dma_start3A_2289, %dma_start3A_2290, %dma_start3A_2291] : memref<8x2x16x128xf32, #tpu.memory_space<vmem>> -> memref<1x1x16x128xf32, #tpu.memory_space<vmem>>
        %dma_start3A_2293 = tpu.memref_squeeze %dma_start3A_2292 : memref<1x1x16x128xf32, #tpu.memory_space<vmem>> -> memref<16x128xf32, #tpu.memory_space<vmem>>
        %dma_start3A_2294 = arith.constant 0 : i32
        %dma_start3A_2295 = tpu.memref_slice %arg4[%dma_start3A_2294, %multiple_of3A_2280] : memref<16x1000000xf32, #tpu.memory_space<hbm>> -> memref<16x128xf32, #tpu.memory_space<hbm>>
        %dma_start3A_2296 = arith.constant 0 : i32
        %dma_start3A_2297 = arith.constant 0 : i32
        %dma_start3A_2298 = tpu.memref_slice %arg12[%dma_start3A_2288, %dma_start3A_2289, %dma_start3A_2296, %dma_start3A_2297] : memref<8x2x16x128xf32, #tpu.memory_space<vmem>> -> memref<1x1x16x128xf32, #tpu.memory_space<vmem>>
        %dma_start3A_2299 = tpu.memref_squeeze %dma_start3A_2298 : memref<1x1x16x128xf32, #tpu.memory_space<vmem>> -> memref<16x128xf32, #tpu.memory_space<vmem>>
        %dma_start3A_2300 = arith.constant 0 : i32
        %dma_start3A_2301 = tpu.memref_slice %arg4[%dma_start3A_2300, %multiple_of3A_2280] : memref<16x1000000xf32, #tpu.memory_space<hbm>> -> memref<16x128xf32, #tpu.memory_space<hbm>>
        tpu.enqueue_dma source(%dma_start3A_2301 : memref<16x128xf32, #tpu.memory_space<hbm>>) target(%dma_start3A_2299 : memref<16x128xf32, #tpu.memory_space<vmem>>) target_semaphore(%arg24 : memref<!tpu.dma_semaphore, #tpu.memory_space<semaphore_mem>>)
        %dma_start3A_2302 = arith.constant 5 : i32
        %dma_start3A_2303 = arith.constant 1 : i32
        %dma_start3A_2304 = arith.constant 0 : i32
        %dma_start3A_2305 = arith.constant 0 : i32
        %dma_start3A_2306 = tpu.memref_slice %arg13[%dma_start3A_2302, %dma_start3A_2303, %dma_start3A_2304, %dma_start3A_2305] : memref<8x2x16x128xf32, #tpu.memory_space<vmem>> -> memref<1x1x16x128xf32, #tpu.memory_space<vmem>>
        %dma_start3A_2307 = tpu.memref_squeeze %dma_start3A_2306 : memref<1x1x16x128xf32, #tpu.memory_space<vmem>> -> memref<16x128xf32, #tpu.memory_space<vmem>>
        %dma_start3A_2308 = arith.constant 0 : i32
        %dma_start3A_2309 = tpu.memref_slice %arg6[%dma_start3A_2308, %multiple_of3A_2287] : memref<16x1000000xf32, #tpu.memory_space<hbm>> -> memref<16x128xf32, #tpu.memory_space<hbm>>
        %dma_start3A_2310 = arith.constant 0 : i32
        %dma_start3A_2311 = arith.constant 0 : i32
        %dma_start3A_2312 = tpu.memref_slice %arg13[%dma_start3A_2302, %dma_start3A_2303, %dma_start3A_2310, %dma_start3A_2311] : memref<8x2x16x128xf32, #tpu.memory_space<vmem>> -> memref<1x1x16x128xf32, #tpu.memory_space<vmem>>
        %dma_start3A_2313 = tpu.memref_squeeze %dma_start3A_2312 : memref<1x1x16x128xf32, #tpu.memory_space<vmem>> -> memref<16x128xf32, #tpu.memory_space<vmem>>
        %dma_start3A_2314 = arith.constant 0 : i32
        %dma_start3A_2315 = tpu.memref_slice %arg6[%dma_start3A_2314, %multiple_of3A_2287] : memref<16x1000000xf32, #tpu.memory_space<hbm>> -> memref<16x128xf32, #tpu.memory_space<hbm>>
        tpu.enqueue_dma source(%dma_start3A_2315 : memref<16x128xf32, #tpu.memory_space<hbm>>) target(%dma_start3A_2313 : memref<16x128xf32, #tpu.memory_space<vmem>>) target_semaphore(%arg24 : memref<!tpu.dma_semaphore, #tpu.memory_space<semaphore_mem>>)
        %slice3A_2316 = vector.extract_strided_slice %get3A_1807 {offsets = [12], sizes = [1], strides = [1]} : vector<16xi32> to vector<1xi32>
        %squeeze3A_2317 = vector.extract %slice3A_2316[0] : i32 from vector<1xi32>
        %shift_right_arithmetic3A_2318 = arith.constant 7 : i32
        %shift_right_arithmetic3A_2319 = arith.shrsi %squeeze3A_2317, %shift_right_arithmetic3A_2318 : i32
        %shift_left3A_2320 = arith.constant 7 : i32
        %shift_left3A_2321 = arith.shli %shift_right_arithmetic3A_2319, %shift_left3A_2320 : i32
        %multiple_of3A_2322 = tpu.assume_multiple %shift_left3A_2321, 128 : i32
        %slice3A_2323 = vector.extract_strided_slice %get3A_1811 {offsets = [12], sizes = [1], strides = [1]} : vector<16xi32> to vector<1xi32>
        %squeeze3A_2324 = vector.extract %slice3A_2323[0] : i32 from vector<1xi32>
        %shift_right_arithmetic3A_2325 = arith.constant 7 : i32
        %shift_right_arithmetic3A_2326 = arith.shrsi %squeeze3A_2324, %shift_right_arithmetic3A_2325 : i32
        %shift_left3A_2327 = arith.constant 7 : i32
        %shift_left3A_2328 = arith.shli %shift_right_arithmetic3A_2326, %shift_left3A_2327 : i32
        %multiple_of3A_2329 = tpu.assume_multiple %shift_left3A_2328, 128 : i32
        %dma_start3A_2330 = arith.constant 6 : i32
        %dma_start3A_2331 = arith.constant 0 : i32
        %dma_start3A_2332 = arith.constant 0 : i32
        %dma_start3A_2333 = arith.constant 0 : i32
        %dma_start3A_2334 = tpu.memref_slice %arg12[%dma_start3A_2330, %dma_start3A_2331, %dma_start3A_2332, %dma_start3A_2333] : memref<8x2x16x128xf32, #tpu.memory_space<vmem>> -> memref<1x1x16x128xf32, #tpu.memory_space<vmem>>
        %dma_start3A_2335 = tpu.memref_squeeze %dma_start3A_2334 : memref<1x1x16x128xf32, #tpu.memory_space<vmem>> -> memref<16x128xf32, #tpu.memory_space<vmem>>
        %dma_start3A_2336 = arith.constant 0 : i32
        %dma_start3A_2337 = tpu.memref_slice %arg4[%dma_start3A_2336, %multiple_of3A_2322] : memref<16x1000000xf32, #tpu.memory_space<hbm>> -> memref<16x128xf32, #tpu.memory_space<hbm>>
        %dma_start3A_2338 = arith.constant 0 : i32
        %dma_start3A_2339 = arith.constant 0 : i32
        %dma_start3A_2340 = tpu.memref_slice %arg12[%dma_start3A_2330, %dma_start3A_2331, %dma_start3A_2338, %dma_start3A_2339] : memref<8x2x16x128xf32, #tpu.memory_space<vmem>> -> memref<1x1x16x128xf32, #tpu.memory_space<vmem>>
        %dma_start3A_2341 = tpu.memref_squeeze %dma_start3A_2340 : memref<1x1x16x128xf32, #tpu.memory_space<vmem>> -> memref<16x128xf32, #tpu.memory_space<vmem>>
        %dma_start3A_2342 = arith.constant 0 : i32
        %dma_start3A_2343 = tpu.memref_slice %arg4[%dma_start3A_2342, %multiple_of3A_2322] : memref<16x1000000xf32, #tpu.memory_space<hbm>> -> memref<16x128xf32, #tpu.memory_space<hbm>>
        tpu.enqueue_dma source(%dma_start3A_2343 : memref<16x128xf32, #tpu.memory_space<hbm>>) target(%dma_start3A_2341 : memref<16x128xf32, #tpu.memory_space<vmem>>) target_semaphore(%arg25 : memref<!tpu.dma_semaphore, #tpu.memory_space<semaphore_mem>>)
        %dma_start3A_2344 = arith.constant 6 : i32
        %dma_start3A_2345 = arith.constant 0 : i32
        %dma_start3A_2346 = arith.constant 0 : i32
        %dma_start3A_2347 = arith.constant 0 : i32
        %dma_start3A_2348 = tpu.memref_slice %arg13[%dma_start3A_2344, %dma_start3A_2345, %dma_start3A_2346, %dma_start3A_2347] : memref<8x2x16x128xf32, #tpu.memory_space<vmem>> -> memref<1x1x16x128xf32, #tpu.memory_space<vmem>>
        %dma_start3A_2349 = tpu.memref_squeeze %dma_start3A_2348 : memref<1x1x16x128xf32, #tpu.memory_space<vmem>> -> memref<16x128xf32, #tpu.memory_space<vmem>>
        %dma_start3A_2350 = arith.constant 0 : i32
        %dma_start3A_2351 = tpu.memref_slice %arg6[%dma_start3A_2350, %multiple_of3A_2329] : memref<16x1000000xf32, #tpu.memory_space<hbm>> -> memref<16x128xf32, #tpu.memory_space<hbm>>
        %dma_start3A_2352 = arith.constant 0 : i32
        %dma_start3A_2353 = arith.constant 0 : i32
        %dma_start3A_2354 = tpu.memref_slice %arg13[%dma_start3A_2344, %dma_start3A_2345, %dma_start3A_2352, %dma_start3A_2353] : memref<8x2x16x128xf32, #tpu.memory_space<vmem>> -> memref<1x1x16x128xf32, #tpu.memory_space<vmem>>
        %dma_start3A_2355 = tpu.memref_squeeze %dma_start3A_2354 : memref<1x1x16x128xf32, #tpu.memory_space<vmem>> -> memref<16x128xf32, #tpu.memory_space<vmem>>
        %dma_start3A_2356 = arith.constant 0 : i32
        %dma_start3A_2357 = tpu.memref_slice %arg6[%dma_start3A_2356, %multiple_of3A_2329] : memref<16x1000000xf32, #tpu.memory_space<hbm>> -> memref<16x128xf32, #tpu.memory_space<hbm>>
        tpu.enqueue_dma source(%dma_start3A_2357 : memref<16x128xf32, #tpu.memory_space<hbm>>) target(%dma_start3A_2355 : memref<16x128xf32, #tpu.memory_space<vmem>>) target_semaphore(%arg25 : memref<!tpu.dma_semaphore, #tpu.memory_space<semaphore_mem>>)
        %slice3A_2358 = vector.extract_strided_slice %get3A_1807 {offsets = [13], sizes = [1], strides = [1]} : vector<16xi32> to vector<1xi32>
        %squeeze3A_2359 = vector.extract %slice3A_2358[0] : i32 from vector<1xi32>
        %shift_right_arithmetic3A_2360 = arith.constant 7 : i32
        %shift_right_arithmetic3A_2361 = arith.shrsi %squeeze3A_2359, %shift_right_arithmetic3A_2360 : i32
        %shift_left3A_2362 = arith.constant 7 : i32
        %shift_left3A_2363 = arith.shli %shift_right_arithmetic3A_2361, %shift_left3A_2362 : i32
        %multiple_of3A_2364 = tpu.assume_multiple %shift_left3A_2363, 128 : i32
        %slice3A_2365 = vector.extract_strided_slice %get3A_1811 {offsets = [13], sizes = [1], strides = [1]} : vector<16xi32> to vector<1xi32>
        %squeeze3A_2366 = vector.extract %slice3A_2365[0] : i32 from vector<1xi32>
        %shift_right_arithmetic3A_2367 = arith.constant 7 : i32
        %shift_right_arithmetic3A_2368 = arith.shrsi %squeeze3A_2366, %shift_right_arithmetic3A_2367 : i32
        %shift_left3A_2369 = arith.constant 7 : i32
        %shift_left3A_2370 = arith.shli %shift_right_arithmetic3A_2368, %shift_left3A_2369 : i32
        %multiple_of3A_2371 = tpu.assume_multiple %shift_left3A_2370, 128 : i32
        %dma_start3A_2372 = arith.constant 6 : i32
        %dma_start3A_2373 = arith.constant 1 : i32
        %dma_start3A_2374 = arith.constant 0 : i32
        %dma_start3A_2375 = arith.constant 0 : i32
        %dma_start3A_2376 = tpu.memref_slice %arg12[%dma_start3A_2372, %dma_start3A_2373, %dma_start3A_2374, %dma_start3A_2375] : memref<8x2x16x128xf32, #tpu.memory_space<vmem>> -> memref<1x1x16x128xf32, #tpu.memory_space<vmem>>
        %dma_start3A_2377 = tpu.memref_squeeze %dma_start3A_2376 : memref<1x1x16x128xf32, #tpu.memory_space<vmem>> -> memref<16x128xf32, #tpu.memory_space<vmem>>
        %dma_start3A_2378 = arith.constant 0 : i32
        %dma_start3A_2379 = tpu.memref_slice %arg4[%dma_start3A_2378, %multiple_of3A_2364] : memref<16x1000000xf32, #tpu.memory_space<hbm>> -> memref<16x128xf32, #tpu.memory_space<hbm>>
        %dma_start3A_2380 = arith.constant 0 : i32
        %dma_start3A_2381 = arith.constant 0 : i32
        %dma_start3A_2382 = tpu.memref_slice %arg12[%dma_start3A_2372, %dma_start3A_2373, %dma_start3A_2380, %dma_start3A_2381] : memref<8x2x16x128xf32, #tpu.memory_space<vmem>> -> memref<1x1x16x128xf32, #tpu.memory_space<vmem>>
        %dma_start3A_2383 = tpu.memref_squeeze %dma_start3A_2382 : memref<1x1x16x128xf32, #tpu.memory_space<vmem>> -> memref<16x128xf32, #tpu.memory_space<vmem>>
        %dma_start3A_2384 = arith.constant 0 : i32
        %dma_start3A_2385 = tpu.memref_slice %arg4[%dma_start3A_2384, %multiple_of3A_2364] : memref<16x1000000xf32, #tpu.memory_space<hbm>> -> memref<16x128xf32, #tpu.memory_space<hbm>>
        tpu.enqueue_dma source(%dma_start3A_2385 : memref<16x128xf32, #tpu.memory_space<hbm>>) target(%dma_start3A_2383 : memref<16x128xf32, #tpu.memory_space<vmem>>) target_semaphore(%arg25 : memref<!tpu.dma_semaphore, #tpu.memory_space<semaphore_mem>>)
        %dma_start3A_2386 = arith.constant 6 : i32
        %dma_start3A_2387 = arith.constant 1 : i32
        %dma_start3A_2388 = arith.constant 0 : i32
        %dma_start3A_2389 = arith.constant 0 : i32
        %dma_start3A_2390 = tpu.memref_slice %arg13[%dma_start3A_2386, %dma_start3A_2387, %dma_start3A_2388, %dma_start3A_2389] : memref<8x2x16x128xf32, #tpu.memory_space<vmem>> -> memref<1x1x16x128xf32, #tpu.memory_space<vmem>>
        %dma_start3A_2391 = tpu.memref_squeeze %dma_start3A_2390 : memref<1x1x16x128xf32, #tpu.memory_space<vmem>> -> memref<16x128xf32, #tpu.memory_space<vmem>>
        %dma_start3A_2392 = arith.constant 0 : i32
        %dma_start3A_2393 = tpu.memref_slice %arg6[%dma_start3A_2392, %multiple_of3A_2371] : memref<16x1000000xf32, #tpu.memory_space<hbm>> -> memref<16x128xf32, #tpu.memory_space<hbm>>
        %dma_start3A_2394 = arith.constant 0 : i32
        %dma_start3A_2395 = arith.constant 0 : i32
        %dma_start3A_2396 = tpu.memref_slice %arg13[%dma_start3A_2386, %dma_start3A_2387, %dma_start3A_2394, %dma_start3A_2395] : memref<8x2x16x128xf32, #tpu.memory_space<vmem>> -> memref<1x1x16x128xf32, #tpu.memory_space<vmem>>
        %dma_start3A_2397 = tpu.memref_squeeze %dma_start3A_2396 : memref<1x1x16x128xf32, #tpu.memory_space<vmem>> -> memref<16x128xf32, #tpu.memory_space<vmem>>
        %dma_start3A_2398 = arith.constant 0 : i32
        %dma_start3A_2399 = tpu.memref_slice %arg6[%dma_start3A_2398, %multiple_of3A_2371] : memref<16x1000000xf32, #tpu.memory_space<hbm>> -> memref<16x128xf32, #tpu.memory_space<hbm>>
        tpu.enqueue_dma source(%dma_start3A_2399 : memref<16x128xf32, #tpu.memory_space<hbm>>) target(%dma_start3A_2397 : memref<16x128xf32, #tpu.memory_space<vmem>>) target_semaphore(%arg25 : memref<!tpu.dma_semaphore, #tpu.memory_space<semaphore_mem>>)
        %slice3A_2400 = vector.extract_strided_slice %get3A_1807 {offsets = [14], sizes = [1], strides = [1]} : vector<16xi32> to vector<1xi32>
        %squeeze3A_2401 = vector.extract %slice3A_2400[0] : i32 from vector<1xi32>
        %shift_right_arithmetic3A_2402 = arith.constant 7 : i32
        %shift_right_arithmetic3A_2403 = arith.shrsi %squeeze3A_2401, %shift_right_arithmetic3A_2402 : i32
        %shift_left3A_2404 = arith.constant 7 : i32
        %shift_left3A_2405 = arith.shli %shift_right_arithmetic3A_2403, %shift_left3A_2404 : i32
        %multiple_of3A_2406 = tpu.assume_multiple %shift_left3A_2405, 128 : i32
        %slice3A_2407 = vector.extract_strided_slice %get3A_1811 {offsets = [14], sizes = [1], strides = [1]} : vector<16xi32> to vector<1xi32>
        %squeeze3A_2408 = vector.extract %slice3A_2407[0] : i32 from vector<1xi32>
        %shift_right_arithmetic3A_2409 = arith.constant 7 : i32
        %shift_right_arithmetic3A_2410 = arith.shrsi %squeeze3A_2408, %shift_right_arithmetic3A_2409 : i32
        %shift_left3A_2411 = arith.constant 7 : i32
        %shift_left3A_2412 = arith.shli %shift_right_arithmetic3A_2410, %shift_left3A_2411 : i32
        %multiple_of3A_2413 = tpu.assume_multiple %shift_left3A_2412, 128 : i32
        %dma_start3A_2414 = arith.constant 7 : i32
        %dma_start3A_2415 = arith.constant 0 : i32
        %dma_start3A_2416 = arith.constant 0 : i32
        %dma_start3A_2417 = arith.constant 0 : i32
        %dma_start3A_2418 = tpu.memref_slice %arg12[%dma_start3A_2414, %dma_start3A_2415, %dma_start3A_2416, %dma_start3A_2417] : memref<8x2x16x128xf32, #tpu.memory_space<vmem>> -> memref<1x1x16x128xf32, #tpu.memory_space<vmem>>
        %dma_start3A_2419 = tpu.memref_squeeze %dma_start3A_2418 : memref<1x1x16x128xf32, #tpu.memory_space<vmem>> -> memref<16x128xf32, #tpu.memory_space<vmem>>
        %dma_start3A_2420 = arith.constant 0 : i32
        %dma_start3A_2421 = tpu.memref_slice %arg4[%dma_start3A_2420, %multiple_of3A_2406] : memref<16x1000000xf32, #tpu.memory_space<hbm>> -> memref<16x128xf32, #tpu.memory_space<hbm>>
        %dma_start3A_2422 = arith.constant 0 : i32
        %dma_start3A_2423 = arith.constant 0 : i32
        %dma_start3A_2424 = tpu.memref_slice %arg12[%dma_start3A_2414, %dma_start3A_2415, %dma_start3A_2422, %dma_start3A_2423] : memref<8x2x16x128xf32, #tpu.memory_space<vmem>> -> memref<1x1x16x128xf32, #tpu.memory_space<vmem>>
        %dma_start3A_2425 = tpu.memref_squeeze %dma_start3A_2424 : memref<1x1x16x128xf32, #tpu.memory_space<vmem>> -> memref<16x128xf32, #tpu.memory_space<vmem>>
        %dma_start3A_2426 = arith.constant 0 : i32
        %dma_start3A_2427 = tpu.memref_slice %arg4[%dma_start3A_2426, %multiple_of3A_2406] : memref<16x1000000xf32, #tpu.memory_space<hbm>> -> memref<16x128xf32, #tpu.memory_space<hbm>>
        tpu.enqueue_dma source(%dma_start3A_2427 : memref<16x128xf32, #tpu.memory_space<hbm>>) target(%dma_start3A_2425 : memref<16x128xf32, #tpu.memory_space<vmem>>) target_semaphore(%arg26 : memref<!tpu.dma_semaphore, #tpu.memory_space<semaphore_mem>>)
        %dma_start3A_2428 = arith.constant 7 : i32
        %dma_start3A_2429 = arith.constant 0 : i32
        %dma_start3A_2430 = arith.constant 0 : i32
        %dma_start3A_2431 = arith.constant 0 : i32
        %dma_start3A_2432 = tpu.memref_slice %arg13[%dma_start3A_2428, %dma_start3A_2429, %dma_start3A_2430, %dma_start3A_2431] : memref<8x2x16x128xf32, #tpu.memory_space<vmem>> -> memref<1x1x16x128xf32, #tpu.memory_space<vmem>>
        %dma_start3A_2433 = tpu.memref_squeeze %dma_start3A_2432 : memref<1x1x16x128xf32, #tpu.memory_space<vmem>> -> memref<16x128xf32, #tpu.memory_space<vmem>>
        %dma_start3A_2434 = arith.constant 0 : i32
        %dma_start3A_2435 = tpu.memref_slice %arg6[%dma_start3A_2434, %multiple_of3A_2413] : memref<16x1000000xf32, #tpu.memory_space<hbm>> -> memref<16x128xf32, #tpu.memory_space<hbm>>
        %dma_start3A_2436 = arith.constant 0 : i32
        %dma_start3A_2437 = arith.constant 0 : i32
        %dma_start3A_2438 = tpu.memref_slice %arg13[%dma_start3A_2428, %dma_start3A_2429, %dma_start3A_2436, %dma_start3A_2437] : memref<8x2x16x128xf32, #tpu.memory_space<vmem>> -> memref<1x1x16x128xf32, #tpu.memory_space<vmem>>
        %dma_start3A_2439 = tpu.memref_squeeze %dma_start3A_2438 : memref<1x1x16x128xf32, #tpu.memory_space<vmem>> -> memref<16x128xf32, #tpu.memory_space<vmem>>
        %dma_start3A_2440 = arith.constant 0 : i32
        %dma_start3A_2441 = tpu.memref_slice %arg6[%dma_start3A_2440, %multiple_of3A_2413] : memref<16x1000000xf32, #tpu.memory_space<hbm>> -> memref<16x128xf32, #tpu.memory_space<hbm>>
        tpu.enqueue_dma source(%dma_start3A_2441 : memref<16x128xf32, #tpu.memory_space<hbm>>) target(%dma_start3A_2439 : memref<16x128xf32, #tpu.memory_space<vmem>>) target_semaphore(%arg26 : memref<!tpu.dma_semaphore, #tpu.memory_space<semaphore_mem>>)
        %slice3A_2442 = vector.extract_strided_slice %get3A_1807 {offsets = [15], sizes = [1], strides = [1]} : vector<16xi32> to vector<1xi32>
        %squeeze3A_2443 = vector.extract %slice3A_2442[0] : i32 from vector<1xi32>
        %shift_right_arithmetic3A_2444 = arith.constant 7 : i32
        %shift_right_arithmetic3A_2445 = arith.shrsi %squeeze3A_2443, %shift_right_arithmetic3A_2444 : i32
        %shift_left3A_2446 = arith.constant 7 : i32
        %shift_left3A_2447 = arith.shli %shift_right_arithmetic3A_2445, %shift_left3A_2446 : i32
        %multiple_of3A_2448 = tpu.assume_multiple %shift_left3A_2447, 128 : i32
        %slice3A_2449 = vector.extract_strided_slice %get3A_1811 {offsets = [15], sizes = [1], strides = [1]} : vector<16xi32> to vector<1xi32>
        %squeeze3A_2450 = vector.extract %slice3A_2449[0] : i32 from vector<1xi32>
        %shift_right_arithmetic3A_2451 = arith.constant 7 : i32
        %shift_right_arithmetic3A_2452 = arith.shrsi %squeeze3A_2450, %shift_right_arithmetic3A_2451 : i32
        %shift_left3A_2453 = arith.constant 7 : i32
        %shift_left3A_2454 = arith.shli %shift_right_arithmetic3A_2452, %shift_left3A_2453 : i32
        %multiple_of3A_2455 = tpu.assume_multiple %shift_left3A_2454, 128 : i32
        %dma_start3A_2456 = arith.constant 7 : i32
        %dma_start3A_2457 = arith.constant 1 : i32
        %dma_start3A_2458 = arith.constant 0 : i32
        %dma_start3A_2459 = arith.constant 0 : i32
        %dma_start3A_2460 = tpu.memref_slice %arg12[%dma_start3A_2456, %dma_start3A_2457, %dma_start3A_2458, %dma_start3A_2459] : memref<8x2x16x128xf32, #tpu.memory_space<vmem>> -> memref<1x1x16x128xf32, #tpu.memory_space<vmem>>
        %dma_start3A_2461 = tpu.memref_squeeze %dma_start3A_2460 : memref<1x1x16x128xf32, #tpu.memory_space<vmem>> -> memref<16x128xf32, #tpu.memory_space<vmem>>
        %dma_start3A_2462 = arith.constant 0 : i32
        %dma_start3A_2463 = tpu.memref_slice %arg4[%dma_start3A_2462, %multiple_of3A_2448] : memref<16x1000000xf32, #tpu.memory_space<hbm>> -> memref<16x128xf32, #tpu.memory_space<hbm>>
        %dma_start3A_2464 = arith.constant 0 : i32
        %dma_start3A_2465 = arith.constant 0 : i32
        %dma_start3A_2466 = tpu.memref_slice %arg12[%dma_start3A_2456, %dma_start3A_2457, %dma_start3A_2464, %dma_start3A_2465] : memref<8x2x16x128xf32, #tpu.memory_space<vmem>> -> memref<1x1x16x128xf32, #tpu.memory_space<vmem>>
        %dma_start3A_2467 = tpu.memref_squeeze %dma_start3A_2466 : memref<1x1x16x128xf32, #tpu.memory_space<vmem>> -> memref<16x128xf32, #tpu.memory_space<vmem>>
        %dma_start3A_2468 = arith.constant 0 : i32
        %dma_start3A_2469 = tpu.memref_slice %arg4[%dma_start3A_2468, %multiple_of3A_2448] : memref<16x1000000xf32, #tpu.memory_space<hbm>> -> memref<16x128xf32, #tpu.memory_space<hbm>>
        tpu.enqueue_dma source(%dma_start3A_2469 : memref<16x128xf32, #tpu.memory_space<hbm>>) target(%dma_start3A_2467 : memref<16x128xf32, #tpu.memory_space<vmem>>) target_semaphore(%arg26 : memref<!tpu.dma_semaphore, #tpu.memory_space<semaphore_mem>>)
        %dma_start3A_2470 = arith.constant 7 : i32
        %dma_start3A_2471 = arith.constant 1 : i32
        %dma_start3A_2472 = arith.constant 0 : i32
        %dma_start3A_2473 = arith.constant 0 : i32
        %dma_start3A_2474 = tpu.memref_slice %arg13[%dma_start3A_2470, %dma_start3A_2471, %dma_start3A_2472, %dma_start3A_2473] : memref<8x2x16x128xf32, #tpu.memory_space<vmem>> -> memref<1x1x16x128xf32, #tpu.memory_space<vmem>>
        %dma_start3A_2475 = tpu.memref_squeeze %dma_start3A_2474 : memref<1x1x16x128xf32, #tpu.memory_space<vmem>> -> memref<16x128xf32, #tpu.memory_space<vmem>>
        %dma_start3A_2476 = arith.constant 0 : i32
        %dma_start3A_2477 = tpu.memref_slice %arg6[%dma_start3A_2476, %multiple_of3A_2455] : memref<16x1000000xf32, #tpu.memory_space<hbm>> -> memref<16x128xf32, #tpu.memory_space<hbm>>
        %dma_start3A_2478 = arith.constant 0 : i32
        %dma_start3A_2479 = arith.constant 0 : i32
        %dma_start3A_2480 = tpu.memref_slice %arg13[%dma_start3A_2470, %dma_start3A_2471, %dma_start3A_2478, %dma_start3A_2479] : memref<8x2x16x128xf32, #tpu.memory_space<vmem>> -> memref<1x1x16x128xf32, #tpu.memory_space<vmem>>
        %dma_start3A_2481 = tpu.memref_squeeze %dma_start3A_2480 : memref<1x1x16x128xf32, #tpu.memory_space<vmem>> -> memref<16x128xf32, #tpu.memory_space<vmem>>
        %dma_start3A_2482 = arith.constant 0 : i32
        %dma_start3A_2483 = tpu.memref_slice %arg6[%dma_start3A_2482, %multiple_of3A_2455] : memref<16x1000000xf32, #tpu.memory_space<hbm>> -> memref<16x128xf32, #tpu.memory_space<hbm>>
        tpu.enqueue_dma source(%dma_start3A_2483 : memref<16x128xf32, #tpu.memory_space<hbm>>) target(%dma_start3A_2481 : memref<16x128xf32, #tpu.memory_space<vmem>>) target_semaphore(%arg26 : memref<!tpu.dma_semaphore, #tpu.memory_space<semaphore_mem>>)
      } else {
      }
      %swap3A = arith.index_cast %mul3A_689 : i32 to index
      %swap3A_1801 = tpu.vector_load %arg17[%swap3A] {strides = array<i32>} : memref<512xf32, #tpu.memory_space<vmem>>, vector<16xf32>,
      tpu.vector_store %arg17[%swap3A], %select_n3A_1798 {strides = array<i32>} : memref<512xf32, #tpu.memory_space<vmem>>, vector<16xf32>,
    }
    %scan3A_686 = arith.constant 32 : i32
    "tpu.region"() ({
      %run_scoped3A = tpu.sem_alloc : memref<!tpu.dma_semaphore, #tpu.memory_space<semaphore_mem>>
      %dma_start3A_687 = tpu.memref_slice %arg9[%mul3A_2] : memref<16384xf32, #tpu.memory_space<hbm>> -> memref<512xf32, #tpu.memory_space<hbm>>
      %dma_start3A_688 = tpu.memref_slice %arg9[%mul3A_2] : memref<16384xf32, #tpu.memory_space<hbm>> -> memref<512xf32, #tpu.memory_space<hbm>>
      tpu.enqueue_dma source(%arg17 : memref<512xf32, #tpu.memory_space<vmem>>) target(%dma_start3A_688 : memref<512xf32, #tpu.memory_space<hbm>>) target_semaphore(%run_scoped3A : memref<!tpu.dma_semaphore, #tpu.memory_space<semaphore_mem>>)
      %dma_wait3A_689 = tpu.memref_slice %arg9[%mul3A_2] : memref<16384xf32, #tpu.memory_space<hbm>> -> memref<512xf32, #tpu.memory_space<hbm>>
      %dma_wait3A_690 = tpu.memref_slice %arg9[%mul3A_2] : memref<16384xf32, #tpu.memory_space<hbm>> -> memref<512xf32, #tpu.memory_space<hbm>>
      tpu.wait_dma2 semaphore(%run_scoped3A : memref<!tpu.dma_semaphore, #tpu.memory_space<semaphore_mem>>) src(%arg17 : memref<512xf32, #tpu.memory_space<vmem>>) dst(%dma_wait3A_690 : memref<512xf32, #tpu.memory_space<hbm>>)
      tpu.yield
    }) : () -> ()
    return
  }
}

</mosaic_0001>

<sc_bundles>
// kernel: kernel.3.cloned.1.call-start
scs
__scs_entry_jumppad:
0x0: {  	(pc) =	sbr.rel $0x88, $3  }
0x1: {  	(tag) =	ssettag $0x0;
	lr =	simm.s32 $0x1  }
0x2: {  	[smem:$0x3F9A] =	sst lr;
	_ =	strace $0xD0000000  }
0x3: {  	_ = 	snop  }
0x4: {  	_ = 	snop  }
0x5: {  	_ = 	snop  }
0x6: {  	_ = 	snop  }
0x7: {  	_ = 	snop  }
__scs_overlays_trampoline_lowered:
0x8: {  	[smem:$0x3FA9] =	sst s0  }
0x9: {  	[smem:$0x3FAA] =	sst s1  }
0xa: {  	[smem:$0x3FAB] =	sst s2  }
0xb: {  	[smem:$0x3FAC] =	sst s3  }
0xc: {  	[smem:$0x3FAD] =	sst s4  }
0xd: {  	[smem:$0x3FAE] =	sst s5  }
0xe: {  	[smem:$0x3FAF] =	sst s6  }
0xf: {  	[smem:$0x3FB0] =	sst s7  }
0x10: {  	[smem:$0x3FB1] =	sst s8  }
0x11: {  	[smem:$0x3FB2] =	sst s9;
	s0 =	simm.s32 @!p0 $0x0  }
0x12: {  	s1 =	sld [smem:$0x3F98];
	s0 =	simm.s32 @p0 $0x1  }
0x13: {  	[smem:$0x3FB3] =	sst s0;
	s0 =	simm.s32 @!p1 $0x0  }
0x14: {  	s2 =	sld [smem:$0x3F97];
	s0 =	simm.s32 @p1 $0x1  }
0x15: {  	[smem:$0x3FB4] =	sst s0;
	s0 =	simm.s32 @!p2 $0x0  }
0x16: {  	s3 =	sld [smem:$0x3FDB];
	s0 =	simm.s32 @p2 $0x1  }
0x17: {  	s4 =	simm.s32 $0x1BF5;
	[smem:$0x3FB6] =	sst s0  }
0x18: {  	s0 =	sld [smem:$0x3F99];
	_ =	swait.ge [sflag:s4], $0x0  }
0x19: {  	s7 =	sld [smem:$0x3F9A]  }
0x1a: {  	s8 =	sadd.s32 $0xFFFFE003, lr  }
0x1b: {  	s9 =	sadd.s32 $0xFFFFFEF7, lr;
	s5 =	simm.s32 $0xFFFFFFFF;
	p2 =	slt.u32 s8, $0xFFFFF086  }
0x1c: {  	p1 =	slt.u32 s9, $0xF7A;
	s5 =	simm.s32 @!p2 $0x0  }
0x1d: {  	s5 =	simm.s32 @p1 $0x1;
	p0 =	seq.s32 s7, s2  }
0x1e: {  	s7 =	smul.u32 @!p0 $0xF7A, s2;
	p2 =	seq.s32 @!p0 s5, $0x0  }
0x1f: {  	s9 =	smul.u32 $0xF7A, s1;
	s8 =	simm.s32 @!p0 $0x1BF5;
	p2 =	por !p2, p0  }
0x20: {  	[sflag:s8] =	ssyncset.s32 @!p0 $0xFFFFF086;
	s6 =	sadd.s32 @!p0 s3, s7;
	s7 =	simm.s32 @!p0 $0x108  }
0x21: {  	s3 =	sadd.s32 s3, s9;
	s6 =	sadd.s32 @!p0 $0x88, s6;
	s7 =	simm.s32 @p2 $0x1082  }
0x22: {  	[simem:s7], [sflag:s8] =	dma.local @!p0 [hbm:s6], $0xF7A  }
0x23: {  	s9 =	sor.u32 $0xD0000000, s2;
	s6 =	simm.s32 $0x108;
	_ =	swait.ge @!p0 [sflag:s8], $0x0  }
0x24: {  	s3 =	sadd.s32 $0x88, s3;
	s6 =	simm.s32 @!p1 $0x1082;
	[sflag:s4] =	ssyncset.s32 $0xFFFFF086  }
0x25: {  	[simem:s6], [sflag:s4] =	dma.local [hbm:s3], $0xF7A  }
0x26: {  	[smem:$0x3F9A] =	sst s1;
	(tag) =	ssettag s2;
	_ =	strace s9  }
0x27: {  	s1 =	sld [smem:$0x3FAA]  }
0x28: {  	s2 =	sld [smem:$0x3FAB]  }
0x29: {  	s4 =	sld [smem:$0x3FAD]  }
0x2a: {  	p0 =	seq.s32 s5, $0x0;
	s5 =	sld [smem:$0x3FAE]  }
0x2b: {  	s6 =	sld [smem:$0x3FAF]  }
0x2c: {  	s7 =	sld [smem:$0x3FB0]  }
0x2d: {  	s3 =	simm.s32 $0x108;
	s8 =	sld [smem:$0x3FB1]  }
0x2e: {  	s3 =	simm.s32 @!p0 $0x1082;
	s9 =	sld [smem:$0x3FB2]  }
0x2f: {  	lr =	sadd.s32 s0, s3;
	s0 =	sld [smem:$0x3FA9]  }
0x30: {  	s3 =	sld [smem:$0x3FAC]  }
0x31: {  	[smem:$0x3FB5] =	sst s10  }
0x32: {  	s10 =	sld [smem:$0x3FB3];
	_ =	sdelay $0x3  }
0x33: {  	p0 =	seq.s32 s10, $0x1;
	s10 =	sld [smem:$0x3FB5];
	_ =	sdelay $0x3  }
0x34: {  	[smem:$0x3FB5] =	sst s10  }
0x35: {  	s10 =	sld [smem:$0x3FB4];
	_ =	sdelay $0x3  }
0x36: {  	p1 =	seq.s32 s10, $0x1;
	s10 =	sld [smem:$0x3FB5];
	_ =	sdelay $0x3  }
0x37: {  	[smem:$0x3FB5] =	sst s10  }
0x38: {  	s10 =	sld [smem:$0x3FB6]  }
0x39: {  	_ = 	snop;
	(pc) =	sbr.ind lr, $3  }
0x3a: {  	_ = 	snop  }
0x3b: {  	_ = 	snop  }
0x3c: {  	p2 =	seq.s32 s10, $0x1;
	s10 =	sld [smem:$0x3FB5]  }
0x3d: {  	_ =	shalt  }
0x3e: {  	_ =	shalt  }
0x3f: {  	_ =	shalt  }
0x40: {  	_ =	shalt  }
0x41: {  	_ =	shalt  }
0x42: {  	_ =	shalt  }
0x43: {  	_ =	shalt  }
0x44: {  	_ =	shalt  }
0x45: {  	_ =	shalt  }
0x46: {  	_ =	shalt  }
0x47: {  	_ =	shalt  }
0x48: {  	_ =	shalt  }
0x49: {  	_ =	shalt  }
0x4a: {  	_ =	shalt  }
0x4b: {  	_ =	shalt  }
0x4c: {  	_ =	shalt  }
0x4d: {  	_ =	shalt  }
0x4e: {  	_ =	shalt  }
0x4f: {  	_ =	shalt  }
0x50: {  	_ =	shalt  }
0x51: {  	_ =	shalt  }
0x52: {  	_ =	shalt  }
0x53: {  	_ =	shalt  }
0x54: {  	_ =	shalt  }
0x55: {  	_ =	shalt  }
0x56: {  	_ =	shalt  }
0x57: {  	_ =	shalt  }
0x58: {  	_ =	shalt  }
0x59: {  	_ =	shalt  }
0x5a: {  	_ =	shalt  }
0x5b: {  	_ =	shalt  }
0x5c: {  	_ =	shalt  }
0x5d: {  	_ =	shalt  }
0x5e: {  	_ =	shalt  }
0x5f: {  	_ =	shalt  }
0x60: {  	_ =	shalt  }
0x61: {  	_ =	shalt  }
0x62: {  	_ =	shalt  }
0x63: {  	_ =	shalt  }
0x64: {  	_ =	shalt  }
0x65: {  	_ =	shalt  }
0x66: {  	_ =	shalt  }
0x67: {  	_ =	shalt  }
0x68: {  	_ =	shalt  }
0x69: {  	_ =	shalt  }
0x6a: {  	_ =	shalt  }
0x6b: {  	_ =	shalt  }
0x6c: {  	_ =	shalt  }
0x6d: {  	_ =	shalt  }
0x6e: {  	_ =	shalt  }
0x6f: {  	_ =	shalt  }
0x70: {  	_ =	shalt  }
0x71: {  	_ =	shalt  }
0x72: {  	_ =	shalt  }
0x73: {  	_ =	shalt  }
0x74: {  	_ =	shalt  }
0x75: {  	_ =	shalt  }
0x76: {  	_ =	shalt  }
0x77: {  	_ =	shalt  }
0x78: {  	_ =	shalt  }
0x79: {  	_ =	shalt  }
0x7a: {  	_ =	shalt  }
0x7b: {  	_ =	shalt  }
0x7c: {  	_ =	shalt  }
0x7d: {  	_ =	shalt  }
0x7e: {  	_ =	shalt  }
0x7f: {  	_ =	shalt  }
0x80: {  	_ =	shalt  }
0x81: {  	_ =	shalt  }
0x82: {  	_ =	shalt  }
0x83: {  	_ =	shalt  }
0x84: {  	_ =	shalt  }
0x85: {  	_ =	shalt  }
0x86: {  	_ =	shalt  }
0x87: {  	_ =	shalt  }
.Lfunc_end0:
.L_simem_size_0:
called_computation_lowered:
.L_overlay_start_0:
0x88: {  	s2 =	sld [smem:$0x3FD9]  }
0x89: {  	s3 =	sld [smem:$0x3FFE];
	_ =	sdelay $0x1  }
0x8a: {  	s1 =	srdreg.scid  }
0x8b: {  	s0 =	sand.u32 $0x1, s1  }
0x8c: {  	s17 =	sshll.u32 s0, $0xA;
	s2 =	sadd.s32 s3, s2  }
0x8d: {  	s2 =	sadd.s32 s2, s17  }
0x8e: {  	[smem:$0x3FC1] =	sst s2  }
0x8f: {  	_ = 	snop  }
0x90: {  	s2 =	sld [smem:$0x3FC9]  }
0x91: {  	s18 =	sld [smem:$0x3FC8]  }
0x92: {  	s4 =	sld [smem:$0x3FC7]  }
0x93: {  	s5 =	sld [smem:$0x3FC6]  }
0x94: {  	s6 =	sld [smem:$0x3FC5]  }
0x95: {  	s7 =	sld [smem:$0x3FC4]  }
0x96: {  	s8 =	sld [smem:$0x3FD0];
	(tm) =	ssettm $0x1  }
0x97: {  	s9 =	sld [smem:$0x3FFB];
	_ =	sdelay $0x3  }
0x98: {  	_ =	strace s9  }
0x99: {  	s9 =	sld [smem:$0x3FFC];
	_ =	sdelay $0x3  }
0x9a: {  	_ =	strace s9  }
0x9b: {  	s9 =	sld [smem:$0x3FFD];
	_ =	sdelay $0x3  }
0x9c: {  	_ =	strace s9  }
0x9d: {  	_ =	strace $0x8FFFFFFF  }
0x9e: {  	s19 =	sld [smem:$0x3FDB];
	_ =	sdelay $0x1  }
0x9f: {  	s10 =	simm.s32 $_scs_section_size  }
0xa0: {  	s11 =	simm.s32 $_size__tile_overlayer_lowered;
	s12 =	simm.s32 $_tile_overlayer_lowered  }
0xa1: {  	s22 =	simm.s32 $0x1BFF;
	s21 =	sshll.u32 s12, $0x1;
	s9 =	sadd.s32 s10, s19  }
0xa2: {  	s13 =	simm.s32 $0x0;
	s20 =	sshll.u32 s11, $0x1;
	s11 =	sadd.s32 s21, s9  }
0xa3: {  	[timem:s13], [sflag:s22] =	dma.local [hbm:s11], s20  }
0xa4: {  	_ =	swait.ge [sflag:s22], s20  }
0xa5: {  	s10 =	ssub.s32 $0x0, s20;
	[sflag:s22] =	ssyncset.done $0x0  }
0xa6: {  	[sflag:s22] =	ssyncadd.s32 s10;
	_ =	sdelay $0x1  }
0xa7: {  	s23 =	simm.s32 $0x1B8B  }
0xa8: {  	_ =	swait.ge [sflag:s23], $0x1  }
0xa9: {  	[sflag:s23] =	ssyncset.done $0x0  }
0xaa: {  	s25 =	simm.s32 $0x1B8E;
	s24 =	sld [smem:$0x3FFE];
	[sflag:s23] =	ssyncadd.s32 $0xFFFFFFFF  }
0xab: {  	s26 =	simm.s32 $execute0_lowered;
	[smem:$0x3FD2] =	sst s25  }
0xac: {  	s11 =	sshll.u32 s26, $0x1;
	_ =	strace $0x80000046;
	[dreg:$0x1] =	wrdreg $0xFFFFFFFF  }
0xad: {  	s28 =	simm.s32 $_size_execute0_lowered;
	s9 =	sadd.s32 s9, s11;
	[dreg:$0x0] =	wrdreg $0x0  }
0xae: {  	s11 =	sshll.u32 s28, $0x1;
	[dreg:$0x2] =	wrdreg s9  }
0xaf: {  	[dreg:$0x3] =	wrdreg s11  }
0xb0: {  	[dreg:$0x4] =	wrdreg $0xC0  }
0xb1: {  	_ =	task [dreg:s13], $0x5FFFF  }
0xb2: {  	[dreg:$0x1] =	wrdreg $0xFFFFFFFF  }
0xb3: {  	[dreg:$0x0] =	wrdreg $0x60  }
0xb4: {  	[dreg:$0x2] =	wrdreg s2  }
0xb5: {  	[dreg:$0x3] =	wrdreg s18  }
0xb6: {  	[dreg:$0x4] =	wrdreg s4  }
0xb7: {  	[dreg:$0x5] =	wrdreg s5  }
0xb8: {  	[dreg:$0x6] =	wrdreg s6  }
0xb9: {  	[dreg:$0x7] =	wrdreg s7  }
0xba: {  	[dreg:$0x8] =	wrdreg s24  }
0xbb: {  	[dreg:$0x9] =	wrdreg s8  }
0xbc: {  	[dreg:$0xa] =	wrdreg $0x9  }
0xbd: {  	_ =	task.clear_ibuf [dreg:s13], $0xBFFFF;
	_ =	strace $0x90000046  }
0xbe: {  	s29 =	simm.s32 $0x9;
	_ =	strace $0x80000048  }
0xbf: {  	_ =	swait.ge [sflag:s29], $0x1  }
0xc0: {  	[sflag:s29] =	ssyncadd.s32 $0xFFFFFFFF  }
0xc1: {  	_ =	strace $0x90000048  }
0xc2: {  	_ =	sfence  }
0xc3: {  	s30 =	sld [smem:$0x0];
	_ =	sdelay $0x2  }
0xc4: {  	s31 =	sshll.u32 s1, $0xD;
	s1 =	sshrl.u32 s1, $0x2  }
0xc5: {  	s3 =	sand.u32 $0x4000, s31;
	s1 =	sadd.s32 s1, s30  }
0xc6: {  	s0 =	sor.u32 s3, s0;
	s1 =	sshll.u32 s1, $0x11  }
0xc7: {  	s0 =	sor.u32 s1, s0  }
0xc8: {  	s0 =	sadd.s32 $0x8F2B, s0  }
0xc9: {  	[sflag:s0] =	ssyncadd.remote.s32 $0x1  }
0xca: {  	_ =	sfence.sel $0xFFFF  }
0xcb: {  	[dreg:$0x0] =	wrdreg $0xFFFFFFFF;
	(pc) =	sbr.abs _section_cstart, $3  }
0xcc: {  	[dreg:$0x1] =	wrdreg $0xFFFFFFFF  }
0xcd: {  	_ =	task.clear_ibuf [dreg:s13], $0x2FFFF;
	_ =	strace $0x9FFFFFFF  }
0xce: {  	(tm) =	ssettm $0x7FFFFFFF  }
0xcf: {  	_ =	shalt  }
tec
execute0_lowered:
.L_overlay_start_1:
0x0: {  	(tag) =	ssettag $0x1  }
0x1: {  	s0 =	rddreg [dreg:$0x0]  }
0x2: {  	s2 =	rddreg [dreg:$0x1]  }
0x3: {  	s1 =	rddreg [dreg:$0x2]  }
0x4: {  	s3 =	rddreg [dreg:$0x4]  }
0x5: {  	s4 =	rddreg [dreg:$0x6]  }
0x6: {  	s5 =	rddreg [dreg:$0x7];
	s6 =	simm.s32 $0x0  }
0x7: {  	s22 =	srdreg.scid;
	s8 =	stileid.u32;
	s17 =	simm.s32 $0x7A1400  }
0x8: {  	s18 =	simm.s32 $0x400;
	s28 =	simm.s32 $0x6;
	s29 =	simm.s32 $0x7  }
0x9: {  	s30 =	simm.s32 $0x8;
	s31 =	simm.s32 $0x9;
	s15 =	simm.s32 $0xC400  }
0xa: {  	s16 =	simm.s32 $0x4C00;
	s9 =	simm.s32 $0xD400;
	s10 =	simm.s32 $0x5C00  }
0xb: {  	s11 =	simm.s32 $0xDC00;
	s13 =	simm.s32 $0x6400;
	s12 =	simm.s32 $0x6C00  }
0xc: {  	s19 =	simm.s32 $0xEC00;
	[smem:$0x7FF] =	sst s6;
	s6 =	sand.u32 $0x1, s22  }
0xd: {  	s8 =	sshll.u32 s8, $0x7;
	s4 =	sadd.s32 $0x400, s4;
	_ =	strace $0x80000047  }
0xe: {  	v0 =	vlaneseq.u32;
	vm0 =	vmmov $0x1;
	vm1 =	vcmask $0x30C;
	s7 =	ssub.s32 $0x2, s6;
	s6 =	sshll.u32 s6, $0x6;
	[dreg:$0x9] =	wrdreg s4  }
0xf: {  	vm2 =	vcmask $0xF0C;
	vm3 =	vcmask $0x714;
	vm4 =	vcmask $0xF18;
	s23 =	sshrl.u32 s7, $0x1;
	s6 =	sor.u32 s6, s8;
	s8 =	simm.s32 $0x5400  }
0x10: {  	vm5 =	vcmask $0x131C;
	vm6 =	vcmask $0x1F1C;
	vm7 =	vcmask $0x1724;
	s4 =	ssub.s32 s7, s23;
	s0 =	sadd.s32 s0, s6;
	s24 =	sadd.s32 s2, s6  }
.Ltmp0:
0x11: {  	vm8 =	vcmask $0x1F28;
	vm9 =	vcmask $0x232C;
	vm10 =	vcmask $0x2F2C;
	s2 =	simm.s32 $0x0;
	[dreg:$0xa] =	wrdreg s0;
	(pc) =	sbr.rel .LBB2_1-.Ltmp0, $4  }
0x12: {  	vm11 =	vcmask $0x2734;
	vm12 =	vcmask $0x2F38;
	vm13 =	vcmask $0x333C;
	s25 =	sadd.s32 s5, s6;
	s23 =	simm.s32 $0x2;
	[dreg:$0xb] =	wrdreg s24  }
0x13: {  	vm14 =	vmmov $0x3fff;
	vm15 =	vmmov $0x7fff;
	v0 =	vmul.u32 $0x80, v0;
	s5 =	simm.s32 $0x0;
	s7 =	simm.s32 $0xCC00;
	[dreg:$0xc] =	wrdreg s25  }
0x14: {  	vm2 =	vmor vm3, vm2;
	vm3 =	vcmask $0xB14;
	vm6 =	vmor vm7, vm6;
	s26 =	smax.u32 s4, $0x1;
	s4 =	simm.s32 $0xA;
	s24 =	simm.s32 $0x3  }
0x15: {  	vm7 =	vcmask $0x1B24;
	vm10 =	vmor vm11, vm10;
	vm11 =	vcmask $0x2B34;
	s25 =	simm.s32 $0x4;
	[dreg:$0xd] =	wrdreg s26;
	s26 =	simm.s32 $0x5  }
.LBB2_4:
0x16: {  	[tilespmem:s5+$0x10880] =	vst v2;
	s2 =	simm.s32 $0x0;
	s0 =	rddreg [dreg:$0xc];
	s4 =	simm.s32 $0x10880  }
0x17: {  	[hbm4b:s0+s2] =	stream.linear.scatter [tilespmem:s4], [sflag:$0xA], $0x200, $0x38;
	[tilespmem:$0x10A80] =	vst v63  }
0x18: {  	s4 =	simm.s32 $0xA  }
0x19: {  	_ =	swait.ge [sflag:s4], $0x200  }
0x1a: {  	s21 =	rddreg [dreg:$0xe]  }
0x1b: {  	s22 =	rddreg [dreg:$0xd];
	s5 =	sadd.s32 $0x1, s21  }
0x1c: {  	p0 =	sne.s32 s5, s22  }
.Ltmp1:
0x1d: {  	_ = 	snop;
	(pc) =	sbr.rel @!p0 .LBB2_5-.Ltmp1, $3  }
0x1e: {  	_ =	sdelay $0x1  }
0x1f: {  	[sflag:s4] =	ssyncset.done $0x0  }
0x20: {  	[sflag:s4] =	ssyncadd.s32 $0xFFFFFE00  }
.LBB2_1:
0x21: {  	[dreg:$0xe] =	wrdreg s5  }
0x22: {  	s0 =	rddreg [dreg:$0xa]  }
0x23: {  	[tilespmem:s2], [sflag:$0xA] =	stream.linear.gather [hbm4b:s0+s2], $0x200, $0x38;
	[tilespmem:$0x10A80] =	vst v63  }
0x24: {  	_ =	swait.ge [sflag:s4], $0x200  }
0x25: {  	[sflag:s4] =	ssyncset.done $0x0  }
0x26: {  	s20 =	simm.s32 $0x200;
	s14 =	rddreg [dreg:$0xb];
	[sflag:s4] =	ssyncadd.s32 $0xFFFFFE00  }
0x27: {  	[tilespmem:s20], [sflag:$0xA] =	stream.linear.gather [hbm4b:s14+s2], $0x200, $0x38;
	[tilespmem:$0x10A80] =	vst v63  }
0x28: {  	_ =	swait.ge [sflag:s4], $0x200  }
0x29: {  	[sflag:s4] =	ssyncset.done $0x0  }
0x2a: {  	[sflag:s4] =	ssyncadd.s32 $0xFFFFFE00  }
0x2b: {  	s14 =	simm.s32 $0x10400;
	s21 =	rddreg [dreg:$0x3]  }
0x2c: {  	[tilespmem:s14], [sflag:$0x1] =	stream.indirect.gather [hbm4b:s21+s20], $0x1, s2, s20, $0xb8;
	[tilespmem:$0x10A80] =	vst v63  }
0x2d: {  	s6 =	simm.s32 $0x10600;
	s22 =	rddreg [dreg:$0x5]  }
0x2e: {  	[tilespmem:s6], [sflag:$0x1] =	stream.indirect.gather [hbm4b:s22+s20], $0x1, s20, s20, $0xb8;
	[tilespmem:$0x10A80] =	vst v63  }
0x2f: {  	s14 =	rddreg [dreg:$0x9];
	s20 =	simm.s32 $0x10800  }
0x30: {  	[tilespmem:s20], [sflag:$0xA] =	stream.linear.gather [hbm4b:s14+s2], $0x80, $0x38;
	[tilespmem:$0x10A80] =	vst v63  }
0x31: {  	_ =	swait.ge [sflag:s4], $0x80  }
0x32: {  	[sflag:s4] =	ssyncset.done $0x0  }
0x33: {  	[sflag:s4] =	ssyncadd.s32 $0xFFFFFF80  }
0x34: {  	v2 =	vld [tilespmem:$0x0];
	_ =	sdelay $0x1  }
0x35: {  	v1 =	vld [tilespmem:$0x200];
	_ =	sdelay $0x2  }
0x36: {  	(v2sf) =	vpush v2, $0x0;
	_ =	sdelay $0x1  }
0x37: {  	(v2sf) =	vpush v1, $0x0;
	_ =	sdelay $0x1  }
0x38: {  	(v2sf) =	vpush v2, $0x1;
	_ =	sdelay $0x2  }
0x39: {  	(v2sf) =	vpush v1, $0x1;
	_ =	sdelay $0x7  }
0x3a: {  	s21 =	spop (v2sf);
	(v2sf) =	vpush v2, $0x2;
	_ =	sdelay $0x1  }
0x3b: {  	s22 =	spop (v2sf);
	(v2sf) =	vpush v1, $0x2;
	_ =	sdelay $0x1  }
0x3c: {  	s2 =	spop (v2sf);
	(v2sf) =	vpush v2, $0x3;
	_ =	sdelay $0x2  }
0x3d: {  	s5 =	spop (v2sf);
	(v2sf) =	vpush v1, $0x3;
	_ =	sdelay $0x4  }
0x3e: {  	s0 =	sand.u32 $0xFFFFF80, s21  }
0x3f: {  	s0 =	sadd.s32 s1, s0  }
0x40: {  	[tilespmem:s18], [sflag:$0x2] =	stream.strided.gather [hbm4b:s0+s18], $0x800, s17, s18, $0x38;
	[tilespmem:$0x10A80] =	vst v63  }
0x41: {  	s14 =	spop (v2sf);
	(v2sf) =	vpush v2, $0x4  }
0x42: {  	s0 =	sand.u32 $0xFFFFF80, s22  }
0x43: {  	s6 =	simm.s32 $0x8400;
	s0 =	sadd.s32 s3, s0;
	s21 =	spop (v2sf);
	(v2sf) =	vpush v1, $0x4  }
0x44: {  	[tilespmem:s6], [sflag:$0x2] =	stream.strided.gather [hbm4b:s0+s18], $0x800, s17, s18, $0x38;
	[tilespmem:$0x10A80] =	vst v63  }
0x45: {  	s0 =	sand.u32 $0xFFFFF80, s2;
	s2 =	spop (v2sf);
	(v2sf) =	vpush v2, $0x5  }
0x46: {  	s4 =	simm.s32 $0xC00;
	s0 =	sadd.s32 s1, s0  }
0x47: {  	[tilespmem:s4], [sflag:$0x2] =	stream.strided.gather [hbm4b:s0+s18], $0x800, s17, s18, $0x38;
	[tilespmem:$0x10A80] =	vst v63  }
0x48: {  	s0 =	sand.u32 $0xFFFFF80, s5;
	s5 =	spop (v2sf);
	(v2sf) =	vpush v1, $0x5;
	_ =	sdelay $0x1  }
0x49: {  	s6 =	simm.s32 $0x8C00;
	s0 =	sadd.s32 s3, s0  }
0x4a: {  	[tilespmem:s6], [sflag:$0x2] =	stream.strided.gather [hbm4b:s0+s18], $0x800, s17, s18, $0x38;
	[tilespmem:$0x10A80] =	vst v63  }
0x4b: {  	s0 =	sand.u32 $0xFFFFF80, s14  }
0x4c: {  	s20 =	simm.s32 $0x1400;
	s0 =	sadd.s32 s1, s0  }
0x4d: {  	[tilespmem:s20], [sflag:$0x3] =	stream.strided.gather [hbm4b:s0+s18], $0x800, s17, s18, $0x38;
	[tilespmem:$0x10A80] =	vst v63  }
0x4e: {  	s0 =	sand.u32 $0xFFFFF80, s21  }
0x4f: {  	s22 =	simm.s32 $0x9400;
	s0 =	sadd.s32 s3, s0;
	s14 =	spop (v2sf);
	(v2sf) =	vpush v2, $0x6  }
0x50: {  	[tilespmem:s22], [sflag:$0x3] =	stream.strided.gather [hbm4b:s0+s18], $0x800, s17, s18, $0x38;
	[tilespmem:$0x10A80] =	vst v63  }
0x51: {  	s21 =	spop (v2sf);
	(v2sf) =	vpush v1, $0x6  }
0x52: {  	s0 =	sand.u32 $0xFFFFF80, s2  }
0x53: {  	s4 =	simm.s32 $0x1C00;
	s0 =	sadd.s32 s1, s0;
	s2 =	spop (v2sf);
	(v2sf) =	vpush v2, $0x7  }
0x54: {  	[tilespmem:s4], [sflag:$0x3] =	stream.strided.gather [hbm4b:s0+s18], $0x800, s17, s18, $0x38;
	[tilespmem:$0x10A80] =	vst v63  }
0x55: {  	s0 =	sand.u32 $0xFFFFF80, s5  }
0x56: {  	s6 =	simm.s32 $0x9C00;
	s0 =	sadd.s32 s3, s0;
	s5 =	spop (v2sf);
	(v2sf) =	vpush v1, $0x7  }
0x57: {  	[tilespmem:s6], [sflag:$0x3] =	stream.strided.gather [hbm4b:s0+s18], $0x800, s17, s18, $0x38;
	[tilespmem:$0x10A80] =	vst v63  }
0x58: {  	s0 =	sand.u32 $0xFFFFF80, s14  }
0x59: {  	s20 =	simm.s32 $0x2400;
	s0 =	sadd.s32 s1, s0  }
0x5a: {  	[tilespmem:s20], [sflag:$0x4] =	stream.strided.gather [hbm4b:s0+s18], $0x800, s17, s18, $0x38;
	[tilespmem:$0x10A80] =	vst v63  }
0x5b: {  	s0 =	sand.u32 $0xFFFFF80, s21  }
0x5c: {  	s22 =	simm.s32 $0xA400;
	s0 =	sadd.s32 s3, s0  }
0x5d: {  	[tilespmem:s22], [sflag:$0x4] =	stream.strided.gather [hbm4b:s0+s18], $0x800, s17, s18, $0x38;
	[tilespmem:$0x10A80] =	vst v63  }
0x5e: {  	s14 =	spop (v2sf);
	(v2sf) =	vpush v2, $0x8  }
0x5f: {  	s0 =	sand.u32 $0xFFFFF80, s2  }
0x60: {  	s4 =	simm.s32 $0x2C00;
	s0 =	sadd.s32 s1, s0;
	s21 =	spop (v2sf);
	(v2sf) =	vpush v1, $0x8  }
0x61: {  	[tilespmem:s4], [sflag:$0x4] =	stream.strided.gather [hbm4b:s0+s18], $0x800, s17, s18, $0x38;
	[tilespmem:$0x10A80] =	vst v63  }
0x62: {  	s0 =	sand.u32 $0xFFFFF80, s5;
	s2 =	spop (v2sf);
	(v2sf) =	vpush v2, $0x9  }
0x63: {  	s6 =	simm.s32 $0xAC00;
	s0 =	sadd.s32 s3, s0  }
0x64: {  	[tilespmem:s6], [sflag:$0x4] =	stream.strided.gather [hbm4b:s0+s18], $0x800, s17, s18, $0x38;
	[tilespmem:$0x10A80] =	vst v63  }
0x65: {  	s5 =	spop (v2sf);
	(v2sf) =	vpush v1, $0x9  }
0x66: {  	s0 =	sand.u32 $0xFFFFF80, s14  }
0x67: {  	s20 =	simm.s32 $0x3400;
	s0 =	sadd.s32 s1, s0  }
0x68: {  	[tilespmem:s20], [sflag:$0x5] =	stream.strided.gather [hbm4b:s0+s18], $0x800, s17, s18, $0x38;
	[tilespmem:$0x10A80] =	vst v63  }
0x69: {  	s0 =	sand.u32 $0xFFFFF80, s21  }
0x6a: {  	s22 =	simm.s32 $0xB400;
	s0 =	sadd.s32 s3, s0  }
0x6b: {  	[tilespmem:s22], [sflag:$0x5] =	stream.strided.gather [hbm4b:s0+s18], $0x800, s17, s18, $0x38;
	[tilespmem:$0x10A80] =	vst v63  }
0x6c: {  	s0 =	sand.u32 $0xFFFFF80, s2  }
0x6d: {  	s4 =	simm.s32 $0x3C00;
	s0 =	sadd.s32 s1, s0;
	s14 =	spop (v2sf);
	(v2sf) =	vpush v2, $0xA  }
0x6e: {  	[tilespmem:s4], [sflag:$0x5] =	stream.strided.gather [hbm4b:s0+s18], $0x800, s17, s18, $0x38;
	[tilespmem:$0x10A80] =	vst v63  }
0x6f: {  	s21 =	spop (v2sf);
	(v2sf) =	vpush v1, $0xA  }
0x70: {  	s0 =	sand.u32 $0xFFFFF80, s5  }
0x71: {  	s6 =	simm.s32 $0xBC00;
	s0 =	sadd.s32 s3, s0;
	s22 =	spop (v2sf);
	(v2sf) =	vpush v2, $0xB  }
0x72: {  	[tilespmem:s6], [sflag:$0x5] =	stream.strided.gather [hbm4b:s0+s18], $0x800, s17, s18, $0x38;
	[tilespmem:$0x10A80] =	vst v63  }
0x73: {  	s0 =	sand.u32 $0xFFFFF80, s14  }
0x74: {  	s20 =	simm.s32 $0x4400;
	s0 =	sadd.s32 s1, s0;
	s2 =	spop (v2sf);
	(v2sf) =	vpush v1, $0xB  }
0x75: {  	[tilespmem:s20], [sflag:$0x6] =	stream.strided.gather [hbm4b:s0+s18], $0x800, s17, s18, $0x38;
	[tilespmem:$0x10A80] =	vst v63  }
0x76: {  	s0 =	sand.u32 $0xFFFFF80, s21  }
0x77: {  	s0 =	sadd.s32 s3, s0  }
0x78: {  	[tilespmem:s15], [sflag:$0x6] =	stream.strided.gather [hbm4b:s0+s18], $0x800, s17, s18, $0x38;
	[tilespmem:$0x10A80] =	vst v63  }
0x79: {  	s0 =	sand.u32 $0xFFFFF80, s22  }
0x7a: {  	s0 =	sadd.s32 s1, s0  }
0x7b: {  	[tilespmem:s16], [sflag:$0x6] =	stream.strided.gather [hbm4b:s0+s18], $0x800, s17, s18, $0x38;
	[tilespmem:$0x10A80] =	vst v63  }
0x7c: {  	s4 =	spop (v2sf);
	(v2sf) =	vpush v2, $0xC  }
0x7d: {  	s0 =	sand.u32 $0xFFFFF80, s2  }
0x7e: {  	s0 =	sadd.s32 s3, s0;
	s5 =	spop (v2sf);
	(v2sf) =	vpush v1, $0xC  }
0x7f: {  	[tilespmem:s7], [sflag:$0x6] =	stream.strided.gather [hbm4b:s0+s18], $0x800, s17, s18, $0x38;
	[tilespmem:$0x10A80] =	vst v63  }
0x80: {  	s0 =	sand.u32 $0xFFFFF80, s4;
	s6 =	spop (v2sf);
	(v2sf) =	vpush v2, $0xD  }
0x81: {  	s0 =	sadd.s32 s1, s0  }
0x82: {  	[tilespmem:s8], [sflag:$0x7] =	stream.strided.gather [hbm4b:s0+s18], $0x800, s17, s18, $0x38;
	[tilespmem:$0x10A80] =	vst v63  }
0x83: {  	s14 =	spop (v2sf);
	(v2sf) =	vpush v1, $0xD  }
0x84: {  	s0 =	sand.u32 $0xFFFFF80, s5  }
0x85: {  	s0 =	sadd.s32 s3, s0  }
0x86: {  	[tilespmem:s9], [sflag:$0x7] =	stream.strided.gather [hbm4b:s0+s18], $0x800, s17, s18, $0x38;
	[tilespmem:$0x10A80] =	vst v63  }
0x87: {  	s0 =	sand.u32 $0xFFFFF80, s6  }
0x88: {  	s0 =	sadd.s32 s1, s0  }
0x89: {  	[tilespmem:s10], [sflag:$0x7] =	stream.strided.gather [hbm4b:s0+s18], $0x800, s17, s18, $0x38;
	[tilespmem:$0x10A80] =	vst v63  }
0x8a: {  	s0 =	sand.u32 $0xFFFFF80, s14  }
0x8b: {  	s0 =	sadd.s32 s3, s0;
	s20 =	spop (v2sf);
	(v2sf) =	vpush v2, $0xE  }
0x8c: {  	[tilespmem:s11], [sflag:$0x7] =	stream.strided.gather [hbm4b:s0+s18], $0x800, s17, s18, $0x38;
	[tilespmem:$0x10A80] =	vst v63  }
0x8d: {  	s21 =	spop (v2sf);
	(v2sf) =	vpush v1, $0xE  }
0x8e: {  	s0 =	sand.u32 $0xFFFFF80, s20  }
0x8f: {  	s0 =	sadd.s32 s1, s0;
	s22 =	spop (v2sf)  }
0x90: {  	(v2sf) =	vpush v2, $0xF;
	[tilespmem:s13], [sflag:$0x8] =	stream.strided.gather [hbm4b:s0+s18], $0x800, s17, s18, $0x38;
	[tilespmem:$0x10A80] =	vst v63  }
0x91: {  	s0 =	sand.u32 $0xFFFFF80, s21  }
0x92: {  	s6 =	simm.s32 $0xE400;
	s2 =	spop (v2sf);
	s0 =	sadd.s32 s3, s0  }
0x93: {  	(v2sf) =	vpush v1, $0xF;
	[tilespmem:s6], [sflag:$0x8] =	stream.strided.gather [hbm4b:s0+s18], $0x800, s17, s18, $0x38;
	[tilespmem:$0x10A80] =	vst v63  }
0x94: {  	s0 =	sand.u32 $0xFFFFF80, s22  }
0x95: {  	s0 =	sadd.s32 s1, s0  }
0x96: {  	[tilespmem:s12], [sflag:$0x8] =	stream.strided.gather [hbm4b:s0+s18], $0x800, s17, s18, $0x38;
	[tilespmem:$0x10A80] =	vst v63  }
0x97: {  	s0 =	sand.u32 $0xFFFFF80, s2  }
0x98: {  	s0 =	sadd.s32 s3, s0  }
0x99: {  	[tilespmem:s19], [sflag:$0x8] =	stream.strided.gather [hbm4b:s0+s18], $0x800, s17, s18, $0x38;
	[tilespmem:$0x10A80] =	vst v63  }
0x9a: {  	s4 =	spop (v2sf)  }
0x9b: {  	s0 =	sand.u32 $0xFFFFF80, s4  }
0x9c: {  	s20 =	simm.s32 $0x7400;
	s5 =	spop (v2sf);
	s0 =	sadd.s32 s1, s0  }
0x9d: {  	[tilespmem:s20], [sflag:$0x9] =	stream.strided.gather [hbm4b:s0+s18], $0x800, s17, s18, $0x38;
	[tilespmem:$0x10A80] =	vst v63  }
0x9e: {  	s0 =	sand.u32 $0xFFFFF80, s5  }
0x9f: {  	s21 =	simm.s32 $0xF400;
	s2 =	spop (v2sf);
	s0 =	sadd.s32 s3, s0  }
0xa0: {  	[tilespmem:s21], [sflag:$0x9] =	stream.strided.gather [hbm4b:s0+s18], $0x800, s17, s18, $0x38;
	[tilespmem:$0x10A80] =	vst v63  }
0xa1: {  	s0 =	sand.u32 $0xFFFFF80, s2  }
0xa2: {  	s22 =	simm.s32 $0x7C00;
	s4 =	spop (v2sf);
	s0 =	sadd.s32 s1, s0  }
0xa3: {  	[tilespmem:s22], [sflag:$0x9] =	stream.strided.gather [hbm4b:s0+s18], $0x800, s17, s18, $0x38;
	[tilespmem:$0x10A80] =	vst v63  }
0xa4: {  	s0 =	sand.u32 $0xFFFFF80, s4  }
0xa5: {  	s14 =	simm.s32 $0xFC00;
	s5 =	simm.s32 $0x1;
	s0 =	sadd.s32 s3, s0  }
0xa6: {  	[tilespmem:s14], [sflag:$0x9] =	stream.strided.gather [hbm4b:s0+s18], $0x800, s17, s18, $0x38;
	[tilespmem:$0x10A80] =	vst v63  }
0xa7: {  	_ =	swait.ge [sflag:s5], $0x200  }
0xa8: {  	[sflag:s5] =	ssyncset.done $0x0  }
0xa9: {  	[sflag:s5] =	ssyncadd.s32 $0xFFFFFE00  }
0xaa: {  	_ =	swait.ge [sflag:s5], $0x200  }
0xab: {  	[sflag:s5] =	ssyncset.done $0x0  }
0xac: {  	[sflag:s5] =	ssyncadd.s32 $0xFFFFFE00  }
0xad: {  	s0 =	simm.s32 $0x0;
	v1 =	vld [tilespmem:$0x10800]  }
.LBB2_2:
0xae: {  	s5 =	sshra.s32 s0, $0x2  }
0xaf: {  	v4 =	vld [tilespmem:s5+$0x0]  }
0xb0: {  	v5 =	vld [tilespmem:s5+$0x200]  }
0xb1: {  	v2 =	vld [tilespmem:s5+$0x10400]  }
0xb2: {  	v3 =	vld [tilespmem:s5+$0x10600];
	_ =	swait.ge [sflag:s23], $0x800  }
0xb3: {  	[sflag:s23] =	ssyncset.done $0x0  }
0xb4: {  	[sflag:s23] =	ssyncadd.s32 $0xFFFFF800  }
0xb5: {  	_ =	swait.ge [sflag:s23], $0x800  }
0xb6: {  	[sflag:s23] =	ssyncset.done $0x0  }
0xb7: {  	[sflag:s23] =	ssyncadd.s32 $0xFFFFF800  }
0xb8: {  	_ =	swait.ge [sflag:s23], $0x800  }
0xb9: {  	[sflag:s23] =	ssyncset.done $0x0  }
0xba: {  	[sflag:s23] =	ssyncadd.s32 $0xFFFFF800  }
0xbb: {  	_ =	swait.ge [sflag:s23], $0x800  }
0xbc: {  	(v2sf) =	vpush v4, $0x0  }
0xbd: {  	(v2sf) =	vpush v5, $0x0  }
0xbe: {  	(v2sf) =	vpush v4, $0x1  }
0xbf: {  	(v2sf) =	vpush v5, $0x1;
	_ =	sdelay $0xb  }
0xc0: {  	s2 =	spop (v2sf)  }
0xc1: {  	s2 =	sand.u32 $0x7F, s2;
	s4 =	spop (v2sf)  }
0xc2: {  	s4 =	sand.u32 $0x7F, s4;
	v6 =	vor.u32 s2, v0;
	s2 =	spop (v2sf)  }
0xc3: {  	v7 =	vor.u32 s4, v0;
	s2 =	sand.u32 $0x7F, s2;
	s4 =	spop (v2sf)  }
0xc4: {  	s4 =	sand.u32 $0x7F, s4;
	v8 =	vor.u32 s2, v0  }
0xc5: {  	[sflag:s23] =	ssyncset.done $0x0;
	v9 =	vor.u32 s4, v0  }
0xc6: {  	[sflag:s23] =	ssyncadd.s32 $0xFFFFF800  }
0xc7: {  	s4 =	simm.s32 $0x8400;
	v6 =	vld.idx.msk [tilespmem:v6+s18+$0x0], $0xffff  }
0xc8: {  	v7 =	vld.idx.msk [tilespmem:v7+s4+$0x0], $0xffff;
	s4 =	simm.s32 $0xC00  }
0xc9: {  	v8 =	vld.idx.msk [tilespmem:v8+s4+$0x0], $0xffff;
	s4 =	simm.s32 $0x8C00  }
0xca: {  	v9 =	vld.idx.msk [tilespmem:v9+s4+$0x0], $0xffff;
	_ =	sdelay $0x3  }
0xcb: {  	v6 =	vmul.f32 v7, v6  }
0xcc: {  	v57 =	vmul.f32 v9, v8  }
0xcd: {  	(xrf2) =	vadd.scan.msk.f32 $0xffff, v6  }
0xce: {  	(xrf2) =	vadd.scan.msk.f32 $0xffff, v57;
	_ =	sdelay $0x8  }
0xcf: {  	v58, _, _ =	vpop (xrf2)  }
0xd0: {  	v59, _, _ =	vpop (xrf2)  }
0xd1: {  	_ =	swait.ge [sflag:s24], $0x800  }
0xd2: {  	[sflag:s24] =	ssyncset.done $0x0  }
0xd3: {  	[sflag:s24] =	ssyncadd.s32 $0xFFFFF800  }
0xd4: {  	_ =	swait.ge [sflag:s24], $0x800  }
0xd5: {  	[sflag:s24] =	ssyncset.done $0x0  }
0xd6: {  	[sflag:s24] =	ssyncadd.s32 $0xFFFFF800  }
0xd7: {  	_ =	swait.ge [sflag:s24], $0x800  }
0xd8: {  	[sflag:s24] =	ssyncset.done $0x0  }
0xd9: {  	[sflag:s24] =	ssyncadd.s32 $0xFFFFF800  }
0xda: {  	_ =	swait.ge [sflag:s24], $0x800  }
0xdb: {  	(v2sf) =	vpush v4, $0x2  }
0xdc: {  	(v2sf) =	vpush v5, $0x2  }
0xdd: {  	(v2sf) =	vpush v4, $0x3  }
0xde: {  	(v2sf) =	vpush v5, $0x3;
	_ =	sdelay $0xb  }
0xdf: {  	s4 =	spop (v2sf)  }
0xe0: {  	s2 =	sand.u32 $0x7F, s4;
	s4 =	spop (v2sf)  }
0xe1: {  	s4 =	sand.u32 $0x7F, s4;
	v60 =	vor.u32 s2, v0;
	s2 =	spop (v2sf)  }
0xe2: {  	v61 =	vor.u32 s4, v0;
	s2 =	sand.u32 $0x7F, s2;
	s4 =	spop (v2sf)  }
0xe3: {  	s4 =	sand.u32 $0x7F, s4;
	v10 =	vor.u32 s2, v0  }
0xe4: {  	[sflag:s24] =	ssyncset.done $0x0;
	v11 =	vor.u32 s4, v0  }
0xe5: {  	[sflag:s24] =	ssyncadd.s32 $0xFFFFF800;
	s4 =	simm.s32 $0x1400  }
0xe6: {  	v8 =	vld.idx.msk [tilespmem:v60+s4+$0x0], $0xffff;
	s4 =	simm.s32 $0x9400  }
0xe7: {  	v9 =	vld.idx.msk [tilespmem:v61+s4+$0x0], $0xffff;
	s4 =	simm.s32 $0x1C00  }
0xe8: {  	v10 =	vld.idx.msk [tilespmem:v10+s4+$0x0], $0xffff;
	s4 =	simm.s32 $0x9C00  }
0xe9: {  	v11 =	vld.idx.msk [tilespmem:v11+s4+$0x0], $0xffff;
	_ =	sdelay $0x3  }
0xea: {  	v8 =	vmul.f32 v9, v8  }
0xeb: {  	v62 =	vmul.f32 v11, v10  }
0xec: {  	(xrf2) =	vadd.scan.msk.f32 $0xffff, v8  }
0xed: {  	(xrf2) =	vadd.scan.msk.f32 $0xffff, v62;
	_ =	sdelay $0x8  }
0xee: {  	v63, _, _ =	vpop (xrf2)  }
0xef: {  	v24, _, _ =	vpop (xrf2)  }
0xf0: {  	_ =	swait.ge [sflag:s25], $0x800  }
0xf1: {  	[sflag:s25] =	ssyncset.done $0x0  }
0xf2: {  	[sflag:s25] =	ssyncadd.s32 $0xFFFFF800  }
0xf3: {  	_ =	swait.ge [sflag:s25], $0x800  }
0xf4: {  	[sflag:s25] =	ssyncset.done $0x0  }
0xf5: {  	[sflag:s25] =	ssyncadd.s32 $0xFFFFF800  }
0xf6: {  	_ =	swait.ge [sflag:s25], $0x800  }
0xf7: {  	[sflag:s25] =	ssyncset.done $0x0  }
0xf8: {  	[sflag:s25] =	ssyncadd.s32 $0xFFFFF800  }
0xf9: {  	_ =	swait.ge [sflag:s25], $0x800  }
0xfa: {  	(v2sf) =	vpush v4, $0x4  }
0xfb: {  	(v2sf) =	vpush v5, $0x4  }
0xfc: {  	(v2sf) =	vpush v4, $0x5  }
0xfd: {  	(v2sf) =	vpush v5, $0x5;
	_ =	sdelay $0xb  }
0xfe: {  	s4 =	spop (v2sf)  }
0xff: {  	s2 =	sand.u32 $0x7F, s4;
	s4 =	spop (v2sf)  }
0x100: {  	s4 =	sand.u32 $0x7F, s4;
	v25 =	vor.u32 s2, v0;
	s2 =	spop (v2sf)  }
0x101: {  	v26 =	vor.u32 s4, v0;
	s2 =	sand.u32 $0x7F, s2;
	s4 =	spop (v2sf)  }
0x102: {  	s4 =	sand.u32 $0x7F, s4;
	v12 =	vor.u32 s2, v0  }
0x103: {  	[sflag:s25] =	ssyncset.done $0x0;
	v13 =	vor.u32 s4, v0  }
0x104: {  	[sflag:s25] =	ssyncadd.s32 $0xFFFFF800;
	s4 =	simm.s32 $0x2400  }
0x105: {  	v10 =	vld.idx.msk [tilespmem:v25+s4+$0x0], $0xffff;
	s4 =	simm.s32 $0xA400  }
0x106: {  	v11 =	vld.idx.msk [tilespmem:v26+s4+$0x0], $0xffff;
	s4 =	simm.s32 $0x2C00  }
0x107: {  	v12 =	vld.idx.msk [tilespmem:v12+s4+$0x0], $0xffff;
	s4 =	simm.s32 $0xAC00  }
0x108: {  	v13 =	vld.idx.msk [tilespmem:v13+s4+$0x0], $0xffff;
	_ =	sdelay $0x3  }
0x109: {  	v10 =	vmul.f32 v11, v10  }
0x10a: {  	v27 =	vmul.f32 v13, v12  }
0x10b: {  	(xrf2) =	vadd.scan.msk.f32 $0xffff, v10  }
0x10c: {  	(xrf2) =	vadd.scan.msk.f32 $0xffff, v27;
	_ =	sdelay $0x8  }
0x10d: {  	v28, _, _ =	vpop (xrf2)  }
0x10e: {  	v29, _, _ =	vpop (xrf2)  }
0x10f: {  	_ =	swait.ge [sflag:s26], $0x800  }
0x110: {  	[sflag:s26] =	ssyncset.done $0x0  }
0x111: {  	[sflag:s26] =	ssyncadd.s32 $0xFFFFF800  }
0x112: {  	_ =	swait.ge [sflag:s26], $0x800  }
0x113: {  	[sflag:s26] =	ssyncset.done $0x0  }
0x114: {  	[sflag:s26] =	ssyncadd.s32 $0xFFFFF800  }
0x115: {  	_ =	swait.ge [sflag:s26], $0x800  }
0x116: {  	[sflag:s26] =	ssyncset.done $0x0  }
0x117: {  	[sflag:s26] =	ssyncadd.s32 $0xFFFFF800  }
0x118: {  	_ =	swait.ge [sflag:s26], $0x800  }
0x119: {  	(v2sf) =	vpush v4, $0x6  }
0x11a: {  	(v2sf) =	vpush v5, $0x6  }
0x11b: {  	(v2sf) =	vpush v4, $0x7  }
0x11c: {  	(v2sf) =	vpush v5, $0x7;
	_ =	sdelay $0xb  }
0x11d: {  	s4 =	spop (v2sf)  }
0x11e: {  	s2 =	sand.u32 $0x7F, s4;
	s4 =	spop (v2sf)  }
0x11f: {  	s4 =	sand.u32 $0x7F, s4;
	v30 =	vor.u32 s2, v0;
	s2 =	spop (v2sf)  }
0x120: {  	v31 =	vor.u32 s4, v0;
	s2 =	sand.u32 $0x7F, s2;
	s4 =	spop (v2sf)  }
0x121: {  	s4 =	sand.u32 $0x7F, s4;
	v14 =	vor.u32 s2, v0  }
0x122: {  	[sflag:s26] =	ssyncset.done $0x0;
	v15 =	vor.u32 s4, v0  }
0x123: {  	[sflag:s26] =	ssyncadd.s32 $0xFFFFF800;
	s4 =	simm.s32 $0x3400  }
0x124: {  	v12 =	vld.idx.msk [tilespmem:v30+s4+$0x0], $0xffff;
	s4 =	simm.s32 $0xB400  }
0x125: {  	v13 =	vld.idx.msk [tilespmem:v31+s4+$0x0], $0xffff;
	s4 =	simm.s32 $0x3C00  }
0x126: {  	v14 =	vld.idx.msk [tilespmem:v14+s4+$0x0], $0xffff;
	s4 =	simm.s32 $0xBC00  }
0x127: {  	v15 =	vld.idx.msk [tilespmem:v15+s4+$0x0], $0xffff;
	_ =	sdelay $0x3  }
0x128: {  	v12 =	vmul.f32 v13, v12  }
0x129: {  	v32 =	vmul.f32 v15, v14  }
0x12a: {  	(xrf2) =	vadd.scan.msk.f32 $0xffff, v12  }
0x12b: {  	(xrf2) =	vadd.scan.msk.f32 $0xffff, v32;
	_ =	sdelay $0x8  }
0x12c: {  	v33, _, _ =	vpop (xrf2)  }
0x12d: {  	v34, _, _ =	vpop (xrf2)  }
0x12e: {  	_ =	swait.ge [sflag:s28], $0x800  }
0x12f: {  	[sflag:s28] =	ssyncset.done $0x0  }
0x130: {  	[sflag:s28] =	ssyncadd.s32 $0xFFFFF800  }
0x131: {  	_ =	swait.ge [sflag:s28], $0x800  }
0x132: {  	[sflag:s28] =	ssyncset.done $0x0  }
0x133: {  	[sflag:s28] =	ssyncadd.s32 $0xFFFFF800  }
0x134: {  	_ =	swait.ge [sflag:s28], $0x800  }
0x135: {  	[sflag:s28] =	ssyncset.done $0x0  }
0x136: {  	[sflag:s28] =	ssyncadd.s32 $0xFFFFF800  }
0x137: {  	_ =	swait.ge [sflag:s28], $0x800  }
0x138: {  	(v2sf) =	vpush v4, $0x8  }
0x139: {  	(v2sf) =	vpush v5, $0x8  }
0x13a: {  	(v2sf) =	vpush v4, $0x9  }
0x13b: {  	(v2sf) =	vpush v5, $0x9;
	_ =	sdelay $0xb  }
0x13c: {  	s4 =	spop (v2sf)  }
0x13d: {  	s2 =	sand.u32 $0x7F, s4;
	s4 =	spop (v2sf)  }
0x13e: {  	s4 =	sand.u32 $0x7F, s4;
	v35 =	vor.u32 s2, v0;
	s2 =	spop (v2sf)  }
0x13f: {  	v36 =	vor.u32 s4, v0;
	s2 =	sand.u32 $0x7F, s2;
	s4 =	spop (v2sf)  }
0x140: {  	s4 =	sand.u32 $0x7F, s4;
	v16 =	vor.u32 s2, v0  }
0x141: {  	[sflag:s28] =	ssyncset.done $0x0;
	v17 =	vor.u32 s4, v0  }
0x142: {  	[sflag:s28] =	ssyncadd.s32 $0xFFFFF800;
	s4 =	simm.s32 $0x4400  }
0x143: {  	v14 =	vld.idx.msk [tilespmem:v35+s4+$0x0], $0xffff  }
0x144: {  	v15 =	vld.idx.msk [tilespmem:v36+s15+$0x0], $0xffff  }
0x145: {  	v16 =	vld.idx.msk [tilespmem:v16+s16+$0x0], $0xffff  }
0x146: {  	v17 =	vld.idx.msk [tilespmem:v17+s7+$0x0], $0xffff;
	_ =	sdelay $0x3  }
0x147: {  	v14 =	vmul.f32 v15, v14  }
0x148: {  	v37 =	vmul.f32 v17, v16  }
0x149: {  	(xrf2) =	vadd.scan.msk.f32 $0xffff, v14  }
0x14a: {  	(xrf2) =	vadd.scan.msk.f32 $0xffff, v37;
	_ =	sdelay $0x8  }
0x14b: {  	v38, _, _ =	vpop (xrf2)  }
0x14c: {  	v39, _, _ =	vpop (xrf2)  }
0x14d: {  	_ =	swait.ge [sflag:s29], $0x800  }
0x14e: {  	[sflag:s29] =	ssyncset.done $0x0  }
0x14f: {  	[sflag:s29] =	ssyncadd.s32 $0xFFFFF800  }
0x150: {  	_ =	swait.ge [sflag:s29], $0x800  }
0x151: {  	[sflag:s29] =	ssyncset.done $0x0  }
0x152: {  	[sflag:s29] =	ssyncadd.s32 $0xFFFFF800  }
0x153: {  	_ =	swait.ge [sflag:s29], $0x800  }
0x154: {  	[sflag:s29] =	ssyncset.done $0x0  }
0x155: {  	[sflag:s29] =	ssyncadd.s32 $0xFFFFF800  }
0x156: {  	_ =	swait.ge [sflag:s29], $0x800  }
0x157: {  	(v2sf) =	vpush v4, $0xA  }
0x158: {  	(v2sf) =	vpush v5, $0xA  }
0x159: {  	(v2sf) =	vpush v4, $0xB  }
0x15a: {  	(v2sf) =	vpush v5, $0xB;
	_ =	sdelay $0xb  }
0x15b: {  	s4 =	spop (v2sf)  }
0x15c: {  	s2 =	sand.u32 $0x7F, s4;
	s4 =	spop (v2sf)  }
0x15d: {  	s4 =	sand.u32 $0x7F, s4;
	v40 =	vor.u32 s2, v0;
	s2 =	spop (v2sf)  }
0x15e: {  	v41 =	vor.u32 s4, v0;
	s2 =	sand.u32 $0x7F, s2;
	s4 =	spop (v2sf)  }
0x15f: {  	s4 =	sand.u32 $0x7F, s4;
	v18 =	vor.u32 s2, v0  }
0x160: {  	[sflag:s29] =	ssyncset.done $0x0;
	v19 =	vor.u32 s4, v0  }
0x161: {  	[sflag:s29] =	ssyncadd.s32 $0xFFFFF800  }
0x162: {  	v16 =	vld.idx.msk [tilespmem:v40+s8+$0x0], $0xffff  }
0x163: {  	v17 =	vld.idx.msk [tilespmem:v41+s9+$0x0], $0xffff  }
0x164: {  	v18 =	vld.idx.msk [tilespmem:v18+s10+$0x0], $0xffff  }
0x165: {  	v19 =	vld.idx.msk [tilespmem:v19+s11+$0x0], $0xffff;
	_ =	sdelay $0x3  }
0x166: {  	v16 =	vmul.f32 v17, v16  }
0x167: {  	v42 =	vmul.f32 v19, v18  }
0x168: {  	(xrf2) =	vadd.scan.msk.f32 $0xffff, v16  }
0x169: {  	(xrf2) =	vadd.scan.msk.f32 $0xffff, v42;
	_ =	sdelay $0x8  }
0x16a: {  	v16, _, _ =	vpop (xrf2)  }
0x16b: {  	v17, _, _ =	vpop (xrf2)  }
0x16c: {  	_ =	swait.ge [sflag:s30], $0x800  }
0x16d: {  	[sflag:s30] =	ssyncset.done $0x0  }
0x16e: {  	[sflag:s30] =	ssyncadd.s32 $0xFFFFF800  }
0x16f: {  	_ =	swait.ge [sflag:s30], $0x800  }
0x170: {  	[sflag:s30] =	ssyncset.done $0x0  }
0x171: {  	[sflag:s30] =	ssyncadd.s32 $0xFFFFF800  }
0x172: {  	_ =	swait.ge [sflag:s30], $0x800  }
0x173: {  	[sflag:s30] =	ssyncset.done $0x0  }
0x174: {  	[sflag:s30] =	ssyncadd.s32 $0xFFFFF800  }
0x175: {  	_ =	swait.ge [sflag:s30], $0x800  }
0x176: {  	(v2sf) =	vpush v4, $0xC  }
0x177: {  	(v2sf) =	vpush v5, $0xC  }
0x178: {  	(v2sf) =	vpush v4, $0xD  }
0x179: {  	(v2sf) =	vpush v5, $0xD;
	_ =	sdelay $0xb  }
0x17a: {  	s4 =	spop (v2sf)  }
0x17b: {  	s2 =	sand.u32 $0x7F, s4;
	s4 =	spop (v2sf)  }
0x17c: {  	s4 =	sand.u32 $0x7F, s4;
	v43 =	vor.u32 s2, v0;
	s2 =	spop (v2sf)  }
0x17d: {  	v44 =	vor.u32 s4, v0;
	s2 =	sand.u32 $0x7F, s2;
	s4 =	spop (v2sf)  }
0x17e: {  	s4 =	sand.u32 $0x7F, s4;
	v20 =	vor.u32 s2, v0  }
0x17f: {  	[sflag:s30] =	ssyncset.done $0x0;
	v21 =	vor.u32 s4, v0  }
0x180: {  	[sflag:s30] =	ssyncadd.s32 $0xFFFFF800  }
0x181: {  	v18 =	vld.idx.msk [tilespmem:v43+s13+$0x0], $0xffff  }
0x182: {  	v19 =	vld.idx.msk [tilespmem:v44+s6+$0x0], $0xffff  }
0x183: {  	v20 =	vld.idx.msk [tilespmem:v20+s12+$0x0], $0xffff  }
0x184: {  	v21 =	vld.idx.msk [tilespmem:v21+s19+$0x0], $0xffff;
	_ =	sdelay $0x3  }
0x185: {  	v18 =	vmul.f32 v19, v18  }
0x186: {  	v45 =	vmul.f32 v21, v20  }
0x187: {  	(xrf2) =	vadd.scan.msk.f32 $0xffff, v18  }
0x188: {  	(xrf2) =	vadd.scan.msk.f32 $0xffff, v45;
	_ =	sdelay $0x8  }
0x189: {  	v18, _, _ =	vpop (xrf2)  }
0x18a: {  	v19, _, _ =	vpop (xrf2)  }
0x18b: {  	_ =	swait.ge [sflag:s31], $0x800  }
0x18c: {  	[sflag:s31] =	ssyncset.done $0x0  }
0x18d: {  	[sflag:s31] =	ssyncadd.s32 $0xFFFFF800  }
0x18e: {  	_ =	swait.ge [sflag:s31], $0x800  }
0x18f: {  	[sflag:s31] =	ssyncset.done $0x0  }
0x190: {  	[sflag:s31] =	ssyncadd.s32 $0xFFFFF800  }
0x191: {  	_ =	swait.ge [sflag:s31], $0x800  }
0x192: {  	[sflag:s31] =	ssyncset.done $0x0  }
0x193: {  	[sflag:s31] =	ssyncadd.s32 $0xFFFFF800  }
0x194: {  	_ =	swait.ge [sflag:s31], $0x800  }
0x195: {  	(v2sf) =	vpush v4, $0xE  }
0x196: {  	(v2sf) =	vpush v5, $0xE;
	_ =	sdelay $0x1  }
0x197: {  	(v2sf) =	vpush v4, $0xF  }
0x198: {  	(v2sf) =	vpush v5, $0xF;
	_ =	sdelay $0xa  }
0x199: {  	s2 =	spop (v2sf)  }
0x19a: {  	s4 =	spop (v2sf);
	s2 =	sand.u32 $0x7F, s2  }
0x19b: {  	s4 =	sand.u32 $0x7F, s4;
	v46 =	vor.u32 s2, v0  }
0x19c: {  	v2 =	vadd.f32 v3, v2;
	s2 =	spop (v2sf);
	v3 =	vor.u32 s4, v0  }
0x19d: {  	s2 =	sand.u32 $0x7F, s2;
	s4 =	spop (v2sf)  }
0x19e: {  	v2 =	vadd.f32 v2, v1;
	v7 =	vbroadcast v58, $0xF;
	[sflag:s31] =	ssyncset.done $0x0;
	v47 =	vor.u32 s2, v0;
	s4 =	sand.u32 $0x7F, s4  }
0x19f: {  	v6 =	vbroadcast v59, $0xF;
	[sflag:s31] =	ssyncadd.s32 $0xFFFFF800;
	v48 =	vor.u32 s4, v0  }
0x1a0: {  	v7 =	vadd.f32 v7, v2;
	v4 =	vld.idx.msk [tilespmem:v46+s20+$0x0], $0xffff  }
0x1a1: {  	v6 =	vadd.f32 v6, v2;
	v9 =	vbroadcast v63, $0xF;
	v3 =	vld.idx.msk [tilespmem:v3+s21+$0x0], $0xffff  }
0x1a2: {  	v2 =	vsel vm0, v7, v2;
	v49 =	vbroadcast v24, $0xF  }
0x1a3: {  	v6 =	vsel vm1, v2, v6;
	v2 =	vadd.f32 v9, v2;
	v5 =	vld.idx.msk [tilespmem:v47+s22+$0x0], $0xffff  }
0x1a4: {  	v7 =	vadd.f32 v49, v6;
	v50 =	vbroadcast v28, $0xF;
	v51 =	vld.idx.msk [tilespmem:v48+s14+$0x0], $0xffff  }
0x1a5: {  	v2 =	vsel vm2, v6, v2;
	v10 =	vbroadcast v29, $0xF  }
0x1a6: {  	v2 =	vsel vm3, v2, v7;
	v6 =	vadd.f32 v50, v6;
	v3 =	vmul.f32 v3, v4  }
0x1a7: {  	v52 =	vadd.f32 v10, v2;
	v53 =	vbroadcast v33, $0xF  }
0x1a8: {  	v2 =	vsel vm4, v2, v6;
	(xrf2) =	vadd.scan.msk.f32 $0xffff, v3;
	v3 =	vbroadcast v34, $0xF  }
0x1a9: {  	v4 =	vsel vm5, v2, v52;
	v2 =	vadd.f32 v53, v2;
	v5 =	vmul.f32 v51, v5  }
0x1aa: {  	v54 =	vbroadcast v38, $0xF;
	v3 =	vadd.f32 v3, v4  }
0x1ab: {  	v55 =	vbroadcast v39, $0xF;
	v2 =	vsel vm6, v4, v2;
	(xrf2) =	vadd.scan.msk.f32 $0xffff, v5  }
0x1ac: {  	v2 =	vsel vm7, v2, v3;
	v3 =	vadd.f32 v54, v4  }
0x1ad: {  	v57 =	vbroadcast v16, $0xF;
	v56 =	vadd.f32 v55, v2  }
0x1ae: {  	v2 =	vsel vm8, v2, v3;
	v3 =	vbroadcast v17, $0xF  }
0x1af: {  	v4 =	vsel vm9, v2, v56;
	v2 =	vadd.f32 v57, v2  }
0x1b0: {  	v58 =	vbroadcast v18, $0xF;
	v3 =	vadd.f32 v3, v4  }
0x1b1: {  	v59 =	vbroadcast v19, $0xF;
	v2 =	vsel vm10, v4, v2  }
0x1b2: {  	v60, _, _ =	vpop (xrf2);
	v2 =	vsel vm11, v2, v3;
	v3 =	vadd.f32 v58, v4  }
0x1b3: {  	p0 =	seq.s32 s0, $0x7C0;
	v61 =	vadd.f32 v59, v2;
	v62 =	vbroadcast v60, $0xF  }
.Ltmp2:
0x1b4: {  	v2 =	vsel vm12, v2, v3;
	(pc) =	sbr.rel @p0 .LBB2_4-.Ltmp2, $4  }
0x1b5: {  	v63, _, _ =	vpop (xrf2);
	v3 =	vsel vm13, v2, v61;
	v2 =	vadd.f32 v62, v2  }
0x1b6: {  	v4 =	vadd.f32 v3, v63  }
0x1b7: {  	s4 =	simm.s32 $0x7400;
	v2 =	vsel vm14, v3, v2  }
0x1b8: {  	s20 =	simm.s32 $0xF400;
	s21 =	simm.s32 $0x7C00;
	s14 =	simm.s32 $0xFC00;
	v2 =	vsel vm15, v2, v4  }
0x1b9: {  	v4 =	vld [tilespmem:s5+$0x10];
	_ =	sdelay $0x1  }
0x1ba: {  	v3 =	vld [tilespmem:s5+$0x210];
	_ =	sdelay $0x2  }
0x1bb: {  	(v2sf) =	vpush v4, $0x0;
	_ =	sdelay $0x1  }
0x1bc: {  	(v2sf) =	vpush v3, $0x0;
	_ =	sdelay $0x4  }
0x1bd: {  	(v2sf) =	vpush v4, $0x1;
	_ =	sdelay $0x3  }
0x1be: {  	(v2sf) =	vpush v3, $0x1;
	_ =	sdelay $0x3  }
0x1bf: {  	s2 =	spop (v2sf);
	(v2sf) =	vpush v4, $0x2  }
0x1c0: {  	s2 =	sand.u32 $0xFFFFF80, s2  }
0x1c1: {  	s22 =	spop (v2sf);
	s2 =	sadd.s32 s1, s2  }
0x1c2: {  	[tilespmem:s18], [sflag:$0x2] =	stream.strided.gather [hbm4b:s2+s18], $0x800, s17, s18, $0x38;
	[tilespmem:$0x10A80] =	vst v63  }
0x1c3: {  	(v2sf) =	vpush v3, $0x2;
	s2 =	sand.u32 $0xFFFFF80, s22  }
0x1c4: {  	s22 =	simm.s32 $0x8400;
	s2 =	sadd.s32 s3, s2  }
0x1c5: {  	[tilespmem:s22], [sflag:$0x2] =	stream.strided.gather [hbm4b:s2+s18], $0x800, s17, s18, $0x38;
	[tilespmem:$0x10A80] =	vst v63  }
0x1c6: {  	s22 =	spop (v2sf)  }
0x1c7: {  	(v2sf) =	vpush v4, $0x3;
	s2 =	sand.u32 $0xFFFFF80, s22  }
0x1c8: {  	s22 =	simm.s32 $0xC00;
	s2 =	sadd.s32 s1, s2  }
0x1c9: {  	[tilespmem:s22], [sflag:$0x2] =	stream.strided.gather [hbm4b:s2+s18], $0x800, s17, s18, $0x38;
	[tilespmem:$0x10A80] =	vst v63  }
0x1ca: {  	s22 =	spop (v2sf)  }
0x1cb: {  	(v2sf) =	vpush v3, $0x3;
	s2 =	sand.u32 $0xFFFFF80, s22  }
0x1cc: {  	s22 =	simm.s32 $0x8C00;
	s2 =	sadd.s32 s3, s2  }
0x1cd: {  	[tilespmem:s22], [sflag:$0x2] =	stream.strided.gather [hbm4b:s2+s18], $0x800, s17, s18, $0x38;
	[tilespmem:$0x10A80] =	vst v63  }
0x1ce: {  	s22 =	spop (v2sf)  }
0x1cf: {  	(v2sf) =	vpush v4, $0x4;
	s2 =	sand.u32 $0xFFFFF80, s22  }
0x1d0: {  	s22 =	simm.s32 $0x1400;
	s2 =	sadd.s32 s1, s2  }
0x1d1: {  	[tilespmem:s22], [sflag:$0x3] =	stream.strided.gather [hbm4b:s2+s18], $0x800, s17, s18, $0x38;
	[tilespmem:$0x10A80] =	vst v63  }
0x1d2: {  	s22 =	spop (v2sf)  }
0x1d3: {  	(v2sf) =	vpush v3, $0x4;
	s2 =	sand.u32 $0xFFFFF80, s22  }
0x1d4: {  	s22 =	simm.s32 $0x9400;
	s2 =	sadd.s32 s3, s2  }
0x1d5: {  	[tilespmem:s22], [sflag:$0x3] =	stream.strided.gather [hbm4b:s2+s18], $0x800, s17, s18, $0x38;
	[tilespmem:$0x10A80] =	vst v63  }
0x1d6: {  	s22 =	spop (v2sf)  }
0x1d7: {  	(v2sf) =	vpush v4, $0x5;
	s2 =	sand.u32 $0xFFFFF80, s22  }
0x1d8: {  	s22 =	simm.s32 $0x1C00;
	s2 =	sadd.s32 s1, s2  }
0x1d9: {  	[tilespmem:s22], [sflag:$0x3] =	stream.strided.gather [hbm4b:s2+s18], $0x800, s17, s18, $0x38;
	[tilespmem:$0x10A80] =	vst v63  }
0x1da: {  	s22 =	spop (v2sf)  }
0x1db: {  	(v2sf) =	vpush v3, $0x5;
	s2 =	sand.u32 $0xFFFFF80, s22  }
0x1dc: {  	s22 =	simm.s32 $0x9C00;
	s2 =	sadd.s32 s3, s2  }
0x1dd: {  	[tilespmem:s22], [sflag:$0x3] =	stream.strided.gather [hbm4b:s2+s18], $0x800, s17, s18, $0x38;
	[tilespmem:$0x10A80] =	vst v63  }
0x1de: {  	s22 =	spop (v2sf)  }
0x1df: {  	(v2sf) =	vpush v4, $0x6;
	s2 =	sand.u32 $0xFFFFF80, s22  }
0x1e0: {  	s22 =	simm.s32 $0x2400;
	s2 =	sadd.s32 s1, s2  }
0x1e1: {  	[tilespmem:s22], [sflag:$0x4] =	stream.strided.gather [hbm4b:s2+s18], $0x800, s17, s18, $0x38;
	[tilespmem:$0x10A80] =	vst v63  }
0x1e2: {  	s22 =	spop (v2sf)  }
0x1e3: {  	(v2sf) =	vpush v3, $0x6;
	s2 =	sand.u32 $0xFFFFF80, s22  }
0x1e4: {  	s22 =	simm.s32 $0xA400;
	s2 =	sadd.s32 s3, s2  }
0x1e5: {  	[tilespmem:s22], [sflag:$0x4] =	stream.strided.gather [hbm4b:s2+s18], $0x800, s17, s18, $0x38;
	[tilespmem:$0x10A80] =	vst v63  }
0x1e6: {  	s22 =	spop (v2sf)  }
0x1e7: {  	(v2sf) =	vpush v4, $0x7;
	s2 =	sand.u32 $0xFFFFF80, s22  }
0x1e8: {  	s22 =	simm.s32 $0x2C00;
	s2 =	sadd.s32 s1, s2  }
0x1e9: {  	[tilespmem:s22], [sflag:$0x4] =	stream.strided.gather [hbm4b:s2+s18], $0x800, s17, s18, $0x38;
	[tilespmem:$0x10A80] =	vst v63  }
0x1ea: {  	s22 =	spop (v2sf)  }
0x1eb: {  	(v2sf) =	vpush v3, $0x7;
	s2 =	sand.u32 $0xFFFFF80, s22  }
0x1ec: {  	s22 =	simm.s32 $0xAC00;
	s2 =	sadd.s32 s3, s2  }
0x1ed: {  	[tilespmem:s22], [sflag:$0x4] =	stream.strided.gather [hbm4b:s2+s18], $0x800, s17, s18, $0x38;
	[tilespmem:$0x10A80] =	vst v63  }
0x1ee: {  	s22 =	spop (v2sf)  }
0x1ef: {  	(v2sf) =	vpush v4, $0x8;
	s2 =	sand.u32 $0xFFFFF80, s22  }
0x1f0: {  	s22 =	simm.s32 $0x3400;
	s2 =	sadd.s32 s1, s2  }
0x1f1: {  	[tilespmem:s22], [sflag:$0x5] =	stream.strided.gather [hbm4b:s2+s18], $0x800, s17, s18, $0x38;
	[tilespmem:$0x10A80] =	vst v63  }
0x1f2: {  	s22 =	spop (v2sf)  }
0x1f3: {  	(v2sf) =	vpush v3, $0x8;
	s2 =	sand.u32 $0xFFFFF80, s22  }
0x1f4: {  	s22 =	simm.s32 $0xB400;
	s2 =	sadd.s32 s3, s2  }
0x1f5: {  	[tilespmem:s22], [sflag:$0x5] =	stream.strided.gather [hbm4b:s2+s18], $0x800, s17, s18, $0x38;
	[tilespmem:$0x10A80] =	vst v63  }
0x1f6: {  	s22 =	spop (v2sf)  }
0x1f7: {  	(v2sf) =	vpush v4, $0x9;
	s2 =	sand.u32 $0xFFFFF80, s22  }
0x1f8: {  	s22 =	simm.s32 $0x3C00;
	s2 =	sadd.s32 s1, s2  }
0x1f9: {  	[tilespmem:s22], [sflag:$0x5] =	stream.strided.gather [hbm4b:s2+s18], $0x800, s17, s18, $0x38;
	[tilespmem:$0x10A80] =	vst v63  }
0x1fa: {  	s22 =	spop (v2sf)  }
0x1fb: {  	(v2sf) =	vpush v3, $0x9;
	s2 =	sand.u32 $0xFFFFF80, s22  }
0x1fc: {  	s22 =	simm.s32 $0xBC00;
	s2 =	sadd.s32 s3, s2  }
0x1fd: {  	[tilespmem:s22], [sflag:$0x5] =	stream.strided.gather [hbm4b:s2+s18], $0x800, s17, s18, $0x38;
	[tilespmem:$0x10A80] =	vst v63  }
0x1fe: {  	s22 =	spop (v2sf)  }
0x1ff: {  	(v2sf) =	vpush v4, $0xA;
	s2 =	sand.u32 $0xFFFFF80, s22  }
0x200: {  	s22 =	simm.s32 $0x4400;
	s2 =	sadd.s32 s1, s2  }
0x201: {  	[tilespmem:s22], [sflag:$0x6] =	stream.strided.gather [hbm4b:s2+s18], $0x800, s17, s18, $0x38;
	[tilespmem:$0x10A80] =	vst v63  }
0x202: {  	s22 =	spop (v2sf)  }
0x203: {  	(v2sf) =	vpush v3, $0xA;
	s2 =	sand.u32 $0xFFFFF80, s22  }
0x204: {  	s2 =	sadd.s32 s3, s2  }
0x205: {  	[tilespmem:s15], [sflag:$0x6] =	stream.strided.gather [hbm4b:s2+s18], $0x800, s17, s18, $0x38;
	[tilespmem:$0x10A80] =	vst v63  }
0x206: {  	s22 =	spop (v2sf)  }
0x207: {  	(v2sf) =	vpush v4, $0xB;
	s2 =	sand.u32 $0xFFFFF80, s22  }
0x208: {  	s2 =	sadd.s32 s1, s2  }
0x209: {  	[tilespmem:s16], [sflag:$0x6] =	stream.strided.gather [hbm4b:s2+s18], $0x800, s17, s18, $0x38;
	[tilespmem:$0x10A80] =	vst v63  }
0x20a: {  	s22 =	spop (v2sf)  }
0x20b: {  	(v2sf) =	vpush v3, $0xB;
	s2 =	sand.u32 $0xFFFFF80, s22  }
0x20c: {  	s2 =	sadd.s32 s3, s2  }
0x20d: {  	[tilespmem:s7], [sflag:$0x6] =	stream.strided.gather [hbm4b:s2+s18], $0x800, s17, s18, $0x38;
	[tilespmem:$0x10A80] =	vst v63  }
0x20e: {  	s22 =	spop (v2sf)  }
0x20f: {  	(v2sf) =	vpush v4, $0xC;
	s2 =	sand.u32 $0xFFFFF80, s22  }
0x210: {  	s2 =	sadd.s32 s1, s2  }
0x211: {  	[tilespmem:s8], [sflag:$0x7] =	stream.strided.gather [hbm4b:s2+s18], $0x800, s17, s18, $0x38;
	[tilespmem:$0x10A80] =	vst v63  }
0x212: {  	s22 =	spop (v2sf)  }
0x213: {  	(v2sf) =	vpush v3, $0xC;
	s2 =	sand.u32 $0xFFFFF80, s22  }
0x214: {  	s2 =	sadd.s32 s3, s2  }
0x215: {  	[tilespmem:s9], [sflag:$0x7] =	stream.strided.gather [hbm4b:s2+s18], $0x800, s17, s18, $0x38;
	[tilespmem:$0x10A80] =	vst v63  }
0x216: {  	s22 =	spop (v2sf)  }
0x217: {  	(v2sf) =	vpush v4, $0xD;
	s2 =	sand.u32 $0xFFFFF80, s22  }
0x218: {  	s2 =	sadd.s32 s1, s2  }
0x219: {  	[tilespmem:s10], [sflag:$0x7] =	stream.strided.gather [hbm4b:s2+s18], $0x800, s17, s18, $0x38;
	[tilespmem:$0x10A80] =	vst v63  }
0x21a: {  	s22 =	spop (v2sf)  }
0x21b: {  	(v2sf) =	vpush v3, $0xD;
	s2 =	sand.u32 $0xFFFFF80, s22  }
0x21c: {  	s2 =	sadd.s32 s3, s2  }
0x21d: {  	[tilespmem:s11], [sflag:$0x7] =	stream.strided.gather [hbm4b:s2+s18], $0x800, s17, s18, $0x38;
	[tilespmem:$0x10A80] =	vst v63  }
0x21e: {  	s22 =	spop (v2sf)  }
0x21f: {  	(v2sf) =	vpush v4, $0xE;
	s2 =	sand.u32 $0xFFFFF80, s22  }
0x220: {  	s2 =	sadd.s32 s1, s2  }
0x221: {  	[tilespmem:s13], [sflag:$0x8] =	stream.strided.gather [hbm4b:s2+s18], $0x800, s17, s18, $0x38;
	[tilespmem:$0x10A80] =	vst v63  }
0x222: {  	s22 =	spop (v2sf)  }
0x223: {  	(v2sf) =	vpush v3, $0xE;
	s2 =	sand.u32 $0xFFFFF80, s22  }
0x224: {  	s2 =	sadd.s32 s3, s2  }
0x225: {  	[tilespmem:s6], [sflag:$0x8] =	stream.strided.gather [hbm4b:s2+s18], $0x800, s17, s18, $0x38;
	[tilespmem:$0x10A80] =	vst v63  }
0x226: {  	s22 =	spop (v2sf)  }
0x227: {  	(v2sf) =	vpush v4, $0xF;
	s2 =	sand.u32 $0xFFFFF80, s22  }
0x228: {  	s2 =	sadd.s32 s1, s2  }
0x229: {  	[tilespmem:s12], [sflag:$0x8] =	stream.strided.gather [hbm4b:s2+s18], $0x800, s17, s18, $0x38;
	[tilespmem:$0x10A80] =	vst v63  }
0x22a: {  	s22 =	spop (v2sf)  }
0x22b: {  	(v2sf) =	vpush v3, $0xF;
	s2 =	sand.u32 $0xFFFFF80, s22  }
0x22c: {  	s2 =	sadd.s32 s3, s2  }
0x22d: {  	[tilespmem:s19], [sflag:$0x8] =	stream.strided.gather [hbm4b:s2+s18], $0x800, s17, s18, $0x38;
	[tilespmem:$0x10A80] =	vst v63  }
0x22e: {  	s22 =	spop (v2sf)  }
0x22f: {  	s2 =	sand.u32 $0xFFFFF80, s22  }
0x230: {  	s2 =	sadd.s32 s1, s2  }
0x231: {  	[tilespmem:s4], [sflag:$0x9] =	stream.strided.gather [hbm4b:s2+s18], $0x800, s17, s18, $0x38;
	[tilespmem:$0x10A80] =	vst v63  }
0x232: {  	s4 =	spop (v2sf)  }
0x233: {  	s2 =	sand.u32 $0xFFFFF80, s4  }
0x234: {  	s2 =	sadd.s32 s3, s2  }
0x235: {  	[tilespmem:s20], [sflag:$0x9] =	stream.strided.gather [hbm4b:s2+s18], $0x800, s17, s18, $0x38;
	[tilespmem:$0x10A80] =	vst v63  }
0x236: {  	s20 =	spop (v2sf)  }
0x237: {  	s2 =	sand.u32 $0xFFFFF80, s20  }
0x238: {  	s2 =	sadd.s32 s1, s2  }
0x239: {  	[tilespmem:s21], [sflag:$0x9] =	stream.strided.gather [hbm4b:s2+s18], $0x800, s17, s18, $0x38;
	[tilespmem:$0x10A80] =	vst v63  }
.Ltmp3:
0x23a: {  	s22 =	spop (v2sf);
	(pc) =	sbr.rel .LBB2_2-.Ltmp3, $4  }
0x23b: {  	s2 =	sand.u32 $0xFFFFF80, s22  }
0x23c: {  	s0 =	sadd.s32 $0x40, s0;
	s20 =	simm.s32 $0x7400;
	s2 =	sadd.s32 s3, s2  }
0x23d: {  	[tilespmem:s14], [sflag:$0x9] =	stream.strided.gather [hbm4b:s2+s18], $0x800, s17, s18, $0x38;
	[tilespmem:$0x10A80] =	vst v63  }
0x23e: {  	s21 =	simm.s32 $0xF400;
	s22 =	simm.s32 $0x7C00;
	s14 =	simm.s32 $0xFC00;
	[tilespmem:s5+$0x10880] =	vst v2  }
.LBB2_5:
0x23f: {  	_ =	sfence.sel $0x180000  }
0x240: {  	[bflag:$0x0] =	sbarrier.arrive $0xFFFF  }
0x241: {  	_ =	strace $0x90000047  }
0x242: {  	s0 =	stileid.u32;
	[bflag:$0x2] =	sbarrier.arrive $0xFFFF  }
0x243: {  	p0 =	sne.s32 s0, $0x0;
	s0 =	rddreg [dreg:$0x8]  }
0x244: {  	s0 =	sadd.s32 @!p0 $0x100000, s0  }
0x245: {  	[sflag:s0] =	ssyncadd.tile.s32 @!p0 $0x1;
	_ =	shalt  }
.Lfunc_end2:
_tile_overlayer_lowered:
.L_overlay_start_2:
0x246: {  	(tag) =	ssettag $0x2  }
0x247: {  	s0 =	rddreg [dreg:$0x0];
	s2 =	stileid.u32  }
0x248: {  	s1 =	rddreg [dreg:$0x1];
	p0 =	sne.s32 s2, $0x0  }
0x249: {  	s3 =	rddreg [dreg:$0x2];
	[bflag:$0x3] =	sbarrier.arrive $0xFFFF;
	s2 =	simm.s32 @!p0 $0x1C0A  }
0x24a: {  	[timem:s3], [sflag:s2] =	dma.local @!p0 [hbm:s0], s1  }
0x24b: {  	s0 =	simm.s32 @!p0 $0xA  }
0x24c: {  	_ =	swait.ge @!p0 [sflag:s0], s1  }
0x24d: {  	s1 =	ssub.s32 @!p0 $0x0, s1;
	[sflag:s0] =	ssyncset.done @!p0 $0x0  }
0x24e: {  	[sflag:s0] =	ssyncadd.s32 @!p0 s1  }
0x24f: {  	[bflag:$0x3] =	sbarrier.arrive $0xFFFF  }
0x250: {  	_ =	shalt  }

</sc_bundles>
